<compile_context>
chip_gen: v7x
topology: tpu7x:2x2x1
jax: 0.10.2.dev20260603
libtpu: 0.0.44.dev20260713+nightly
codegen_flags: <defaults>
</compile_context>

<pallas_src>
import jax
import jax.numpy as jnp
from jax import lax
from jax.experimental import pallas as pl
from jax.experimental.pallas import tpu as pltpu
from jax.experimental.pallas import tpu_sc as plsc

N_POOLED, N, E, C = 5000, 10000, 320000, 128
NC, NS = 2, 16
CH = C // NC
NP = 10240
NPP = 5120
NROW = NP // 128
EROW = E // 128
PAD_IDX = N_POOLED

_mesh = plsc.VectorSubcoreMesh(
    core_axis_name="c", subcore_axis_name="s", num_cores=NC, num_subcores=NS)


def _hist_body(col_hbm, clus_hbm, fdeg0_hbm, fdeg1_hbm, fcc_hbm,
               histd_sp, histc_sp, ibuf, clbuf, ones_v, zero_v):
    c = lax.axis_index("c")
    s = lax.axis_index("s")
    for k in range(8):
        ones_v[pl.ds(16 * k, 16)] = jnp.full((16,), 1.0, jnp.float32)

    def _zf(i, carry):
        zero_v[pl.ds(16 * i, 16)] = jnp.zeros((16,), jnp.float32)
        return carry

    lax.fori_loop(0, 64, _zf, 0)

    @pl.when(s < 10)
    def _():
        pltpu.sync_copy(zero_v, histd_sp.at[pl.ds(1024 * s, 1024)])

    @pl.when(jnp.logical_and(c == 1, s < 5))
    def _():
        pltpu.sync_copy(zero_v, histc_sp.at[pl.ds(1024 * s, 1024)])

    plsc.subcore_barrier()

    w = 16 * c + s
    start = 80 * w

    @pl.when(w < 31)
    def _():
        pltpu.sync_copy(col_hbm.at[pl.ds(start, 80)], ibuf)

    @pl.when(w == 31)
    def _():
        pltpu.sync_copy(col_hbm.at[pl.ds(2480, 20)], ibuf.at[pl.ds(0, 20)])

    nj = jnp.where(w < 31, 80, 20)

    def _hb(j, carry):
        pltpu.sync_copy(ones_v, histd_sp.at[ibuf.at[j]], add=True)
        return carry

    lax.fori_loop(0, nj, _hb, 0)

    @pl.when(jnp.logical_and(c == 1, s < 10))
    def _():
        pltpu.sync_copy(clus_hbm.at[pl.ds(8 * s, 8)], clbuf)
        for j in range(8):
            pltpu.sync_copy(ones_v, histc_sp.at[clbuf.at[j]], add=True)

    plsc.subcore_barrier()

    @pl.when(jnp.logical_and(c == 0, s < 10))
    def _():
        pltpu.sync_copy(histd_sp.at[pl.ds(1024 * s, 1024)],
                        fdeg0_hbm.at[pl.ds(1024 * s, 1024)])

    @pl.when(jnp.logical_and(c == 1, s < 10))
    def _():
        pltpu.sync_copy(histd_sp.at[pl.ds(1024 * s, 1024)],
                        fdeg1_hbm.at[pl.ds(1024 * s, 1024)])

    @pl.when(jnp.logical_and(c == 1, s < 5))
    def _():
        pltpu.sync_copy(histc_sp.at[pl.ds(1024 * s, 1024)],
                        fcc_hbm.at[pl.ds(1024 * s, 1024)])


_hist_call = pl.kernel(
    _hist_body,
    out_type=[jax.ShapeDtypeStruct((NP,), jnp.float32),
              jax.ShapeDtypeStruct((NP,), jnp.float32),
              jax.ShapeDtypeStruct((NPP,), jnp.float32)],
    mesh=_mesh,
    scratch_types=[
        pltpu.VMEM_SHARED((NP,), jnp.float32),
        pltpu.VMEM_SHARED((NPP,), jnp.float32),
        pltpu.VMEM((80, 128), jnp.int32),
        pltpu.VMEM((8, 128), jnp.int32),
        pltpu.VMEM((128,), jnp.float32),
        pltpu.VMEM((1024,), jnp.float32),
    ],
)


def _dense_body(x_ref, sc_ref, w1_ref, b1_ref, g1_ref, be_ref, wc_ref, cc_ref,
                f0_ref, f1_ref, z_ref, dinvb_ref, dinv_ref):
    xsn = x_ref[...] / sc_ref[...]
    g = jnp.dot(xsn, w1_ref[...], preferred_element_type=jnp.float32) + b1_ref[...]
    cg = cc_ref[...] * g
    mean = jnp.sum(cg, axis=0, keepdims=True) * (1.0 / N)
    e2 = jnp.sum(cg * g, axis=0, keepdims=True) * (1.0 / N)
    var = e2 - mean * mean
    t = (g - mean) * lax.rsqrt(var + 1e-5) * g1_ref[...] + be_ref[...]
    t = jnp.maximum(t, 0.0)
    z = jnp.dot(t, wc_ref[...], preferred_element_type=jnp.float32)
    z_ref[0:N_POOLED, :] = z
    z_ref[N_POOLED:NPP, :] = jnp.zeros((NPP - N_POOLED, C), jnp.float32)
    dinv = lax.rsqrt(f0_ref[...] + f1_ref[...] + 1.0)
    dinv_ref[...] = dinv
    dinvb_ref[...] = jnp.broadcast_to(dinv, (NP, C))


_dense_call = pl.pallas_call(
    _dense_body,
    out_shape=[jax.ShapeDtypeStruct((NPP, C), jnp.float32),
               jax.ShapeDtypeStruct((NP, C), jnp.float32),
               jax.ShapeDtypeStruct((NP, 1), jnp.float32)],
)


def _ybuild_body(z_hbm, cl_hbm, dinvb_hbm, y_hbm, clbuf, gbuf, dbb, sem):
    c = lax.axis_index("c")
    s = lax.axis_index("s")
    w = 2 * s + c

    @pl.when(w < 10)
    def _():
        pltpu.sync_copy(cl_hbm.at[pl.ds(8 * w, 8)], clbuf)
        for j in range(8):
            pltpu.async_copy(z_hbm.at[clbuf.at[j]], gbuf, sem).wait()
            pltpu.sync_copy(dinvb_hbm.at[pl.ds(1024 * w + 128 * j, 128)], dbb)

            def _mb(r, carry):
                for q in range(8):
                    gbuf[r, pl.ds(16 * q, 16)] = (
                        gbuf[r, pl.ds(16 * q, 16)] * dbb[r, pl.ds(16 * q, 16)])
                return carry

            lax.fori_loop(0, 128, _mb, 0)
            pltpu.sync_copy(gbuf, y_hbm.at[pl.ds(1024 * w + 128 * j, 128)])


_ybuild_call = pl.kernel(
    _ybuild_body,
    out_type=jax.ShapeDtypeStruct((NP, C), jnp.float32),
    mesh=_mesh,
    scratch_types=[
        pltpu.VMEM((8, 128), jnp.int32),
        pltpu.VMEM((128, C), jnp.float32),
        pltpu.VMEM((128, C), jnp.float32),
        pltpu.SemaphoreType.DMA,
    ],
)


def _edge_body(y_hbm, row_hbm, col_hbm, acc_hbm,
               acc_sp, rbuf, cbuf, gbuf, sem):
    c = lax.axis_index("c")
    s = lax.axis_index("s")

    def _zf(r, carry):
        for q in range(8):
            gbuf[r, pl.ds(16 * q, 16)] = jnp.zeros((16,), jnp.float32)
        return carry

    lax.fori_loop(0, 128, _zf, 0)
    for j in range(5):
        pltpu.sync_copy(gbuf, acc_sp.at[pl.ds(640 * s + 128 * j, 128)])
    plsc.subcore_barrier()

    base = 1248 * c + jnp.where(s < 12, 80 * s, 72 * s + 96)
    nchunk = jnp.where(s < 12, 10, 9)

    def _echunk(k, carry):
        cstart = base + 8 * k
        pltpu.sync_copy(row_hbm.at[pl.ds(cstart, 8)], rbuf)
        pltpu.sync_copy(col_hbm.at[pl.ds(cstart, 8)], cbuf)
        for jj in range(8):
            pltpu.async_copy(y_hbm.at[rbuf.at[jj]], gbuf, sem).wait()
            pltpu.sync_copy(gbuf, acc_sp.at[cbuf.at[jj]], add=True)
        return carry

    lax.fori_loop(0, nchunk, _echunk, 0)

    @pl.when(jnp.logical_and(c == 1, s == 15))
    def _():
        pltpu.sync_copy(row_hbm.at[pl.ds(2496, 4)], rbuf.at[pl.ds(0, 4)])
        pltpu.sync_copy(col_hbm.at[pl.ds(2496, 4)], cbuf.at[pl.ds(0, 4)])
        for jj in range(4):
            pltpu.async_copy(y_hbm.at[rbuf.at[jj]], gbuf, sem).wait()
            pltpu.sync_copy(gbuf, acc_sp.at[cbuf.at[jj]], add=True)

    plsc.subcore_barrier()
    pltpu.sync_copy(acc_sp.at[pl.ds(640 * s, 640)], acc_hbm.at[c, pl.ds(640 * s, 640)])


_edge_call = pl.kernel(
    _edge_body,
    out_type=jax.ShapeDtypeStruct((NC, NP, C), jnp.float32),
    mesh=_mesh,
    scratch_types=[
        pltpu.VMEM_SHARED((NP, C), jnp.float32),
        pltpu.VMEM((8, 128), jnp.int32),
        pltpu.VMEM((8, 128), jnp.int32),
        pltpu.VMEM((128, C), jnp.float32),
        pltpu.SemaphoreType.DMA,
    ],
)


def _final_body(acc_ref, y_ref, dinv_ref, bc_ref, out_ref):
    dinv = dinv_ref[0:N, :]
    out_ref[...] = dinv * (acc_ref[0, 0:N, :] + acc_ref[1, 0:N, :]
                           + y_ref[0:N, :]) + bc_ref[...]


_final_call = pl.pallas_call(
    _final_body,
    out_shape=jax.ShapeDtypeStruct((N, C), jnp.float32),
)


def kernel(x, edge_index, batch, cluster, unpool_edge_index, unpool_batch,
           new_edge_score, W1, b1, gamma1, beta1, Wc, bc):
    row_r = unpool_edge_index[0].reshape(EROW, 128)
    col_r = unpool_edge_index[1].reshape(EROW, 128)
    cl_p = jnp.concatenate(
        [cluster, jnp.full((NP - N,), PAD_IDX, jnp.int32)]).reshape(NROW, 128)

    fdeg0, fdeg1, fcc = _hist_call(col_r, cl_p)
    z, dinvb, dinv = _dense_call(
        x, new_edge_score.reshape(N_POOLED, 1), W1, b1.reshape(1, C),
        gamma1.reshape(1, C), beta1.reshape(1, C), Wc,
        fcc[:N_POOLED].reshape(N_POOLED, 1),
        fdeg0.reshape(NP, 1), fdeg1.reshape(NP, 1))
    y = _ybuild_call(z, cl_p, dinvb)
    acc = _edge_call(y, row_r, col_r)
    out = _final_call(acc, y, dinv, bc.reshape(1, C))
    return (out, unpool_edge_index, unpool_batch)

# --- scband reference (transcript-rebuilt; emitter-appended) ---
"""Pipeline reference for scband-expansive-layer-20263655702652 (READ-ONLY COPY).

The authoritative reference and input builder live on the scoring server;
editing this copy changes nothing except your own understanding.
"""

import jax, jax.numpy as jnp
import numpy as np

N_POOLED, N, E, C = 5000, 10000, 320000, 128

def setup_inputs(seed: int = 0) -> dict:
    key = jax.random.key(seed)
    ks = jax.random.split(key, 8)
    x = jax.random.normal(ks[0], (N_POOLED, C), dtype=jnp.float32)
    edge_index = jax.random.randint(ks[1], (2, E), 0, N, dtype=jnp.int32)
    batch = jnp.zeros((N_POOLED,), dtype=jnp.int32)
    cluster = jax.random.randint(ks[2], (N,), 0, N_POOLED, dtype=jnp.int32)
    unpool_edge_index = jax.random.randint(ks[3], (2, E), 0, N, dtype=jnp.int32)
    unpool_batch = jnp.zeros((N,), dtype=jnp.int32)
    new_edge_score = jax.random.uniform(ks[4], (N_POOLED,), minval=0.5, maxval=1.0, dtype=jnp.float32)
    W1 = jax.random.normal(ks[5], (C, C), dtype=jnp.float32) * (1.0 / np.sqrt(C))
    b1 = jnp.zeros((C,), dtype=jnp.float32)
    gamma1 = jnp.ones((C,), dtype=jnp.float32)
    beta1 = jnp.zeros((C,), dtype=jnp.float32)
    Wc = jax.random.normal(ks[6], (C, C), dtype=jnp.float32) * (1.0 / np.sqrt(C))
    bc = jnp.zeros((C,), dtype=jnp.float32)
    return {"x": x, "edge_index": edge_index, "batch": batch, "cluster": cluster,
            "unpool_edge_index": unpool_edge_index, "unpool_batch": unpool_batch,
            "new_edge_score": new_edge_score, "W1": W1, "b1": b1,
            "gamma1": gamma1, "beta1": beta1, "Wc": Wc, "bc": bc}

def reference(x, edge_index, batch, cluster, unpool_edge_index, unpool_batch,
              new_edge_score, W1, b1, gamma1, beta1, Wc, bc):
    # EdgePooling.unpool: x / new_edge_score, then expand via cluster gather.
    # Note: the edge_index / batch passed to forward are overwritten by unpool outputs.
    xs = x / new_edge_score[:, None]
    xs = xs[cluster]                      # gather: [N, C]
    ei = unpool_edge_index
    b = unpool_batch
    # MLP: Linear -> BatchNorm1d (training-mode batch stats) -> ReLU
    h = xs @ W1 + b1
    mean = jnp.mean(h, axis=0)
    var = jnp.var(h, axis=0)
    h = (h - mean) / jnp.sqrt(var + 1e-5) * gamma1 + beta1
    h = jax.nn.relu(h)
    # GCNConv with add_self_loops=True, normalize=True
    n = h.shape[0]
    loops = jnp.arange(n, dtype=ei.dtype)
    row = jnp.concatenate([ei[0], loops])
    col = jnp.concatenate([ei[1], loops])
    ew = jnp.ones(row.shape[0], dtype=h.dtype)
    deg = jnp.zeros((n,), dtype=h.dtype).at[col].add(ew)
    dinv = jnp.where(deg > 0, jax.lax.rsqrt(deg), 0.0)
    norm = dinv[row] * ew * dinv[col]
    xh = h @ Wc
    msg = norm[:, None] * xh[row]         # gather over edges
    out = jnp.zeros((n, xh.shape[1]), dtype=h.dtype).at[col].add(msg)  # scatter-add
    out = out + bc
    # act is None -> return (x, edge_index, batch) without bn/act
    return (out, ei, b)

if __name__ == "__main__":
    import jax
    _d = setup_inputs()
    print(jax.jit(kernel)(*tuple(_d.values())))

</pallas_src>

<mosaic_0001>
#map = affine_map<(d0, d1) -> (0, 0)>
#map1 = affine_map<(d0, d1) -> (0, 0, 0)>
module attributes {stable_mosaic.version = 14 : i64} {
  func.func @_edge_body(%arg0: i32, %arg1: i32, %arg2: memref<10240x128xf32, #tpu.memory_space<hbm>>, %arg3: memref<2500x128xi32, #tpu.memory_space<hbm>>, %arg4: memref<2500x128xi32, #tpu.memory_space<hbm>>, %arg5: memref<2x10240x128xf32, #tpu.memory_space<hbm>>, %arg6: memref<10240x128xf32, #tpu.memory_space<vmem_shared>>, %arg7: memref<8x128xi32, #tpu.memory_space<vmem>>, %arg8: memref<8x128xi32, #tpu.memory_space<vmem>>, %arg9: memref<128x128xf32, #tpu.memory_space<vmem>>, %arg10: memref<!tpu.dma_semaphore, #tpu.memory_space<semaphore_mem>>) attributes {dimension_semantics = [#tpu.dimension_semantics<core_parallel>, #tpu.dimension_semantics<subcore_parallel>], iteration_bounds = array<i64: 2, 16>, scalar_prefetch = 0 : i64, scratch_operands = 5 : i64, tpu.core_type = #tpu.core_type<sc_vector_subcore>, window_params = [{transform_indices = #map}, {transform_indices = #map}, {transform_indices = #map}, {transform_indices = #map1}]} {
    %scan3A = arith.constant 0 : i32
    %scan3A_0 = arith.constant 0 : i32
    %scan3A_1 = arith.constant 128 : i32
    %scan3A_2 = arith.addi %scan3A_0, %scan3A_1 : i32
    %scan3A_3 = arith.constant 1 : i32
    scf.for %scan3A_55 = %scan3A_0 to %scan3A_2 step %scan3A_3  : i32 {
      %broadcast_in_dim3A = arith.constant 0.000000e+00 : f32
      %broadcast_in_dim3A_56 = vector.broadcast %broadcast_in_dim3A : f32 to vector<16xf32>
      %swap3A = arith.index_cast %scan3A_55 : i32 to index
      %swap3A_57 = arith.constant 0 : index
      %swap3A_58 = tpu.vector_load %arg9[%swap3A, %swap3A_57] {strides = array<i32>} : memref<128x128xf32, #tpu.memory_space<vmem>>, vector<1x16xf32>,
      %swap3A_59 = vector.shape_cast %swap3A_58 : vector<1x16xf32> to vector<16xf32>
      %swap3A_60 = vector.shape_cast %broadcast_in_dim3A_56 : vector<16xf32> to vector<1x16xf32>
      tpu.vector_store %arg9[%swap3A, %swap3A_57], %swap3A_60 {strides = array<i32>} : memref<128x128xf32, #tpu.memory_space<vmem>>, vector<1x16xf32>,
      %broadcast_in_dim3A_61 = arith.constant 0.000000e+00 : f32
      %broadcast_in_dim3A_62 = vector.broadcast %broadcast_in_dim3A_61 : f32 to vector<16xf32>
      %swap3A_63 = arith.index_cast %scan3A_55 : i32 to index
      %swap3A_64 = arith.constant 16 : index
      %swap3A_65 = tpu.vector_load %arg9[%swap3A_63, %swap3A_64] {strides = array<i32>} : memref<128x128xf32, #tpu.memory_space<vmem>>, vector<1x16xf32>,
      %swap3A_66 = vector.shape_cast %swap3A_65 : vector<1x16xf32> to vector<16xf32>
      %swap3A_67 = vector.shape_cast %broadcast_in_dim3A_62 : vector<16xf32> to vector<1x16xf32>
      tpu.vector_store %arg9[%swap3A_63, %swap3A_64], %swap3A_67 {strides = array<i32>} : memref<128x128xf32, #tpu.memory_space<vmem>>, vector<1x16xf32>,
      %broadcast_in_dim3A_68 = arith.constant 0.000000e+00 : f32
      %broadcast_in_dim3A_69 = vector.broadcast %broadcast_in_dim3A_68 : f32 to vector<16xf32>
      %swap3A_70 = arith.index_cast %scan3A_55 : i32 to index
      %swap3A_71 = arith.constant 32 : index
      %swap3A_72 = tpu.vector_load %arg9[%swap3A_70, %swap3A_71] {strides = array<i32>} : memref<128x128xf32, #tpu.memory_space<vmem>>, vector<1x16xf32>,
      %swap3A_73 = vector.shape_cast %swap3A_72 : vector<1x16xf32> to vector<16xf32>
      %swap3A_74 = vector.shape_cast %broadcast_in_dim3A_69 : vector<16xf32> to vector<1x16xf32>
      tpu.vector_store %arg9[%swap3A_70, %swap3A_71], %swap3A_74 {strides = array<i32>} : memref<128x128xf32, #tpu.memory_space<vmem>>, vector<1x16xf32>,
      %broadcast_in_dim3A_75 = arith.constant 0.000000e+00 : f32
      %broadcast_in_dim3A_76 = vector.broadcast %broadcast_in_dim3A_75 : f32 to vector<16xf32>
      %swap3A_77 = arith.index_cast %scan3A_55 : i32 to index
      %swap3A_78 = arith.constant 48 : index
      %swap3A_79 = tpu.vector_load %arg9[%swap3A_77, %swap3A_78] {strides = array<i32>} : memref<128x128xf32, #tpu.memory_space<vmem>>, vector<1x16xf32>,
      %swap3A_80 = vector.shape_cast %swap3A_79 : vector<1x16xf32> to vector<16xf32>
      %swap3A_81 = vector.shape_cast %broadcast_in_dim3A_76 : vector<16xf32> to vector<1x16xf32>
      tpu.vector_store %arg9[%swap3A_77, %swap3A_78], %swap3A_81 {strides = array<i32>} : memref<128x128xf32, #tpu.memory_space<vmem>>, vector<1x16xf32>,
      %broadcast_in_dim3A_82 = arith.constant 0.000000e+00 : f32
      %broadcast_in_dim3A_83 = vector.broadcast %broadcast_in_dim3A_82 : f32 to vector<16xf32>
      %swap3A_84 = arith.index_cast %scan3A_55 : i32 to index
      %swap3A_85 = arith.constant 64 : index
      %swap3A_86 = tpu.vector_load %arg9[%swap3A_84, %swap3A_85] {strides = array<i32>} : memref<128x128xf32, #tpu.memory_space<vmem>>, vector<1x16xf32>,
      %swap3A_87 = vector.shape_cast %swap3A_86 : vector<1x16xf32> to vector<16xf32>
      %swap3A_88 = vector.shape_cast %broadcast_in_dim3A_83 : vector<16xf32> to vector<1x16xf32>
      tpu.vector_store %arg9[%swap3A_84, %swap3A_85], %swap3A_88 {strides = array<i32>} : memref<128x128xf32, #tpu.memory_space<vmem>>, vector<1x16xf32>,
      %broadcast_in_dim3A_89 = arith.constant 0.000000e+00 : f32
      %broadcast_in_dim3A_90 = vector.broadcast %broadcast_in_dim3A_89 : f32 to vector<16xf32>
      %swap3A_91 = arith.index_cast %scan3A_55 : i32 to index
      %swap3A_92 = arith.constant 80 : index
      %swap3A_93 = tpu.vector_load %arg9[%swap3A_91, %swap3A_92] {strides = array<i32>} : memref<128x128xf32, #tpu.memory_space<vmem>>, vector<1x16xf32>,
      %swap3A_94 = vector.shape_cast %swap3A_93 : vector<1x16xf32> to vector<16xf32>
      %swap3A_95 = vector.shape_cast %broadcast_in_dim3A_90 : vector<16xf32> to vector<1x16xf32>
      tpu.vector_store %arg9[%swap3A_91, %swap3A_92], %swap3A_95 {strides = array<i32>} : memref<128x128xf32, #tpu.memory_space<vmem>>, vector<1x16xf32>,
      %broadcast_in_dim3A_96 = arith.constant 0.000000e+00 : f32
      %broadcast_in_dim3A_97 = vector.broadcast %broadcast_in_dim3A_96 : f32 to vector<16xf32>
      %swap3A_98 = arith.index_cast %scan3A_55 : i32 to index
      %swap3A_99 = arith.constant 96 : index
      %swap3A_100 = tpu.vector_load %arg9[%swap3A_98, %swap3A_99] {strides = array<i32>} : memref<128x128xf32, #tpu.memory_space<vmem>>, vector<1x16xf32>,
      %swap3A_101 = vector.shape_cast %swap3A_100 : vector<1x16xf32> to vector<16xf32>
      %swap3A_102 = vector.shape_cast %broadcast_in_dim3A_97 : vector<16xf32> to vector<1x16xf32>
      tpu.vector_store %arg9[%swap3A_98, %swap3A_99], %swap3A_102 {strides = array<i32>} : memref<128x128xf32, #tpu.memory_space<vmem>>, vector<1x16xf32>,
      %broadcast_in_dim3A_103 = arith.constant 0.000000e+00 : f32
      %broadcast_in_dim3A_104 = vector.broadcast %broadcast_in_dim3A_103 : f32 to vector<16xf32>
      %swap3A_105 = arith.index_cast %scan3A_55 : i32 to index
      %swap3A_106 = arith.constant 112 : index
      %swap3A_107 = tpu.vector_load %arg9[%swap3A_105, %swap3A_106] {strides = array<i32>} : memref<128x128xf32, #tpu.memory_space<vmem>>, vector<1x16xf32>,
      %swap3A_108 = vector.shape_cast %swap3A_107 : vector<1x16xf32> to vector<16xf32>
      %swap3A_109 = vector.shape_cast %broadcast_in_dim3A_104 : vector<16xf32> to vector<1x16xf32>
      tpu.vector_store %arg9[%swap3A_105, %swap3A_106], %swap3A_109 {strides = array<i32>} : memref<128x128xf32, #tpu.memory_space<vmem>>, vector<1x16xf32>,
    }
    %scan3A_4 = arith.constant 128 : i32
    %mul3A = arith.constant 640 : i32
    %mul3A_5 = arith.muli %mul3A, %arg1 : i32
    %add3A = arith.constant 0 : i32
    %add3A_6 = arith.addi %mul3A_5, %add3A : i32
    "tpu.region"() ({
      %run_scoped3A = tpu.sem_alloc : memref<!tpu.dma_semaphore, #tpu.memory_space<semaphore_mem>>
      %dma_start3A = arith.constant 0 : i32
      %dma_start3A_55 = tpu.memref_slice %arg6[%add3A_6, %dma_start3A] : memref<10240x128xf32, #tpu.memory_space<vmem_shared>> -> memref<128x128xf32, #tpu.memory_space<vmem_shared>>
      %dma_start3A_56 = arith.constant 0 : i32
      %dma_start3A_57 = tpu.memref_slice %arg6[%add3A_6, %dma_start3A_56] : memref<10240x128xf32, #tpu.memory_space<vmem_shared>> -> memref<128x128xf32, #tpu.memory_space<vmem_shared>>
      tpu.enqueue_dma source(%arg9 : memref<128x128xf32, #tpu.memory_space<vmem>>) target(%dma_start3A_57 : memref<128x128xf32, #tpu.memory_space<vmem_shared>>) target_semaphore(%run_scoped3A : memref<!tpu.dma_semaphore, #tpu.memory_space<semaphore_mem>>)
      %dma_wait3A = arith.constant 0 : i32
      %dma_wait3A_58 = tpu.memref_slice %arg6[%add3A_6, %dma_wait3A] : memref<10240x128xf32, #tpu.memory_space<vmem_shared>> -> memref<128x128xf32, #tpu.memory_space<vmem_shared>>
      %dma_wait3A_59 = arith.constant 0 : i32
      %dma_wait3A_60 = tpu.memref_slice %arg6[%add3A_6, %dma_wait3A_59] : memref<10240x128xf32, #tpu.memory_space<vmem_shared>> -> memref<128x128xf32, #tpu.memory_space<vmem_shared>>
      tpu.wait_dma2 semaphore(%run_scoped3A : memref<!tpu.dma_semaphore, #tpu.memory_space<semaphore_mem>>) src(%arg9 : memref<128x128xf32, #tpu.memory_space<vmem>>) dst(%dma_wait3A_60 : memref<128x128xf32, #tpu.memory_space<vmem_shared>>)
      tpu.yield
    }) : () -> ()
    %mul3A_7 = arith.constant 640 : i32
    %mul3A_8 = arith.muli %mul3A_7, %arg1 : i32
    %add3A_9 = arith.constant 128 : i32
    %add3A_10 = arith.addi %mul3A_8, %add3A_9 : i32
    "tpu.region"() ({
      %run_scoped3A = tpu.sem_alloc : memref<!tpu.dma_semaphore, #tpu.memory_space<semaphore_mem>>
      %dma_start3A = arith.constant 0 : i32
      %dma_start3A_55 = tpu.memref_slice %arg6[%add3A_10, %dma_start3A] : memref<10240x128xf32, #tpu.memory_space<vmem_shared>> -> memref<128x128xf32, #tpu.memory_space<vmem_shared>>
      %dma_start3A_56 = arith.constant 0 : i32
      %dma_start3A_57 = tpu.memref_slice %arg6[%add3A_10, %dma_start3A_56] : memref<10240x128xf32, #tpu.memory_space<vmem_shared>> -> memref<128x128xf32, #tpu.memory_space<vmem_shared>>
      tpu.enqueue_dma source(%arg9 : memref<128x128xf32, #tpu.memory_space<vmem>>) target(%dma_start3A_57 : memref<128x128xf32, #tpu.memory_space<vmem_shared>>) target_semaphore(%run_scoped3A : memref<!tpu.dma_semaphore, #tpu.memory_space<semaphore_mem>>)
      %dma_wait3A = arith.constant 0 : i32
      %dma_wait3A_58 = tpu.memref_slice %arg6[%add3A_10, %dma_wait3A] : memref<10240x128xf32, #tpu.memory_space<vmem_shared>> -> memref<128x128xf32, #tpu.memory_space<vmem_shared>>
      %dma_wait3A_59 = arith.constant 0 : i32
      %dma_wait3A_60 = tpu.memref_slice %arg6[%add3A_10, %dma_wait3A_59] : memref<10240x128xf32, #tpu.memory_space<vmem_shared>> -> memref<128x128xf32, #tpu.memory_space<vmem_shared>>
      tpu.wait_dma2 semaphore(%run_scoped3A : memref<!tpu.dma_semaphore, #tpu.memory_space<semaphore_mem>>) src(%arg9 : memref<128x128xf32, #tpu.memory_space<vmem>>) dst(%dma_wait3A_60 : memref<128x128xf32, #tpu.memory_space<vmem_shared>>)
      tpu.yield
    }) : () -> ()
    %mul3A_11 = arith.constant 640 : i32
    %mul3A_12 = arith.muli %mul3A_11, %arg1 : i32
    %add3A_13 = arith.constant 256 : i32
    %add3A_14 = arith.addi %mul3A_12, %add3A_13 : i32
    "tpu.region"() ({
      %run_scoped3A = tpu.sem_alloc : memref<!tpu.dma_semaphore, #tpu.memory_space<semaphore_mem>>
      %dma_start3A = arith.constant 0 : i32
      %dma_start3A_55 = tpu.memref_slice %arg6[%add3A_14, %dma_start3A] : memref<10240x128xf32, #tpu.memory_space<vmem_shared>> -> memref<128x128xf32, #tpu.memory_space<vmem_shared>>
      %dma_start3A_56 = arith.constant 0 : i32
      %dma_start3A_57 = tpu.memref_slice %arg6[%add3A_14, %dma_start3A_56] : memref<10240x128xf32, #tpu.memory_space<vmem_shared>> -> memref<128x128xf32, #tpu.memory_space<vmem_shared>>
      tpu.enqueue_dma source(%arg9 : memref<128x128xf32, #tpu.memory_space<vmem>>) target(%dma_start3A_57 : memref<128x128xf32, #tpu.memory_space<vmem_shared>>) target_semaphore(%run_scoped3A : memref<!tpu.dma_semaphore, #tpu.memory_space<semaphore_mem>>)
      %dma_wait3A = arith.constant 0 : i32
      %dma_wait3A_58 = tpu.memref_slice %arg6[%add3A_14, %dma_wait3A] : memref<10240x128xf32, #tpu.memory_space<vmem_shared>> -> memref<128x128xf32, #tpu.memory_space<vmem_shared>>
      %dma_wait3A_59 = arith.constant 0 : i32
      %dma_wait3A_60 = tpu.memref_slice %arg6[%add3A_14, %dma_wait3A_59] : memref<10240x128xf32, #tpu.memory_space<vmem_shared>> -> memref<128x128xf32, #tpu.memory_space<vmem_shared>>
      tpu.wait_dma2 semaphore(%run_scoped3A : memref<!tpu.dma_semaphore, #tpu.memory_space<semaphore_mem>>) src(%arg9 : memref<128x128xf32, #tpu.memory_space<vmem>>) dst(%dma_wait3A_60 : memref<128x128xf32, #tpu.memory_space<vmem_shared>>)
      tpu.yield
    }) : () -> ()
    %mul3A_15 = arith.constant 640 : i32
    %mul3A_16 = arith.muli %mul3A_15, %arg1 : i32
    %add3A_17 = arith.constant 384 : i32
    %add3A_18 = arith.addi %mul3A_16, %add3A_17 : i32
    "tpu.region"() ({
      %run_scoped3A = tpu.sem_alloc : memref<!tpu.dma_semaphore, #tpu.memory_space<semaphore_mem>>
      %dma_start3A = arith.constant 0 : i32
      %dma_start3A_55 = tpu.memref_slice %arg6[%add3A_18, %dma_start3A] : memref<10240x128xf32, #tpu.memory_space<vmem_shared>> -> memref<128x128xf32, #tpu.memory_space<vmem_shared>>
      %dma_start3A_56 = arith.constant 0 : i32
      %dma_start3A_57 = tpu.memref_slice %arg6[%add3A_18, %dma_start3A_56] : memref<10240x128xf32, #tpu.memory_space<vmem_shared>> -> memref<128x128xf32, #tpu.memory_space<vmem_shared>>
      tpu.enqueue_dma source(%arg9 : memref<128x128xf32, #tpu.memory_space<vmem>>) target(%dma_start3A_57 : memref<128x128xf32, #tpu.memory_space<vmem_shared>>) target_semaphore(%run_scoped3A : memref<!tpu.dma_semaphore, #tpu.memory_space<semaphore_mem>>)
      %dma_wait3A = arith.constant 0 : i32
      %dma_wait3A_58 = tpu.memref_slice %arg6[%add3A_18, %dma_wait3A] : memref<10240x128xf32, #tpu.memory_space<vmem_shared>> -> memref<128x128xf32, #tpu.memory_space<vmem_shared>>
      %dma_wait3A_59 = arith.constant 0 : i32
      %dma_wait3A_60 = tpu.memref_slice %arg6[%add3A_18, %dma_wait3A_59] : memref<10240x128xf32, #tpu.memory_space<vmem_shared>> -> memref<128x128xf32, #tpu.memory_space<vmem_shared>>
      tpu.wait_dma2 semaphore(%run_scoped3A : memref<!tpu.dma_semaphore, #tpu.memory_space<semaphore_mem>>) src(%arg9 : memref<128x128xf32, #tpu.memory_space<vmem>>) dst(%dma_wait3A_60 : memref<128x128xf32, #tpu.memory_space<vmem_shared>>)
      tpu.yield
    }) : () -> ()
    %mul3A_19 = arith.constant 640 : i32
    %mul3A_20 = arith.muli %mul3A_19, %arg1 : i32
    %add3A_21 = arith.constant 512 : i32
    %add3A_22 = arith.addi %mul3A_20, %add3A_21 : i32
    "tpu.region"() ({
      %run_scoped3A = tpu.sem_alloc : memref<!tpu.dma_semaphore, #tpu.memory_space<semaphore_mem>>
      %dma_start3A = arith.constant 0 : i32
      %dma_start3A_55 = tpu.memref_slice %arg6[%add3A_22, %dma_start3A] : memref<10240x128xf32, #tpu.memory_space<vmem_shared>> -> memref<128x128xf32, #tpu.memory_space<vmem_shared>>
      %dma_start3A_56 = arith.constant 0 : i32
      %dma_start3A_57 = tpu.memref_slice %arg6[%add3A_22, %dma_start3A_56] : memref<10240x128xf32, #tpu.memory_space<vmem_shared>> -> memref<128x128xf32, #tpu.memory_space<vmem_shared>>
      tpu.enqueue_dma source(%arg9 : memref<128x128xf32, #tpu.memory_space<vmem>>) target(%dma_start3A_57 : memref<128x128xf32, #tpu.memory_space<vmem_shared>>) target_semaphore(%run_scoped3A : memref<!tpu.dma_semaphore, #tpu.memory_space<semaphore_mem>>)
      %dma_wait3A = arith.constant 0 : i32
      %dma_wait3A_58 = tpu.memref_slice %arg6[%add3A_22, %dma_wait3A] : memref<10240x128xf32, #tpu.memory_space<vmem_shared>> -> memref<128x128xf32, #tpu.memory_space<vmem_shared>>
      %dma_wait3A_59 = arith.constant 0 : i32
      %dma_wait3A_60 = tpu.memref_slice %arg6[%add3A_22, %dma_wait3A_59] : memref<10240x128xf32, #tpu.memory_space<vmem_shared>> -> memref<128x128xf32, #tpu.memory_space<vmem_shared>>
      tpu.wait_dma2 semaphore(%run_scoped3A : memref<!tpu.dma_semaphore, #tpu.memory_space<semaphore_mem>>) src(%arg9 : memref<128x128xf32, #tpu.memory_space<vmem>>) dst(%dma_wait3A_60 : memref<128x128xf32, #tpu.memory_space<vmem_shared>>)
      tpu.yield
    }) : () -> ()
    %barrier3A = arith.constant 0 : index
    tpu.barrier barrier_id(%barrier3A)
    %mul3A_23 = arith.constant 1248 : i32
    %mul3A_24 = arith.muli %mul3A_23, %arg0 : i32
    %lt3A = arith.constant 12 : i32
    %lt3A_25 = arith.cmpi slt, %arg1, %lt3A : i32
    %mul3A_26 = arith.constant 80 : i32
    %mul3A_27 = arith.muli %mul3A_26, %arg1 : i32
    %mul3A_28 = arith.constant 72 : i32
    %mul3A_29 = arith.muli %mul3A_28, %arg1 : i32
    %add3A_30 = arith.constant 96 : i32
    %add3A_31 = arith.addi %mul3A_29, %add3A_30 : i32
    %select_n3A = arith.select %lt3A_25, %mul3A_27, %add3A_31 : i32
    %add3A_32 = arith.addi %mul3A_24, %select_n3A : i32
    %lt3A_33 = arith.constant 12 : i32
    %lt3A_34 = arith.cmpi slt, %arg1, %lt3A_33 : i32
    %jit3A = arith.constant 10 : i32
    %jit3A_35 = arith.constant 9 : i32
    %select_n3A_36 = arith.select %lt3A_34, %jit3A, %jit3A_35 : i32
    %while3A = arith.constant 0 : i32
    %while3A_37 = arith.constant 0 : i32
    %while3A_38 = arith.subi %select_n3A_36, %while3A_37 : i32
    %while3A_39 = arith.addi %while3A_37, %while3A_38 : i32
    %while3A_40 = arith.constant 1 : i32
    %while3A_41 = arith.divsi %while3A_38, %while3A_40 : i32
    %while3A_42 = arith.muli %while3A_41, %while3A_40 : i32
    %while3A_43 = arith.addi %while3A_37, %while3A_42 : i32
    %while3A_44 = arith.constant 1 : i32
    scf.for %while3A_55 = %while3A_37 to %while3A_43 step %while3A_44  : i32 {
      %mul3A_56 = arith.constant 8 : i32
      %mul3A_57 = arith.muli %mul3A_56, %while3A_55 : i32
      %add3A_58 = arith.addi %add3A_32, %mul3A_57 : i32
      "tpu.region"() ({
        %run_scoped3A_176 = tpu.sem_alloc : memref<!tpu.dma_semaphore, #tpu.memory_space<semaphore_mem>>
        %dma_start3A_177 = arith.constant 0 : i32
        %dma_start3A_178 = tpu.memref_slice %arg3[%add3A_58, %dma_start3A_177] : memref<2500x128xi32, #tpu.memory_space<hbm>> -> memref<8x128xi32, #tpu.memory_space<hbm>>
        %dma_start3A_179 = arith.constant 0 : i32
        %dma_start3A_180 = tpu.memref_slice %arg3[%add3A_58, %dma_start3A_179] : memref<2500x128xi32, #tpu.memory_space<hbm>> -> memref<8x128xi32, #tpu.memory_space<hbm>>
        tpu.enqueue_dma source(%dma_start3A_180 : memref<8x128xi32, #tpu.memory_space<hbm>>) target(%arg7 : memref<8x128xi32, #tpu.memory_space<vmem>>) target_semaphore(%run_scoped3A_176 : memref<!tpu.dma_semaphore, #tpu.memory_space<semaphore_mem>>)
        %dma_wait3A_181 = arith.constant 0 : i32
        %dma_wait3A_182 = tpu.memref_slice %arg3[%add3A_58, %dma_wait3A_181] : memref<2500x128xi32, #tpu.memory_space<hbm>> -> memref<8x128xi32, #tpu.memory_space<hbm>>
        %dma_wait3A_183 = arith.constant 0 : i32
        %dma_wait3A_184 = tpu.memref_slice %arg3[%add3A_58, %dma_wait3A_183] : memref<2500x128xi32, #tpu.memory_space<hbm>> -> memref<8x128xi32, #tpu.memory_space<hbm>>
        tpu.wait_dma2 semaphore(%run_scoped3A_176 : memref<!tpu.dma_semaphore, #tpu.memory_space<semaphore_mem>>) src(%dma_wait3A_184 : memref<8x128xi32, #tpu.memory_space<hbm>>) dst(%arg7 : memref<8x128xi32, #tpu.memory_space<vmem>>)
        tpu.yield
      }) : () -> ()
      "tpu.region"() ({
        %run_scoped3A_176 = tpu.sem_alloc : memref<!tpu.dma_semaphore, #tpu.memory_space<semaphore_mem>>
        %dma_start3A_177 = arith.constant 0 : i32
        %dma_start3A_178 = tpu.memref_slice %arg4[%add3A_58, %dma_start3A_177] : memref<2500x128xi32, #tpu.memory_space<hbm>> -> memref<8x128xi32, #tpu.memory_space<hbm>>
        %dma_start3A_179 = arith.constant 0 : i32
        %dma_start3A_180 = tpu.memref_slice %arg4[%add3A_58, %dma_start3A_179] : memref<2500x128xi32, #tpu.memory_space<hbm>> -> memref<8x128xi32, #tpu.memory_space<hbm>>
        tpu.enqueue_dma source(%dma_start3A_180 : memref<8x128xi32, #tpu.memory_space<hbm>>) target(%arg8 : memref<8x128xi32, #tpu.memory_space<vmem>>) target_semaphore(%run_scoped3A_176 : memref<!tpu.dma_semaphore, #tpu.memory_space<semaphore_mem>>)
        %dma_wait3A_181 = arith.constant 0 : i32
        %dma_wait3A_182 = tpu.memref_slice %arg4[%add3A_58, %dma_wait3A_181] : memref<2500x128xi32, #tpu.memory_space<hbm>> -> memref<8x128xi32, #tpu.memory_space<hbm>>
        %dma_wait3A_183 = arith.constant 0 : i32
        %dma_wait3A_184 = tpu.memref_slice %arg4[%add3A_58, %dma_wait3A_183] : memref<2500x128xi32, #tpu.memory_space<hbm>> -> memref<8x128xi32, #tpu.memory_space<hbm>>
        tpu.wait_dma2 semaphore(%run_scoped3A_176 : memref<!tpu.dma_semaphore, #tpu.memory_space<semaphore_mem>>) src(%dma_wait3A_184 : memref<8x128xi32, #tpu.memory_space<hbm>>) dst(%arg8 : memref<8x128xi32, #tpu.memory_space<vmem>>)
        tpu.yield
      }) : () -> ()
      %dma_start3A = arith.constant 0 : i32
      %dma_start3A_59 = arith.constant 0 : i32
      %dma_start3A_60 = tpu.memref_slice %arg7[%dma_start3A, %dma_start3A_59] : memref<8x128xi32, #tpu.memory_space<vmem>> -> memref<1x128xi32, #tpu.memory_space<vmem>>
      %dma_start3A_61 = tpu.memref_squeeze %dma_start3A_60 : memref<1x128xi32, #tpu.memory_space<vmem>> -> memref<128xi32, #tpu.memory_space<vmem>>
      %dma_start3A_62 = arith.constant 0 : i32
      %dma_start3A_63 = arith.constant 0 : i32
      %dma_start3A_64 = tpu.memref_slice %arg2[%dma_start3A_62, %dma_start3A_63] : memref<10240x128xf32, #tpu.memory_space<hbm>> -> memref<10240x128xf32, #tpu.memory_space<hbm>>
      tpu.enqueue_indirect_dma source(%dma_start3A_64 : memref<10240x128xf32, #tpu.memory_space<hbm>>) target(%arg9 : memref<128x128xf32, #tpu.memory_space<vmem>>) offsets(%dma_start3A_61 : memref<128xi32, #tpu.memory_space<vmem>>) semaphore(%arg10 : memref<!tpu.dma_semaphore, #tpu.memory_space<semaphore_mem>>)
      %dma_wait3A = arith.constant 0 : i32
      %dma_wait3A_65 = arith.constant 0 : i32
      %dma_wait3A_66 = tpu.memref_slice %arg7[%dma_wait3A, %dma_wait3A_65] : memref<8x128xi32, #tpu.memory_space<vmem>> -> memref<1x128xi32, #tpu.memory_space<vmem>>
      %dma_wait3A_67 = tpu.memref_squeeze %dma_wait3A_66 : memref<1x128xi32, #tpu.memory_space<vmem>> -> memref<128xi32, #tpu.memory_space<vmem>>
      %dma_wait3A_68 = arith.constant 0 : i32
      %dma_wait3A_69 = arith.constant 0 : i32
      %dma_wait3A_70 = tpu.memref_slice %arg2[%dma_wait3A_68, %dma_wait3A_69] : memref<10240x128xf32, #tpu.memory_space<hbm>> -> memref<10240x128xf32, #tpu.memory_space<hbm>>
      tpu.wait_indirect_dma semaphore(%arg10 : memref<!tpu.dma_semaphore, #tpu.memory_space<semaphore_mem>>) src(%dma_wait3A_70 : memref<10240x128xf32, #tpu.memory_space<hbm>>) dst(%arg9 : memref<128x128xf32, #tpu.memory_space<vmem>>)
      %run_scoped3A = arith.constant 0 : i32
      "tpu.region"() ({
        %run_scoped3A_176 = tpu.sem_alloc : memref<!tpu.dma_semaphore, #tpu.memory_space<semaphore_mem>>
        %dma_start3A_177 = arith.constant 0 : i32
        %dma_start3A_178 = tpu.memref_slice %arg8[%run_scoped3A, %dma_start3A_177] : memref<8x128xi32, #tpu.memory_space<vmem>> -> memref<1x128xi32, #tpu.memory_space<vmem>>
        %dma_start3A_179 = tpu.memref_squeeze %dma_start3A_178 : memref<1x128xi32, #tpu.memory_space<vmem>> -> memref<128xi32, #tpu.memory_space<vmem>>
        %dma_start3A_180 = arith.constant 0 : i32
        %dma_start3A_181 = arith.constant 0 : i32
        %dma_start3A_182 = tpu.memref_slice %arg6[%dma_start3A_180, %dma_start3A_181] : memref<10240x128xf32, #tpu.memory_space<vmem_shared>> -> memref<10240x128xf32, #tpu.memory_space<vmem_shared>>
        tpu.enqueue_indirect_dma source(%arg9 : memref<128x128xf32, #tpu.memory_space<vmem>>) target(%dma_start3A_182 : memref<10240x128xf32, #tpu.memory_space<vmem_shared>>) offsets(%dma_start3A_179 : memref<128xi32, #tpu.memory_space<vmem>>) semaphore(%run_scoped3A_176 : memref<!tpu.dma_semaphore, #tpu.memory_space<semaphore_mem>>) {add = true}
        %dma_wait3A_183 = arith.constant 0 : i32
        %dma_wait3A_184 = tpu.memref_slice %arg8[%run_scoped3A, %dma_wait3A_183] : memref<8x128xi32, #tpu.memory_space<vmem>> -> memref<1x128xi32, #tpu.memory_space<vmem>>
        %dma_wait3A_185 = tpu.memref_squeeze %dma_wait3A_184 : memref<1x128xi32, #tpu.memory_space<vmem>> -> memref<128xi32, #tpu.memory_space<vmem>>
        %dma_wait3A_186 = arith.constant 0 : i32
        %dma_wait3A_187 = arith.constant 0 : i32
        %dma_wait3A_188 = tpu.memref_slice %arg6[%dma_wait3A_186, %dma_wait3A_187] : memref<10240x128xf32, #tpu.memory_space<vmem_shared>> -> memref<10240x128xf32, #tpu.memory_space<vmem_shared>>
        tpu.wait_indirect_dma semaphore(%run_scoped3A_176 : memref<!tpu.dma_semaphore, #tpu.memory_space<semaphore_mem>>) src(%arg9 : memref<128x128xf32, #tpu.memory_space<vmem>>) dst(%dma_wait3A_188 : memref<10240x128xf32, #tpu.memory_space<vmem_shared>>)
        tpu.yield
      }) : () -> ()
      %dma_start3A_71 = arith.constant 1 : i32
      %dma_start3A_72 = arith.constant 0 : i32
      %dma_start3A_73 = tpu.memref_slice %arg7[%dma_start3A_71, %dma_start3A_72] : memref<8x128xi32, #tpu.memory_space<vmem>> -> memref<1x128xi32, #tpu.memory_space<vmem>>
      %dma_start3A_74 = tpu.memref_squeeze %dma_start3A_73 : memref<1x128xi32, #tpu.memory_space<vmem>> -> memref<128xi32, #tpu.memory_space<vmem>>
      %dma_start3A_75 = arith.constant 0 : i32
      %dma_start3A_76 = arith.constant 0 : i32
      %dma_start3A_77 = tpu.memref_slice %arg2[%dma_start3A_75, %dma_start3A_76] : memref<10240x128xf32, #tpu.memory_space<hbm>> -> memref<10240x128xf32, #tpu.memory_space<hbm>>
      tpu.enqueue_indirect_dma source(%dma_start3A_77 : memref<10240x128xf32, #tpu.memory_space<hbm>>) target(%arg9 : memref<128x128xf32, #tpu.memory_space<vmem>>) offsets(%dma_start3A_74 : memref<128xi32, #tpu.memory_space<vmem>>) semaphore(%arg10 : memref<!tpu.dma_semaphore, #tpu.memory_space<semaphore_mem>>)
      %dma_wait3A_78 = arith.constant 1 : i32
      %dma_wait3A_79 = arith.constant 0 : i32
      %dma_wait3A_80 = tpu.memref_slice %arg7[%dma_wait3A_78, %dma_wait3A_79] : memref<8x128xi32, #tpu.memory_space<vmem>> -> memref<1x128xi32, #tpu.memory_space<vmem>>
      %dma_wait3A_81 = tpu.memref_squeeze %dma_wait3A_80 : memref<1x128xi32, #tpu.memory_space<vmem>> -> memref<128xi32, #tpu.memory_space<vmem>>
      %dma_wait3A_82 = arith.constant 0 : i32
      %dma_wait3A_83 = arith.constant 0 : i32
      %dma_wait3A_84 = tpu.memref_slice %arg2[%dma_wait3A_82, %dma_wait3A_83] : memref<10240x128xf32, #tpu.memory_space<hbm>> -> memref<10240x128xf32, #tpu.memory_space<hbm>>
      tpu.wait_indirect_dma semaphore(%arg10 : memref<!tpu.dma_semaphore, #tpu.memory_space<semaphore_mem>>) src(%dma_wait3A_84 : memref<10240x128xf32, #tpu.memory_space<hbm>>) dst(%arg9 : memref<128x128xf32, #tpu.memory_space<vmem>>)
      %run_scoped3A_85 = arith.constant 1 : i32
      "tpu.region"() ({
        %run_scoped3A_176 = tpu.sem_alloc : memref<!tpu.dma_semaphore, #tpu.memory_space<semaphore_mem>>
        %dma_start3A_177 = arith.constant 0 : i32
        %dma_start3A_178 = tpu.memref_slice %arg8[%run_scoped3A_85, %dma_start3A_177] : memref<8x128xi32, #tpu.memory_space<vmem>> -> memref<1x128xi32, #tpu.memory_space<vmem>>
        %dma_start3A_179 = tpu.memref_squeeze %dma_start3A_178 : memref<1x128xi32, #tpu.memory_space<vmem>> -> memref<128xi32, #tpu.memory_space<vmem>>
        %dma_start3A_180 = arith.constant 0 : i32
        %dma_start3A_181 = arith.constant 0 : i32
        %dma_start3A_182 = tpu.memref_slice %arg6[%dma_start3A_180, %dma_start3A_181] : memref<10240x128xf32, #tpu.memory_space<vmem_shared>> -> memref<10240x128xf32, #tpu.memory_space<vmem_shared>>
        tpu.enqueue_indirect_dma source(%arg9 : memref<128x128xf32, #tpu.memory_space<vmem>>) target(%dma_start3A_182 : memref<10240x128xf32, #tpu.memory_space<vmem_shared>>) offsets(%dma_start3A_179 : memref<128xi32, #tpu.memory_space<vmem>>) semaphore(%run_scoped3A_176 : memref<!tpu.dma_semaphore, #tpu.memory_space<semaphore_mem>>) {add = true}
        %dma_wait3A_183 = arith.constant 0 : i32
        %dma_wait3A_184 = tpu.memref_slice %arg8[%run_scoped3A_85, %dma_wait3A_183] : memref<8x128xi32, #tpu.memory_space<vmem>> -> memref<1x128xi32, #tpu.memory_space<vmem>>
        %dma_wait3A_185 = tpu.memref_squeeze %dma_wait3A_184 : memref<1x128xi32, #tpu.memory_space<vmem>> -> memref<128xi32, #tpu.memory_space<vmem>>
        %dma_wait3A_186 = arith.constant 0 : i32
        %dma_wait3A_187 = arith.constant 0 : i32
        %dma_wait3A_188 = tpu.memref_slice %arg6[%dma_wait3A_186, %dma_wait3A_187] : memref<10240x128xf32, #tpu.memory_space<vmem_shared>> -> memref<10240x128xf32, #tpu.memory_space<vmem_shared>>
        tpu.wait_indirect_dma semaphore(%run_scoped3A_176 : memref<!tpu.dma_semaphore, #tpu.memory_space<semaphore_mem>>) src(%arg9 : memref<128x128xf32, #tpu.memory_space<vmem>>) dst(%dma_wait3A_188 : memref<10240x128xf32, #tpu.memory_space<vmem_shared>>)
        tpu.yield
      }) : () -> ()
      %dma_start3A_86 = arith.constant 2 : i32
      %dma_start3A_87 = arith.constant 0 : i32
      %dma_start3A_88 = tpu.memref_slice %arg7[%dma_start3A_86, %dma_start3A_87] : memref<8x128xi32, #tpu.memory_space<vmem>> -> memref<1x128xi32, #tpu.memory_space<vmem>>
      %dma_start3A_89 = tpu.memref_squeeze %dma_start3A_88 : memref<1x128xi32, #tpu.memory_space<vmem>> -> memref<128xi32, #tpu.memory_space<vmem>>
      %dma_start3A_90 = arith.constant 0 : i32
      %dma_start3A_91 = arith.constant 0 : i32
      %dma_start3A_92 = tpu.memref_slice %arg2[%dma_start3A_90, %dma_start3A_91] : memref<10240x128xf32, #tpu.memory_space<hbm>> -> memref<10240x128xf32, #tpu.memory_space<hbm>>
      tpu.enqueue_indirect_dma source(%dma_start3A_92 : memref<10240x128xf32, #tpu.memory_space<hbm>>) target(%arg9 : memref<128x128xf32, #tpu.memory_space<vmem>>) offsets(%dma_start3A_89 : memref<128xi32, #tpu.memory_space<vmem>>) semaphore(%arg10 : memref<!tpu.dma_semaphore, #tpu.memory_space<semaphore_mem>>)
      %dma_wait3A_93 = arith.constant 2 : i32
      %dma_wait3A_94 = arith.constant 0 : i32
      %dma_wait3A_95 = tpu.memref_slice %arg7[%dma_wait3A_93, %dma_wait3A_94] : memref<8x128xi32, #tpu.memory_space<vmem>> -> memref<1x128xi32, #tpu.memory_space<vmem>>
      %dma_wait3A_96 = tpu.memref_squeeze %dma_wait3A_95 : memref<1x128xi32, #tpu.memory_space<vmem>> -> memref<128xi32, #tpu.memory_space<vmem>>
      %dma_wait3A_97 = arith.constant 0 : i32
      %dma_wait3A_98 = arith.constant 0 : i32
      %dma_wait3A_99 = tpu.memref_slice %arg2[%dma_wait3A_97, %dma_wait3A_98] : memref<10240x128xf32, #tpu.memory_space<hbm>> -> memref<10240x128xf32, #tpu.memory_space<hbm>>
      tpu.wait_indirect_dma semaphore(%arg10 : memref<!tpu.dma_semaphore, #tpu.memory_space<semaphore_mem>>) src(%dma_wait3A_99 : memref<10240x128xf32, #tpu.memory_space<hbm>>) dst(%arg9 : memref<128x128xf32, #tpu.memory_space<vmem>>)
      %run_scoped3A_100 = arith.constant 2 : i32
      "tpu.region"() ({
        %run_scoped3A_176 = tpu.sem_alloc : memref<!tpu.dma_semaphore, #tpu.memory_space<semaphore_mem>>
        %dma_start3A_177 = arith.constant 0 : i32
        %dma_start3A_178 = tpu.memref_slice %arg8[%run_scoped3A_100, %dma_start3A_177] : memref<8x128xi32, #tpu.memory_space<vmem>> -> memref<1x128xi32, #tpu.memory_space<vmem>>
        %dma_start3A_179 = tpu.memref_squeeze %dma_start3A_178 : memref<1x128xi32, #tpu.memory_space<vmem>> -> memref<128xi32, #tpu.memory_space<vmem>>
        %dma_start3A_180 = arith.constant 0 : i32
        %dma_start3A_181 = arith.constant 0 : i32
        %dma_start3A_182 = tpu.memref_slice %arg6[%dma_start3A_180, %dma_start3A_181] : memref<10240x128xf32, #tpu.memory_space<vmem_shared>> -> memref<10240x128xf32, #tpu.memory_space<vmem_shared>>
        tpu.enqueue_indirect_dma source(%arg9 : memref<128x128xf32, #tpu.memory_space<vmem>>) target(%dma_start3A_182 : memref<10240x128xf32, #tpu.memory_space<vmem_shared>>) offsets(%dma_start3A_179 : memref<128xi32, #tpu.memory_space<vmem>>) semaphore(%run_scoped3A_176 : memref<!tpu.dma_semaphore, #tpu.memory_space<semaphore_mem>>) {add = true}
        %dma_wait3A_183 = arith.constant 0 : i32
        %dma_wait3A_184 = tpu.memref_slice %arg8[%run_scoped3A_100, %dma_wait3A_183] : memref<8x128xi32, #tpu.memory_space<vmem>> -> memref<1x128xi32, #tpu.memory_space<vmem>>
        %dma_wait3A_185 = tpu.memref_squeeze %dma_wait3A_184 : memref<1x128xi32, #tpu.memory_space<vmem>> -> memref<128xi32, #tpu.memory_space<vmem>>
        %dma_wait3A_186 = arith.constant 0 : i32
        %dma_wait3A_187 = arith.constant 0 : i32
        %dma_wait3A_188 = tpu.memref_slice %arg6[%dma_wait3A_186, %dma_wait3A_187] : memref<10240x128xf32, #tpu.memory_space<vmem_shared>> -> memref<10240x128xf32, #tpu.memory_space<vmem_shared>>
        tpu.wait_indirect_dma semaphore(%run_scoped3A_176 : memref<!tpu.dma_semaphore, #tpu.memory_space<semaphore_mem>>) src(%arg9 : memref<128x128xf32, #tpu.memory_space<vmem>>) dst(%dma_wait3A_188 : memref<10240x128xf32, #tpu.memory_space<vmem_shared>>)
        tpu.yield
      }) : () -> ()
      %dma_start3A_101 = arith.constant 3 : i32
      %dma_start3A_102 = arith.constant 0 : i32
      %dma_start3A_103 = tpu.memref_slice %arg7[%dma_start3A_101, %dma_start3A_102] : memref<8x128xi32, #tpu.memory_space<vmem>> -> memref<1x128xi32, #tpu.memory_space<vmem>>
      %dma_start3A_104 = tpu.memref_squeeze %dma_start3A_103 : memref<1x128xi32, #tpu.memory_space<vmem>> -> memref<128xi32, #tpu.memory_space<vmem>>
      %dma_start3A_105 = arith.constant 0 : i32
      %dma_start3A_106 = arith.constant 0 : i32
      %dma_start3A_107 = tpu.memref_slice %arg2[%dma_start3A_105, %dma_start3A_106] : memref<10240x128xf32, #tpu.memory_space<hbm>> -> memref<10240x128xf32, #tpu.memory_space<hbm>>
      tpu.enqueue_indirect_dma source(%dma_start3A_107 : memref<10240x128xf32, #tpu.memory_space<hbm>>) target(%arg9 : memref<128x128xf32, #tpu.memory_space<vmem>>) offsets(%dma_start3A_104 : memref<128xi32, #tpu.memory_space<vmem>>) semaphore(%arg10 : memref<!tpu.dma_semaphore, #tpu.memory_space<semaphore_mem>>)
      %dma_wait3A_108 = arith.constant 3 : i32
      %dma_wait3A_109 = arith.constant 0 : i32
      %dma_wait3A_110 = tpu.memref_slice %arg7[%dma_wait3A_108, %dma_wait3A_109] : memref<8x128xi32, #tpu.memory_space<vmem>> -> memref<1x128xi32, #tpu.memory_space<vmem>>
      %dma_wait3A_111 = tpu.memref_squeeze %dma_wait3A_110 : memref<1x128xi32, #tpu.memory_space<vmem>> -> memref<128xi32, #tpu.memory_space<vmem>>
      %dma_wait3A_112 = arith.constant 0 : i32
      %dma_wait3A_113 = arith.constant 0 : i32
      %dma_wait3A_114 = tpu.memref_slice %arg2[%dma_wait3A_112, %dma_wait3A_113] : memref<10240x128xf32, #tpu.memory_space<hbm>> -> memref<10240x128xf32, #tpu.memory_space<hbm>>
      tpu.wait_indirect_dma semaphore(%arg10 : memref<!tpu.dma_semaphore, #tpu.memory_space<semaphore_mem>>) src(%dma_wait3A_114 : memref<10240x128xf32, #tpu.memory_space<hbm>>) dst(%arg9 : memref<128x128xf32, #tpu.memory_space<vmem>>)
      %run_scoped3A_115 = arith.constant 3 : i32
      "tpu.region"() ({
        %run_scoped3A_176 = tpu.sem_alloc : memref<!tpu.dma_semaphore, #tpu.memory_space<semaphore_mem>>
        %dma_start3A_177 = arith.constant 0 : i32
        %dma_start3A_178 = tpu.memref_slice %arg8[%run_scoped3A_115, %dma_start3A_177] : memref<8x128xi32, #tpu.memory_space<vmem>> -> memref<1x128xi32, #tpu.memory_space<vmem>>
        %dma_start3A_179 = tpu.memref_squeeze %dma_start3A_178 : memref<1x128xi32, #tpu.memory_space<vmem>> -> memref<128xi32, #tpu.memory_space<vmem>>
        %dma_start3A_180 = arith.constant 0 : i32
        %dma_start3A_181 = arith.constant 0 : i32
        %dma_start3A_182 = tpu.memref_slice %arg6[%dma_start3A_180, %dma_start3A_181] : memref<10240x128xf32, #tpu.memory_space<vmem_shared>> -> memref<10240x128xf32, #tpu.memory_space<vmem_shared>>
        tpu.enqueue_indirect_dma source(%arg9 : memref<128x128xf32, #tpu.memory_space<vmem>>) target(%dma_start3A_182 : memref<10240x128xf32, #tpu.memory_space<vmem_shared>>) offsets(%dma_start3A_179 : memref<128xi32, #tpu.memory_space<vmem>>) semaphore(%run_scoped3A_176 : memref<!tpu.dma_semaphore, #tpu.memory_space<semaphore_mem>>) {add = true}
        %dma_wait3A_183 = arith.constant 0 : i32
        %dma_wait3A_184 = tpu.memref_slice %arg8[%run_scoped3A_115, %dma_wait3A_183] : memref<8x128xi32, #tpu.memory_space<vmem>> -> memref<1x128xi32, #tpu.memory_space<vmem>>
        %dma_wait3A_185 = tpu.memref_squeeze %dma_wait3A_184 : memref<1x128xi32, #tpu.memory_space<vmem>> -> memref<128xi32, #tpu.memory_space<vmem>>
        %dma_wait3A_186 = arith.constant 0 : i32
        %dma_wait3A_187 = arith.constant 0 : i32
        %dma_wait3A_188 = tpu.memref_slice %arg6[%dma_wait3A_186, %dma_wait3A_187] : memref<10240x128xf32, #tpu.memory_space<vmem_shared>> -> memref<10240x128xf32, #tpu.memory_space<vmem_shared>>
        tpu.wait_indirect_dma semaphore(%run_scoped3A_176 : memref<!tpu.dma_semaphore, #tpu.memory_space<semaphore_mem>>) src(%arg9 : memref<128x128xf32, #tpu.memory_space<vmem>>) dst(%dma_wait3A_188 : memref<10240x128xf32, #tpu.memory_space<vmem_shared>>)
        tpu.yield
      }) : () -> ()
      %dma_start3A_116 = arith.constant 4 : i32
      %dma_start3A_117 = arith.constant 0 : i32
      %dma_start3A_118 = tpu.memref_slice %arg7[%dma_start3A_116, %dma_start3A_117] : memref<8x128xi32, #tpu.memory_space<vmem>> -> memref<1x128xi32, #tpu.memory_space<vmem>>
      %dma_start3A_119 = tpu.memref_squeeze %dma_start3A_118 : memref<1x128xi32, #tpu.memory_space<vmem>> -> memref<128xi32, #tpu.memory_space<vmem>>
      %dma_start3A_120 = arith.constant 0 : i32
      %dma_start3A_121 = arith.constant 0 : i32
      %dma_start3A_122 = tpu.memref_slice %arg2[%dma_start3A_120, %dma_start3A_121] : memref<10240x128xf32, #tpu.memory_space<hbm>> -> memref<10240x128xf32, #tpu.memory_space<hbm>>
      tpu.enqueue_indirect_dma source(%dma_start3A_122 : memref<10240x128xf32, #tpu.memory_space<hbm>>) target(%arg9 : memref<128x128xf32, #tpu.memory_space<vmem>>) offsets(%dma_start3A_119 : memref<128xi32, #tpu.memory_space<vmem>>) semaphore(%arg10 : memref<!tpu.dma_semaphore, #tpu.memory_space<semaphore_mem>>)
      %dma_wait3A_123 = arith.constant 4 : i32
      %dma_wait3A_124 = arith.constant 0 : i32
      %dma_wait3A_125 = tpu.memref_slice %arg7[%dma_wait3A_123, %dma_wait3A_124] : memref<8x128xi32, #tpu.memory_space<vmem>> -> memref<1x128xi32, #tpu.memory_space<vmem>>
      %dma_wait3A_126 = tpu.memref_squeeze %dma_wait3A_125 : memref<1x128xi32, #tpu.memory_space<vmem>> -> memref<128xi32, #tpu.memory_space<vmem>>
      %dma_wait3A_127 = arith.constant 0 : i32
      %dma_wait3A_128 = arith.constant 0 : i32
      %dma_wait3A_129 = tpu.memref_slice %arg2[%dma_wait3A_127, %dma_wait3A_128] : memref<10240x128xf32, #tpu.memory_space<hbm>> -> memref<10240x128xf32, #tpu.memory_space<hbm>>
      tpu.wait_indirect_dma semaphore(%arg10 : memref<!tpu.dma_semaphore, #tpu.memory_space<semaphore_mem>>) src(%dma_wait3A_129 : memref<10240x128xf32, #tpu.memory_space<hbm>>) dst(%arg9 : memref<128x128xf32, #tpu.memory_space<vmem>>)
      %run_scoped3A_130 = arith.constant 4 : i32
      "tpu.region"() ({
        %run_scoped3A_176 = tpu.sem_alloc : memref<!tpu.dma_semaphore, #tpu.memory_space<semaphore_mem>>
        %dma_start3A_177 = arith.constant 0 : i32
        %dma_start3A_178 = tpu.memref_slice %arg8[%run_scoped3A_130, %dma_start3A_177] : memref<8x128xi32, #tpu.memory_space<vmem>> -> memref<1x128xi32, #tpu.memory_space<vmem>>
        %dma_start3A_179 = tpu.memref_squeeze %dma_start3A_178 : memref<1x128xi32, #tpu.memory_space<vmem>> -> memref<128xi32, #tpu.memory_space<vmem>>
        %dma_start3A_180 = arith.constant 0 : i32
        %dma_start3A_181 = arith.constant 0 : i32
        %dma_start3A_182 = tpu.memref_slice %arg6[%dma_start3A_180, %dma_start3A_181] : memref<10240x128xf32, #tpu.memory_space<vmem_shared>> -> memref<10240x128xf32, #tpu.memory_space<vmem_shared>>
        tpu.enqueue_indirect_dma source(%arg9 : memref<128x128xf32, #tpu.memory_space<vmem>>) target(%dma_start3A_182 : memref<10240x128xf32, #tpu.memory_space<vmem_shared>>) offsets(%dma_start3A_179 : memref<128xi32, #tpu.memory_space<vmem>>) semaphore(%run_scoped3A_176 : memref<!tpu.dma_semaphore, #tpu.memory_space<semaphore_mem>>) {add = true}
        %dma_wait3A_183 = arith.constant 0 : i32
        %dma_wait3A_184 = tpu.memref_slice %arg8[%run_scoped3A_130, %dma_wait3A_183] : memref<8x128xi32, #tpu.memory_space<vmem>> -> memref<1x128xi32, #tpu.memory_space<vmem>>
        %dma_wait3A_185 = tpu.memref_squeeze %dma_wait3A_184 : memref<1x128xi32, #tpu.memory_space<vmem>> -> memref<128xi32, #tpu.memory_space<vmem>>
        %dma_wait3A_186 = arith.constant 0 : i32
        %dma_wait3A_187 = arith.constant 0 : i32
        %dma_wait3A_188 = tpu.memref_slice %arg6[%dma_wait3A_186, %dma_wait3A_187] : memref<10240x128xf32, #tpu.memory_space<vmem_shared>> -> memref<10240x128xf32, #tpu.memory_space<vmem_shared>>
        tpu.wait_indirect_dma semaphore(%run_scoped3A_176 : memref<!tpu.dma_semaphore, #tpu.memory_space<semaphore_mem>>) src(%arg9 : memref<128x128xf32, #tpu.memory_space<vmem>>) dst(%dma_wait3A_188 : memref<10240x128xf32, #tpu.memory_space<vmem_shared>>)
        tpu.yield
      }) : () -> ()
      %dma_start3A_131 = arith.constant 5 : i32
      %dma_start3A_132 = arith.constant 0 : i32
      %dma_start3A_133 = tpu.memref_slice %arg7[%dma_start3A_131, %dma_start3A_132] : memref<8x128xi32, #tpu.memory_space<vmem>> -> memref<1x128xi32, #tpu.memory_space<vmem>>
      %dma_start3A_134 = tpu.memref_squeeze %dma_start3A_133 : memref<1x128xi32, #tpu.memory_space<vmem>> -> memref<128xi32, #tpu.memory_space<vmem>>
      %dma_start3A_135 = arith.constant 0 : i32
      %dma_start3A_136 = arith.constant 0 : i32
      %dma_start3A_137 = tpu.memref_slice %arg2[%dma_start3A_135, %dma_start3A_136] : memref<10240x128xf32, #tpu.memory_space<hbm>> -> memref<10240x128xf32, #tpu.memory_space<hbm>>
      tpu.enqueue_indirect_dma source(%dma_start3A_137 : memref<10240x128xf32, #tpu.memory_space<hbm>>) target(%arg9 : memref<128x128xf32, #tpu.memory_space<vmem>>) offsets(%dma_start3A_134 : memref<128xi32, #tpu.memory_space<vmem>>) semaphore(%arg10 : memref<!tpu.dma_semaphore, #tpu.memory_space<semaphore_mem>>)
      %dma_wait3A_138 = arith.constant 5 : i32
      %dma_wait3A_139 = arith.constant 0 : i32
      %dma_wait3A_140 = tpu.memref_slice %arg7[%dma_wait3A_138, %dma_wait3A_139] : memref<8x128xi32, #tpu.memory_space<vmem>> -> memref<1x128xi32, #tpu.memory_space<vmem>>
      %dma_wait3A_141 = tpu.memref_squeeze %dma_wait3A_140 : memref<1x128xi32, #tpu.memory_space<vmem>> -> memref<128xi32, #tpu.memory_space<vmem>>
      %dma_wait3A_142 = arith.constant 0 : i32
      %dma_wait3A_143 = arith.constant 0 : i32
      %dma_wait3A_144 = tpu.memref_slice %arg2[%dma_wait3A_142, %dma_wait3A_143] : memref<10240x128xf32, #tpu.memory_space<hbm>> -> memref<10240x128xf32, #tpu.memory_space<hbm>>
      tpu.wait_indirect_dma semaphore(%arg10 : memref<!tpu.dma_semaphore, #tpu.memory_space<semaphore_mem>>) src(%dma_wait3A_144 : memref<10240x128xf32, #tpu.memory_space<hbm>>) dst(%arg9 : memref<128x128xf32, #tpu.memory_space<vmem>>)
      %run_scoped3A_145 = arith.constant 5 : i32
      "tpu.region"() ({
        %run_scoped3A_176 = tpu.sem_alloc : memref<!tpu.dma_semaphore, #tpu.memory_space<semaphore_mem>>
        %dma_start3A_177 = arith.constant 0 : i32
        %dma_start3A_178 = tpu.memref_slice %arg8[%run_scoped3A_145, %dma_start3A_177] : memref<8x128xi32, #tpu.memory_space<vmem>> -> memref<1x128xi32, #tpu.memory_space<vmem>>
        %dma_start3A_179 = tpu.memref_squeeze %dma_start3A_178 : memref<1x128xi32, #tpu.memory_space<vmem>> -> memref<128xi32, #tpu.memory_space<vmem>>
        %dma_start3A_180 = arith.constant 0 : i32
        %dma_start3A_181 = arith.constant 0 : i32
        %dma_start3A_182 = tpu.memref_slice %arg6[%dma_start3A_180, %dma_start3A_181] : memref<10240x128xf32, #tpu.memory_space<vmem_shared>> -> memref<10240x128xf32, #tpu.memory_space<vmem_shared>>
        tpu.enqueue_indirect_dma source(%arg9 : memref<128x128xf32, #tpu.memory_space<vmem>>) target(%dma_start3A_182 : memref<10240x128xf32, #tpu.memory_space<vmem_shared>>) offsets(%dma_start3A_179 : memref<128xi32, #tpu.memory_space<vmem>>) semaphore(%run_scoped3A_176 : memref<!tpu.dma_semaphore, #tpu.memory_space<semaphore_mem>>) {add = true}
        %dma_wait3A_183 = arith.constant 0 : i32
        %dma_wait3A_184 = tpu.memref_slice %arg8[%run_scoped3A_145, %dma_wait3A_183] : memref<8x128xi32, #tpu.memory_space<vmem>> -> memref<1x128xi32, #tpu.memory_space<vmem>>
        %dma_wait3A_185 = tpu.memref_squeeze %dma_wait3A_184 : memref<1x128xi32, #tpu.memory_space<vmem>> -> memref<128xi32, #tpu.memory_space<vmem>>
        %dma_wait3A_186 = arith.constant 0 : i32
        %dma_wait3A_187 = arith.constant 0 : i32
        %dma_wait3A_188 = tpu.memref_slice %arg6[%dma_wait3A_186, %dma_wait3A_187] : memref<10240x128xf32, #tpu.memory_space<vmem_shared>> -> memref<10240x128xf32, #tpu.memory_space<vmem_shared>>
        tpu.wait_indirect_dma semaphore(%run_scoped3A_176 : memref<!tpu.dma_semaphore, #tpu.memory_space<semaphore_mem>>) src(%arg9 : memref<128x128xf32, #tpu.memory_space<vmem>>) dst(%dma_wait3A_188 : memref<10240x128xf32, #tpu.memory_space<vmem_shared>>)
        tpu.yield
      }) : () -> ()
      %dma_start3A_146 = arith.constant 6 : i32
      %dma_start3A_147 = arith.constant 0 : i32
      %dma_start3A_148 = tpu.memref_slice %arg7[%dma_start3A_146, %dma_start3A_147] : memref<8x128xi32, #tpu.memory_space<vmem>> -> memref<1x128xi32, #tpu.memory_space<vmem>>
      %dma_start3A_149 = tpu.memref_squeeze %dma_start3A_148 : memref<1x128xi32, #tpu.memory_space<vmem>> -> memref<128xi32, #tpu.memory_space<vmem>>
      %dma_start3A_150 = arith.constant 0 : i32
      %dma_start3A_151 = arith.constant 0 : i32
      %dma_start3A_152 = tpu.memref_slice %arg2[%dma_start3A_150, %dma_start3A_151] : memref<10240x128xf32, #tpu.memory_space<hbm>> -> memref<10240x128xf32, #tpu.memory_space<hbm>>
      tpu.enqueue_indirect_dma source(%dma_start3A_152 : memref<10240x128xf32, #tpu.memory_space<hbm>>) target(%arg9 : memref<128x128xf32, #tpu.memory_space<vmem>>) offsets(%dma_start3A_149 : memref<128xi32, #tpu.memory_space<vmem>>) semaphore(%arg10 : memref<!tpu.dma_semaphore, #tpu.memory_space<semaphore_mem>>)
      %dma_wait3A_153 = arith.constant 6 : i32
      %dma_wait3A_154 = arith.constant 0 : i32
      %dma_wait3A_155 = tpu.memref_slice %arg7[%dma_wait3A_153, %dma_wait3A_154] : memref<8x128xi32, #tpu.memory_space<vmem>> -> memref<1x128xi32, #tpu.memory_space<vmem>>
      %dma_wait3A_156 = tpu.memref_squeeze %dma_wait3A_155 : memref<1x128xi32, #tpu.memory_space<vmem>> -> memref<128xi32, #tpu.memory_space<vmem>>
      %dma_wait3A_157 = arith.constant 0 : i32
      %dma_wait3A_158 = arith.constant 0 : i32
      %dma_wait3A_159 = tpu.memref_slice %arg2[%dma_wait3A_157, %dma_wait3A_158] : memref<10240x128xf32, #tpu.memory_space<hbm>> -> memref<10240x128xf32, #tpu.memory_space<hbm>>
      tpu.wait_indirect_dma semaphore(%arg10 : memref<!tpu.dma_semaphore, #tpu.memory_space<semaphore_mem>>) src(%dma_wait3A_159 : memref<10240x128xf32, #tpu.memory_space<hbm>>) dst(%arg9 : memref<128x128xf32, #tpu.memory_space<vmem>>)
      %run_scoped3A_160 = arith.constant 6 : i32
      "tpu.region"() ({
        %run_scoped3A_176 = tpu.sem_alloc : memref<!tpu.dma_semaphore, #tpu.memory_space<semaphore_mem>>
        %dma_start3A_177 = arith.constant 0 : i32
        %dma_start3A_178 = tpu.memref_slice %arg8[%run_scoped3A_160, %dma_start3A_177] : memref<8x128xi32, #tpu.memory_space<vmem>> -> memref<1x128xi32, #tpu.memory_space<vmem>>
        %dma_start3A_179 = tpu.memref_squeeze %dma_start3A_178 : memref<1x128xi32, #tpu.memory_space<vmem>> -> memref<128xi32, #tpu.memory_space<vmem>>
        %dma_start3A_180 = arith.constant 0 : i32
        %dma_start3A_181 = arith.constant 0 : i32
        %dma_start3A_182 = tpu.memref_slice %arg6[%dma_start3A_180, %dma_start3A_181] : memref<10240x128xf32, #tpu.memory_space<vmem_shared>> -> memref<10240x128xf32, #tpu.memory_space<vmem_shared>>
        tpu.enqueue_indirect_dma source(%arg9 : memref<128x128xf32, #tpu.memory_space<vmem>>) target(%dma_start3A_182 : memref<10240x128xf32, #tpu.memory_space<vmem_shared>>) offsets(%dma_start3A_179 : memref<128xi32, #tpu.memory_space<vmem>>) semaphore(%run_scoped3A_176 : memref<!tpu.dma_semaphore, #tpu.memory_space<semaphore_mem>>) {add = true}
        %dma_wait3A_183 = arith.constant 0 : i32
        %dma_wait3A_184 = tpu.memref_slice %arg8[%run_scoped3A_160, %dma_wait3A_183] : memref<8x128xi32, #tpu.memory_space<vmem>> -> memref<1x128xi32, #tpu.memory_space<vmem>>
        %dma_wait3A_185 = tpu.memref_squeeze %dma_wait3A_184 : memref<1x128xi32, #tpu.memory_space<vmem>> -> memref<128xi32, #tpu.memory_space<vmem>>
        %dma_wait3A_186 = arith.constant 0 : i32
        %dma_wait3A_187 = arith.constant 0 : i32
        %dma_wait3A_188 = tpu.memref_slice %arg6[%dma_wait3A_186, %dma_wait3A_187] : memref<10240x128xf32, #tpu.memory_space<vmem_shared>> -> memref<10240x128xf32, #tpu.memory_space<vmem_shared>>
        tpu.wait_indirect_dma semaphore(%run_scoped3A_176 : memref<!tpu.dma_semaphore, #tpu.memory_space<semaphore_mem>>) src(%arg9 : memref<128x128xf32, #tpu.memory_space<vmem>>) dst(%dma_wait3A_188 : memref<10240x128xf32, #tpu.memory_space<vmem_shared>>)
        tpu.yield
      }) : () -> ()
      %dma_start3A_161 = arith.constant 7 : i32
      %dma_start3A_162 = arith.constant 0 : i32
      %dma_start3A_163 = tpu.memref_slice %arg7[%dma_start3A_161, %dma_start3A_162] : memref<8x128xi32, #tpu.memory_space<vmem>> -> memref<1x128xi32, #tpu.memory_space<vmem>>
      %dma_start3A_164 = tpu.memref_squeeze %dma_start3A_163 : memref<1x128xi32, #tpu.memory_space<vmem>> -> memref<128xi32, #tpu.memory_space<vmem>>
      %dma_start3A_165 = arith.constant 0 : i32
      %dma_start3A_166 = arith.constant 0 : i32
      %dma_start3A_167 = tpu.memref_slice %arg2[%dma_start3A_165, %dma_start3A_166] : memref<10240x128xf32, #tpu.memory_space<hbm>> -> memref<10240x128xf32, #tpu.memory_space<hbm>>
      tpu.enqueue_indirect_dma source(%dma_start3A_167 : memref<10240x128xf32, #tpu.memory_space<hbm>>) target(%arg9 : memref<128x128xf32, #tpu.memory_space<vmem>>) offsets(%dma_start3A_164 : memref<128xi32, #tpu.memory_space<vmem>>) semaphore(%arg10 : memref<!tpu.dma_semaphore, #tpu.memory_space<semaphore_mem>>)
      %dma_wait3A_168 = arith.constant 7 : i32
      %dma_wait3A_169 = arith.constant 0 : i32
      %dma_wait3A_170 = tpu.memref_slice %arg7[%dma_wait3A_168, %dma_wait3A_169] : memref<8x128xi32, #tpu.memory_space<vmem>> -> memref<1x128xi32, #tpu.memory_space<vmem>>
      %dma_wait3A_171 = tpu.memref_squeeze %dma_wait3A_170 : memref<1x128xi32, #tpu.memory_space<vmem>> -> memref<128xi32, #tpu.memory_space<vmem>>
      %dma_wait3A_172 = arith.constant 0 : i32
      %dma_wait3A_173 = arith.constant 0 : i32
      %dma_wait3A_174 = tpu.memref_slice %arg2[%dma_wait3A_172, %dma_wait3A_173] : memref<10240x128xf32, #tpu.memory_space<hbm>> -> memref<10240x128xf32, #tpu.memory_space<hbm>>
      tpu.wait_indirect_dma semaphore(%arg10 : memref<!tpu.dma_semaphore, #tpu.memory_space<semaphore_mem>>) src(%dma_wait3A_174 : memref<10240x128xf32, #tpu.memory_space<hbm>>) dst(%arg9 : memref<128x128xf32, #tpu.memory_space<vmem>>)
      %run_scoped3A_175 = arith.constant 7 : i32
      "tpu.region"() ({
        %run_scoped3A_176 = tpu.sem_alloc : memref<!tpu.dma_semaphore, #tpu.memory_space<semaphore_mem>>
        %dma_start3A_177 = arith.constant 0 : i32
        %dma_start3A_178 = tpu.memref_slice %arg8[%run_scoped3A_175, %dma_start3A_177] : memref<8x128xi32, #tpu.memory_space<vmem>> -> memref<1x128xi32, #tpu.memory_space<vmem>>
        %dma_start3A_179 = tpu.memref_squeeze %dma_start3A_178 : memref<1x128xi32, #tpu.memory_space<vmem>> -> memref<128xi32, #tpu.memory_space<vmem>>
        %dma_start3A_180 = arith.constant 0 : i32
        %dma_start3A_181 = arith.constant 0 : i32
        %dma_start3A_182 = tpu.memref_slice %arg6[%dma_start3A_180, %dma_start3A_181] : memref<10240x128xf32, #tpu.memory_space<vmem_shared>> -> memref<10240x128xf32, #tpu.memory_space<vmem_shared>>
        tpu.enqueue_indirect_dma source(%arg9 : memref<128x128xf32, #tpu.memory_space<vmem>>) target(%dma_start3A_182 : memref<10240x128xf32, #tpu.memory_space<vmem_shared>>) offsets(%dma_start3A_179 : memref<128xi32, #tpu.memory_space<vmem>>) semaphore(%run_scoped3A_176 : memref<!tpu.dma_semaphore, #tpu.memory_space<semaphore_mem>>) {add = true}
        %dma_wait3A_183 = arith.constant 0 : i32
        %dma_wait3A_184 = tpu.memref_slice %arg8[%run_scoped3A_175, %dma_wait3A_183] : memref<8x128xi32, #tpu.memory_space<vmem>> -> memref<1x128xi32, #tpu.memory_space<vmem>>
        %dma_wait3A_185 = tpu.memref_squeeze %dma_wait3A_184 : memref<1x128xi32, #tpu.memory_space<vmem>> -> memref<128xi32, #tpu.memory_space<vmem>>
        %dma_wait3A_186 = arith.constant 0 : i32
        %dma_wait3A_187 = arith.constant 0 : i32
        %dma_wait3A_188 = tpu.memref_slice %arg6[%dma_wait3A_186, %dma_wait3A_187] : memref<10240x128xf32, #tpu.memory_space<vmem_shared>> -> memref<10240x128xf32, #tpu.memory_space<vmem_shared>>
        tpu.wait_indirect_dma semaphore(%run_scoped3A_176 : memref<!tpu.dma_semaphore, #tpu.memory_space<semaphore_mem>>) src(%arg9 : memref<128x128xf32, #tpu.memory_space<vmem>>) dst(%dma_wait3A_188 : memref<10240x128xf32, #tpu.memory_space<vmem_shared>>)
        tpu.yield
      }) : () -> ()
    }
    %while3A_45 = arith.constant 1 : i32
    scf.for %while3A_55 = %while3A_43 to %while3A_39 step %while3A_45  : i32 {
      %mul3A_56 = arith.constant 8 : i32
      %mul3A_57 = arith.muli %mul3A_56, %while3A_55 : i32
      %add3A_58 = arith.addi %add3A_32, %mul3A_57 : i32
      "tpu.region"() ({
        %run_scoped3A_176 = tpu.sem_alloc : memref<!tpu.dma_semaphore, #tpu.memory_space<semaphore_mem>>
        %dma_start3A_177 = arith.constant 0 : i32
        %dma_start3A_178 = tpu.memref_slice %arg3[%add3A_58, %dma_start3A_177] : memref<2500x128xi32, #tpu.memory_space<hbm>> -> memref<8x128xi32, #tpu.memory_space<hbm>>
        %dma_start3A_179 = arith.constant 0 : i32
        %dma_start3A_180 = tpu.memref_slice %arg3[%add3A_58, %dma_start3A_179] : memref<2500x128xi32, #tpu.memory_space<hbm>> -> memref<8x128xi32, #tpu.memory_space<hbm>>
        tpu.enqueue_dma source(%dma_start3A_180 : memref<8x128xi32, #tpu.memory_space<hbm>>) target(%arg7 : memref<8x128xi32, #tpu.memory_space<vmem>>) target_semaphore(%run_scoped3A_176 : memref<!tpu.dma_semaphore, #tpu.memory_space<semaphore_mem>>)
        %dma_wait3A_181 = arith.constant 0 : i32
        %dma_wait3A_182 = tpu.memref_slice %arg3[%add3A_58, %dma_wait3A_181] : memref<2500x128xi32, #tpu.memory_space<hbm>> -> memref<8x128xi32, #tpu.memory_space<hbm>>
        %dma_wait3A_183 = arith.constant 0 : i32
        %dma_wait3A_184 = tpu.memref_slice %arg3[%add3A_58, %dma_wait3A_183] : memref<2500x128xi32, #tpu.memory_space<hbm>> -> memref<8x128xi32, #tpu.memory_space<hbm>>
        tpu.wait_dma2 semaphore(%run_scoped3A_176 : memref<!tpu.dma_semaphore, #tpu.memory_space<semaphore_mem>>) src(%dma_wait3A_184 : memref<8x128xi32, #tpu.memory_space<hbm>>) dst(%arg7 : memref<8x128xi32, #tpu.memory_space<vmem>>)
        tpu.yield
      }) : () -> ()
      "tpu.region"() ({
        %run_scoped3A_176 = tpu.sem_alloc : memref<!tpu.dma_semaphore, #tpu.memory_space<semaphore_mem>>
        %dma_start3A_177 = arith.constant 0 : i32
        %dma_start3A_178 = tpu.memref_slice %arg4[%add3A_58, %dma_start3A_177] : memref<2500x128xi32, #tpu.memory_space<hbm>> -> memref<8x128xi32, #tpu.memory_space<hbm>>
        %dma_start3A_179 = arith.constant 0 : i32
        %dma_start3A_180 = tpu.memref_slice %arg4[%add3A_58, %dma_start3A_179] : memref<2500x128xi32, #tpu.memory_space<hbm>> -> memref<8x128xi32, #tpu.memory_space<hbm>>
        tpu.enqueue_dma source(%dma_start3A_180 : memref<8x128xi32, #tpu.memory_space<hbm>>) target(%arg8 : memref<8x128xi32, #tpu.memory_space<vmem>>) target_semaphore(%run_scoped3A_176 : memref<!tpu.dma_semaphore, #tpu.memory_space<semaphore_mem>>)
        %dma_wait3A_181 = arith.constant 0 : i32
        %dma_wait3A_182 = tpu.memref_slice %arg4[%add3A_58, %dma_wait3A_181] : memref<2500x128xi32, #tpu.memory_space<hbm>> -> memref<8x128xi32, #tpu.memory_space<hbm>>
        %dma_wait3A_183 = arith.constant 0 : i32
        %dma_wait3A_184 = tpu.memref_slice %arg4[%add3A_58, %dma_wait3A_183] : memref<2500x128xi32, #tpu.memory_space<hbm>> -> memref<8x128xi32, #tpu.memory_space<hbm>>
        tpu.wait_dma2 semaphore(%run_scoped3A_176 : memref<!tpu.dma_semaphore, #tpu.memory_space<semaphore_mem>>) src(%dma_wait3A_184 : memref<8x128xi32, #tpu.memory_space<hbm>>) dst(%arg8 : memref<8x128xi32, #tpu.memory_space<vmem>>)
        tpu.yield
      }) : () -> ()
      %dma_start3A = arith.constant 0 : i32
      %dma_start3A_59 = arith.constant 0 : i32
      %dma_start3A_60 = tpu.memref_slice %arg7[%dma_start3A, %dma_start3A_59] : memref<8x128xi32, #tpu.memory_space<vmem>> -> memref<1x128xi32, #tpu.memory_space<vmem>>
      %dma_start3A_61 = tpu.memref_squeeze %dma_start3A_60 : memref<1x128xi32, #tpu.memory_space<vmem>> -> memref<128xi32, #tpu.memory_space<vmem>>
      %dma_start3A_62 = arith.constant 0 : i32
      %dma_start3A_63 = arith.constant 0 : i32
      %dma_start3A_64 = tpu.memref_slice %arg2[%dma_start3A_62, %dma_start3A_63] : memref<10240x128xf32, #tpu.memory_space<hbm>> -> memref<10240x128xf32, #tpu.memory_space<hbm>>
      tpu.enqueue_indirect_dma source(%dma_start3A_64 : memref<10240x128xf32, #tpu.memory_space<hbm>>) target(%arg9 : memref<128x128xf32, #tpu.memory_space<vmem>>) offsets(%dma_start3A_61 : memref<128xi32, #tpu.memory_space<vmem>>) semaphore(%arg10 : memref<!tpu.dma_semaphore, #tpu.memory_space<semaphore_mem>>)
      %dma_wait3A = arith.constant 0 : i32
      %dma_wait3A_65 = arith.constant 0 : i32
      %dma_wait3A_66 = tpu.memref_slice %arg7[%dma_wait3A, %dma_wait3A_65] : memref<8x128xi32, #tpu.memory_space<vmem>> -> memref<1x128xi32, #tpu.memory_space<vmem>>
      %dma_wait3A_67 = tpu.memref_squeeze %dma_wait3A_66 : memref<1x128xi32, #tpu.memory_space<vmem>> -> memref<128xi32, #tpu.memory_space<vmem>>
      %dma_wait3A_68 = arith.constant 0 : i32
      %dma_wait3A_69 = arith.constant 0 : i32
      %dma_wait3A_70 = tpu.memref_slice %arg2[%dma_wait3A_68, %dma_wait3A_69] : memref<10240x128xf32, #tpu.memory_space<hbm>> -> memref<10240x128xf32, #tpu.memory_space<hbm>>
      tpu.wait_indirect_dma semaphore(%arg10 : memref<!tpu.dma_semaphore, #tpu.memory_space<semaphore_mem>>) src(%dma_wait3A_70 : memref<10240x128xf32, #tpu.memory_space<hbm>>) dst(%arg9 : memref<128x128xf32, #tpu.memory_space<vmem>>)
      %run_scoped3A = arith.constant 0 : i32
      "tpu.region"() ({
        %run_scoped3A_176 = tpu.sem_alloc : memref<!tpu.dma_semaphore, #tpu.memory_space<semaphore_mem>>
        %dma_start3A_177 = arith.constant 0 : i32
        %dma_start3A_178 = tpu.memref_slice %arg8[%run_scoped3A, %dma_start3A_177] : memref<8x128xi32, #tpu.memory_space<vmem>> -> memref<1x128xi32, #tpu.memory_space<vmem>>
        %dma_start3A_179 = tpu.memref_squeeze %dma_start3A_178 : memref<1x128xi32, #tpu.memory_space<vmem>> -> memref<128xi32, #tpu.memory_space<vmem>>
        %dma_start3A_180 = arith.constant 0 : i32
        %dma_start3A_181 = arith.constant 0 : i32
        %dma_start3A_182 = tpu.memref_slice %arg6[%dma_start3A_180, %dma_start3A_181] : memref<10240x128xf32, #tpu.memory_space<vmem_shared>> -> memref<10240x128xf32, #tpu.memory_space<vmem_shared>>
        tpu.enqueue_indirect_dma source(%arg9 : memref<128x128xf32, #tpu.memory_space<vmem>>) target(%dma_start3A_182 : memref<10240x128xf32, #tpu.memory_space<vmem_shared>>) offsets(%dma_start3A_179 : memref<128xi32, #tpu.memory_space<vmem>>) semaphore(%run_scoped3A_176 : memref<!tpu.dma_semaphore, #tpu.memory_space<semaphore_mem>>) {add = true}
        %dma_wait3A_183 = arith.constant 0 : i32
        %dma_wait3A_184 = tpu.memref_slice %arg8[%run_scoped3A, %dma_wait3A_183] : memref<8x128xi32, #tpu.memory_space<vmem>> -> memref<1x128xi32, #tpu.memory_space<vmem>>
        %dma_wait3A_185 = tpu.memref_squeeze %dma_wait3A_184 : memref<1x128xi32, #tpu.memory_space<vmem>> -> memref<128xi32, #tpu.memory_space<vmem>>
        %dma_wait3A_186 = arith.constant 0 : i32
        %dma_wait3A_187 = arith.constant 0 : i32
        %dma_wait3A_188 = tpu.memref_slice %arg6[%dma_wait3A_186, %dma_wait3A_187] : memref<10240x128xf32, #tpu.memory_space<vmem_shared>> -> memref<10240x128xf32, #tpu.memory_space<vmem_shared>>
        tpu.wait_indirect_dma semaphore(%run_scoped3A_176 : memref<!tpu.dma_semaphore, #tpu.memory_space<semaphore_mem>>) src(%arg9 : memref<128x128xf32, #tpu.memory_space<vmem>>) dst(%dma_wait3A_188 : memref<10240x128xf32, #tpu.memory_space<vmem_shared>>)
        tpu.yield
      }) : () -> ()
      %dma_start3A_71 = arith.constant 1 : i32
      %dma_start3A_72 = arith.constant 0 : i32
      %dma_start3A_73 = tpu.memref_slice %arg7[%dma_start3A_71, %dma_start3A_72] : memref<8x128xi32, #tpu.memory_space<vmem>> -> memref<1x128xi32, #tpu.memory_space<vmem>>
      %dma_start3A_74 = tpu.memref_squeeze %dma_start3A_73 : memref<1x128xi32, #tpu.memory_space<vmem>> -> memref<128xi32, #tpu.memory_space<vmem>>
      %dma_start3A_75 = arith.constant 0 : i32
      %dma_start3A_76 = arith.constant 0 : i32
      %dma_start3A_77 = tpu.memref_slice %arg2[%dma_start3A_75, %dma_start3A_76] : memref<10240x128xf32, #tpu.memory_space<hbm>> -> memref<10240x128xf32, #tpu.memory_space<hbm>>
      tpu.enqueue_indirect_dma source(%dma_start3A_77 : memref<10240x128xf32, #tpu.memory_space<hbm>>) target(%arg9 : memref<128x128xf32, #tpu.memory_space<vmem>>) offsets(%dma_start3A_74 : memref<128xi32, #tpu.memory_space<vmem>>) semaphore(%arg10 : memref<!tpu.dma_semaphore, #tpu.memory_space<semaphore_mem>>)
      %dma_wait3A_78 = arith.constant 1 : i32
      %dma_wait3A_79 = arith.constant 0 : i32
      %dma_wait3A_80 = tpu.memref_slice %arg7[%dma_wait3A_78, %dma_wait3A_79] : memref<8x128xi32, #tpu.memory_space<vmem>> -> memref<1x128xi32, #tpu.memory_space<vmem>>
      %dma_wait3A_81 = tpu.memref_squeeze %dma_wait3A_80 : memref<1x128xi32, #tpu.memory_space<vmem>> -> memref<128xi32, #tpu.memory_space<vmem>>
      %dma_wait3A_82 = arith.constant 0 : i32
      %dma_wait3A_83 = arith.constant 0 : i32
      %dma_wait3A_84 = tpu.memref_slice %arg2[%dma_wait3A_82, %dma_wait3A_83] : memref<10240x128xf32, #tpu.memory_space<hbm>> -> memref<10240x128xf32, #tpu.memory_space<hbm>>
      tpu.wait_indirect_dma semaphore(%arg10 : memref<!tpu.dma_semaphore, #tpu.memory_space<semaphore_mem>>) src(%dma_wait3A_84 : memref<10240x128xf32, #tpu.memory_space<hbm>>) dst(%arg9 : memref<128x128xf32, #tpu.memory_space<vmem>>)
      %run_scoped3A_85 = arith.constant 1 : i32
      "tpu.region"() ({
        %run_scoped3A_176 = tpu.sem_alloc : memref<!tpu.dma_semaphore, #tpu.memory_space<semaphore_mem>>
        %dma_start3A_177 = arith.constant 0 : i32
        %dma_start3A_178 = tpu.memref_slice %arg8[%run_scoped3A_85, %dma_start3A_177] : memref<8x128xi32, #tpu.memory_space<vmem>> -> memref<1x128xi32, #tpu.memory_space<vmem>>
        %dma_start3A_179 = tpu.memref_squeeze %dma_start3A_178 : memref<1x128xi32, #tpu.memory_space<vmem>> -> memref<128xi32, #tpu.memory_space<vmem>>
        %dma_start3A_180 = arith.constant 0 : i32
        %dma_start3A_181 = arith.constant 0 : i32
        %dma_start3A_182 = tpu.memref_slice %arg6[%dma_start3A_180, %dma_start3A_181] : memref<10240x128xf32, #tpu.memory_space<vmem_shared>> -> memref<10240x128xf32, #tpu.memory_space<vmem_shared>>
        tpu.enqueue_indirect_dma source(%arg9 : memref<128x128xf32, #tpu.memory_space<vmem>>) target(%dma_start3A_182 : memref<10240x128xf32, #tpu.memory_space<vmem_shared>>) offsets(%dma_start3A_179 : memref<128xi32, #tpu.memory_space<vmem>>) semaphore(%run_scoped3A_176 : memref<!tpu.dma_semaphore, #tpu.memory_space<semaphore_mem>>) {add = true}
        %dma_wait3A_183 = arith.constant 0 : i32
        %dma_wait3A_184 = tpu.memref_slice %arg8[%run_scoped3A_85, %dma_wait3A_183] : memref<8x128xi32, #tpu.memory_space<vmem>> -> memref<1x128xi32, #tpu.memory_space<vmem>>
        %dma_wait3A_185 = tpu.memref_squeeze %dma_wait3A_184 : memref<1x128xi32, #tpu.memory_space<vmem>> -> memref<128xi32, #tpu.memory_space<vmem>>
        %dma_wait3A_186 = arith.constant 0 : i32
        %dma_wait3A_187 = arith.constant 0 : i32
        %dma_wait3A_188 = tpu.memref_slice %arg6[%dma_wait3A_186, %dma_wait3A_187] : memref<10240x128xf32, #tpu.memory_space<vmem_shared>> -> memref<10240x128xf32, #tpu.memory_space<vmem_shared>>
        tpu.wait_indirect_dma semaphore(%run_scoped3A_176 : memref<!tpu.dma_semaphore, #tpu.memory_space<semaphore_mem>>) src(%arg9 : memref<128x128xf32, #tpu.memory_space<vmem>>) dst(%dma_wait3A_188 : memref<10240x128xf32, #tpu.memory_space<vmem_shared>>)
        tpu.yield
      }) : () -> ()
      %dma_start3A_86 = arith.constant 2 : i32
      %dma_start3A_87 = arith.constant 0 : i32
      %dma_start3A_88 = tpu.memref_slice %arg7[%dma_start3A_86, %dma_start3A_87] : memref<8x128xi32, #tpu.memory_space<vmem>> -> memref<1x128xi32, #tpu.memory_space<vmem>>
      %dma_start3A_89 = tpu.memref_squeeze %dma_start3A_88 : memref<1x128xi32, #tpu.memory_space<vmem>> -> memref<128xi32, #tpu.memory_space<vmem>>
      %dma_start3A_90 = arith.constant 0 : i32
      %dma_start3A_91 = arith.constant 0 : i32
      %dma_start3A_92 = tpu.memref_slice %arg2[%dma_start3A_90, %dma_start3A_91] : memref<10240x128xf32, #tpu.memory_space<hbm>> -> memref<10240x128xf32, #tpu.memory_space<hbm>>
      tpu.enqueue_indirect_dma source(%dma_start3A_92 : memref<10240x128xf32, #tpu.memory_space<hbm>>) target(%arg9 : memref<128x128xf32, #tpu.memory_space<vmem>>) offsets(%dma_start3A_89 : memref<128xi32, #tpu.memory_space<vmem>>) semaphore(%arg10 : memref<!tpu.dma_semaphore, #tpu.memory_space<semaphore_mem>>)
      %dma_wait3A_93 = arith.constant 2 : i32
      %dma_wait3A_94 = arith.constant 0 : i32
      %dma_wait3A_95 = tpu.memref_slice %arg7[%dma_wait3A_93, %dma_wait3A_94] : memref<8x128xi32, #tpu.memory_space<vmem>> -> memref<1x128xi32, #tpu.memory_space<vmem>>
      %dma_wait3A_96 = tpu.memref_squeeze %dma_wait3A_95 : memref<1x128xi32, #tpu.memory_space<vmem>> -> memref<128xi32, #tpu.memory_space<vmem>>
      %dma_wait3A_97 = arith.constant 0 : i32
      %dma_wait3A_98 = arith.constant 0 : i32
      %dma_wait3A_99 = tpu.memref_slice %arg2[%dma_wait3A_97, %dma_wait3A_98] : memref<10240x128xf32, #tpu.memory_space<hbm>> -> memref<10240x128xf32, #tpu.memory_space<hbm>>
      tpu.wait_indirect_dma semaphore(%arg10 : memref<!tpu.dma_semaphore, #tpu.memory_space<semaphore_mem>>) src(%dma_wait3A_99 : memref<10240x128xf32, #tpu.memory_space<hbm>>) dst(%arg9 : memref<128x128xf32, #tpu.memory_space<vmem>>)
      %run_scoped3A_100 = arith.constant 2 : i32
      "tpu.region"() ({
        %run_scoped3A_176 = tpu.sem_alloc : memref<!tpu.dma_semaphore, #tpu.memory_space<semaphore_mem>>
        %dma_start3A_177 = arith.constant 0 : i32
        %dma_start3A_178 = tpu.memref_slice %arg8[%run_scoped3A_100, %dma_start3A_177] : memref<8x128xi32, #tpu.memory_space<vmem>> -> memref<1x128xi32, #tpu.memory_space<vmem>>
        %dma_start3A_179 = tpu.memref_squeeze %dma_start3A_178 : memref<1x128xi32, #tpu.memory_space<vmem>> -> memref<128xi32, #tpu.memory_space<vmem>>
        %dma_start3A_180 = arith.constant 0 : i32
        %dma_start3A_181 = arith.constant 0 : i32
        %dma_start3A_182 = tpu.memref_slice %arg6[%dma_start3A_180, %dma_start3A_181] : memref<10240x128xf32, #tpu.memory_space<vmem_shared>> -> memref<10240x128xf32, #tpu.memory_space<vmem_shared>>
        tpu.enqueue_indirect_dma source(%arg9 : memref<128x128xf32, #tpu.memory_space<vmem>>) target(%dma_start3A_182 : memref<10240x128xf32, #tpu.memory_space<vmem_shared>>) offsets(%dma_start3A_179 : memref<128xi32, #tpu.memory_space<vmem>>) semaphore(%run_scoped3A_176 : memref<!tpu.dma_semaphore, #tpu.memory_space<semaphore_mem>>) {add = true}
        %dma_wait3A_183 = arith.constant 0 : i32
        %dma_wait3A_184 = tpu.memref_slice %arg8[%run_scoped3A_100, %dma_wait3A_183] : memref<8x128xi32, #tpu.memory_space<vmem>> -> memref<1x128xi32, #tpu.memory_space<vmem>>
        %dma_wait3A_185 = tpu.memref_squeeze %dma_wait3A_184 : memref<1x128xi32, #tpu.memory_space<vmem>> -> memref<128xi32, #tpu.memory_space<vmem>>
        %dma_wait3A_186 = arith.constant 0 : i32
        %dma_wait3A_187 = arith.constant 0 : i32
        %dma_wait3A_188 = tpu.memref_slice %arg6[%dma_wait3A_186, %dma_wait3A_187] : memref<10240x128xf32, #tpu.memory_space<vmem_shared>> -> memref<10240x128xf32, #tpu.memory_space<vmem_shared>>
        tpu.wait_indirect_dma semaphore(%run_scoped3A_176 : memref<!tpu.dma_semaphore, #tpu.memory_space<semaphore_mem>>) src(%arg9 : memref<128x128xf32, #tpu.memory_space<vmem>>) dst(%dma_wait3A_188 : memref<10240x128xf32, #tpu.memory_space<vmem_shared>>)
        tpu.yield
      }) : () -> ()
      %dma_start3A_101 = arith.constant 3 : i32
      %dma_start3A_102 = arith.constant 0 : i32
      %dma_start3A_103 = tpu.memref_slice %arg7[%dma_start3A_101, %dma_start3A_102] : memref<8x128xi32, #tpu.memory_space<vmem>> -> memref<1x128xi32, #tpu.memory_space<vmem>>
      %dma_start3A_104 = tpu.memref_squeeze %dma_start3A_103 : memref<1x128xi32, #tpu.memory_space<vmem>> -> memref<128xi32, #tpu.memory_space<vmem>>
      %dma_start3A_105 = arith.constant 0 : i32
      %dma_start3A_106 = arith.constant 0 : i32
      %dma_start3A_107 = tpu.memref_slice %arg2[%dma_start3A_105, %dma_start3A_106] : memref<10240x128xf32, #tpu.memory_space<hbm>> -> memref<10240x128xf32, #tpu.memory_space<hbm>>
      tpu.enqueue_indirect_dma source(%dma_start3A_107 : memref<10240x128xf32, #tpu.memory_space<hbm>>) target(%arg9 : memref<128x128xf32, #tpu.memory_space<vmem>>) offsets(%dma_start3A_104 : memref<128xi32, #tpu.memory_space<vmem>>) semaphore(%arg10 : memref<!tpu.dma_semaphore, #tpu.memory_space<semaphore_mem>>)
      %dma_wait3A_108 = arith.constant 3 : i32
      %dma_wait3A_109 = arith.constant 0 : i32
      %dma_wait3A_110 = tpu.memref_slice %arg7[%dma_wait3A_108, %dma_wait3A_109] : memref<8x128xi32, #tpu.memory_space<vmem>> -> memref<1x128xi32, #tpu.memory_space<vmem>>
      %dma_wait3A_111 = tpu.memref_squeeze %dma_wait3A_110 : memref<1x128xi32, #tpu.memory_space<vmem>> -> memref<128xi32, #tpu.memory_space<vmem>>
      %dma_wait3A_112 = arith.constant 0 : i32
      %dma_wait3A_113 = arith.constant 0 : i32
      %dma_wait3A_114 = tpu.memref_slice %arg2[%dma_wait3A_112, %dma_wait3A_113] : memref<10240x128xf32, #tpu.memory_space<hbm>> -> memref<10240x128xf32, #tpu.memory_space<hbm>>
      tpu.wait_indirect_dma semaphore(%arg10 : memref<!tpu.dma_semaphore, #tpu.memory_space<semaphore_mem>>) src(%dma_wait3A_114 : memref<10240x128xf32, #tpu.memory_space<hbm>>) dst(%arg9 : memref<128x128xf32, #tpu.memory_space<vmem>>)
      %run_scoped3A_115 = arith.constant 3 : i32
      "tpu.region"() ({
        %run_scoped3A_176 = tpu.sem_alloc : memref<!tpu.dma_semaphore, #tpu.memory_space<semaphore_mem>>
        %dma_start3A_177 = arith.constant 0 : i32
        %dma_start3A_178 = tpu.memref_slice %arg8[%run_scoped3A_115, %dma_start3A_177] : memref<8x128xi32, #tpu.memory_space<vmem>> -> memref<1x128xi32, #tpu.memory_space<vmem>>
        %dma_start3A_179 = tpu.memref_squeeze %dma_start3A_178 : memref<1x128xi32, #tpu.memory_space<vmem>> -> memref<128xi32, #tpu.memory_space<vmem>>
        %dma_start3A_180 = arith.constant 0 : i32
        %dma_start3A_181 = arith.constant 0 : i32
        %dma_start3A_182 = tpu.memref_slice %arg6[%dma_start3A_180, %dma_start3A_181] : memref<10240x128xf32, #tpu.memory_space<vmem_shared>> -> memref<10240x128xf32, #tpu.memory_space<vmem_shared>>
        tpu.enqueue_indirect_dma source(%arg9 : memref<128x128xf32, #tpu.memory_space<vmem>>) target(%dma_start3A_182 : memref<10240x128xf32, #tpu.memory_space<vmem_shared>>) offsets(%dma_start3A_179 : memref<128xi32, #tpu.memory_space<vmem>>) semaphore(%run_scoped3A_176 : memref<!tpu.dma_semaphore, #tpu.memory_space<semaphore_mem>>) {add = true}
        %dma_wait3A_183 = arith.constant 0 : i32
        %dma_wait3A_184 = tpu.memref_slice %arg8[%run_scoped3A_115, %dma_wait3A_183] : memref<8x128xi32, #tpu.memory_space<vmem>> -> memref<1x128xi32, #tpu.memory_space<vmem>>
        %dma_wait3A_185 = tpu.memref_squeeze %dma_wait3A_184 : memref<1x128xi32, #tpu.memory_space<vmem>> -> memref<128xi32, #tpu.memory_space<vmem>>
        %dma_wait3A_186 = arith.constant 0 : i32
        %dma_wait3A_187 = arith.constant 0 : i32
        %dma_wait3A_188 = tpu.memref_slice %arg6[%dma_wait3A_186, %dma_wait3A_187] : memref<10240x128xf32, #tpu.memory_space<vmem_shared>> -> memref<10240x128xf32, #tpu.memory_space<vmem_shared>>
        tpu.wait_indirect_dma semaphore(%run_scoped3A_176 : memref<!tpu.dma_semaphore, #tpu.memory_space<semaphore_mem>>) src(%arg9 : memref<128x128xf32, #tpu.memory_space<vmem>>) dst(%dma_wait3A_188 : memref<10240x128xf32, #tpu.memory_space<vmem_shared>>)
        tpu.yield
      }) : () -> ()
      %dma_start3A_116 = arith.constant 4 : i32
      %dma_start3A_117 = arith.constant 0 : i32
      %dma_start3A_118 = tpu.memref_slice %arg7[%dma_start3A_116, %dma_start3A_117] : memref<8x128xi32, #tpu.memory_space<vmem>> -> memref<1x128xi32, #tpu.memory_space<vmem>>
      %dma_start3A_119 = tpu.memref_squeeze %dma_start3A_118 : memref<1x128xi32, #tpu.memory_space<vmem>> -> memref<128xi32, #tpu.memory_space<vmem>>
      %dma_start3A_120 = arith.constant 0 : i32
      %dma_start3A_121 = arith.constant 0 : i32
      %dma_start3A_122 = tpu.memref_slice %arg2[%dma_start3A_120, %dma_start3A_121] : memref<10240x128xf32, #tpu.memory_space<hbm>> -> memref<10240x128xf32, #tpu.memory_space<hbm>>
      tpu.enqueue_indirect_dma source(%dma_start3A_122 : memref<10240x128xf32, #tpu.memory_space<hbm>>) target(%arg9 : memref<128x128xf32, #tpu.memory_space<vmem>>) offsets(%dma_start3A_119 : memref<128xi32, #tpu.memory_space<vmem>>) semaphore(%arg10 : memref<!tpu.dma_semaphore, #tpu.memory_space<semaphore_mem>>)
      %dma_wait3A_123 = arith.constant 4 : i32
      %dma_wait3A_124 = arith.constant 0 : i32
      %dma_wait3A_125 = tpu.memref_slice %arg7[%dma_wait3A_123, %dma_wait3A_124] : memref<8x128xi32, #tpu.memory_space<vmem>> -> memref<1x128xi32, #tpu.memory_space<vmem>>
      %dma_wait3A_126 = tpu.memref_squeeze %dma_wait3A_125 : memref<1x128xi32, #tpu.memory_space<vmem>> -> memref<128xi32, #tpu.memory_space<vmem>>
      %dma_wait3A_127 = arith.constant 0 : i32
      %dma_wait3A_128 = arith.constant 0 : i32
      %dma_wait3A_129 = tpu.memref_slice %arg2[%dma_wait3A_127, %dma_wait3A_128] : memref<10240x128xf32, #tpu.memory_space<hbm>> -> memref<10240x128xf32, #tpu.memory_space<hbm>>
      tpu.wait_indirect_dma semaphore(%arg10 : memref<!tpu.dma_semaphore, #tpu.memory_space<semaphore_mem>>) src(%dma_wait3A_129 : memref<10240x128xf32, #tpu.memory_space<hbm>>) dst(%arg9 : memref<128x128xf32, #tpu.memory_space<vmem>>)
      %run_scoped3A_130 = arith.constant 4 : i32
      "tpu.region"() ({
        %run_scoped3A_176 = tpu.sem_alloc : memref<!tpu.dma_semaphore, #tpu.memory_space<semaphore_mem>>
        %dma_start3A_177 = arith.constant 0 : i32
        %dma_start3A_178 = tpu.memref_slice %arg8[%run_scoped3A_130, %dma_start3A_177] : memref<8x128xi32, #tpu.memory_space<vmem>> -> memref<1x128xi32, #tpu.memory_space<vmem>>
        %dma_start3A_179 = tpu.memref_squeeze %dma_start3A_178 : memref<1x128xi32, #tpu.memory_space<vmem>> -> memref<128xi32, #tpu.memory_space<vmem>>
        %dma_start3A_180 = arith.constant 0 : i32
        %dma_start3A_181 = arith.constant 0 : i32
        %dma_start3A_182 = tpu.memref_slice %arg6[%dma_start3A_180, %dma_start3A_181] : memref<10240x128xf32, #tpu.memory_space<vmem_shared>> -> memref<10240x128xf32, #tpu.memory_space<vmem_shared>>
        tpu.enqueue_indirect_dma source(%arg9 : memref<128x128xf32, #tpu.memory_space<vmem>>) target(%dma_start3A_182 : memref<10240x128xf32, #tpu.memory_space<vmem_shared>>) offsets(%dma_start3A_179 : memref<128xi32, #tpu.memory_space<vmem>>) semaphore(%run_scoped3A_176 : memref<!tpu.dma_semaphore, #tpu.memory_space<semaphore_mem>>) {add = true}
        %dma_wait3A_183 = arith.constant 0 : i32
        %dma_wait3A_184 = tpu.memref_slice %arg8[%run_scoped3A_130, %dma_wait3A_183] : memref<8x128xi32, #tpu.memory_space<vmem>> -> memref<1x128xi32, #tpu.memory_space<vmem>>
        %dma_wait3A_185 = tpu.memref_squeeze %dma_wait3A_184 : memref<1x128xi32, #tpu.memory_space<vmem>> -> memref<128xi32, #tpu.memory_space<vmem>>
        %dma_wait3A_186 = arith.constant 0 : i32
        %dma_wait3A_187 = arith.constant 0 : i32
        %dma_wait3A_188 = tpu.memref_slice %arg6[%dma_wait3A_186, %dma_wait3A_187] : memref<10240x128xf32, #tpu.memory_space<vmem_shared>> -> memref<10240x128xf32, #tpu.memory_space<vmem_shared>>
        tpu.wait_indirect_dma semaphore(%run_scoped3A_176 : memref<!tpu.dma_semaphore, #tpu.memory_space<semaphore_mem>>) src(%arg9 : memref<128x128xf32, #tpu.memory_space<vmem>>) dst(%dma_wait3A_188 : memref<10240x128xf32, #tpu.memory_space<vmem_shared>>)
        tpu.yield
      }) : () -> ()
      %dma_start3A_131 = arith.constant 5 : i32
      %dma_start3A_132 = arith.constant 0 : i32
      %dma_start3A_133 = tpu.memref_slice %arg7[%dma_start3A_131, %dma_start3A_132] : memref<8x128xi32, #tpu.memory_space<vmem>> -> memref<1x128xi32, #tpu.memory_space<vmem>>
      %dma_start3A_134 = tpu.memref_squeeze %dma_start3A_133 : memref<1x128xi32, #tpu.memory_space<vmem>> -> memref<128xi32, #tpu.memory_space<vmem>>
      %dma_start3A_135 = arith.constant 0 : i32
      %dma_start3A_136 = arith.constant 0 : i32
      %dma_start3A_137 = tpu.memref_slice %arg2[%dma_start3A_135, %dma_start3A_136] : memref<10240x128xf32, #tpu.memory_space<hbm>> -> memref<10240x128xf32, #tpu.memory_space<hbm>>
      tpu.enqueue_indirect_dma source(%dma_start3A_137 : memref<10240x128xf32, #tpu.memory_space<hbm>>) target(%arg9 : memref<128x128xf32, #tpu.memory_space<vmem>>) offsets(%dma_start3A_134 : memref<128xi32, #tpu.memory_space<vmem>>) semaphore(%arg10 : memref<!tpu.dma_semaphore, #tpu.memory_space<semaphore_mem>>)
      %dma_wait3A_138 = arith.constant 5 : i32
      %dma_wait3A_139 = arith.constant 0 : i32
      %dma_wait3A_140 = tpu.memref_slice %arg7[%dma_wait3A_138, %dma_wait3A_139] : memref<8x128xi32, #tpu.memory_space<vmem>> -> memref<1x128xi32, #tpu.memory_space<vmem>>
      %dma_wait3A_141 = tpu.memref_squeeze %dma_wait3A_140 : memref<1x128xi32, #tpu.memory_space<vmem>> -> memref<128xi32, #tpu.memory_space<vmem>>
      %dma_wait3A_142 = arith.constant 0 : i32
      %dma_wait3A_143 = arith.constant 0 : i32
      %dma_wait3A_144 = tpu.memref_slice %arg2[%dma_wait3A_142, %dma_wait3A_143] : memref<10240x128xf32, #tpu.memory_space<hbm>> -> memref<10240x128xf32, #tpu.memory_space<hbm>>
      tpu.wait_indirect_dma semaphore(%arg10 : memref<!tpu.dma_semaphore, #tpu.memory_space<semaphore_mem>>) src(%dma_wait3A_144 : memref<10240x128xf32, #tpu.memory_space<hbm>>) dst(%arg9 : memref<128x128xf32, #tpu.memory_space<vmem>>)
      %run_scoped3A_145 = arith.constant 5 : i32
      "tpu.region"() ({
        %run_scoped3A_176 = tpu.sem_alloc : memref<!tpu.dma_semaphore, #tpu.memory_space<semaphore_mem>>
        %dma_start3A_177 = arith.constant 0 : i32
        %dma_start3A_178 = tpu.memref_slice %arg8[%run_scoped3A_145, %dma_start3A_177] : memref<8x128xi32, #tpu.memory_space<vmem>> -> memref<1x128xi32, #tpu.memory_space<vmem>>
        %dma_start3A_179 = tpu.memref_squeeze %dma_start3A_178 : memref<1x128xi32, #tpu.memory_space<vmem>> -> memref<128xi32, #tpu.memory_space<vmem>>
        %dma_start3A_180 = arith.constant 0 : i32
        %dma_start3A_181 = arith.constant 0 : i32
        %dma_start3A_182 = tpu.memref_slice %arg6[%dma_start3A_180, %dma_start3A_181] : memref<10240x128xf32, #tpu.memory_space<vmem_shared>> -> memref<10240x128xf32, #tpu.memory_space<vmem_shared>>
        tpu.enqueue_indirect_dma source(%arg9 : memref<128x128xf32, #tpu.memory_space<vmem>>) target(%dma_start3A_182 : memref<10240x128xf32, #tpu.memory_space<vmem_shared>>) offsets(%dma_start3A_179 : memref<128xi32, #tpu.memory_space<vmem>>) semaphore(%run_scoped3A_176 : memref<!tpu.dma_semaphore, #tpu.memory_space<semaphore_mem>>) {add = true}
        %dma_wait3A_183 = arith.constant 0 : i32
        %dma_wait3A_184 = tpu.memref_slice %arg8[%run_scoped3A_145, %dma_wait3A_183] : memref<8x128xi32, #tpu.memory_space<vmem>> -> memref<1x128xi32, #tpu.memory_space<vmem>>
        %dma_wait3A_185 = tpu.memref_squeeze %dma_wait3A_184 : memref<1x128xi32, #tpu.memory_space<vmem>> -> memref<128xi32, #tpu.memory_space<vmem>>
        %dma_wait3A_186 = arith.constant 0 : i32
        %dma_wait3A_187 = arith.constant 0 : i32
        %dma_wait3A_188 = tpu.memref_slice %arg6[%dma_wait3A_186, %dma_wait3A_187] : memref<10240x128xf32, #tpu.memory_space<vmem_shared>> -> memref<10240x128xf32, #tpu.memory_space<vmem_shared>>
        tpu.wait_indirect_dma semaphore(%run_scoped3A_176 : memref<!tpu.dma_semaphore, #tpu.memory_space<semaphore_mem>>) src(%arg9 : memref<128x128xf32, #tpu.memory_space<vmem>>) dst(%dma_wait3A_188 : memref<10240x128xf32, #tpu.memory_space<vmem_shared>>)
        tpu.yield
      }) : () -> ()
      %dma_start3A_146 = arith.constant 6 : i32
      %dma_start3A_147 = arith.constant 0 : i32
      %dma_start3A_148 = tpu.memref_slice %arg7[%dma_start3A_146, %dma_start3A_147] : memref<8x128xi32, #tpu.memory_space<vmem>> -> memref<1x128xi32, #tpu.memory_space<vmem>>
      %dma_start3A_149 = tpu.memref_squeeze %dma_start3A_148 : memref<1x128xi32, #tpu.memory_space<vmem>> -> memref<128xi32, #tpu.memory_space<vmem>>
      %dma_start3A_150 = arith.constant 0 : i32
      %dma_start3A_151 = arith.constant 0 : i32
      %dma_start3A_152 = tpu.memref_slice %arg2[%dma_start3A_150, %dma_start3A_151] : memref<10240x128xf32, #tpu.memory_space<hbm>> -> memref<10240x128xf32, #tpu.memory_space<hbm>>
      tpu.enqueue_indirect_dma source(%dma_start3A_152 : memref<10240x128xf32, #tpu.memory_space<hbm>>) target(%arg9 : memref<128x128xf32, #tpu.memory_space<vmem>>) offsets(%dma_start3A_149 : memref<128xi32, #tpu.memory_space<vmem>>) semaphore(%arg10 : memref<!tpu.dma_semaphore, #tpu.memory_space<semaphore_mem>>)
      %dma_wait3A_153 = arith.constant 6 : i32
      %dma_wait3A_154 = arith.constant 0 : i32
      %dma_wait3A_155 = tpu.memref_slice %arg7[%dma_wait3A_153, %dma_wait3A_154] : memref<8x128xi32, #tpu.memory_space<vmem>> -> memref<1x128xi32, #tpu.memory_space<vmem>>
      %dma_wait3A_156 = tpu.memref_squeeze %dma_wait3A_155 : memref<1x128xi32, #tpu.memory_space<vmem>> -> memref<128xi32, #tpu.memory_space<vmem>>
      %dma_wait3A_157 = arith.constant 0 : i32
      %dma_wait3A_158 = arith.constant 0 : i32
      %dma_wait3A_159 = tpu.memref_slice %arg2[%dma_wait3A_157, %dma_wait3A_158] : memref<10240x128xf32, #tpu.memory_space<hbm>> -> memref<10240x128xf32, #tpu.memory_space<hbm>>
      tpu.wait_indirect_dma semaphore(%arg10 : memref<!tpu.dma_semaphore, #tpu.memory_space<semaphore_mem>>) src(%dma_wait3A_159 : memref<10240x128xf32, #tpu.memory_space<hbm>>) dst(%arg9 : memref<128x128xf32, #tpu.memory_space<vmem>>)
      %run_scoped3A_160 = arith.constant 6 : i32
      "tpu.region"() ({
        %run_scoped3A_176 = tpu.sem_alloc : memref<!tpu.dma_semaphore, #tpu.memory_space<semaphore_mem>>
        %dma_start3A_177 = arith.constant 0 : i32
        %dma_start3A_178 = tpu.memref_slice %arg8[%run_scoped3A_160, %dma_start3A_177] : memref<8x128xi32, #tpu.memory_space<vmem>> -> memref<1x128xi32, #tpu.memory_space<vmem>>
        %dma_start3A_179 = tpu.memref_squeeze %dma_start3A_178 : memref<1x128xi32, #tpu.memory_space<vmem>> -> memref<128xi32, #tpu.memory_space<vmem>>
        %dma_start3A_180 = arith.constant 0 : i32
        %dma_start3A_181 = arith.constant 0 : i32
        %dma_start3A_182 = tpu.memref_slice %arg6[%dma_start3A_180, %dma_start3A_181] : memref<10240x128xf32, #tpu.memory_space<vmem_shared>> -> memref<10240x128xf32, #tpu.memory_space<vmem_shared>>
        tpu.enqueue_indirect_dma source(%arg9 : memref<128x128xf32, #tpu.memory_space<vmem>>) target(%dma_start3A_182 : memref<10240x128xf32, #tpu.memory_space<vmem_shared>>) offsets(%dma_start3A_179 : memref<128xi32, #tpu.memory_space<vmem>>) semaphore(%run_scoped3A_176 : memref<!tpu.dma_semaphore, #tpu.memory_space<semaphore_mem>>) {add = true}
        %dma_wait3A_183 = arith.constant 0 : i32
        %dma_wait3A_184 = tpu.memref_slice %arg8[%run_scoped3A_160, %dma_wait3A_183] : memref<8x128xi32, #tpu.memory_space<vmem>> -> memref<1x128xi32, #tpu.memory_space<vmem>>
        %dma_wait3A_185 = tpu.memref_squeeze %dma_wait3A_184 : memref<1x128xi32, #tpu.memory_space<vmem>> -> memref<128xi32, #tpu.memory_space<vmem>>
        %dma_wait3A_186 = arith.constant 0 : i32
        %dma_wait3A_187 = arith.constant 0 : i32
        %dma_wait3A_188 = tpu.memref_slice %arg6[%dma_wait3A_186, %dma_wait3A_187] : memref<10240x128xf32, #tpu.memory_space<vmem_shared>> -> memref<10240x128xf32, #tpu.memory_space<vmem_shared>>
        tpu.wait_indirect_dma semaphore(%run_scoped3A_176 : memref<!tpu.dma_semaphore, #tpu.memory_space<semaphore_mem>>) src(%arg9 : memref<128x128xf32, #tpu.memory_space<vmem>>) dst(%dma_wait3A_188 : memref<10240x128xf32, #tpu.memory_space<vmem_shared>>)
        tpu.yield
      }) : () -> ()
      %dma_start3A_161 = arith.constant 7 : i32
      %dma_start3A_162 = arith.constant 0 : i32
      %dma_start3A_163 = tpu.memref_slice %arg7[%dma_start3A_161, %dma_start3A_162] : memref<8x128xi32, #tpu.memory_space<vmem>> -> memref<1x128xi32, #tpu.memory_space<vmem>>
      %dma_start3A_164 = tpu.memref_squeeze %dma_start3A_163 : memref<1x128xi32, #tpu.memory_space<vmem>> -> memref<128xi32, #tpu.memory_space<vmem>>
      %dma_start3A_165 = arith.constant 0 : i32
      %dma_start3A_166 = arith.constant 0 : i32
      %dma_start3A_167 = tpu.memref_slice %arg2[%dma_start3A_165, %dma_start3A_166] : memref<10240x128xf32, #tpu.memory_space<hbm>> -> memref<10240x128xf32, #tpu.memory_space<hbm>>
      tpu.enqueue_indirect_dma source(%dma_start3A_167 : memref<10240x128xf32, #tpu.memory_space<hbm>>) target(%arg9 : memref<128x128xf32, #tpu.memory_space<vmem>>) offsets(%dma_start3A_164 : memref<128xi32, #tpu.memory_space<vmem>>) semaphore(%arg10 : memref<!tpu.dma_semaphore, #tpu.memory_space<semaphore_mem>>)
      %dma_wait3A_168 = arith.constant 7 : i32
      %dma_wait3A_169 = arith.constant 0 : i32
      %dma_wait3A_170 = tpu.memref_slice %arg7[%dma_wait3A_168, %dma_wait3A_169] : memref<8x128xi32, #tpu.memory_space<vmem>> -> memref<1x128xi32, #tpu.memory_space<vmem>>
      %dma_wait3A_171 = tpu.memref_squeeze %dma_wait3A_170 : memref<1x128xi32, #tpu.memory_space<vmem>> -> memref<128xi32, #tpu.memory_space<vmem>>
      %dma_wait3A_172 = arith.constant 0 : i32
      %dma_wait3A_173 = arith.constant 0 : i32
      %dma_wait3A_174 = tpu.memref_slice %arg2[%dma_wait3A_172, %dma_wait3A_173] : memref<10240x128xf32, #tpu.memory_space<hbm>> -> memref<10240x128xf32, #tpu.memory_space<hbm>>
      tpu.wait_indirect_dma semaphore(%arg10 : memref<!tpu.dma_semaphore, #tpu.memory_space<semaphore_mem>>) src(%dma_wait3A_174 : memref<10240x128xf32, #tpu.memory_space<hbm>>) dst(%arg9 : memref<128x128xf32, #tpu.memory_space<vmem>>)
      %run_scoped3A_175 = arith.constant 7 : i32
      "tpu.region"() ({
        %run_scoped3A_176 = tpu.sem_alloc : memref<!tpu.dma_semaphore, #tpu.memory_space<semaphore_mem>>
        %dma_start3A_177 = arith.constant 0 : i32
        %dma_start3A_178 = tpu.memref_slice %arg8[%run_scoped3A_175, %dma_start3A_177] : memref<8x128xi32, #tpu.memory_space<vmem>> -> memref<1x128xi32, #tpu.memory_space<vmem>>
        %dma_start3A_179 = tpu.memref_squeeze %dma_start3A_178 : memref<1x128xi32, #tpu.memory_space<vmem>> -> memref<128xi32, #tpu.memory_space<vmem>>
        %dma_start3A_180 = arith.constant 0 : i32
        %dma_start3A_181 = arith.constant 0 : i32
        %dma_start3A_182 = tpu.memref_slice %arg6[%dma_start3A_180, %dma_start3A_181] : memref<10240x128xf32, #tpu.memory_space<vmem_shared>> -> memref<10240x128xf32, #tpu.memory_space<vmem_shared>>
        tpu.enqueue_indirect_dma source(%arg9 : memref<128x128xf32, #tpu.memory_space<vmem>>) target(%dma_start3A_182 : memref<10240x128xf32, #tpu.memory_space<vmem_shared>>) offsets(%dma_start3A_179 : memref<128xi32, #tpu.memory_space<vmem>>) semaphore(%run_scoped3A_176 : memref<!tpu.dma_semaphore, #tpu.memory_space<semaphore_mem>>) {add = true}
        %dma_wait3A_183 = arith.constant 0 : i32
        %dma_wait3A_184 = tpu.memref_slice %arg8[%run_scoped3A_175, %dma_wait3A_183] : memref<8x128xi32, #tpu.memory_space<vmem>> -> memref<1x128xi32, #tpu.memory_space<vmem>>
        %dma_wait3A_185 = tpu.memref_squeeze %dma_wait3A_184 : memref<1x128xi32, #tpu.memory_space<vmem>> -> memref<128xi32, #tpu.memory_space<vmem>>
        %dma_wait3A_186 = arith.constant 0 : i32
        %dma_wait3A_187 = arith.constant 0 : i32
        %dma_wait3A_188 = tpu.memref_slice %arg6[%dma_wait3A_186, %dma_wait3A_187] : memref<10240x128xf32, #tpu.memory_space<vmem_shared>> -> memref<10240x128xf32, #tpu.memory_space<vmem_shared>>
        tpu.wait_indirect_dma semaphore(%run_scoped3A_176 : memref<!tpu.dma_semaphore, #tpu.memory_space<semaphore_mem>>) src(%arg9 : memref<128x128xf32, #tpu.memory_space<vmem>>) dst(%dma_wait3A_188 : memref<10240x128xf32, #tpu.memory_space<vmem_shared>>)
        tpu.yield
      }) : () -> ()
    }
    %eq3A = arith.constant 1 : i32
    %eq3A_46 = arith.cmpi eq, %arg0, %eq3A : i32
    %eq3A_47 = arith.constant 15 : i32
    %eq3A_48 = arith.cmpi eq, %arg1, %eq3A_47 : i32
    %and3A = arith.andi %eq3A_46, %eq3A_48 : i1
    %convert_element_type3A = arith.extui %and3A : i1 to i32
    %cond3A = arith.constant 0 : i32
    %cond3A_49 = arith.cmpi ne, %convert_element_type3A, %cond3A : i32
    scf.if %cond3A_49 {
      "tpu.region"() ({
        %run_scoped3A_112 = tpu.sem_alloc : memref<!tpu.dma_semaphore, #tpu.memory_space<semaphore_mem>>
        %dma_start3A_113 = arith.constant 0 : i32
        %dma_start3A_114 = arith.constant 0 : i32
        %dma_start3A_115 = tpu.memref_slice %arg7[%dma_start3A_113, %dma_start3A_114] : memref<8x128xi32, #tpu.memory_space<vmem>> -> memref<4x128xi32, #tpu.memory_space<vmem>>
        %dma_start3A_116 = arith.constant 2496 : i32
        %dma_start3A_117 = arith.constant 0 : i32
        %dma_start3A_118 = tpu.memref_slice %arg3[%dma_start3A_116, %dma_start3A_117] : memref<2500x128xi32, #tpu.memory_space<hbm>> -> memref<4x128xi32, #tpu.memory_space<hbm>>
        %dma_start3A_119 = arith.constant 0 : i32
        %dma_start3A_120 = arith.constant 0 : i32
        %dma_start3A_121 = tpu.memref_slice %arg7[%dma_start3A_119, %dma_start3A_120] : memref<8x128xi32, #tpu.memory_space<vmem>> -> memref<4x128xi32, #tpu.memory_space<vmem>>
        %dma_start3A_122 = arith.constant 2496 : i32
        %dma_start3A_123 = arith.constant 0 : i32
        %dma_start3A_124 = tpu.memref_slice %arg3[%dma_start3A_122, %dma_start3A_123] : memref<2500x128xi32, #tpu.memory_space<hbm>> -> memref<4x128xi32, #tpu.memory_space<hbm>>
        tpu.enqueue_dma source(%dma_start3A_124 : memref<4x128xi32, #tpu.memory_space<hbm>>) target(%dma_start3A_121 : memref<4x128xi32, #tpu.memory_space<vmem>>) target_semaphore(%run_scoped3A_112 : memref<!tpu.dma_semaphore, #tpu.memory_space<semaphore_mem>>)
        %dma_wait3A_125 = arith.constant 0 : i32
        %dma_wait3A_126 = arith.constant 0 : i32
        %dma_wait3A_127 = tpu.memref_slice %arg7[%dma_wait3A_125, %dma_wait3A_126] : memref<8x128xi32, #tpu.memory_space<vmem>> -> memref<4x128xi32, #tpu.memory_space<vmem>>
        %dma_wait3A_128 = arith.constant 2496 : i32
        %dma_wait3A_129 = arith.constant 0 : i32
        %dma_wait3A_130 = tpu.memref_slice %arg3[%dma_wait3A_128, %dma_wait3A_129] : memref<2500x128xi32, #tpu.memory_space<hbm>> -> memref<4x128xi32, #tpu.memory_space<hbm>>
        %dma_wait3A_131 = arith.constant 0 : i32
        %dma_wait3A_132 = arith.constant 0 : i32
        %dma_wait3A_133 = tpu.memref_slice %arg7[%dma_wait3A_131, %dma_wait3A_132] : memref<8x128xi32, #tpu.memory_space<vmem>> -> memref<4x128xi32, #tpu.memory_space<vmem>>
        %dma_wait3A_134 = arith.constant 2496 : i32
        %dma_wait3A_135 = arith.constant 0 : i32
        %dma_wait3A_136 = tpu.memref_slice %arg3[%dma_wait3A_134, %dma_wait3A_135] : memref<2500x128xi32, #tpu.memory_space<hbm>> -> memref<4x128xi32, #tpu.memory_space<hbm>>
        tpu.wait_dma2 semaphore(%run_scoped3A_112 : memref<!tpu.dma_semaphore, #tpu.memory_space<semaphore_mem>>) src(%dma_wait3A_136 : memref<4x128xi32, #tpu.memory_space<hbm>>) dst(%dma_wait3A_133 : memref<4x128xi32, #tpu.memory_space<vmem>>)
        tpu.yield
      }) : () -> ()
      "tpu.region"() ({
        %run_scoped3A_112 = tpu.sem_alloc : memref<!tpu.dma_semaphore, #tpu.memory_space<semaphore_mem>>
        %dma_start3A_113 = arith.constant 0 : i32
        %dma_start3A_114 = arith.constant 0 : i32
        %dma_start3A_115 = tpu.memref_slice %arg8[%dma_start3A_113, %dma_start3A_114] : memref<8x128xi32, #tpu.memory_space<vmem>> -> memref<4x128xi32, #tpu.memory_space<vmem>>
        %dma_start3A_116 = arith.constant 2496 : i32
        %dma_start3A_117 = arith.constant 0 : i32
        %dma_start3A_118 = tpu.memref_slice %arg4[%dma_start3A_116, %dma_start3A_117] : memref<2500x128xi32, #tpu.memory_space<hbm>> -> memref<4x128xi32, #tpu.memory_space<hbm>>
        %dma_start3A_119 = arith.constant 0 : i32
        %dma_start3A_120 = arith.constant 0 : i32
        %dma_start3A_121 = tpu.memref_slice %arg8[%dma_start3A_119, %dma_start3A_120] : memref<8x128xi32, #tpu.memory_space<vmem>> -> memref<4x128xi32, #tpu.memory_space<vmem>>
        %dma_start3A_122 = arith.constant 2496 : i32
        %dma_start3A_123 = arith.constant 0 : i32
        %dma_start3A_124 = tpu.memref_slice %arg4[%dma_start3A_122, %dma_start3A_123] : memref<2500x128xi32, #tpu.memory_space<hbm>> -> memref<4x128xi32, #tpu.memory_space<hbm>>
        tpu.enqueue_dma source(%dma_start3A_124 : memref<4x128xi32, #tpu.memory_space<hbm>>) target(%dma_start3A_121 : memref<4x128xi32, #tpu.memory_space<vmem>>) target_semaphore(%run_scoped3A_112 : memref<!tpu.dma_semaphore, #tpu.memory_space<semaphore_mem>>)
        %dma_wait3A_125 = arith.constant 0 : i32
        %dma_wait3A_126 = arith.constant 0 : i32
        %dma_wait3A_127 = tpu.memref_slice %arg8[%dma_wait3A_125, %dma_wait3A_126] : memref<8x128xi32, #tpu.memory_space<vmem>> -> memref<4x128xi32, #tpu.memory_space<vmem>>
        %dma_wait3A_128 = arith.constant 2496 : i32
        %dma_wait3A_129 = arith.constant 0 : i32
        %dma_wait3A_130 = tpu.memref_slice %arg4[%dma_wait3A_128, %dma_wait3A_129] : memref<2500x128xi32, #tpu.memory_space<hbm>> -> memref<4x128xi32, #tpu.memory_space<hbm>>
        %dma_wait3A_131 = arith.constant 0 : i32
        %dma_wait3A_132 = arith.constant 0 : i32
        %dma_wait3A_133 = tpu.memref_slice %arg8[%dma_wait3A_131, %dma_wait3A_132] : memref<8x128xi32, #tpu.memory_space<vmem>> -> memref<4x128xi32, #tpu.memory_space<vmem>>
        %dma_wait3A_134 = arith.constant 2496 : i32
        %dma_wait3A_135 = arith.constant 0 : i32
        %dma_wait3A_136 = tpu.memref_slice %arg4[%dma_wait3A_134, %dma_wait3A_135] : memref<2500x128xi32, #tpu.memory_space<hbm>> -> memref<4x128xi32, #tpu.memory_space<hbm>>
        tpu.wait_dma2 semaphore(%run_scoped3A_112 : memref<!tpu.dma_semaphore, #tpu.memory_space<semaphore_mem>>) src(%dma_wait3A_136 : memref<4x128xi32, #tpu.memory_space<hbm>>) dst(%dma_wait3A_133 : memref<4x128xi32, #tpu.memory_space<vmem>>)
        tpu.yield
      }) : () -> ()
      %dma_start3A = arith.constant 0 : i32
      %dma_start3A_55 = arith.constant 0 : i32
      %dma_start3A_56 = tpu.memref_slice %arg7[%dma_start3A, %dma_start3A_55] : memref<8x128xi32, #tpu.memory_space<vmem>> -> memref<1x128xi32, #tpu.memory_space<vmem>>
      %dma_start3A_57 = tpu.memref_squeeze %dma_start3A_56 : memref<1x128xi32, #tpu.memory_space<vmem>> -> memref<128xi32, #tpu.memory_space<vmem>>
      %dma_start3A_58 = arith.constant 0 : i32
      %dma_start3A_59 = arith.constant 0 : i32
      %dma_start3A_60 = tpu.memref_slice %arg2[%dma_start3A_58, %dma_start3A_59] : memref<10240x128xf32, #tpu.memory_space<hbm>> -> memref<10240x128xf32, #tpu.memory_space<hbm>>
      tpu.enqueue_indirect_dma source(%dma_start3A_60 : memref<10240x128xf32, #tpu.memory_space<hbm>>) target(%arg9 : memref<128x128xf32, #tpu.memory_space<vmem>>) offsets(%dma_start3A_57 : memref<128xi32, #tpu.memory_space<vmem>>) semaphore(%arg10 : memref<!tpu.dma_semaphore, #tpu.memory_space<semaphore_mem>>)
      %dma_wait3A = arith.constant 0 : i32
      %dma_wait3A_61 = arith.constant 0 : i32
      %dma_wait3A_62 = tpu.memref_slice %arg7[%dma_wait3A, %dma_wait3A_61] : memref<8x128xi32, #tpu.memory_space<vmem>> -> memref<1x128xi32, #tpu.memory_space<vmem>>
      %dma_wait3A_63 = tpu.memref_squeeze %dma_wait3A_62 : memref<1x128xi32, #tpu.memory_space<vmem>> -> memref<128xi32, #tpu.memory_space<vmem>>
      %dma_wait3A_64 = arith.constant 0 : i32
      %dma_wait3A_65 = arith.constant 0 : i32
      %dma_wait3A_66 = tpu.memref_slice %arg2[%dma_wait3A_64, %dma_wait3A_65] : memref<10240x128xf32, #tpu.memory_space<hbm>> -> memref<10240x128xf32, #tpu.memory_space<hbm>>
      tpu.wait_indirect_dma semaphore(%arg10 : memref<!tpu.dma_semaphore, #tpu.memory_space<semaphore_mem>>) src(%dma_wait3A_66 : memref<10240x128xf32, #tpu.memory_space<hbm>>) dst(%arg9 : memref<128x128xf32, #tpu.memory_space<vmem>>)
      %run_scoped3A = arith.constant 0 : i32
      "tpu.region"() ({
        %run_scoped3A_112 = tpu.sem_alloc : memref<!tpu.dma_semaphore, #tpu.memory_space<semaphore_mem>>
        %dma_start3A_113 = arith.constant 0 : i32
        %dma_start3A_114 = tpu.memref_slice %arg8[%run_scoped3A, %dma_start3A_113] : memref<8x128xi32, #tpu.memory_space<vmem>> -> memref<1x128xi32, #tpu.memory_space<vmem>>
        %dma_start3A_115 = tpu.memref_squeeze %dma_start3A_114 : memref<1x128xi32, #tpu.memory_space<vmem>> -> memref<128xi32, #tpu.memory_space<vmem>>
        %dma_start3A_116 = arith.constant 0 : i32
        %dma_start3A_117 = arith.constant 0 : i32
        %dma_start3A_118 = tpu.memref_slice %arg6[%dma_start3A_116, %dma_start3A_117] : memref<10240x128xf32, #tpu.memory_space<vmem_shared>> -> memref<10240x128xf32, #tpu.memory_space<vmem_shared>>
        tpu.enqueue_indirect_dma source(%arg9 : memref<128x128xf32, #tpu.memory_space<vmem>>) target(%dma_start3A_118 : memref<10240x128xf32, #tpu.memory_space<vmem_shared>>) offsets(%dma_start3A_115 : memref<128xi32, #tpu.memory_space<vmem>>) semaphore(%run_scoped3A_112 : memref<!tpu.dma_semaphore, #tpu.memory_space<semaphore_mem>>) {add = true}
        %dma_wait3A_119 = arith.constant 0 : i32
        %dma_wait3A_120 = tpu.memref_slice %arg8[%run_scoped3A, %dma_wait3A_119] : memref<8x128xi32, #tpu.memory_space<vmem>> -> memref<1x128xi32, #tpu.memory_space<vmem>>
        %dma_wait3A_121 = tpu.memref_squeeze %dma_wait3A_120 : memref<1x128xi32, #tpu.memory_space<vmem>> -> memref<128xi32, #tpu.memory_space<vmem>>
        %dma_wait3A_122 = arith.constant 0 : i32
        %dma_wait3A_123 = arith.constant 0 : i32
        %dma_wait3A_124 = tpu.memref_slice %arg6[%dma_wait3A_122, %dma_wait3A_123] : memref<10240x128xf32, #tpu.memory_space<vmem_shared>> -> memref<10240x128xf32, #tpu.memory_space<vmem_shared>>
        tpu.wait_indirect_dma semaphore(%run_scoped3A_112 : memref<!tpu.dma_semaphore, #tpu.memory_space<semaphore_mem>>) src(%arg9 : memref<128x128xf32, #tpu.memory_space<vmem>>) dst(%dma_wait3A_124 : memref<10240x128xf32, #tpu.memory_space<vmem_shared>>)
        tpu.yield
      }) : () -> ()
      %dma_start3A_67 = arith.constant 1 : i32
      %dma_start3A_68 = arith.constant 0 : i32
      %dma_start3A_69 = tpu.memref_slice %arg7[%dma_start3A_67, %dma_start3A_68] : memref<8x128xi32, #tpu.memory_space<vmem>> -> memref<1x128xi32, #tpu.memory_space<vmem>>
      %dma_start3A_70 = tpu.memref_squeeze %dma_start3A_69 : memref<1x128xi32, #tpu.memory_space<vmem>> -> memref<128xi32, #tpu.memory_space<vmem>>
      %dma_start3A_71 = arith.constant 0 : i32
      %dma_start3A_72 = arith.constant 0 : i32
      %dma_start3A_73 = tpu.memref_slice %arg2[%dma_start3A_71, %dma_start3A_72] : memref<10240x128xf32, #tpu.memory_space<hbm>> -> memref<10240x128xf32, #tpu.memory_space<hbm>>
      tpu.enqueue_indirect_dma source(%dma_start3A_73 : memref<10240x128xf32, #tpu.memory_space<hbm>>) target(%arg9 : memref<128x128xf32, #tpu.memory_space<vmem>>) offsets(%dma_start3A_70 : memref<128xi32, #tpu.memory_space<vmem>>) semaphore(%arg10 : memref<!tpu.dma_semaphore, #tpu.memory_space<semaphore_mem>>)
      %dma_wait3A_74 = arith.constant 1 : i32
      %dma_wait3A_75 = arith.constant 0 : i32
      %dma_wait3A_76 = tpu.memref_slice %arg7[%dma_wait3A_74, %dma_wait3A_75] : memref<8x128xi32, #tpu.memory_space<vmem>> -> memref<1x128xi32, #tpu.memory_space<vmem>>
      %dma_wait3A_77 = tpu.memref_squeeze %dma_wait3A_76 : memref<1x128xi32, #tpu.memory_space<vmem>> -> memref<128xi32, #tpu.memory_space<vmem>>
      %dma_wait3A_78 = arith.constant 0 : i32
      %dma_wait3A_79 = arith.constant 0 : i32
      %dma_wait3A_80 = tpu.memref_slice %arg2[%dma_wait3A_78, %dma_wait3A_79] : memref<10240x128xf32, #tpu.memory_space<hbm>> -> memref<10240x128xf32, #tpu.memory_space<hbm>>
      tpu.wait_indirect_dma semaphore(%arg10 : memref<!tpu.dma_semaphore, #tpu.memory_space<semaphore_mem>>) src(%dma_wait3A_80 : memref<10240x128xf32, #tpu.memory_space<hbm>>) dst(%arg9 : memref<128x128xf32, #tpu.memory_space<vmem>>)
      %run_scoped3A_81 = arith.constant 1 : i32
      "tpu.region"() ({
        %run_scoped3A_112 = tpu.sem_alloc : memref<!tpu.dma_semaphore, #tpu.memory_space<semaphore_mem>>
        %dma_start3A_113 = arith.constant 0 : i32
        %dma_start3A_114 = tpu.memref_slice %arg8[%run_scoped3A_81, %dma_start3A_113] : memref<8x128xi32, #tpu.memory_space<vmem>> -> memref<1x128xi32, #tpu.memory_space<vmem>>
        %dma_start3A_115 = tpu.memref_squeeze %dma_start3A_114 : memref<1x128xi32, #tpu.memory_space<vmem>> -> memref<128xi32, #tpu.memory_space<vmem>>
        %dma_start3A_116 = arith.constant 0 : i32
        %dma_start3A_117 = arith.constant 0 : i32
        %dma_start3A_118 = tpu.memref_slice %arg6[%dma_start3A_116, %dma_start3A_117] : memref<10240x128xf32, #tpu.memory_space<vmem_shared>> -> memref<10240x128xf32, #tpu.memory_space<vmem_shared>>
        tpu.enqueue_indirect_dma source(%arg9 : memref<128x128xf32, #tpu.memory_space<vmem>>) target(%dma_start3A_118 : memref<10240x128xf32, #tpu.memory_space<vmem_shared>>) offsets(%dma_start3A_115 : memref<128xi32, #tpu.memory_space<vmem>>) semaphore(%run_scoped3A_112 : memref<!tpu.dma_semaphore, #tpu.memory_space<semaphore_mem>>) {add = true}
        %dma_wait3A_119 = arith.constant 0 : i32
        %dma_wait3A_120 = tpu.memref_slice %arg8[%run_scoped3A_81, %dma_wait3A_119] : memref<8x128xi32, #tpu.memory_space<vmem>> -> memref<1x128xi32, #tpu.memory_space<vmem>>
        %dma_wait3A_121 = tpu.memref_squeeze %dma_wait3A_120 : memref<1x128xi32, #tpu.memory_space<vmem>> -> memref<128xi32, #tpu.memory_space<vmem>>
        %dma_wait3A_122 = arith.constant 0 : i32
        %dma_wait3A_123 = arith.constant 0 : i32
        %dma_wait3A_124 = tpu.memref_slice %arg6[%dma_wait3A_122, %dma_wait3A_123] : memref<10240x128xf32, #tpu.memory_space<vmem_shared>> -> memref<10240x128xf32, #tpu.memory_space<vmem_shared>>
        tpu.wait_indirect_dma semaphore(%run_scoped3A_112 : memref<!tpu.dma_semaphore, #tpu.memory_space<semaphore_mem>>) src(%arg9 : memref<128x128xf32, #tpu.memory_space<vmem>>) dst(%dma_wait3A_124 : memref<10240x128xf32, #tpu.memory_space<vmem_shared>>)
        tpu.yield
      }) : () -> ()
      %dma_start3A_82 = arith.constant 2 : i32
      %dma_start3A_83 = arith.constant 0 : i32
      %dma_start3A_84 = tpu.memref_slice %arg7[%dma_start3A_82, %dma_start3A_83] : memref<8x128xi32, #tpu.memory_space<vmem>> -> memref<1x128xi32, #tpu.memory_space<vmem>>
      %dma_start3A_85 = tpu.memref_squeeze %dma_start3A_84 : memref<1x128xi32, #tpu.memory_space<vmem>> -> memref<128xi32, #tpu.memory_space<vmem>>
      %dma_start3A_86 = arith.constant 0 : i32
      %dma_start3A_87 = arith.constant 0 : i32
      %dma_start3A_88 = tpu.memref_slice %arg2[%dma_start3A_86, %dma_start3A_87] : memref<10240x128xf32, #tpu.memory_space<hbm>> -> memref<10240x128xf32, #tpu.memory_space<hbm>>
      tpu.enqueue_indirect_dma source(%dma_start3A_88 : memref<10240x128xf32, #tpu.memory_space<hbm>>) target(%arg9 : memref<128x128xf32, #tpu.memory_space<vmem>>) offsets(%dma_start3A_85 : memref<128xi32, #tpu.memory_space<vmem>>) semaphore(%arg10 : memref<!tpu.dma_semaphore, #tpu.memory_space<semaphore_mem>>)
      %dma_wait3A_89 = arith.constant 2 : i32
      %dma_wait3A_90 = arith.constant 0 : i32
      %dma_wait3A_91 = tpu.memref_slice %arg7[%dma_wait3A_89, %dma_wait3A_90] : memref<8x128xi32, #tpu.memory_space<vmem>> -> memref<1x128xi32, #tpu.memory_space<vmem>>
      %dma_wait3A_92 = tpu.memref_squeeze %dma_wait3A_91 : memref<1x128xi32, #tpu.memory_space<vmem>> -> memref<128xi32, #tpu.memory_space<vmem>>
      %dma_wait3A_93 = arith.constant 0 : i32
      %dma_wait3A_94 = arith.constant 0 : i32
      %dma_wait3A_95 = tpu.memref_slice %arg2[%dma_wait3A_93, %dma_wait3A_94] : memref<10240x128xf32, #tpu.memory_space<hbm>> -> memref<10240x128xf32, #tpu.memory_space<hbm>>
      tpu.wait_indirect_dma semaphore(%arg10 : memref<!tpu.dma_semaphore, #tpu.memory_space<semaphore_mem>>) src(%dma_wait3A_95 : memref<10240x128xf32, #tpu.memory_space<hbm>>) dst(%arg9 : memref<128x128xf32, #tpu.memory_space<vmem>>)
      %run_scoped3A_96 = arith.constant 2 : i32
      "tpu.region"() ({
        %run_scoped3A_112 = tpu.sem_alloc : memref<!tpu.dma_semaphore, #tpu.memory_space<semaphore_mem>>
        %dma_start3A_113 = arith.constant 0 : i32
        %dma_start3A_114 = tpu.memref_slice %arg8[%run_scoped3A_96, %dma_start3A_113] : memref<8x128xi32, #tpu.memory_space<vmem>> -> memref<1x128xi32, #tpu.memory_space<vmem>>
        %dma_start3A_115 = tpu.memref_squeeze %dma_start3A_114 : memref<1x128xi32, #tpu.memory_space<vmem>> -> memref<128xi32, #tpu.memory_space<vmem>>
        %dma_start3A_116 = arith.constant 0 : i32
        %dma_start3A_117 = arith.constant 0 : i32
        %dma_start3A_118 = tpu.memref_slice %arg6[%dma_start3A_116, %dma_start3A_117] : memref<10240x128xf32, #tpu.memory_space<vmem_shared>> -> memref<10240x128xf32, #tpu.memory_space<vmem_shared>>
        tpu.enqueue_indirect_dma source(%arg9 : memref<128x128xf32, #tpu.memory_space<vmem>>) target(%dma_start3A_118 : memref<10240x128xf32, #tpu.memory_space<vmem_shared>>) offsets(%dma_start3A_115 : memref<128xi32, #tpu.memory_space<vmem>>) semaphore(%run_scoped3A_112 : memref<!tpu.dma_semaphore, #tpu.memory_space<semaphore_mem>>) {add = true}
        %dma_wait3A_119 = arith.constant 0 : i32
        %dma_wait3A_120 = tpu.memref_slice %arg8[%run_scoped3A_96, %dma_wait3A_119] : memref<8x128xi32, #tpu.memory_space<vmem>> -> memref<1x128xi32, #tpu.memory_space<vmem>>
        %dma_wait3A_121 = tpu.memref_squeeze %dma_wait3A_120 : memref<1x128xi32, #tpu.memory_space<vmem>> -> memref<128xi32, #tpu.memory_space<vmem>>
        %dma_wait3A_122 = arith.constant 0 : i32
        %dma_wait3A_123 = arith.constant 0 : i32
        %dma_wait3A_124 = tpu.memref_slice %arg6[%dma_wait3A_122, %dma_wait3A_123] : memref<10240x128xf32, #tpu.memory_space<vmem_shared>> -> memref<10240x128xf32, #tpu.memory_space<vmem_shared>>
        tpu.wait_indirect_dma semaphore(%run_scoped3A_112 : memref<!tpu.dma_semaphore, #tpu.memory_space<semaphore_mem>>) src(%arg9 : memref<128x128xf32, #tpu.memory_space<vmem>>) dst(%dma_wait3A_124 : memref<10240x128xf32, #tpu.memory_space<vmem_shared>>)
        tpu.yield
      }) : () -> ()
      %dma_start3A_97 = arith.constant 3 : i32
      %dma_start3A_98 = arith.constant 0 : i32
      %dma_start3A_99 = tpu.memref_slice %arg7[%dma_start3A_97, %dma_start3A_98] : memref<8x128xi32, #tpu.memory_space<vmem>> -> memref<1x128xi32, #tpu.memory_space<vmem>>
      %dma_start3A_100 = tpu.memref_squeeze %dma_start3A_99 : memref<1x128xi32, #tpu.memory_space<vmem>> -> memref<128xi32, #tpu.memory_space<vmem>>
      %dma_start3A_101 = arith.constant 0 : i32
      %dma_start3A_102 = arith.constant 0 : i32
      %dma_start3A_103 = tpu.memref_slice %arg2[%dma_start3A_101, %dma_start3A_102] : memref<10240x128xf32, #tpu.memory_space<hbm>> -> memref<10240x128xf32, #tpu.memory_space<hbm>>
      tpu.enqueue_indirect_dma source(%dma_start3A_103 : memref<10240x128xf32, #tpu.memory_space<hbm>>) target(%arg9 : memref<128x128xf32, #tpu.memory_space<vmem>>) offsets(%dma_start3A_100 : memref<128xi32, #tpu.memory_space<vmem>>) semaphore(%arg10 : memref<!tpu.dma_semaphore, #tpu.memory_space<semaphore_mem>>)
      %dma_wait3A_104 = arith.constant 3 : i32
      %dma_wait3A_105 = arith.constant 0 : i32
      %dma_wait3A_106 = tpu.memref_slice %arg7[%dma_wait3A_104, %dma_wait3A_105] : memref<8x128xi32, #tpu.memory_space<vmem>> -> memref<1x128xi32, #tpu.memory_space<vmem>>
      %dma_wait3A_107 = tpu.memref_squeeze %dma_wait3A_106 : memref<1x128xi32, #tpu.memory_space<vmem>> -> memref<128xi32, #tpu.memory_space<vmem>>
      %dma_wait3A_108 = arith.constant 0 : i32
      %dma_wait3A_109 = arith.constant 0 : i32
      %dma_wait3A_110 = tpu.memref_slice %arg2[%dma_wait3A_108, %dma_wait3A_109] : memref<10240x128xf32, #tpu.memory_space<hbm>> -> memref<10240x128xf32, #tpu.memory_space<hbm>>
      tpu.wait_indirect_dma semaphore(%arg10 : memref<!tpu.dma_semaphore, #tpu.memory_space<semaphore_mem>>) src(%dma_wait3A_110 : memref<10240x128xf32, #tpu.memory_space<hbm>>) dst(%arg9 : memref<128x128xf32, #tpu.memory_space<vmem>>)
      %run_scoped3A_111 = arith.constant 3 : i32
      "tpu.region"() ({
        %run_scoped3A_112 = tpu.sem_alloc : memref<!tpu.dma_semaphore, #tpu.memory_space<semaphore_mem>>
        %dma_start3A_113 = arith.constant 0 : i32
        %dma_start3A_114 = tpu.memref_slice %arg8[%run_scoped3A_111, %dma_start3A_113] : memref<8x128xi32, #tpu.memory_space<vmem>> -> memref<1x128xi32, #tpu.memory_space<vmem>>
        %dma_start3A_115 = tpu.memref_squeeze %dma_start3A_114 : memref<1x128xi32, #tpu.memory_space<vmem>> -> memref<128xi32, #tpu.memory_space<vmem>>
        %dma_start3A_116 = arith.constant 0 : i32
        %dma_start3A_117 = arith.constant 0 : i32
        %dma_start3A_118 = tpu.memref_slice %arg6[%dma_start3A_116, %dma_start3A_117] : memref<10240x128xf32, #tpu.memory_space<vmem_shared>> -> memref<10240x128xf32, #tpu.memory_space<vmem_shared>>
        tpu.enqueue_indirect_dma source(%arg9 : memref<128x128xf32, #tpu.memory_space<vmem>>) target(%dma_start3A_118 : memref<10240x128xf32, #tpu.memory_space<vmem_shared>>) offsets(%dma_start3A_115 : memref<128xi32, #tpu.memory_space<vmem>>) semaphore(%run_scoped3A_112 : memref<!tpu.dma_semaphore, #tpu.memory_space<semaphore_mem>>) {add = true}
        %dma_wait3A_119 = arith.constant 0 : i32
        %dma_wait3A_120 = tpu.memref_slice %arg8[%run_scoped3A_111, %dma_wait3A_119] : memref<8x128xi32, #tpu.memory_space<vmem>> -> memref<1x128xi32, #tpu.memory_space<vmem>>
        %dma_wait3A_121 = tpu.memref_squeeze %dma_wait3A_120 : memref<1x128xi32, #tpu.memory_space<vmem>> -> memref<128xi32, #tpu.memory_space<vmem>>
        %dma_wait3A_122 = arith.constant 0 : i32
        %dma_wait3A_123 = arith.constant 0 : i32
        %dma_wait3A_124 = tpu.memref_slice %arg6[%dma_wait3A_122, %dma_wait3A_123] : memref<10240x128xf32, #tpu.memory_space<vmem_shared>> -> memref<10240x128xf32, #tpu.memory_space<vmem_shared>>
        tpu.wait_indirect_dma semaphore(%run_scoped3A_112 : memref<!tpu.dma_semaphore, #tpu.memory_space<semaphore_mem>>) src(%arg9 : memref<128x128xf32, #tpu.memory_space<vmem>>) dst(%dma_wait3A_124 : memref<10240x128xf32, #tpu.memory_space<vmem_shared>>)
        tpu.yield
      }) : () -> ()
    } else {
    }
    %barrier3A_50 = arith.constant 0 : index
    tpu.barrier barrier_id(%barrier3A_50)
    %mul3A_51 = arith.constant 640 : i32
    %mul3A_52 = arith.muli %mul3A_51, %arg1 : i32
    %mul3A_53 = arith.constant 640 : i32
    %mul3A_54 = arith.muli %mul3A_53, %arg1 : i32
    "tpu.region"() ({
      %run_scoped3A = tpu.sem_alloc : memref<!tpu.dma_semaphore, #tpu.memory_space<semaphore_mem>>
      %dma_start3A = arith.constant 0 : i32
      %dma_start3A_55 = tpu.memref_slice %arg5[%arg0, %mul3A_54, %dma_start3A] : memref<2x10240x128xf32, #tpu.memory_space<hbm>> -> memref<1x640x128xf32, #tpu.memory_space<hbm>>
      %dma_start3A_56 = tpu.memref_squeeze %dma_start3A_55 : memref<1x640x128xf32, #tpu.memory_space<hbm>> -> memref<640x128xf32, #tpu.memory_space<hbm>>
      %dma_start3A_57 = arith.constant 0 : i32
      %dma_start3A_58 = tpu.memref_slice %arg6[%mul3A_52, %dma_start3A_57] : memref<10240x128xf32, #tpu.memory_space<vmem_shared>> -> memref<640x128xf32, #tpu.memory_space<vmem_shared>>
      tpu.enqueue_dma source(%dma_start3A_58 : memref<640x128xf32, #tpu.memory_space<vmem_shared>>) target(%dma_start3A_56 : memref<640x128xf32, #tpu.memory_space<hbm>>) target_semaphore(%run_scoped3A : memref<!tpu.dma_semaphore, #tpu.memory_space<semaphore_mem>>)
      %dma_wait3A = arith.constant 0 : i32
      %dma_wait3A_59 = tpu.memref_slice %arg5[%arg0, %mul3A_54, %dma_wait3A] : memref<2x10240x128xf32, #tpu.memory_space<hbm>> -> memref<1x640x128xf32, #tpu.memory_space<hbm>>
      %dma_wait3A_60 = tpu.memref_squeeze %dma_wait3A_59 : memref<1x640x128xf32, #tpu.memory_space<hbm>> -> memref<640x128xf32, #tpu.memory_space<hbm>>
      %dma_wait3A_61 = arith.constant 0 : i32
      %dma_wait3A_62 = tpu.memref_slice %arg6[%mul3A_52, %dma_wait3A_61] : memref<10240x128xf32, #tpu.memory_space<vmem_shared>> -> memref<640x128xf32, #tpu.memory_space<vmem_shared>>
      tpu.wait_dma2 semaphore(%run_scoped3A : memref<!tpu.dma_semaphore, #tpu.memory_space<semaphore_mem>>) src(%dma_wait3A_62 : memref<640x128xf32, #tpu.memory_space<vmem_shared>>) dst(%dma_wait3A_60 : memref<640x128xf32, #tpu.memory_space<hbm>>)
      tpu.yield
    }) : () -> ()
    return
  }
}

#map = affine_map<(d0, d1) -> (0, 0)>
#map1 = affine_map<(d0, d1) -> (0)>
module attributes {stable_mosaic.version = 14 : i64} {
  func.func @_hist_body(%arg0: i32, %arg1: i32, %arg2: memref<2500x128xi32, #tpu.memory_space<hbm>>, %arg3: memref<80x128xi32, #tpu.memory_space<hbm>>, %arg4: memref<10240xf32, #tpu.memory_space<hbm>>, %arg5: memref<10240xf32, #tpu.memory_space<hbm>>, %arg6: memref<5120xf32, #tpu.memory_space<hbm>>, %arg7: memref<10240xf32, #tpu.memory_space<vmem_shared>>, %arg8: memref<5120xf32, #tpu.memory_space<vmem_shared>>, %arg9: memref<80x128xi32, #tpu.memory_space<vmem>>, %arg10: memref<8x128xi32, #tpu.memory_space<vmem>>, %arg11: memref<128xf32, #tpu.memory_space<vmem>>, %arg12: memref<1024xf32, #tpu.memory_space<vmem>>) attributes {dimension_semantics = [#tpu.dimension_semantics<core_parallel>, #tpu.dimension_semantics<subcore_parallel>], iteration_bounds = array<i64: 2, 16>, scalar_prefetch = 0 : i64, scratch_operands = 6 : i64, tpu.core_type = #tpu.core_type<sc_vector_subcore>, window_params = [{transform_indices = #map}, {transform_indices = #map}, {transform_indices = #map1}, {transform_indices = #map1}, {transform_indices = #map1}]} {
    %broadcast_in_dim3A = arith.constant 1.000000e+00 : f32
    %broadcast_in_dim3A_0 = vector.broadcast %broadcast_in_dim3A : f32 to vector<16xf32>
    %swap3A = arith.constant 0 : index
    %swap3A_1 = tpu.vector_load %arg11[%swap3A] {strides = array<i32>} : memref<128xf32, #tpu.memory_space<vmem>>, vector<16xf32>,
    %swap3A_2 = vector.shape_cast %swap3A_1 : vector<16xf32> to vector<16xf32>
    %swap3A_3 = vector.shape_cast %broadcast_in_dim3A_0 : vector<16xf32> to vector<16xf32>
    tpu.vector_store %arg11[%swap3A], %swap3A_3 {strides = array<i32>} : memref<128xf32, #tpu.memory_space<vmem>>, vector<16xf32>,
    %broadcast_in_dim3A_4 = arith.constant 1.000000e+00 : f32
    %broadcast_in_dim3A_5 = vector.broadcast %broadcast_in_dim3A_4 : f32 to vector<16xf32>
    %swap3A_6 = arith.constant 16 : index
    %swap3A_7 = tpu.vector_load %arg11[%swap3A_6] {strides = array<i32>} : memref<128xf32, #tpu.memory_space<vmem>>, vector<16xf32>,
    %swap3A_8 = vector.shape_cast %swap3A_7 : vector<16xf32> to vector<16xf32>
    %swap3A_9 = vector.shape_cast %broadcast_in_dim3A_5 : vector<16xf32> to vector<16xf32>
    tpu.vector_store %arg11[%swap3A_6], %swap3A_9 {strides = array<i32>} : memref<128xf32, #tpu.memory_space<vmem>>, vector<16xf32>,
    %broadcast_in_dim3A_10 = arith.constant 1.000000e+00 : f32
    %broadcast_in_dim3A_11 = vector.broadcast %broadcast_in_dim3A_10 : f32 to vector<16xf32>
    %swap3A_12 = arith.constant 32 : index
    %swap3A_13 = tpu.vector_load %arg11[%swap3A_12] {strides = array<i32>} : memref<128xf32, #tpu.memory_space<vmem>>, vector<16xf32>,
    %swap3A_14 = vector.shape_cast %swap3A_13 : vector<16xf32> to vector<16xf32>
    %swap3A_15 = vector.shape_cast %broadcast_in_dim3A_11 : vector<16xf32> to vector<16xf32>
    tpu.vector_store %arg11[%swap3A_12], %swap3A_15 {strides = array<i32>} : memref<128xf32, #tpu.memory_space<vmem>>, vector<16xf32>,
    %broadcast_in_dim3A_16 = arith.constant 1.000000e+00 : f32
    %broadcast_in_dim3A_17 = vector.broadcast %broadcast_in_dim3A_16 : f32 to vector<16xf32>
    %swap3A_18 = arith.constant 48 : index
    %swap3A_19 = tpu.vector_load %arg11[%swap3A_18] {strides = array<i32>} : memref<128xf32, #tpu.memory_space<vmem>>, vector<16xf32>,
    %swap3A_20 = vector.shape_cast %swap3A_19 : vector<16xf32> to vector<16xf32>
    %swap3A_21 = vector.shape_cast %broadcast_in_dim3A_17 : vector<16xf32> to vector<16xf32>
    tpu.vector_store %arg11[%swap3A_18], %swap3A_21 {strides = array<i32>} : memref<128xf32, #tpu.memory_space<vmem>>, vector<16xf32>,
    %broadcast_in_dim3A_22 = arith.constant 1.000000e+00 : f32
    %broadcast_in_dim3A_23 = vector.broadcast %broadcast_in_dim3A_22 : f32 to vector<16xf32>
    %swap3A_24 = arith.constant 64 : index
    %swap3A_25 = tpu.vector_load %arg11[%swap3A_24] {strides = array<i32>} : memref<128xf32, #tpu.memory_space<vmem>>, vector<16xf32>,
    %swap3A_26 = vector.shape_cast %swap3A_25 : vector<16xf32> to vector<16xf32>
    %swap3A_27 = vector.shape_cast %broadcast_in_dim3A_23 : vector<16xf32> to vector<16xf32>
    tpu.vector_store %arg11[%swap3A_24], %swap3A_27 {strides = array<i32>} : memref<128xf32, #tpu.memory_space<vmem>>, vector<16xf32>,
    %broadcast_in_dim3A_28 = arith.constant 1.000000e+00 : f32
    %broadcast_in_dim3A_29 = vector.broadcast %broadcast_in_dim3A_28 : f32 to vector<16xf32>
    %swap3A_30 = arith.constant 80 : index
    %swap3A_31 = tpu.vector_load %arg11[%swap3A_30] {strides = array<i32>} : memref<128xf32, #tpu.memory_space<vmem>>, vector<16xf32>,
    %swap3A_32 = vector.shape_cast %swap3A_31 : vector<16xf32> to vector<16xf32>
    %swap3A_33 = vector.shape_cast %broadcast_in_dim3A_29 : vector<16xf32> to vector<16xf32>
    tpu.vector_store %arg11[%swap3A_30], %swap3A_33 {strides = array<i32>} : memref<128xf32, #tpu.memory_space<vmem>>, vector<16xf32>,
    %broadcast_in_dim3A_34 = arith.constant 1.000000e+00 : f32
    %broadcast_in_dim3A_35 = vector.broadcast %broadcast_in_dim3A_34 : f32 to vector<16xf32>
    %swap3A_36 = arith.constant 96 : index
    %swap3A_37 = tpu.vector_load %arg11[%swap3A_36] {strides = array<i32>} : memref<128xf32, #tpu.memory_space<vmem>>, vector<16xf32>,
    %swap3A_38 = vector.shape_cast %swap3A_37 : vector<16xf32> to vector<16xf32>
    %swap3A_39 = vector.shape_cast %broadcast_in_dim3A_35 : vector<16xf32> to vector<16xf32>
    tpu.vector_store %arg11[%swap3A_36], %swap3A_39 {strides = array<i32>} : memref<128xf32, #tpu.memory_space<vmem>>, vector<16xf32>,
    %broadcast_in_dim3A_40 = arith.constant 1.000000e+00 : f32
    %broadcast_in_dim3A_41 = vector.broadcast %broadcast_in_dim3A_40 : f32 to vector<16xf32>
    %swap3A_42 = arith.constant 112 : index
    %swap3A_43 = tpu.vector_load %arg11[%swap3A_42] {strides = array<i32>} : memref<128xf32, #tpu.memory_space<vmem>>, vector<16xf32>,
    %swap3A_44 = vector.shape_cast %swap3A_43 : vector<16xf32> to vector<16xf32>
    %swap3A_45 = vector.shape_cast %broadcast_in_dim3A_41 : vector<16xf32> to vector<16xf32>
    tpu.vector_store %arg11[%swap3A_42], %swap3A_45 {strides = array<i32>} : memref<128xf32, #tpu.memory_space<vmem>>, vector<16xf32>,
    %scan3A = arith.constant 0 : i32
    %scan3A_46 = arith.constant 0 : i32
    %scan3A_47 = arith.constant 64 : i32
    %scan3A_48 = arith.addi %scan3A_46, %scan3A_47 : i32
    %scan3A_49 = arith.constant 1 : i32
    scf.for %scan3A_117 = %scan3A_46 to %scan3A_48 step %scan3A_49  : i32 {
      %broadcast_in_dim3A_118 = arith.constant 0.000000e+00 : f32
      %broadcast_in_dim3A_119 = vector.broadcast %broadcast_in_dim3A_118 : f32 to vector<16xf32>
      %mul3A_120 = arith.constant 16 : i32
      %mul3A_121 = arith.muli %mul3A_120, %scan3A_117 : i32
      %swap3A_122 = arith.index_cast %mul3A_121 : i32 to index
      %swap3A_123 = tpu.vector_load %arg12[%swap3A_122] {strides = array<i32>} : memref<1024xf32, #tpu.memory_space<vmem>>, vector<16xf32>,
      %swap3A_124 = vector.shape_cast %swap3A_123 : vector<16xf32> to vector<16xf32>
      %swap3A_125 = vector.shape_cast %broadcast_in_dim3A_119 : vector<16xf32> to vector<16xf32>
      tpu.vector_store %arg12[%swap3A_122], %swap3A_125 {strides = array<i32>} : memref<1024xf32, #tpu.memory_space<vmem>>, vector<16xf32>,
    }
    %scan3A_50 = arith.constant 64 : i32
    %lt3A = arith.constant 10 : i32
    %lt3A_51 = arith.cmpi slt, %arg1, %lt3A : i32
    %convert_element_type3A = arith.extui %lt3A_51 : i1 to i32
    %cond3A = arith.constant 0 : i32
    %cond3A_52 = arith.cmpi ne, %convert_element_type3A, %cond3A : i32
    scf.if %cond3A_52 {
      %mul3A_117 = arith.constant 1024 : i32
      %mul3A_118 = arith.muli %mul3A_117, %arg1 : i32
      "tpu.region"() ({
        %run_scoped3A = tpu.sem_alloc : memref<!tpu.dma_semaphore, #tpu.memory_space<semaphore_mem>>
        %dma_start3A = tpu.memref_slice %arg7[%mul3A_118] : memref<10240xf32, #tpu.memory_space<vmem_shared>> -> memref<1024xf32, #tpu.memory_space<vmem_shared>>
        %dma_start3A_119 = tpu.memref_slice %arg7[%mul3A_118] : memref<10240xf32, #tpu.memory_space<vmem_shared>> -> memref<1024xf32, #tpu.memory_space<vmem_shared>>
        tpu.enqueue_dma source(%arg12 : memref<1024xf32, #tpu.memory_space<vmem>>) target(%dma_start3A_119 : memref<1024xf32, #tpu.memory_space<vmem_shared>>) target_semaphore(%run_scoped3A : memref<!tpu.dma_semaphore, #tpu.memory_space<semaphore_mem>>)
        %dma_wait3A = tpu.memref_slice %arg7[%mul3A_118] : memref<10240xf32, #tpu.memory_space<vmem_shared>> -> memref<1024xf32, #tpu.memory_space<vmem_shared>>
        %dma_wait3A_120 = tpu.memref_slice %arg7[%mul3A_118] : memref<10240xf32, #tpu.memory_space<vmem_shared>> -> memref<1024xf32, #tpu.memory_space<vmem_shared>>
        tpu.wait_dma2 semaphore(%run_scoped3A : memref<!tpu.dma_semaphore, #tpu.memory_space<semaphore_mem>>) src(%arg12 : memref<1024xf32, #tpu.memory_space<vmem>>) dst(%dma_wait3A_120 : memref<1024xf32, #tpu.memory_space<vmem_shared>>)
        tpu.yield
      }) : () -> ()
    } else {
    }
    %eq3A = arith.constant 1 : i32
    %eq3A_53 = arith.cmpi eq, %arg0, %eq3A : i32
    %lt3A_54 = arith.constant 5 : i32
    %lt3A_55 = arith.cmpi slt, %arg1, %lt3A_54 : i32
    %and3A = arith.andi %eq3A_53, %lt3A_55 : i1
    %convert_element_type3A_56 = arith.extui %and3A : i1 to i32
    %cond3A_57 = arith.constant 0 : i32
    %cond3A_58 = arith.cmpi ne, %convert_element_type3A_56, %cond3A_57 : i32
    scf.if %cond3A_58 {
      %mul3A_117 = arith.constant 1024 : i32
      %mul3A_118 = arith.muli %mul3A_117, %arg1 : i32
      "tpu.region"() ({
        %run_scoped3A = tpu.sem_alloc : memref<!tpu.dma_semaphore, #tpu.memory_space<semaphore_mem>>
        %dma_start3A = tpu.memref_slice %arg8[%mul3A_118] : memref<5120xf32, #tpu.memory_space<vmem_shared>> -> memref<1024xf32, #tpu.memory_space<vmem_shared>>
        %dma_start3A_119 = tpu.memref_slice %arg8[%mul3A_118] : memref<5120xf32, #tpu.memory_space<vmem_shared>> -> memref<1024xf32, #tpu.memory_space<vmem_shared>>
        tpu.enqueue_dma source(%arg12 : memref<1024xf32, #tpu.memory_space<vmem>>) target(%dma_start3A_119 : memref<1024xf32, #tpu.memory_space<vmem_shared>>) target_semaphore(%run_scoped3A : memref<!tpu.dma_semaphore, #tpu.memory_space<semaphore_mem>>)
        %dma_wait3A = tpu.memref_slice %arg8[%mul3A_118] : memref<5120xf32, #tpu.memory_space<vmem_shared>> -> memref<1024xf32, #tpu.memory_space<vmem_shared>>
        %dma_wait3A_120 = tpu.memref_slice %arg8[%mul3A_118] : memref<5120xf32, #tpu.memory_space<vmem_shared>> -> memref<1024xf32, #tpu.memory_space<vmem_shared>>
        tpu.wait_dma2 semaphore(%run_scoped3A : memref<!tpu.dma_semaphore, #tpu.memory_space<semaphore_mem>>) src(%arg12 : memref<1024xf32, #tpu.memory_space<vmem>>) dst(%dma_wait3A_120 : memref<1024xf32, #tpu.memory_space<vmem_shared>>)
        tpu.yield
      }) : () -> ()
    } else {
    }
    %barrier3A = arith.constant 0 : index
    tpu.barrier barrier_id(%barrier3A)
    %mul3A = arith.constant 16 : i32
    %mul3A_59 = arith.muli %mul3A, %arg0 : i32
    %add3A = arith.addi %mul3A_59, %arg1 : i32
    %mul3A_60 = arith.constant 80 : i32
    %mul3A_61 = arith.muli %mul3A_60, %add3A : i32
    %lt3A_62 = arith.constant 31 : i32
    %lt3A_63 = arith.cmpi slt, %add3A, %lt3A_62 : i32
    %convert_element_type3A_64 = arith.extui %lt3A_63 : i1 to i32
    %cond3A_65 = arith.constant 0 : i32
    %cond3A_66 = arith.cmpi ne, %convert_element_type3A_64, %cond3A_65 : i32
    scf.if %cond3A_66 {
      "tpu.region"() ({
        %run_scoped3A = tpu.sem_alloc : memref<!tpu.dma_semaphore, #tpu.memory_space<semaphore_mem>>
        %dma_start3A = arith.constant 0 : i32
        %dma_start3A_117 = tpu.memref_slice %arg2[%mul3A_61, %dma_start3A] : memref<2500x128xi32, #tpu.memory_space<hbm>> -> memref<80x128xi32, #tpu.memory_space<hbm>>
        %dma_start3A_118 = arith.constant 0 : i32
        %dma_start3A_119 = tpu.memref_slice %arg2[%mul3A_61, %dma_start3A_118] : memref<2500x128xi32, #tpu.memory_space<hbm>> -> memref<80x128xi32, #tpu.memory_space<hbm>>
        tpu.enqueue_dma source(%dma_start3A_119 : memref<80x128xi32, #tpu.memory_space<hbm>>) target(%arg9 : memref<80x128xi32, #tpu.memory_space<vmem>>) target_semaphore(%run_scoped3A : memref<!tpu.dma_semaphore, #tpu.memory_space<semaphore_mem>>)
        %dma_wait3A = arith.constant 0 : i32
        %dma_wait3A_120 = tpu.memref_slice %arg2[%mul3A_61, %dma_wait3A] : memref<2500x128xi32, #tpu.memory_space<hbm>> -> memref<80x128xi32, #tpu.memory_space<hbm>>
        %dma_wait3A_121 = arith.constant 0 : i32
        %dma_wait3A_122 = tpu.memref_slice %arg2[%mul3A_61, %dma_wait3A_121] : memref<2500x128xi32, #tpu.memory_space<hbm>> -> memref<80x128xi32, #tpu.memory_space<hbm>>
        tpu.wait_dma2 semaphore(%run_scoped3A : memref<!tpu.dma_semaphore, #tpu.memory_space<semaphore_mem>>) src(%dma_wait3A_122 : memref<80x128xi32, #tpu.memory_space<hbm>>) dst(%arg9 : memref<80x128xi32, #tpu.memory_space<vmem>>)
        tpu.yield
      }) : () -> ()
    } else {
    }
    %eq3A_67 = arith.constant 31 : i32
    %eq3A_68 = arith.cmpi eq, %add3A, %eq3A_67 : i32
    %convert_element_type3A_69 = arith.extui %eq3A_68 : i1 to i32
    %cond3A_70 = arith.constant 0 : i32
    %cond3A_71 = arith.cmpi ne, %convert_element_type3A_69, %cond3A_70 : i32
    scf.if %cond3A_71 {
      "tpu.region"() ({
        %run_scoped3A = tpu.sem_alloc : memref<!tpu.dma_semaphore, #tpu.memory_space<semaphore_mem>>
        %dma_start3A = arith.constant 0 : i32
        %dma_start3A_117 = arith.constant 0 : i32
        %dma_start3A_118 = tpu.memref_slice %arg9[%dma_start3A, %dma_start3A_117] : memref<80x128xi32, #tpu.memory_space<vmem>> -> memref<20x128xi32, #tpu.memory_space<vmem>>
        %dma_start3A_119 = arith.constant 2480 : i32
        %dma_start3A_120 = arith.constant 0 : i32
        %dma_start3A_121 = tpu.memref_slice %arg2[%dma_start3A_119, %dma_start3A_120] : memref<2500x128xi32, #tpu.memory_space<hbm>> -> memref<20x128xi32, #tpu.memory_space<hbm>>
        %dma_start3A_122 = arith.constant 0 : i32
        %dma_start3A_123 = arith.constant 0 : i32
        %dma_start3A_124 = tpu.memref_slice %arg9[%dma_start3A_122, %dma_start3A_123] : memref<80x128xi32, #tpu.memory_space<vmem>> -> memref<20x128xi32, #tpu.memory_space<vmem>>
        %dma_start3A_125 = arith.constant 2480 : i32
        %dma_start3A_126 = arith.constant 0 : i32
        %dma_start3A_127 = tpu.memref_slice %arg2[%dma_start3A_125, %dma_start3A_126] : memref<2500x128xi32, #tpu.memory_space<hbm>> -> memref<20x128xi32, #tpu.memory_space<hbm>>
        tpu.enqueue_dma source(%dma_start3A_127 : memref<20x128xi32, #tpu.memory_space<hbm>>) target(%dma_start3A_124 : memref<20x128xi32, #tpu.memory_space<vmem>>) target_semaphore(%run_scoped3A : memref<!tpu.dma_semaphore, #tpu.memory_space<semaphore_mem>>)
        %dma_wait3A = arith.constant 0 : i32
        %dma_wait3A_128 = arith.constant 0 : i32
        %dma_wait3A_129 = tpu.memref_slice %arg9[%dma_wait3A, %dma_wait3A_128] : memref<80x128xi32, #tpu.memory_space<vmem>> -> memref<20x128xi32, #tpu.memory_space<vmem>>
        %dma_wait3A_130 = arith.constant 2480 : i32
        %dma_wait3A_131 = arith.constant 0 : i32
        %dma_wait3A_132 = tpu.memref_slice %arg2[%dma_wait3A_130, %dma_wait3A_131] : memref<2500x128xi32, #tpu.memory_space<hbm>> -> memref<20x128xi32, #tpu.memory_space<hbm>>
        %dma_wait3A_133 = arith.constant 0 : i32
        %dma_wait3A_134 = arith.constant 0 : i32
        %dma_wait3A_135 = tpu.memref_slice %arg9[%dma_wait3A_133, %dma_wait3A_134] : memref<80x128xi32, #tpu.memory_space<vmem>> -> memref<20x128xi32, #tpu.memory_space<vmem>>
        %dma_wait3A_136 = arith.constant 2480 : i32
        %dma_wait3A_137 = arith.constant 0 : i32
        %dma_wait3A_138 = tpu.memref_slice %arg2[%dma_wait3A_136, %dma_wait3A_137] : memref<2500x128xi32, #tpu.memory_space<hbm>> -> memref<20x128xi32, #tpu.memory_space<hbm>>
        tpu.wait_dma2 semaphore(%run_scoped3A : memref<!tpu.dma_semaphore, #tpu.memory_space<semaphore_mem>>) src(%dma_wait3A_138 : memref<20x128xi32, #tpu.memory_space<hbm>>) dst(%dma_wait3A_135 : memref<20x128xi32, #tpu.memory_space<vmem>>)
        tpu.yield
      }) : () -> ()
    } else {
    }
    %lt3A_72 = arith.constant 31 : i32
    %lt3A_73 = arith.cmpi slt, %add3A, %lt3A_72 : i32
    %jit3A = arith.constant 80 : i32
    %jit3A_74 = arith.constant 20 : i32
    %select_n3A = arith.select %lt3A_73, %jit3A, %jit3A_74 : i32
    %while3A = arith.constant 0 : i32
    %while3A_75 = arith.constant 0 : i32
    %while3A_76 = arith.subi %select_n3A, %while3A_75 : i32
    %while3A_77 = arith.addi %while3A_75, %while3A_76 : i32
    %while3A_78 = arith.constant 1 : i32
    %while3A_79 = arith.divsi %while3A_76, %while3A_78 : i32
    %while3A_80 = arith.muli %while3A_79, %while3A_78 : i32
    %while3A_81 = arith.addi %while3A_75, %while3A_80 : i32
    %while3A_82 = arith.constant 1 : i32
    scf.for %while3A_117 = %while3A_75 to %while3A_81 step %while3A_82  : i32 {
      "tpu.region"() ({
        %run_scoped3A = tpu.sem_alloc : memref<!tpu.dma_semaphore, #tpu.memory_space<semaphore_mem>>
        %dma_start3A = arith.constant 0 : i32
        %dma_start3A_118 = tpu.memref_slice %arg9[%while3A_117, %dma_start3A] : memref<80x128xi32, #tpu.memory_space<vmem>> -> memref<1x128xi32, #tpu.memory_space<vmem>>
        %dma_start3A_119 = tpu.memref_squeeze %dma_start3A_118 : memref<1x128xi32, #tpu.memory_space<vmem>> -> memref<128xi32, #tpu.memory_space<vmem>>
        %dma_start3A_120 = arith.constant 0 : i32
        %dma_start3A_121 = tpu.memref_slice %arg7[%dma_start3A_120] : memref<10240xf32, #tpu.memory_space<vmem_shared>> -> memref<10240xf32, #tpu.memory_space<vmem_shared>>
        tpu.enqueue_indirect_dma source(%arg11 : memref<128xf32, #tpu.memory_space<vmem>>) target(%dma_start3A_121 : memref<10240xf32, #tpu.memory_space<vmem_shared>>) offsets(%dma_start3A_119 : memref<128xi32, #tpu.memory_space<vmem>>) semaphore(%run_scoped3A : memref<!tpu.dma_semaphore, #tpu.memory_space<semaphore_mem>>) {add = true}
        %dma_wait3A = arith.constant 0 : i32
        %dma_wait3A_122 = tpu.memref_slice %arg9[%while3A_117, %dma_wait3A] : memref<80x128xi32, #tpu.memory_space<vmem>> -> memref<1x128xi32, #tpu.memory_space<vmem>>
        %dma_wait3A_123 = tpu.memref_squeeze %dma_wait3A_122 : memref<1x128xi32, #tpu.memory_space<vmem>> -> memref<128xi32, #tpu.memory_space<vmem>>
        %dma_wait3A_124 = arith.constant 0 : i32
        %dma_wait3A_125 = tpu.memref_slice %arg7[%dma_wait3A_124] : memref<10240xf32, #tpu.memory_space<vmem_shared>> -> memref<10240xf32, #tpu.memory_space<vmem_shared>>
        tpu.wait_indirect_dma semaphore(%run_scoped3A : memref<!tpu.dma_semaphore, #tpu.memory_space<semaphore_mem>>) src(%arg11 : memref<128xf32, #tpu.memory_space<vmem>>) dst(%dma_wait3A_125 : memref<10240xf32, #tpu.memory_space<vmem_shared>>)
        tpu.yield
      }) : () -> ()
    }
    %while3A_83 = arith.constant 1 : i32
    scf.for %while3A_117 = %while3A_81 to %while3A_77 step %while3A_83  : i32 {
      "tpu.region"() ({
        %run_scoped3A = tpu.sem_alloc : memref<!tpu.dma_semaphore, #tpu.memory_space<semaphore_mem>>
        %dma_start3A = arith.constant 0 : i32
        %dma_start3A_118 = tpu.memref_slice %arg9[%while3A_117, %dma_start3A] : memref<80x128xi32, #tpu.memory_space<vmem>> -> memref<1x128xi32, #tpu.memory_space<vmem>>
        %dma_start3A_119 = tpu.memref_squeeze %dma_start3A_118 : memref<1x128xi32, #tpu.memory_space<vmem>> -> memref<128xi32, #tpu.memory_space<vmem>>
        %dma_start3A_120 = arith.constant 0 : i32
        %dma_start3A_121 = tpu.memref_slice %arg7[%dma_start3A_120] : memref<10240xf32, #tpu.memory_space<vmem_shared>> -> memref<10240xf32, #tpu.memory_space<vmem_shared>>
        tpu.enqueue_indirect_dma source(%arg11 : memref<128xf32, #tpu.memory_space<vmem>>) target(%dma_start3A_121 : memref<10240xf32, #tpu.memory_space<vmem_shared>>) offsets(%dma_start3A_119 : memref<128xi32, #tpu.memory_space<vmem>>) semaphore(%run_scoped3A : memref<!tpu.dma_semaphore, #tpu.memory_space<semaphore_mem>>) {add = true}
        %dma_wait3A = arith.constant 0 : i32
        %dma_wait3A_122 = tpu.memref_slice %arg9[%while3A_117, %dma_wait3A] : memref<80x128xi32, #tpu.memory_space<vmem>> -> memref<1x128xi32, #tpu.memory_space<vmem>>
        %dma_wait3A_123 = tpu.memref_squeeze %dma_wait3A_122 : memref<1x128xi32, #tpu.memory_space<vmem>> -> memref<128xi32, #tpu.memory_space<vmem>>
        %dma_wait3A_124 = arith.constant 0 : i32
        %dma_wait3A_125 = tpu.memref_slice %arg7[%dma_wait3A_124] : memref<10240xf32, #tpu.memory_space<vmem_shared>> -> memref<10240xf32, #tpu.memory_space<vmem_shared>>
        tpu.wait_indirect_dma semaphore(%run_scoped3A : memref<!tpu.dma_semaphore, #tpu.memory_space<semaphore_mem>>) src(%arg11 : memref<128xf32, #tpu.memory_space<vmem>>) dst(%dma_wait3A_125 : memref<10240xf32, #tpu.memory_space<vmem_shared>>)
        tpu.yield
      }) : () -> ()
    }
    %eq3A_84 = arith.constant 1 : i32
    %eq3A_85 = arith.cmpi eq, %arg0, %eq3A_84 : i32
    %lt3A_86 = arith.constant 10 : i32
    %lt3A_87 = arith.cmpi slt, %arg1, %lt3A_86 : i32
    %and3A_88 = arith.andi %eq3A_85, %lt3A_87 : i1
    %convert_element_type3A_89 = arith.extui %and3A_88 : i1 to i32
    %cond3A_90 = arith.constant 0 : i32
    %cond3A_91 = arith.cmpi ne, %convert_element_type3A_89, %cond3A_90 : i32
    scf.if %cond3A_91 {
      %mul3A_117 = arith.constant 8 : i32
      %mul3A_118 = arith.muli %mul3A_117, %arg1 : i32
      "tpu.region"() ({
        %run_scoped3A_126 = tpu.sem_alloc : memref<!tpu.dma_semaphore, #tpu.memory_space<semaphore_mem>>
        %dma_start3A = arith.constant 0 : i32
        %dma_start3A_127 = tpu.memref_slice %arg3[%mul3A_118, %dma_start3A] : memref<80x128xi32, #tpu.memory_space<hbm>> -> memref<8x128xi32, #tpu.memory_space<hbm>>
        %dma_start3A_128 = arith.constant 0 : i32
        %dma_start3A_129 = tpu.memref_slice %arg3[%mul3A_118, %dma_start3A_128] : memref<80x128xi32, #tpu.memory_space<hbm>> -> memref<8x128xi32, #tpu.memory_space<hbm>>
        tpu.enqueue_dma source(%dma_start3A_129 : memref<8x128xi32, #tpu.memory_space<hbm>>) target(%arg10 : memref<8x128xi32, #tpu.memory_space<vmem>>) target_semaphore(%run_scoped3A_126 : memref<!tpu.dma_semaphore, #tpu.memory_space<semaphore_mem>>)
        %dma_wait3A = arith.constant 0 : i32
        %dma_wait3A_130 = tpu.memref_slice %arg3[%mul3A_118, %dma_wait3A] : memref<80x128xi32, #tpu.memory_space<hbm>> -> memref<8x128xi32, #tpu.memory_space<hbm>>
        %dma_wait3A_131 = arith.constant 0 : i32
        %dma_wait3A_132 = tpu.memref_slice %arg3[%mul3A_118, %dma_wait3A_131] : memref<80x128xi32, #tpu.memory_space<hbm>> -> memref<8x128xi32, #tpu.memory_space<hbm>>
        tpu.wait_dma2 semaphore(%run_scoped3A_126 : memref<!tpu.dma_semaphore, #tpu.memory_space<semaphore_mem>>) src(%dma_wait3A_132 : memref<8x128xi32, #tpu.memory_space<hbm>>) dst(%arg10 : memref<8x128xi32, #tpu.memory_space<vmem>>)
        tpu.yield
      }) : () -> ()
      %run_scoped3A = arith.constant 0 : i32
      "tpu.region"() ({
        %run_scoped3A_126 = tpu.sem_alloc : memref<!tpu.dma_semaphore, #tpu.memory_space<semaphore_mem>>
        %dma_start3A = arith.constant 0 : i32
        %dma_start3A_127 = tpu.memref_slice %arg10[%run_scoped3A, %dma_start3A] : memref<8x128xi32, #tpu.memory_space<vmem>> -> memref<1x128xi32, #tpu.memory_space<vmem>>
        %dma_start3A_128 = tpu.memref_squeeze %dma_start3A_127 : memref<1x128xi32, #tpu.memory_space<vmem>> -> memref<128xi32, #tpu.memory_space<vmem>>
        %dma_start3A_129 = arith.constant 0 : i32
        %dma_start3A_130 = tpu.memref_slice %arg8[%dma_start3A_129] : memref<5120xf32, #tpu.memory_space<vmem_shared>> -> memref<5120xf32, #tpu.memory_space<vmem_shared>>
        tpu.enqueue_indirect_dma source(%arg11 : memref<128xf32, #tpu.memory_space<vmem>>) target(%dma_start3A_130 : memref<5120xf32, #tpu.memory_space<vmem_shared>>) offsets(%dma_start3A_128 : memref<128xi32, #tpu.memory_space<vmem>>) semaphore(%run_scoped3A_126 : memref<!tpu.dma_semaphore, #tpu.memory_space<semaphore_mem>>) {add = true}
        %dma_wait3A = arith.constant 0 : i32
        %dma_wait3A_131 = tpu.memref_slice %arg10[%run_scoped3A, %dma_wait3A] : memref<8x128xi32, #tpu.memory_space<vmem>> -> memref<1x128xi32, #tpu.memory_space<vmem>>
        %dma_wait3A_132 = tpu.memref_squeeze %dma_wait3A_131 : memref<1x128xi32, #tpu.memory_space<vmem>> -> memref<128xi32, #tpu.memory_space<vmem>>
        %dma_wait3A_133 = arith.constant 0 : i32
        %dma_wait3A_134 = tpu.memref_slice %arg8[%dma_wait3A_133] : memref<5120xf32, #tpu.memory_space<vmem_shared>> -> memref<5120xf32, #tpu.memory_space<vmem_shared>>
        tpu.wait_indirect_dma semaphore(%run_scoped3A_126 : memref<!tpu.dma_semaphore, #tpu.memory_space<semaphore_mem>>) src(%arg11 : memref<128xf32, #tpu.memory_space<vmem>>) dst(%dma_wait3A_134 : memref<5120xf32, #tpu.memory_space<vmem_shared>>)
        tpu.yield
      }) : () -> ()
      %run_scoped3A_119 = arith.constant 1 : i32
      "tpu.region"() ({
        %run_scoped3A_126 = tpu.sem_alloc : memref<!tpu.dma_semaphore, #tpu.memory_space<semaphore_mem>>
        %dma_start3A = arith.constant 0 : i32
        %dma_start3A_127 = tpu.memref_slice %arg10[%run_scoped3A_119, %dma_start3A] : memref<8x128xi32, #tpu.memory_space<vmem>> -> memref<1x128xi32, #tpu.memory_space<vmem>>
        %dma_start3A_128 = tpu.memref_squeeze %dma_start3A_127 : memref<1x128xi32, #tpu.memory_space<vmem>> -> memref<128xi32, #tpu.memory_space<vmem>>
        %dma_start3A_129 = arith.constant 0 : i32
        %dma_start3A_130 = tpu.memref_slice %arg8[%dma_start3A_129] : memref<5120xf32, #tpu.memory_space<vmem_shared>> -> memref<5120xf32, #tpu.memory_space<vmem_shared>>
        tpu.enqueue_indirect_dma source(%arg11 : memref<128xf32, #tpu.memory_space<vmem>>) target(%dma_start3A_130 : memref<5120xf32, #tpu.memory_space<vmem_shared>>) offsets(%dma_start3A_128 : memref<128xi32, #tpu.memory_space<vmem>>) semaphore(%run_scoped3A_126 : memref<!tpu.dma_semaphore, #tpu.memory_space<semaphore_mem>>) {add = true}
        %dma_wait3A = arith.constant 0 : i32
        %dma_wait3A_131 = tpu.memref_slice %arg10[%run_scoped3A_119, %dma_wait3A] : memref<8x128xi32, #tpu.memory_space<vmem>> -> memref<1x128xi32, #tpu.memory_space<vmem>>
        %dma_wait3A_132 = tpu.memref_squeeze %dma_wait3A_131 : memref<1x128xi32, #tpu.memory_space<vmem>> -> memref<128xi32, #tpu.memory_space<vmem>>
        %dma_wait3A_133 = arith.constant 0 : i32
        %dma_wait3A_134 = tpu.memref_slice %arg8[%dma_wait3A_133] : memref<5120xf32, #tpu.memory_space<vmem_shared>> -> memref<5120xf32, #tpu.memory_space<vmem_shared>>
        tpu.wait_indirect_dma semaphore(%run_scoped3A_126 : memref<!tpu.dma_semaphore, #tpu.memory_space<semaphore_mem>>) src(%arg11 : memref<128xf32, #tpu.memory_space<vmem>>) dst(%dma_wait3A_134 : memref<5120xf32, #tpu.memory_space<vmem_shared>>)
        tpu.yield
      }) : () -> ()
      %run_scoped3A_120 = arith.constant 2 : i32
      "tpu.region"() ({
        %run_scoped3A_126 = tpu.sem_alloc : memref<!tpu.dma_semaphore, #tpu.memory_space<semaphore_mem>>
        %dma_start3A = arith.constant 0 : i32
        %dma_start3A_127 = tpu.memref_slice %arg10[%run_scoped3A_120, %dma_start3A] : memref<8x128xi32, #tpu.memory_space<vmem>> -> memref<1x128xi32, #tpu.memory_space<vmem>>
        %dma_start3A_128 = tpu.memref_squeeze %dma_start3A_127 : memref<1x128xi32, #tpu.memory_space<vmem>> -> memref<128xi32, #tpu.memory_space<vmem>>
        %dma_start3A_129 = arith.constant 0 : i32
        %dma_start3A_130 = tpu.memref_slice %arg8[%dma_start3A_129] : memref<5120xf32, #tpu.memory_space<vmem_shared>> -> memref<5120xf32, #tpu.memory_space<vmem_shared>>
        tpu.enqueue_indirect_dma source(%arg11 : memref<128xf32, #tpu.memory_space<vmem>>) target(%dma_start3A_130 : memref<5120xf32, #tpu.memory_space<vmem_shared>>) offsets(%dma_start3A_128 : memref<128xi32, #tpu.memory_space<vmem>>) semaphore(%run_scoped3A_126 : memref<!tpu.dma_semaphore, #tpu.memory_space<semaphore_mem>>) {add = true}
        %dma_wait3A = arith.constant 0 : i32
        %dma_wait3A_131 = tpu.memref_slice %arg10[%run_scoped3A_120, %dma_wait3A] : memref<8x128xi32, #tpu.memory_space<vmem>> -> memref<1x128xi32, #tpu.memory_space<vmem>>
        %dma_wait3A_132 = tpu.memref_squeeze %dma_wait3A_131 : memref<1x128xi32, #tpu.memory_space<vmem>> -> memref<128xi32, #tpu.memory_space<vmem>>
        %dma_wait3A_133 = arith.constant 0 : i32
        %dma_wait3A_134 = tpu.memref_slice %arg8[%dma_wait3A_133] : memref<5120xf32, #tpu.memory_space<vmem_shared>> -> memref<5120xf32, #tpu.memory_space<vmem_shared>>
        tpu.wait_indirect_dma semaphore(%run_scoped3A_126 : memref<!tpu.dma_semaphore, #tpu.memory_space<semaphore_mem>>) src(%arg11 : memref<128xf32, #tpu.memory_space<vmem>>) dst(%dma_wait3A_134 : memref<5120xf32, #tpu.memory_space<vmem_shared>>)
        tpu.yield
      }) : () -> ()
      %run_scoped3A_121 = arith.constant 3 : i32
      "tpu.region"() ({
        %run_scoped3A_126 = tpu.sem_alloc : memref<!tpu.dma_semaphore, #tpu.memory_space<semaphore_mem>>
        %dma_start3A = arith.constant 0 : i32
        %dma_start3A_127 = tpu.memref_slice %arg10[%run_scoped3A_121, %dma_start3A] : memref<8x128xi32, #tpu.memory_space<vmem>> -> memref<1x128xi32, #tpu.memory_space<vmem>>
        %dma_start3A_128 = tpu.memref_squeeze %dma_start3A_127 : memref<1x128xi32, #tpu.memory_space<vmem>> -> memref<128xi32, #tpu.memory_space<vmem>>
        %dma_start3A_129 = arith.constant 0 : i32
        %dma_start3A_130 = tpu.memref_slice %arg8[%dma_start3A_129] : memref<5120xf32, #tpu.memory_space<vmem_shared>> -> memref<5120xf32, #tpu.memory_space<vmem_shared>>
        tpu.enqueue_indirect_dma source(%arg11 : memref<128xf32, #tpu.memory_space<vmem>>) target(%dma_start3A_130 : memref<5120xf32, #tpu.memory_space<vmem_shared>>) offsets(%dma_start3A_128 : memref<128xi32, #tpu.memory_space<vmem>>) semaphore(%run_scoped3A_126 : memref<!tpu.dma_semaphore, #tpu.memory_space<semaphore_mem>>) {add = true}
        %dma_wait3A = arith.constant 0 : i32
        %dma_wait3A_131 = tpu.memref_slice %arg10[%run_scoped3A_121, %dma_wait3A] : memref<8x128xi32, #tpu.memory_space<vmem>> -> memref<1x128xi32, #tpu.memory_space<vmem>>
        %dma_wait3A_132 = tpu.memref_squeeze %dma_wait3A_131 : memref<1x128xi32, #tpu.memory_space<vmem>> -> memref<128xi32, #tpu.memory_space<vmem>>
        %dma_wait3A_133 = arith.constant 0 : i32
        %dma_wait3A_134 = tpu.memref_slice %arg8[%dma_wait3A_133] : memref<5120xf32, #tpu.memory_space<vmem_shared>> -> memref<5120xf32, #tpu.memory_space<vmem_shared>>
        tpu.wait_indirect_dma semaphore(%run_scoped3A_126 : memref<!tpu.dma_semaphore, #tpu.memory_space<semaphore_mem>>) src(%arg11 : memref<128xf32, #tpu.memory_space<vmem>>) dst(%dma_wait3A_134 : memref<5120xf32, #tpu.memory_space<vmem_shared>>)
        tpu.yield
      }) : () -> ()
      %run_scoped3A_122 = arith.constant 4 : i32
      "tpu.region"() ({
        %run_scoped3A_126 = tpu.sem_alloc : memref<!tpu.dma_semaphore, #tpu.memory_space<semaphore_mem>>
        %dma_start3A = arith.constant 0 : i32
        %dma_start3A_127 = tpu.memref_slice %arg10[%run_scoped3A_122, %dma_start3A] : memref<8x128xi32, #tpu.memory_space<vmem>> -> memref<1x128xi32, #tpu.memory_space<vmem>>
        %dma_start3A_128 = tpu.memref_squeeze %dma_start3A_127 : memref<1x128xi32, #tpu.memory_space<vmem>> -> memref<128xi32, #tpu.memory_space<vmem>>
        %dma_start3A_129 = arith.constant 0 : i32
        %dma_start3A_130 = tpu.memref_slice %arg8[%dma_start3A_129] : memref<5120xf32, #tpu.memory_space<vmem_shared>> -> memref<5120xf32, #tpu.memory_space<vmem_shared>>
        tpu.enqueue_indirect_dma source(%arg11 : memref<128xf32, #tpu.memory_space<vmem>>) target(%dma_start3A_130 : memref<5120xf32, #tpu.memory_space<vmem_shared>>) offsets(%dma_start3A_128 : memref<128xi32, #tpu.memory_space<vmem>>) semaphore(%run_scoped3A_126 : memref<!tpu.dma_semaphore, #tpu.memory_space<semaphore_mem>>) {add = true}
        %dma_wait3A = arith.constant 0 : i32
        %dma_wait3A_131 = tpu.memref_slice %arg10[%run_scoped3A_122, %dma_wait3A] : memref<8x128xi32, #tpu.memory_space<vmem>> -> memref<1x128xi32, #tpu.memory_space<vmem>>
        %dma_wait3A_132 = tpu.memref_squeeze %dma_wait3A_131 : memref<1x128xi32, #tpu.memory_space<vmem>> -> memref<128xi32, #tpu.memory_space<vmem>>
        %dma_wait3A_133 = arith.constant 0 : i32
        %dma_wait3A_134 = tpu.memref_slice %arg8[%dma_wait3A_133] : memref<5120xf32, #tpu.memory_space<vmem_shared>> -> memref<5120xf32, #tpu.memory_space<vmem_shared>>
        tpu.wait_indirect_dma semaphore(%run_scoped3A_126 : memref<!tpu.dma_semaphore, #tpu.memory_space<semaphore_mem>>) src(%arg11 : memref<128xf32, #tpu.memory_space<vmem>>) dst(%dma_wait3A_134 : memref<5120xf32, #tpu.memory_space<vmem_shared>>)
        tpu.yield
      }) : () -> ()
      %run_scoped3A_123 = arith.constant 5 : i32
      "tpu.region"() ({
        %run_scoped3A_126 = tpu.sem_alloc : memref<!tpu.dma_semaphore, #tpu.memory_space<semaphore_mem>>
        %dma_start3A = arith.constant 0 : i32
        %dma_start3A_127 = tpu.memref_slice %arg10[%run_scoped3A_123, %dma_start3A] : memref<8x128xi32, #tpu.memory_space<vmem>> -> memref<1x128xi32, #tpu.memory_space<vmem>>
        %dma_start3A_128 = tpu.memref_squeeze %dma_start3A_127 : memref<1x128xi32, #tpu.memory_space<vmem>> -> memref<128xi32, #tpu.memory_space<vmem>>
        %dma_start3A_129 = arith.constant 0 : i32
        %dma_start3A_130 = tpu.memref_slice %arg8[%dma_start3A_129] : memref<5120xf32, #tpu.memory_space<vmem_shared>> -> memref<5120xf32, #tpu.memory_space<vmem_shared>>
        tpu.enqueue_indirect_dma source(%arg11 : memref<128xf32, #tpu.memory_space<vmem>>) target(%dma_start3A_130 : memref<5120xf32, #tpu.memory_space<vmem_shared>>) offsets(%dma_start3A_128 : memref<128xi32, #tpu.memory_space<vmem>>) semaphore(%run_scoped3A_126 : memref<!tpu.dma_semaphore, #tpu.memory_space<semaphore_mem>>) {add = true}
        %dma_wait3A = arith.constant 0 : i32
        %dma_wait3A_131 = tpu.memref_slice %arg10[%run_scoped3A_123, %dma_wait3A] : memref<8x128xi32, #tpu.memory_space<vmem>> -> memref<1x128xi32, #tpu.memory_space<vmem>>
        %dma_wait3A_132 = tpu.memref_squeeze %dma_wait3A_131 : memref<1x128xi32, #tpu.memory_space<vmem>> -> memref<128xi32, #tpu.memory_space<vmem>>
        %dma_wait3A_133 = arith.constant 0 : i32
        %dma_wait3A_134 = tpu.memref_slice %arg8[%dma_wait3A_133] : memref<5120xf32, #tpu.memory_space<vmem_shared>> -> memref<5120xf32, #tpu.memory_space<vmem_shared>>
        tpu.wait_indirect_dma semaphore(%run_scoped3A_126 : memref<!tpu.dma_semaphore, #tpu.memory_space<semaphore_mem>>) src(%arg11 : memref<128xf32, #tpu.memory_space<vmem>>) dst(%dma_wait3A_134 : memref<5120xf32, #tpu.memory_space<vmem_shared>>)
        tpu.yield
      }) : () -> ()
      %run_scoped3A_124 = arith.constant 6 : i32
      "tpu.region"() ({
        %run_scoped3A_126 = tpu.sem_alloc : memref<!tpu.dma_semaphore, #tpu.memory_space<semaphore_mem>>
        %dma_start3A = arith.constant 0 : i32
        %dma_start3A_127 = tpu.memref_slice %arg10[%run_scoped3A_124, %dma_start3A] : memref<8x128xi32, #tpu.memory_space<vmem>> -> memref<1x128xi32, #tpu.memory_space<vmem>>
        %dma_start3A_128 = tpu.memref_squeeze %dma_start3A_127 : memref<1x128xi32, #tpu.memory_space<vmem>> -> memref<128xi32, #tpu.memory_space<vmem>>
        %dma_start3A_129 = arith.constant 0 : i32
        %dma_start3A_130 = tpu.memref_slice %arg8[%dma_start3A_129] : memref<5120xf32, #tpu.memory_space<vmem_shared>> -> memref<5120xf32, #tpu.memory_space<vmem_shared>>
        tpu.enqueue_indirect_dma source(%arg11 : memref<128xf32, #tpu.memory_space<vmem>>) target(%dma_start3A_130 : memref<5120xf32, #tpu.memory_space<vmem_shared>>) offsets(%dma_start3A_128 : memref<128xi32, #tpu.memory_space<vmem>>) semaphore(%run_scoped3A_126 : memref<!tpu.dma_semaphore, #tpu.memory_space<semaphore_mem>>) {add = true}
        %dma_wait3A = arith.constant 0 : i32
        %dma_wait3A_131 = tpu.memref_slice %arg10[%run_scoped3A_124, %dma_wait3A] : memref<8x128xi32, #tpu.memory_space<vmem>> -> memref<1x128xi32, #tpu.memory_space<vmem>>
        %dma_wait3A_132 = tpu.memref_squeeze %dma_wait3A_131 : memref<1x128xi32, #tpu.memory_space<vmem>> -> memref<128xi32, #tpu.memory_space<vmem>>
        %dma_wait3A_133 = arith.constant 0 : i32
        %dma_wait3A_134 = tpu.memref_slice %arg8[%dma_wait3A_133] : memref<5120xf32, #tpu.memory_space<vmem_shared>> -> memref<5120xf32, #tpu.memory_space<vmem_shared>>
        tpu.wait_indirect_dma semaphore(%run_scoped3A_126 : memref<!tpu.dma_semaphore, #tpu.memory_space<semaphore_mem>>) src(%arg11 : memref<128xf32, #tpu.memory_space<vmem>>) dst(%dma_wait3A_134 : memref<5120xf32, #tpu.memory_space<vmem_shared>>)
        tpu.yield
      }) : () -> ()
      %run_scoped3A_125 = arith.constant 7 : i32
      "tpu.region"() ({
        %run_scoped3A_126 = tpu.sem_alloc : memref<!tpu.dma_semaphore, #tpu.memory_space<semaphore_mem>>
        %dma_start3A = arith.constant 0 : i32
        %dma_start3A_127 = tpu.memref_slice %arg10[%run_scoped3A_125, %dma_start3A] : memref<8x128xi32, #tpu.memory_space<vmem>> -> memref<1x128xi32, #tpu.memory_space<vmem>>
        %dma_start3A_128 = tpu.memref_squeeze %dma_start3A_127 : memref<1x128xi32, #tpu.memory_space<vmem>> -> memref<128xi32, #tpu.memory_space<vmem>>
        %dma_start3A_129 = arith.constant 0 : i32
        %dma_start3A_130 = tpu.memref_slice %arg8[%dma_start3A_129] : memref<5120xf32, #tpu.memory_space<vmem_shared>> -> memref<5120xf32, #tpu.memory_space<vmem_shared>>
        tpu.enqueue_indirect_dma source(%arg11 : memref<128xf32, #tpu.memory_space<vmem>>) target(%dma_start3A_130 : memref<5120xf32, #tpu.memory_space<vmem_shared>>) offsets(%dma_start3A_128 : memref<128xi32, #tpu.memory_space<vmem>>) semaphore(%run_scoped3A_126 : memref<!tpu.dma_semaphore, #tpu.memory_space<semaphore_mem>>) {add = true}
        %dma_wait3A = arith.constant 0 : i32
        %dma_wait3A_131 = tpu.memref_slice %arg10[%run_scoped3A_125, %dma_wait3A] : memref<8x128xi32, #tpu.memory_space<vmem>> -> memref<1x128xi32, #tpu.memory_space<vmem>>
        %dma_wait3A_132 = tpu.memref_squeeze %dma_wait3A_131 : memref<1x128xi32, #tpu.memory_space<vmem>> -> memref<128xi32, #tpu.memory_space<vmem>>
        %dma_wait3A_133 = arith.constant 0 : i32
        %dma_wait3A_134 = tpu.memref_slice %arg8[%dma_wait3A_133] : memref<5120xf32, #tpu.memory_space<vmem_shared>> -> memref<5120xf32, #tpu.memory_space<vmem_shared>>
        tpu.wait_indirect_dma semaphore(%run_scoped3A_126 : memref<!tpu.dma_semaphore, #tpu.memory_space<semaphore_mem>>) src(%arg11 : memref<128xf32, #tpu.memory_space<vmem>>) dst(%dma_wait3A_134 : memref<5120xf32, #tpu.memory_space<vmem_shared>>)
        tpu.yield
      }) : () -> ()
    } else {
    }
    %barrier3A_92 = arith.constant 0 : index
    tpu.barrier barrier_id(%barrier3A_92)
    %eq3A_93 = arith.constant 0 : i32
    %eq3A_94 = arith.cmpi eq, %arg0, %eq3A_93 : i32
    %lt3A_95 = arith.constant 10 : i32
    %lt3A_96 = arith.cmpi slt, %arg1, %lt3A_95 : i32
    %and3A_97 = arith.andi %eq3A_94, %lt3A_96 : i1
    %convert_element_type3A_98 = arith.extui %and3A_97 : i1 to i32
    %cond3A_99 = arith.constant 0 : i32
    %cond3A_100 = arith.cmpi ne, %convert_element_type3A_98, %cond3A_99 : i32
    scf.if %cond3A_100 {
      %mul3A_117 = arith.constant 1024 : i32
      %mul3A_118 = arith.muli %mul3A_117, %arg1 : i32
      %mul3A_119 = arith.constant 1024 : i32
      %mul3A_120 = arith.muli %mul3A_119, %arg1 : i32
      "tpu.region"() ({
        %run_scoped3A = tpu.sem_alloc : memref<!tpu.dma_semaphore, #tpu.memory_space<semaphore_mem>>
        %dma_start3A = tpu.memref_slice %arg4[%mul3A_120] : memref<10240xf32, #tpu.memory_space<hbm>> -> memref<1024xf32, #tpu.memory_space<hbm>>
        %dma_start3A_121 = tpu.memref_slice %arg7[%mul3A_118] : memref<10240xf32, #tpu.memory_space<vmem_shared>> -> memref<1024xf32, #tpu.memory_space<vmem_shared>>
        tpu.enqueue_dma source(%dma_start3A_121 : memref<1024xf32, #tpu.memory_space<vmem_shared>>) target(%dma_start3A : memref<1024xf32, #tpu.memory_space<hbm>>) target_semaphore(%run_scoped3A : memref<!tpu.dma_semaphore, #tpu.memory_space<semaphore_mem>>)
        %dma_wait3A = tpu.memref_slice %arg4[%mul3A_120] : memref<10240xf32, #tpu.memory_space<hbm>> -> memref<1024xf32, #tpu.memory_space<hbm>>
        %dma_wait3A_122 = tpu.memref_slice %arg7[%mul3A_118] : memref<10240xf32, #tpu.memory_space<vmem_shared>> -> memref<1024xf32, #tpu.memory_space<vmem_shared>>
        tpu.wait_dma2 semaphore(%run_scoped3A : memref<!tpu.dma_semaphore, #tpu.memory_space<semaphore_mem>>) src(%dma_wait3A_122 : memref<1024xf32, #tpu.memory_space<vmem_shared>>) dst(%dma_wait3A : memref<1024xf32, #tpu.memory_space<hbm>>)
        tpu.yield
      }) : () -> ()
    } else {
    }
    %eq3A_101 = arith.constant 1 : i32
    %eq3A_102 = arith.cmpi eq, %arg0, %eq3A_101 : i32
    %lt3A_103 = arith.constant 10 : i32
    %lt3A_104 = arith.cmpi slt, %arg1, %lt3A_103 : i32
    %and3A_105 = arith.andi %eq3A_102, %lt3A_104 : i1
    %convert_element_type3A_106 = arith.extui %and3A_105 : i1 to i32
    %cond3A_107 = arith.constant 0 : i32
    %cond3A_108 = arith.cmpi ne, %convert_element_type3A_106, %cond3A_107 : i32
    scf.if %cond3A_108 {
      %mul3A_117 = arith.constant 1024 : i32
      %mul3A_118 = arith.muli %mul3A_117, %arg1 : i32
      %mul3A_119 = arith.constant 1024 : i32
      %mul3A_120 = arith.muli %mul3A_119, %arg1 : i32
      "tpu.region"() ({
        %run_scoped3A = tpu.sem_alloc : memref<!tpu.dma_semaphore, #tpu.memory_space<semaphore_mem>>
        %dma_start3A = tpu.memref_slice %arg5[%mul3A_120] : memref<10240xf32, #tpu.memory_space<hbm>> -> memref<1024xf32, #tpu.memory_space<hbm>>
        %dma_start3A_121 = tpu.memref_slice %arg7[%mul3A_118] : memref<10240xf32, #tpu.memory_space<vmem_shared>> -> memref<1024xf32, #tpu.memory_space<vmem_shared>>
        tpu.enqueue_dma source(%dma_start3A_121 : memref<1024xf32, #tpu.memory_space<vmem_shared>>) target(%dma_start3A : memref<1024xf32, #tpu.memory_space<hbm>>) target_semaphore(%run_scoped3A : memref<!tpu.dma_semaphore, #tpu.memory_space<semaphore_mem>>)
        %dma_wait3A = tpu.memref_slice %arg5[%mul3A_120] : memref<10240xf32, #tpu.memory_space<hbm>> -> memref<1024xf32, #tpu.memory_space<hbm>>
        %dma_wait3A_122 = tpu.memref_slice %arg7[%mul3A_118] : memref<10240xf32, #tpu.memory_space<vmem_shared>> -> memref<1024xf32, #tpu.memory_space<vmem_shared>>
        tpu.wait_dma2 semaphore(%run_scoped3A : memref<!tpu.dma_semaphore, #tpu.memory_space<semaphore_mem>>) src(%dma_wait3A_122 : memref<1024xf32, #tpu.memory_space<vmem_shared>>) dst(%dma_wait3A : memref<1024xf32, #tpu.memory_space<hbm>>)
        tpu.yield
      }) : () -> ()
    } else {
    }
    %eq3A_109 = arith.constant 1 : i32
    %eq3A_110 = arith.cmpi eq, %arg0, %eq3A_109 : i32
    %lt3A_111 = arith.constant 5 : i32
    %lt3A_112 = arith.cmpi slt, %arg1, %lt3A_111 : i32
    %and3A_113 = arith.andi %eq3A_110, %lt3A_112 : i1
    %convert_element_type3A_114 = arith.extui %and3A_113 : i1 to i32
    %cond3A_115 = arith.constant 0 : i32
    %cond3A_116 = arith.cmpi ne, %convert_element_type3A_114, %cond3A_115 : i32
    scf.if %cond3A_116 {
      %mul3A_117 = arith.constant 1024 : i32
      %mul3A_118 = arith.muli %mul3A_117, %arg1 : i32
      %mul3A_119 = arith.constant 1024 : i32
      %mul3A_120 = arith.muli %mul3A_119, %arg1 : i32
      "tpu.region"() ({
        %run_scoped3A = tpu.sem_alloc : memref<!tpu.dma_semaphore, #tpu.memory_space<semaphore_mem>>
        %dma_start3A = tpu.memref_slice %arg6[%mul3A_120] : memref<5120xf32, #tpu.memory_space<hbm>> -> memref<1024xf32, #tpu.memory_space<hbm>>
        %dma_start3A_121 = tpu.memref_slice %arg8[%mul3A_118] : memref<5120xf32, #tpu.memory_space<vmem_shared>> -> memref<1024xf32, #tpu.memory_space<vmem_shared>>
        tpu.enqueue_dma source(%dma_start3A_121 : memref<1024xf32, #tpu.memory_space<vmem_shared>>) target(%dma_start3A : memref<1024xf32, #tpu.memory_space<hbm>>) target_semaphore(%run_scoped3A : memref<!tpu.dma_semaphore, #tpu.memory_space<semaphore_mem>>)
        %dma_wait3A = tpu.memref_slice %arg6[%mul3A_120] : memref<5120xf32, #tpu.memory_space<hbm>> -> memref<1024xf32, #tpu.memory_space<hbm>>
        %dma_wait3A_122 = tpu.memref_slice %arg8[%mul3A_118] : memref<5120xf32, #tpu.memory_space<vmem_shared>> -> memref<1024xf32, #tpu.memory_space<vmem_shared>>
        tpu.wait_dma2 semaphore(%run_scoped3A : memref<!tpu.dma_semaphore, #tpu.memory_space<semaphore_mem>>) src(%dma_wait3A_122 : memref<1024xf32, #tpu.memory_space<vmem_shared>>) dst(%dma_wait3A : memref<1024xf32, #tpu.memory_space<hbm>>)
        tpu.yield
      }) : () -> ()
    } else {
    }
    return
  }
}

#map = affine_map<(d0, d1) -> (0, 0)>
module attributes {stable_mosaic.version = 14 : i64} {
  func.func @_ybuild_body(%arg0: i32, %arg1: i32, %arg2: memref<5120x128xf32, #tpu.memory_space<hbm>>, %arg3: memref<80x128xi32, #tpu.memory_space<hbm>>, %arg4: memref<10240x128xf32, #tpu.memory_space<hbm>>, %arg5: memref<10240x128xf32, #tpu.memory_space<hbm>>, %arg6: memref<8x128xi32, #tpu.memory_space<vmem>>, %arg7: memref<128x128xf32, #tpu.memory_space<vmem>>, %arg8: memref<128x128xf32, #tpu.memory_space<vmem>>, %arg9: memref<!tpu.dma_semaphore, #tpu.memory_space<semaphore_mem>>) attributes {dimension_semantics = [#tpu.dimension_semantics<core_parallel>, #tpu.dimension_semantics<subcore_parallel>], iteration_bounds = array<i64: 2, 16>, scalar_prefetch = 0 : i64, scratch_operands = 4 : i64, tpu.core_type = #tpu.core_type<sc_vector_subcore>, window_params = [{transform_indices = #map}, {transform_indices = #map}, {transform_indices = #map}, {transform_indices = #map}]} {
    %mul3A = arith.constant 2 : i32
    %mul3A_0 = arith.muli %mul3A, %arg1 : i32
    %add3A = arith.addi %mul3A_0, %arg0 : i32
    %lt3A = arith.constant 10 : i32
    %lt3A_1 = arith.cmpi slt, %add3A, %lt3A : i32
    %convert_element_type3A = arith.extui %lt3A_1 : i1 to i32
    %cond3A = arith.constant 0 : i32
    %cond3A_2 = arith.cmpi ne, %convert_element_type3A, %cond3A : i32
    scf.if %cond3A_2 {
      %mul3A_3 = arith.constant 8 : i32
      %mul3A_4 = arith.muli %mul3A_3, %add3A : i32
      "tpu.region"() ({
        %run_scoped3A = tpu.sem_alloc : memref<!tpu.dma_semaphore, #tpu.memory_space<semaphore_mem>>
        %dma_start3A_226 = arith.constant 0 : i32
        %dma_start3A_227 = tpu.memref_slice %arg3[%mul3A_4, %dma_start3A_226] : memref<80x128xi32, #tpu.memory_space<hbm>> -> memref<8x128xi32, #tpu.memory_space<hbm>>
        %dma_start3A_228 = arith.constant 0 : i32
        %dma_start3A_229 = tpu.memref_slice %arg3[%mul3A_4, %dma_start3A_228] : memref<80x128xi32, #tpu.memory_space<hbm>> -> memref<8x128xi32, #tpu.memory_space<hbm>>
        tpu.enqueue_dma source(%dma_start3A_229 : memref<8x128xi32, #tpu.memory_space<hbm>>) target(%arg6 : memref<8x128xi32, #tpu.memory_space<vmem>>) target_semaphore(%run_scoped3A : memref<!tpu.dma_semaphore, #tpu.memory_space<semaphore_mem>>)
        %dma_wait3A_230 = arith.constant 0 : i32
        %dma_wait3A_231 = tpu.memref_slice %arg3[%mul3A_4, %dma_wait3A_230] : memref<80x128xi32, #tpu.memory_space<hbm>> -> memref<8x128xi32, #tpu.memory_space<hbm>>
        %dma_wait3A_232 = arith.constant 0 : i32
        %dma_wait3A_233 = tpu.memref_slice %arg3[%mul3A_4, %dma_wait3A_232] : memref<80x128xi32, #tpu.memory_space<hbm>> -> memref<8x128xi32, #tpu.memory_space<hbm>>
        tpu.wait_dma2 semaphore(%run_scoped3A : memref<!tpu.dma_semaphore, #tpu.memory_space<semaphore_mem>>) src(%dma_wait3A_233 : memref<8x128xi32, #tpu.memory_space<hbm>>) dst(%arg6 : memref<8x128xi32, #tpu.memory_space<vmem>>)
        tpu.yield
      }) : () -> ()
      %dma_start3A = arith.constant 0 : i32
      %dma_start3A_5 = arith.constant 0 : i32
      %dma_start3A_6 = tpu.memref_slice %arg6[%dma_start3A, %dma_start3A_5] : memref<8x128xi32, #tpu.memory_space<vmem>> -> memref<1x128xi32, #tpu.memory_space<vmem>>
      %dma_start3A_7 = tpu.memref_squeeze %dma_start3A_6 : memref<1x128xi32, #tpu.memory_space<vmem>> -> memref<128xi32, #tpu.memory_space<vmem>>
      %dma_start3A_8 = arith.constant 0 : i32
      %dma_start3A_9 = arith.constant 0 : i32
      %dma_start3A_10 = tpu.memref_slice %arg2[%dma_start3A_8, %dma_start3A_9] : memref<5120x128xf32, #tpu.memory_space<hbm>> -> memref<5120x128xf32, #tpu.memory_space<hbm>>
      tpu.enqueue_indirect_dma source(%dma_start3A_10 : memref<5120x128xf32, #tpu.memory_space<hbm>>) target(%arg7 : memref<128x128xf32, #tpu.memory_space<vmem>>) offsets(%dma_start3A_7 : memref<128xi32, #tpu.memory_space<vmem>>) semaphore(%arg9 : memref<!tpu.dma_semaphore, #tpu.memory_space<semaphore_mem>>)
      %dma_wait3A = arith.constant 0 : i32
      %dma_wait3A_11 = arith.constant 0 : i32
      %dma_wait3A_12 = tpu.memref_slice %arg6[%dma_wait3A, %dma_wait3A_11] : memref<8x128xi32, #tpu.memory_space<vmem>> -> memref<1x128xi32, #tpu.memory_space<vmem>>
      %dma_wait3A_13 = tpu.memref_squeeze %dma_wait3A_12 : memref<1x128xi32, #tpu.memory_space<vmem>> -> memref<128xi32, #tpu.memory_space<vmem>>
      %dma_wait3A_14 = arith.constant 0 : i32
      %dma_wait3A_15 = arith.constant 0 : i32
      %dma_wait3A_16 = tpu.memref_slice %arg2[%dma_wait3A_14, %dma_wait3A_15] : memref<5120x128xf32, #tpu.memory_space<hbm>> -> memref<5120x128xf32, #tpu.memory_space<hbm>>
      tpu.wait_indirect_dma semaphore(%arg9 : memref<!tpu.dma_semaphore, #tpu.memory_space<semaphore_mem>>) src(%dma_wait3A_16 : memref<5120x128xf32, #tpu.memory_space<hbm>>) dst(%arg7 : memref<128x128xf32, #tpu.memory_space<vmem>>)
      %mul3A_17 = arith.constant 1024 : i32
      %mul3A_18 = arith.muli %mul3A_17, %add3A : i32
      %add3A_19 = arith.constant 0 : i32
      %add3A_20 = arith.addi %mul3A_18, %add3A_19 : i32
      "tpu.region"() ({
        %run_scoped3A = tpu.sem_alloc : memref<!tpu.dma_semaphore, #tpu.memory_space<semaphore_mem>>
        %dma_start3A_226 = arith.constant 0 : i32
        %dma_start3A_227 = tpu.memref_slice %arg4[%add3A_20, %dma_start3A_226] : memref<10240x128xf32, #tpu.memory_space<hbm>> -> memref<128x128xf32, #tpu.memory_space<hbm>>
        %dma_start3A_228 = arith.constant 0 : i32
        %dma_start3A_229 = tpu.memref_slice %arg4[%add3A_20, %dma_start3A_228] : memref<10240x128xf32, #tpu.memory_space<hbm>> -> memref<128x128xf32, #tpu.memory_space<hbm>>
        tpu.enqueue_dma source(%dma_start3A_229 : memref<128x128xf32, #tpu.memory_space<hbm>>) target(%arg8 : memref<128x128xf32, #tpu.memory_space<vmem>>) target_semaphore(%run_scoped3A : memref<!tpu.dma_semaphore, #tpu.memory_space<semaphore_mem>>)
        %dma_wait3A_230 = arith.constant 0 : i32
        %dma_wait3A_231 = tpu.memref_slice %arg4[%add3A_20, %dma_wait3A_230] : memref<10240x128xf32, #tpu.memory_space<hbm>> -> memref<128x128xf32, #tpu.memory_space<hbm>>
        %dma_wait3A_232 = arith.constant 0 : i32
        %dma_wait3A_233 = tpu.memref_slice %arg4[%add3A_20, %dma_wait3A_232] : memref<10240x128xf32, #tpu.memory_space<hbm>> -> memref<128x128xf32, #tpu.memory_space<hbm>>
        tpu.wait_dma2 semaphore(%run_scoped3A : memref<!tpu.dma_semaphore, #tpu.memory_space<semaphore_mem>>) src(%dma_wait3A_233 : memref<128x128xf32, #tpu.memory_space<hbm>>) dst(%arg8 : memref<128x128xf32, #tpu.memory_space<vmem>>)
        tpu.yield
      }) : () -> ()
      %scan3A = arith.constant 0 : i32
      %scan3A_21 = arith.constant 0 : i32
      %scan3A_22 = arith.constant 128 : i32
      %scan3A_23 = arith.addi %scan3A_21, %scan3A_22 : i32
      %scan3A_24 = arith.constant 1 : i32
      scf.for %scan3A_226 = %scan3A_21 to %scan3A_23 step %scan3A_24  : i32 {
        %get3A = arith.index_cast %scan3A_226 : i32 to index
        %get3A_227 = arith.constant 0 : index
        %get3A_228 = tpu.vector_load %arg7[%get3A, %get3A_227] {strides = array<i32>} : memref<128x128xf32, #tpu.memory_space<vmem>>, vector<1x16xf32>,
        %get3A_229 = vector.shape_cast %get3A_228 : vector<1x16xf32> to vector<16xf32>
        %get3A_230 = arith.index_cast %scan3A_226 : i32 to index
        %get3A_231 = arith.constant 0 : index
        %get3A_232 = tpu.vector_load %arg8[%get3A_230, %get3A_231] {strides = array<i32>} : memref<128x128xf32, #tpu.memory_space<vmem>>, vector<1x16xf32>,
        %get3A_233 = vector.shape_cast %get3A_232 : vector<1x16xf32> to vector<16xf32>
        %mul3A_234 = arith.mulf %get3A_229, %get3A_233 : vector<16xf32>
        %swap3A = arith.index_cast %scan3A_226 : i32 to index
        %swap3A_235 = arith.constant 0 : index
        %swap3A_236 = tpu.vector_load %arg7[%swap3A, %swap3A_235] {strides = array<i32>} : memref<128x128xf32, #tpu.memory_space<vmem>>, vector<1x16xf32>,
        %swap3A_237 = vector.shape_cast %swap3A_236 : vector<1x16xf32> to vector<16xf32>
        %swap3A_238 = vector.shape_cast %mul3A_234 : vector<16xf32> to vector<1x16xf32>
        tpu.vector_store %arg7[%swap3A, %swap3A_235], %swap3A_238 {strides = array<i32>} : memref<128x128xf32, #tpu.memory_space<vmem>>, vector<1x16xf32>,
        %get3A_239 = arith.index_cast %scan3A_226 : i32 to index
        %get3A_240 = arith.constant 16 : index
        %get3A_241 = tpu.vector_load %arg7[%get3A_239, %get3A_240] {strides = array<i32>} : memref<128x128xf32, #tpu.memory_space<vmem>>, vector<1x16xf32>,
        %get3A_242 = vector.shape_cast %get3A_241 : vector<1x16xf32> to vector<16xf32>
        %get3A_243 = arith.index_cast %scan3A_226 : i32 to index
        %get3A_244 = arith.constant 16 : index
        %get3A_245 = tpu.vector_load %arg8[%get3A_243, %get3A_244] {strides = array<i32>} : memref<128x128xf32, #tpu.memory_space<vmem>>, vector<1x16xf32>,
        %get3A_246 = vector.shape_cast %get3A_245 : vector<1x16xf32> to vector<16xf32>
        %mul3A_247 = arith.mulf %get3A_242, %get3A_246 : vector<16xf32>
        %swap3A_248 = arith.index_cast %scan3A_226 : i32 to index
        %swap3A_249 = arith.constant 16 : index
        %swap3A_250 = tpu.vector_load %arg7[%swap3A_248, %swap3A_249] {strides = array<i32>} : memref<128x128xf32, #tpu.memory_space<vmem>>, vector<1x16xf32>,
        %swap3A_251 = vector.shape_cast %swap3A_250 : vector<1x16xf32> to vector<16xf32>
        %swap3A_252 = vector.shape_cast %mul3A_247 : vector<16xf32> to vector<1x16xf32>
        tpu.vector_store %arg7[%swap3A_248, %swap3A_249], %swap3A_252 {strides = array<i32>} : memref<128x128xf32, #tpu.memory_space<vmem>>, vector<1x16xf32>,
        %get3A_253 = arith.index_cast %scan3A_226 : i32 to index
        %get3A_254 = arith.constant 32 : index
        %get3A_255 = tpu.vector_load %arg7[%get3A_253, %get3A_254] {strides = array<i32>} : memref<128x128xf32, #tpu.memory_space<vmem>>, vector<1x16xf32>,
        %get3A_256 = vector.shape_cast %get3A_255 : vector<1x16xf32> to vector<16xf32>
        %get3A_257 = arith.index_cast %scan3A_226 : i32 to index
        %get3A_258 = arith.constant 32 : index
        %get3A_259 = tpu.vector_load %arg8[%get3A_257, %get3A_258] {strides = array<i32>} : memref<128x128xf32, #tpu.memory_space<vmem>>, vector<1x16xf32>,
        %get3A_260 = vector.shape_cast %get3A_259 : vector<1x16xf32> to vector<16xf32>
        %mul3A_261 = arith.mulf %get3A_256, %get3A_260 : vector<16xf32>
        %swap3A_262 = arith.index_cast %scan3A_226 : i32 to index
        %swap3A_263 = arith.constant 32 : index
        %swap3A_264 = tpu.vector_load %arg7[%swap3A_262, %swap3A_263] {strides = array<i32>} : memref<128x128xf32, #tpu.memory_space<vmem>>, vector<1x16xf32>,
        %swap3A_265 = vector.shape_cast %swap3A_264 : vector<1x16xf32> to vector<16xf32>
        %swap3A_266 = vector.shape_cast %mul3A_261 : vector<16xf32> to vector<1x16xf32>
        tpu.vector_store %arg7[%swap3A_262, %swap3A_263], %swap3A_266 {strides = array<i32>} : memref<128x128xf32, #tpu.memory_space<vmem>>, vector<1x16xf32>,
        %get3A_267 = arith.index_cast %scan3A_226 : i32 to index
        %get3A_268 = arith.constant 48 : index
        %get3A_269 = tpu.vector_load %arg7[%get3A_267, %get3A_268] {strides = array<i32>} : memref<128x128xf32, #tpu.memory_space<vmem>>, vector<1x16xf32>,
        %get3A_270 = vector.shape_cast %get3A_269 : vector<1x16xf32> to vector<16xf32>
        %get3A_271 = arith.index_cast %scan3A_226 : i32 to index
        %get3A_272 = arith.constant 48 : index
        %get3A_273 = tpu.vector_load %arg8[%get3A_271, %get3A_272] {strides = array<i32>} : memref<128x128xf32, #tpu.memory_space<vmem>>, vector<1x16xf32>,
        %get3A_274 = vector.shape_cast %get3A_273 : vector<1x16xf32> to vector<16xf32>
        %mul3A_275 = arith.mulf %get3A_270, %get3A_274 : vector<16xf32>
        %swap3A_276 = arith.index_cast %scan3A_226 : i32 to index
        %swap3A_277 = arith.constant 48 : index
        %swap3A_278 = tpu.vector_load %arg7[%swap3A_276, %swap3A_277] {strides = array<i32>} : memref<128x128xf32, #tpu.memory_space<vmem>>, vector<1x16xf32>,
        %swap3A_279 = vector.shape_cast %swap3A_278 : vector<1x16xf32> to vector<16xf32>
        %swap3A_280 = vector.shape_cast %mul3A_275 : vector<16xf32> to vector<1x16xf32>
        tpu.vector_store %arg7[%swap3A_276, %swap3A_277], %swap3A_280 {strides = array<i32>} : memref<128x128xf32, #tpu.memory_space<vmem>>, vector<1x16xf32>,
        %get3A_281 = arith.index_cast %scan3A_226 : i32 to index
        %get3A_282 = arith.constant 64 : index
        %get3A_283 = tpu.vector_load %arg7[%get3A_281, %get3A_282] {strides = array<i32>} : memref<128x128xf32, #tpu.memory_space<vmem>>, vector<1x16xf32>,
        %get3A_284 = vector.shape_cast %get3A_283 : vector<1x16xf32> to vector<16xf32>
        %get3A_285 = arith.index_cast %scan3A_226 : i32 to index
        %get3A_286 = arith.constant 64 : index
        %get3A_287 = tpu.vector_load %arg8[%get3A_285, %get3A_286] {strides = array<i32>} : memref<128x128xf32, #tpu.memory_space<vmem>>, vector<1x16xf32>,
        %get3A_288 = vector.shape_cast %get3A_287 : vector<1x16xf32> to vector<16xf32>
        %mul3A_289 = arith.mulf %get3A_284, %get3A_288 : vector<16xf32>
        %swap3A_290 = arith.index_cast %scan3A_226 : i32 to index
        %swap3A_291 = arith.constant 64 : index
        %swap3A_292 = tpu.vector_load %arg7[%swap3A_290, %swap3A_291] {strides = array<i32>} : memref<128x128xf32, #tpu.memory_space<vmem>>, vector<1x16xf32>,
        %swap3A_293 = vector.shape_cast %swap3A_292 : vector<1x16xf32> to vector<16xf32>
        %swap3A_294 = vector.shape_cast %mul3A_289 : vector<16xf32> to vector<1x16xf32>
        tpu.vector_store %arg7[%swap3A_290, %swap3A_291], %swap3A_294 {strides = array<i32>} : memref<128x128xf32, #tpu.memory_space<vmem>>, vector<1x16xf32>,
        %get3A_295 = arith.index_cast %scan3A_226 : i32 to index
        %get3A_296 = arith.constant 80 : index
        %get3A_297 = tpu.vector_load %arg7[%get3A_295, %get3A_296] {strides = array<i32>} : memref<128x128xf32, #tpu.memory_space<vmem>>, vector<1x16xf32>,
        %get3A_298 = vector.shape_cast %get3A_297 : vector<1x16xf32> to vector<16xf32>
        %get3A_299 = arith.index_cast %scan3A_226 : i32 to index
        %get3A_300 = arith.constant 80 : index
        %get3A_301 = tpu.vector_load %arg8[%get3A_299, %get3A_300] {strides = array<i32>} : memref<128x128xf32, #tpu.memory_space<vmem>>, vector<1x16xf32>,
        %get3A_302 = vector.shape_cast %get3A_301 : vector<1x16xf32> to vector<16xf32>
        %mul3A_303 = arith.mulf %get3A_298, %get3A_302 : vector<16xf32>
        %swap3A_304 = arith.index_cast %scan3A_226 : i32 to index
        %swap3A_305 = arith.constant 80 : index
        %swap3A_306 = tpu.vector_load %arg7[%swap3A_304, %swap3A_305] {strides = array<i32>} : memref<128x128xf32, #tpu.memory_space<vmem>>, vector<1x16xf32>,
        %swap3A_307 = vector.shape_cast %swap3A_306 : vector<1x16xf32> to vector<16xf32>
        %swap3A_308 = vector.shape_cast %mul3A_303 : vector<16xf32> to vector<1x16xf32>
        tpu.vector_store %arg7[%swap3A_304, %swap3A_305], %swap3A_308 {strides = array<i32>} : memref<128x128xf32, #tpu.memory_space<vmem>>, vector<1x16xf32>,
        %get3A_309 = arith.index_cast %scan3A_226 : i32 to index
        %get3A_310 = arith.constant 96 : index
        %get3A_311 = tpu.vector_load %arg7[%get3A_309, %get3A_310] {strides = array<i32>} : memref<128x128xf32, #tpu.memory_space<vmem>>, vector<1x16xf32>,
        %get3A_312 = vector.shape_cast %get3A_311 : vector<1x16xf32> to vector<16xf32>
        %get3A_313 = arith.index_cast %scan3A_226 : i32 to index
        %get3A_314 = arith.constant 96 : index
        %get3A_315 = tpu.vector_load %arg8[%get3A_313, %get3A_314] {strides = array<i32>} : memref<128x128xf32, #tpu.memory_space<vmem>>, vector<1x16xf32>,
        %get3A_316 = vector.shape_cast %get3A_315 : vector<1x16xf32> to vector<16xf32>
        %mul3A_317 = arith.mulf %get3A_312, %get3A_316 : vector<16xf32>
        %swap3A_318 = arith.index_cast %scan3A_226 : i32 to index
        %swap3A_319 = arith.constant 96 : index
        %swap3A_320 = tpu.vector_load %arg7[%swap3A_318, %swap3A_319] {strides = array<i32>} : memref<128x128xf32, #tpu.memory_space<vmem>>, vector<1x16xf32>,
        %swap3A_321 = vector.shape_cast %swap3A_320 : vector<1x16xf32> to vector<16xf32>
        %swap3A_322 = vector.shape_cast %mul3A_317 : vector<16xf32> to vector<1x16xf32>
        tpu.vector_store %arg7[%swap3A_318, %swap3A_319], %swap3A_322 {strides = array<i32>} : memref<128x128xf32, #tpu.memory_space<vmem>>, vector<1x16xf32>,
        %get3A_323 = arith.index_cast %scan3A_226 : i32 to index
        %get3A_324 = arith.constant 112 : index
        %get3A_325 = tpu.vector_load %arg7[%get3A_323, %get3A_324] {strides = array<i32>} : memref<128x128xf32, #tpu.memory_space<vmem>>, vector<1x16xf32>,
        %get3A_326 = vector.shape_cast %get3A_325 : vector<1x16xf32> to vector<16xf32>
        %get3A_327 = arith.index_cast %scan3A_226 : i32 to index
        %get3A_328 = arith.constant 112 : index
        %get3A_329 = tpu.vector_load %arg8[%get3A_327, %get3A_328] {strides = array<i32>} : memref<128x128xf32, #tpu.memory_space<vmem>>, vector<1x16xf32>,
        %get3A_330 = vector.shape_cast %get3A_329 : vector<1x16xf32> to vector<16xf32>
        %mul3A_331 = arith.mulf %get3A_326, %get3A_330 : vector<16xf32>
        %swap3A_332 = arith.index_cast %scan3A_226 : i32 to index
        %swap3A_333 = arith.constant 112 : index
        %swap3A_334 = tpu.vector_load %arg7[%swap3A_332, %swap3A_333] {strides = array<i32>} : memref<128x128xf32, #tpu.memory_space<vmem>>, vector<1x16xf32>,
        %swap3A_335 = vector.shape_cast %swap3A_334 : vector<1x16xf32> to vector<16xf32>
        %swap3A_336 = vector.shape_cast %mul3A_331 : vector<16xf32> to vector<1x16xf32>
        tpu.vector_store %arg7[%swap3A_332, %swap3A_333], %swap3A_336 {strides = array<i32>} : memref<128x128xf32, #tpu.memory_space<vmem>>, vector<1x16xf32>,
      }
      %scan3A_25 = arith.constant 128 : i32
      %mul3A_26 = arith.constant 1024 : i32
      %mul3A_27 = arith.muli %mul3A_26, %add3A : i32
      %add3A_28 = arith.constant 0 : i32
      %add3A_29 = arith.addi %mul3A_27, %add3A_28 : i32
      "tpu.region"() ({
        %run_scoped3A = tpu.sem_alloc : memref<!tpu.dma_semaphore, #tpu.memory_space<semaphore_mem>>
        %dma_start3A_226 = arith.constant 0 : i32
        %dma_start3A_227 = tpu.memref_slice %arg5[%add3A_29, %dma_start3A_226] : memref<10240x128xf32, #tpu.memory_space<hbm>> -> memref<128x128xf32, #tpu.memory_space<hbm>>
        %dma_start3A_228 = arith.constant 0 : i32
        %dma_start3A_229 = tpu.memref_slice %arg5[%add3A_29, %dma_start3A_228] : memref<10240x128xf32, #tpu.memory_space<hbm>> -> memref<128x128xf32, #tpu.memory_space<hbm>>
        tpu.enqueue_dma source(%arg7 : memref<128x128xf32, #tpu.memory_space<vmem>>) target(%dma_start3A_229 : memref<128x128xf32, #tpu.memory_space<hbm>>) target_semaphore(%run_scoped3A : memref<!tpu.dma_semaphore, #tpu.memory_space<semaphore_mem>>)
        %dma_wait3A_230 = arith.constant 0 : i32
        %dma_wait3A_231 = tpu.memref_slice %arg5[%add3A_29, %dma_wait3A_230] : memref<10240x128xf32, #tpu.memory_space<hbm>> -> memref<128x128xf32, #tpu.memory_space<hbm>>
        %dma_wait3A_232 = arith.constant 0 : i32
        %dma_wait3A_233 = tpu.memref_slice %arg5[%add3A_29, %dma_wait3A_232] : memref<10240x128xf32, #tpu.memory_space<hbm>> -> memref<128x128xf32, #tpu.memory_space<hbm>>
        tpu.wait_dma2 semaphore(%run_scoped3A : memref<!tpu.dma_semaphore, #tpu.memory_space<semaphore_mem>>) src(%arg7 : memref<128x128xf32, #tpu.memory_space<vmem>>) dst(%dma_wait3A_233 : memref<128x128xf32, #tpu.memory_space<hbm>>)
        tpu.yield
      }) : () -> ()
      %dma_start3A_30 = arith.constant 1 : i32
      %dma_start3A_31 = arith.constant 0 : i32
      %dma_start3A_32 = tpu.memref_slice %arg6[%dma_start3A_30, %dma_start3A_31] : memref<8x128xi32, #tpu.memory_space<vmem>> -> memref<1x128xi32, #tpu.memory_space<vmem>>
      %dma_start3A_33 = tpu.memref_squeeze %dma_start3A_32 : memref<1x128xi32, #tpu.memory_space<vmem>> -> memref<128xi32, #tpu.memory_space<vmem>>
      %dma_start3A_34 = arith.constant 0 : i32
      %dma_start3A_35 = arith.constant 0 : i32
      %dma_start3A_36 = tpu.memref_slice %arg2[%dma_start3A_34, %dma_start3A_35] : memref<5120x128xf32, #tpu.memory_space<hbm>> -> memref<5120x128xf32, #tpu.memory_space<hbm>>
      tpu.enqueue_indirect_dma source(%dma_start3A_36 : memref<5120x128xf32, #tpu.memory_space<hbm>>) target(%arg7 : memref<128x128xf32, #tpu.memory_space<vmem>>) offsets(%dma_start3A_33 : memref<128xi32, #tpu.memory_space<vmem>>) semaphore(%arg9 : memref<!tpu.dma_semaphore, #tpu.memory_space<semaphore_mem>>)
      %dma_wait3A_37 = arith.constant 1 : i32
      %dma_wait3A_38 = arith.constant 0 : i32
      %dma_wait3A_39 = tpu.memref_slice %arg6[%dma_wait3A_37, %dma_wait3A_38] : memref<8x128xi32, #tpu.memory_space<vmem>> -> memref<1x128xi32, #tpu.memory_space<vmem>>
      %dma_wait3A_40 = tpu.memref_squeeze %dma_wait3A_39 : memref<1x128xi32, #tpu.memory_space<vmem>> -> memref<128xi32, #tpu.memory_space<vmem>>
      %dma_wait3A_41 = arith.constant 0 : i32
      %dma_wait3A_42 = arith.constant 0 : i32
      %dma_wait3A_43 = tpu.memref_slice %arg2[%dma_wait3A_41, %dma_wait3A_42] : memref<5120x128xf32, #tpu.memory_space<hbm>> -> memref<5120x128xf32, #tpu.memory_space<hbm>>
      tpu.wait_indirect_dma semaphore(%arg9 : memref<!tpu.dma_semaphore, #tpu.memory_space<semaphore_mem>>) src(%dma_wait3A_43 : memref<5120x128xf32, #tpu.memory_space<hbm>>) dst(%arg7 : memref<128x128xf32, #tpu.memory_space<vmem>>)
      %mul3A_44 = arith.constant 1024 : i32
      %mul3A_45 = arith.muli %mul3A_44, %add3A : i32
      %add3A_46 = arith.constant 128 : i32
      %add3A_47 = arith.addi %mul3A_45, %add3A_46 : i32
      "tpu.region"() ({
        %run_scoped3A = tpu.sem_alloc : memref<!tpu.dma_semaphore, #tpu.memory_space<semaphore_mem>>
        %dma_start3A_226 = arith.constant 0 : i32
        %dma_start3A_227 = tpu.memref_slice %arg4[%add3A_47, %dma_start3A_226] : memref<10240x128xf32, #tpu.memory_space<hbm>> -> memref<128x128xf32, #tpu.memory_space<hbm>>
        %dma_start3A_228 = arith.constant 0 : i32
        %dma_start3A_229 = tpu.memref_slice %arg4[%add3A_47, %dma_start3A_228] : memref<10240x128xf32, #tpu.memory_space<hbm>> -> memref<128x128xf32, #tpu.memory_space<hbm>>
        tpu.enqueue_dma source(%dma_start3A_229 : memref<128x128xf32, #tpu.memory_space<hbm>>) target(%arg8 : memref<128x128xf32, #tpu.memory_space<vmem>>) target_semaphore(%run_scoped3A : memref<!tpu.dma_semaphore, #tpu.memory_space<semaphore_mem>>)
        %dma_wait3A_230 = arith.constant 0 : i32
        %dma_wait3A_231 = tpu.memref_slice %arg4[%add3A_47, %dma_wait3A_230] : memref<10240x128xf32, #tpu.memory_space<hbm>> -> memref<128x128xf32, #tpu.memory_space<hbm>>
        %dma_wait3A_232 = arith.constant 0 : i32
        %dma_wait3A_233 = tpu.memref_slice %arg4[%add3A_47, %dma_wait3A_232] : memref<10240x128xf32, #tpu.memory_space<hbm>> -> memref<128x128xf32, #tpu.memory_space<hbm>>
        tpu.wait_dma2 semaphore(%run_scoped3A : memref<!tpu.dma_semaphore, #tpu.memory_space<semaphore_mem>>) src(%dma_wait3A_233 : memref<128x128xf32, #tpu.memory_space<hbm>>) dst(%arg8 : memref<128x128xf32, #tpu.memory_space<vmem>>)
        tpu.yield
      }) : () -> ()
      %scan3A_48 = arith.constant 0 : i32
      %scan3A_49 = arith.constant 0 : i32
      %scan3A_50 = arith.constant 128 : i32
      %scan3A_51 = arith.addi %scan3A_49, %scan3A_50 : i32
      %scan3A_52 = arith.constant 1 : i32
      scf.for %scan3A_226 = %scan3A_49 to %scan3A_51 step %scan3A_52  : i32 {
        %get3A = arith.index_cast %scan3A_226 : i32 to index
        %get3A_227 = arith.constant 0 : index
        %get3A_228 = tpu.vector_load %arg7[%get3A, %get3A_227] {strides = array<i32>} : memref<128x128xf32, #tpu.memory_space<vmem>>, vector<1x16xf32>,
        %get3A_229 = vector.shape_cast %get3A_228 : vector<1x16xf32> to vector<16xf32>
        %get3A_230 = arith.index_cast %scan3A_226 : i32 to index
        %get3A_231 = arith.constant 0 : index
        %get3A_232 = tpu.vector_load %arg8[%get3A_230, %get3A_231] {strides = array<i32>} : memref<128x128xf32, #tpu.memory_space<vmem>>, vector<1x16xf32>,
        %get3A_233 = vector.shape_cast %get3A_232 : vector<1x16xf32> to vector<16xf32>
        %mul3A_234 = arith.mulf %get3A_229, %get3A_233 : vector<16xf32>
        %swap3A = arith.index_cast %scan3A_226 : i32 to index
        %swap3A_235 = arith.constant 0 : index
        %swap3A_236 = tpu.vector_load %arg7[%swap3A, %swap3A_235] {strides = array<i32>} : memref<128x128xf32, #tpu.memory_space<vmem>>, vector<1x16xf32>,
        %swap3A_237 = vector.shape_cast %swap3A_236 : vector<1x16xf32> to vector<16xf32>
        %swap3A_238 = vector.shape_cast %mul3A_234 : vector<16xf32> to vector<1x16xf32>
        tpu.vector_store %arg7[%swap3A, %swap3A_235], %swap3A_238 {strides = array<i32>} : memref<128x128xf32, #tpu.memory_space<vmem>>, vector<1x16xf32>,
        %get3A_239 = arith.index_cast %scan3A_226 : i32 to index
        %get3A_240 = arith.constant 16 : index
        %get3A_241 = tpu.vector_load %arg7[%get3A_239, %get3A_240] {strides = array<i32>} : memref<128x128xf32, #tpu.memory_space<vmem>>, vector<1x16xf32>,
        %get3A_242 = vector.shape_cast %get3A_241 : vector<1x16xf32> to vector<16xf32>
        %get3A_243 = arith.index_cast %scan3A_226 : i32 to index
        %get3A_244 = arith.constant 16 : index
        %get3A_245 = tpu.vector_load %arg8[%get3A_243, %get3A_244] {strides = array<i32>} : memref<128x128xf32, #tpu.memory_space<vmem>>, vector<1x16xf32>,
        %get3A_246 = vector.shape_cast %get3A_245 : vector<1x16xf32> to vector<16xf32>
        %mul3A_247 = arith.mulf %get3A_242, %get3A_246 : vector<16xf32>
        %swap3A_248 = arith.index_cast %scan3A_226 : i32 to index
        %swap3A_249 = arith.constant 16 : index
        %swap3A_250 = tpu.vector_load %arg7[%swap3A_248, %swap3A_249] {strides = array<i32>} : memref<128x128xf32, #tpu.memory_space<vmem>>, vector<1x16xf32>,
        %swap3A_251 = vector.shape_cast %swap3A_250 : vector<1x16xf32> to vector<16xf32>
        %swap3A_252 = vector.shape_cast %mul3A_247 : vector<16xf32> to vector<1x16xf32>
        tpu.vector_store %arg7[%swap3A_248, %swap3A_249], %swap3A_252 {strides = array<i32>} : memref<128x128xf32, #tpu.memory_space<vmem>>, vector<1x16xf32>,
        %get3A_253 = arith.index_cast %scan3A_226 : i32 to index
        %get3A_254 = arith.constant 32 : index
        %get3A_255 = tpu.vector_load %arg7[%get3A_253, %get3A_254] {strides = array<i32>} : memref<128x128xf32, #tpu.memory_space<vmem>>, vector<1x16xf32>,
        %get3A_256 = vector.shape_cast %get3A_255 : vector<1x16xf32> to vector<16xf32>
        %get3A_257 = arith.index_cast %scan3A_226 : i32 to index
        %get3A_258 = arith.constant 32 : index
        %get3A_259 = tpu.vector_load %arg8[%get3A_257, %get3A_258] {strides = array<i32>} : memref<128x128xf32, #tpu.memory_space<vmem>>, vector<1x16xf32>,
        %get3A_260 = vector.shape_cast %get3A_259 : vector<1x16xf32> to vector<16xf32>
        %mul3A_261 = arith.mulf %get3A_256, %get3A_260 : vector<16xf32>
        %swap3A_262 = arith.index_cast %scan3A_226 : i32 to index
        %swap3A_263 = arith.constant 32 : index
        %swap3A_264 = tpu.vector_load %arg7[%swap3A_262, %swap3A_263] {strides = array<i32>} : memref<128x128xf32, #tpu.memory_space<vmem>>, vector<1x16xf32>,
        %swap3A_265 = vector.shape_cast %swap3A_264 : vector<1x16xf32> to vector<16xf32>
        %swap3A_266 = vector.shape_cast %mul3A_261 : vector<16xf32> to vector<1x16xf32>
        tpu.vector_store %arg7[%swap3A_262, %swap3A_263], %swap3A_266 {strides = array<i32>} : memref<128x128xf32, #tpu.memory_space<vmem>>, vector<1x16xf32>,
        %get3A_267 = arith.index_cast %scan3A_226 : i32 to index
        %get3A_268 = arith.constant 48 : index
        %get3A_269 = tpu.vector_load %arg7[%get3A_267, %get3A_268] {strides = array<i32>} : memref<128x128xf32, #tpu.memory_space<vmem>>, vector<1x16xf32>,
        %get3A_270 = vector.shape_cast %get3A_269 : vector<1x16xf32> to vector<16xf32>
        %get3A_271 = arith.index_cast %scan3A_226 : i32 to index
        %get3A_272 = arith.constant 48 : index
        %get3A_273 = tpu.vector_load %arg8[%get3A_271, %get3A_272] {strides = array<i32>} : memref<128x128xf32, #tpu.memory_space<vmem>>, vector<1x16xf32>,
        %get3A_274 = vector.shape_cast %get3A_273 : vector<1x16xf32> to vector<16xf32>
        %mul3A_275 = arith.mulf %get3A_270, %get3A_274 : vector<16xf32>
        %swap3A_276 = arith.index_cast %scan3A_226 : i32 to index
        %swap3A_277 = arith.constant 48 : index
        %swap3A_278 = tpu.vector_load %arg7[%swap3A_276, %swap3A_277] {strides = array<i32>} : memref<128x128xf32, #tpu.memory_space<vmem>>, vector<1x16xf32>,
        %swap3A_279 = vector.shape_cast %swap3A_278 : vector<1x16xf32> to vector<16xf32>
        %swap3A_280 = vector.shape_cast %mul3A_275 : vector<16xf32> to vector<1x16xf32>
        tpu.vector_store %arg7[%swap3A_276, %swap3A_277], %swap3A_280 {strides = array<i32>} : memref<128x128xf32, #tpu.memory_space<vmem>>, vector<1x16xf32>,
        %get3A_281 = arith.index_cast %scan3A_226 : i32 to index
        %get3A_282 = arith.constant 64 : index
        %get3A_283 = tpu.vector_load %arg7[%get3A_281, %get3A_282] {strides = array<i32>} : memref<128x128xf32, #tpu.memory_space<vmem>>, vector<1x16xf32>,
        %get3A_284 = vector.shape_cast %get3A_283 : vector<1x16xf32> to vector<16xf32>
        %get3A_285 = arith.index_cast %scan3A_226 : i32 to index
        %get3A_286 = arith.constant 64 : index
        %get3A_287 = tpu.vector_load %arg8[%get3A_285, %get3A_286] {strides = array<i32>} : memref<128x128xf32, #tpu.memory_space<vmem>>, vector<1x16xf32>,
        %get3A_288 = vector.shape_cast %get3A_287 : vector<1x16xf32> to vector<16xf32>
        %mul3A_289 = arith.mulf %get3A_284, %get3A_288 : vector<16xf32>
        %swap3A_290 = arith.index_cast %scan3A_226 : i32 to index
        %swap3A_291 = arith.constant 64 : index
        %swap3A_292 = tpu.vector_load %arg7[%swap3A_290, %swap3A_291] {strides = array<i32>} : memref<128x128xf32, #tpu.memory_space<vmem>>, vector<1x16xf32>,
        %swap3A_293 = vector.shape_cast %swap3A_292 : vector<1x16xf32> to vector<16xf32>
        %swap3A_294 = vector.shape_cast %mul3A_289 : vector<16xf32> to vector<1x16xf32>
        tpu.vector_store %arg7[%swap3A_290, %swap3A_291], %swap3A_294 {strides = array<i32>} : memref<128x128xf32, #tpu.memory_space<vmem>>, vector<1x16xf32>,
        %get3A_295 = arith.index_cast %scan3A_226 : i32 to index
        %get3A_296 = arith.constant 80 : index
        %get3A_297 = tpu.vector_load %arg7[%get3A_295, %get3A_296] {strides = array<i32>} : memref<128x128xf32, #tpu.memory_space<vmem>>, vector<1x16xf32>,
        %get3A_298 = vector.shape_cast %get3A_297 : vector<1x16xf32> to vector<16xf32>
        %get3A_299 = arith.index_cast %scan3A_226 : i32 to index
        %get3A_300 = arith.constant 80 : index
        %get3A_301 = tpu.vector_load %arg8[%get3A_299, %get3A_300] {strides = array<i32>} : memref<128x128xf32, #tpu.memory_space<vmem>>, vector<1x16xf32>,
        %get3A_302 = vector.shape_cast %get3A_301 : vector<1x16xf32> to vector<16xf32>
        %mul3A_303 = arith.mulf %get3A_298, %get3A_302 : vector<16xf32>
        %swap3A_304 = arith.index_cast %scan3A_226 : i32 to index
        %swap3A_305 = arith.constant 80 : index
        %swap3A_306 = tpu.vector_load %arg7[%swap3A_304, %swap3A_305] {strides = array<i32>} : memref<128x128xf32, #tpu.memory_space<vmem>>, vector<1x16xf32>,
        %swap3A_307 = vector.shape_cast %swap3A_306 : vector<1x16xf32> to vector<16xf32>
        %swap3A_308 = vector.shape_cast %mul3A_303 : vector<16xf32> to vector<1x16xf32>
        tpu.vector_store %arg7[%swap3A_304, %swap3A_305], %swap3A_308 {strides = array<i32>} : memref<128x128xf32, #tpu.memory_space<vmem>>, vector<1x16xf32>,
        %get3A_309 = arith.index_cast %scan3A_226 : i32 to index
        %get3A_310 = arith.constant 96 : index
        %get3A_311 = tpu.vector_load %arg7[%get3A_309, %get3A_310] {strides = array<i32>} : memref<128x128xf32, #tpu.memory_space<vmem>>, vector<1x16xf32>,
        %get3A_312 = vector.shape_cast %get3A_311 : vector<1x16xf32> to vector<16xf32>
        %get3A_313 = arith.index_cast %scan3A_226 : i32 to index
        %get3A_314 = arith.constant 96 : index
        %get3A_315 = tpu.vector_load %arg8[%get3A_313, %get3A_314] {strides = array<i32>} : memref<128x128xf32, #tpu.memory_space<vmem>>, vector<1x16xf32>,
        %get3A_316 = vector.shape_cast %get3A_315 : vector<1x16xf32> to vector<16xf32>
        %mul3A_317 = arith.mulf %get3A_312, %get3A_316 : vector<16xf32>
        %swap3A_318 = arith.index_cast %scan3A_226 : i32 to index
        %swap3A_319 = arith.constant 96 : index
        %swap3A_320 = tpu.vector_load %arg7[%swap3A_318, %swap3A_319] {strides = array<i32>} : memref<128x128xf32, #tpu.memory_space<vmem>>, vector<1x16xf32>,
        %swap3A_321 = vector.shape_cast %swap3A_320 : vector<1x16xf32> to vector<16xf32>
        %swap3A_322 = vector.shape_cast %mul3A_317 : vector<16xf32> to vector<1x16xf32>
        tpu.vector_store %arg7[%swap3A_318, %swap3A_319], %swap3A_322 {strides = array<i32>} : memref<128x128xf32, #tpu.memory_space<vmem>>, vector<1x16xf32>,
        %get3A_323 = arith.index_cast %scan3A_226 : i32 to index
        %get3A_324 = arith.constant 112 : index
        %get3A_325 = tpu.vector_load %arg7[%get3A_323, %get3A_324] {strides = array<i32>} : memref<128x128xf32, #tpu.memory_space<vmem>>, vector<1x16xf32>,
        %get3A_326 = vector.shape_cast %get3A_325 : vector<1x16xf32> to vector<16xf32>
        %get3A_327 = arith.index_cast %scan3A_226 : i32 to index
        %get3A_328 = arith.constant 112 : index
        %get3A_329 = tpu.vector_load %arg8[%get3A_327, %get3A_328] {strides = array<i32>} : memref<128x128xf32, #tpu.memory_space<vmem>>, vector<1x16xf32>,
        %get3A_330 = vector.shape_cast %get3A_329 : vector<1x16xf32> to vector<16xf32>
        %mul3A_331 = arith.mulf %get3A_326, %get3A_330 : vector<16xf32>
        %swap3A_332 = arith.index_cast %scan3A_226 : i32 to index
        %swap3A_333 = arith.constant 112 : index
        %swap3A_334 = tpu.vector_load %arg7[%swap3A_332, %swap3A_333] {strides = array<i32>} : memref<128x128xf32, #tpu.memory_space<vmem>>, vector<1x16xf32>,
        %swap3A_335 = vector.shape_cast %swap3A_334 : vector<1x16xf32> to vector<16xf32>
        %swap3A_336 = vector.shape_cast %mul3A_331 : vector<16xf32> to vector<1x16xf32>
        tpu.vector_store %arg7[%swap3A_332, %swap3A_333], %swap3A_336 {strides = array<i32>} : memref<128x128xf32, #tpu.memory_space<vmem>>, vector<1x16xf32>,
      }
      %scan3A_53 = arith.constant 128 : i32
      %mul3A_54 = arith.constant 1024 : i32
      %mul3A_55 = arith.muli %mul3A_54, %add3A : i32
      %add3A_56 = arith.constant 128 : i32
      %add3A_57 = arith.addi %mul3A_55, %add3A_56 : i32
      "tpu.region"() ({
        %run_scoped3A = tpu.sem_alloc : memref<!tpu.dma_semaphore, #tpu.memory_space<semaphore_mem>>
        %dma_start3A_226 = arith.constant 0 : i32
        %dma_start3A_227 = tpu.memref_slice %arg5[%add3A_57, %dma_start3A_226] : memref<10240x128xf32, #tpu.memory_space<hbm>> -> memref<128x128xf32, #tpu.memory_space<hbm>>
        %dma_start3A_228 = arith.constant 0 : i32
        %dma_start3A_229 = tpu.memref_slice %arg5[%add3A_57, %dma_start3A_228] : memref<10240x128xf32, #tpu.memory_space<hbm>> -> memref<128x128xf32, #tpu.memory_space<hbm>>
        tpu.enqueue_dma source(%arg7 : memref<128x128xf32, #tpu.memory_space<vmem>>) target(%dma_start3A_229 : memref<128x128xf32, #tpu.memory_space<hbm>>) target_semaphore(%run_scoped3A : memref<!tpu.dma_semaphore, #tpu.memory_space<semaphore_mem>>)
        %dma_wait3A_230 = arith.constant 0 : i32
        %dma_wait3A_231 = tpu.memref_slice %arg5[%add3A_57, %dma_wait3A_230] : memref<10240x128xf32, #tpu.memory_space<hbm>> -> memref<128x128xf32, #tpu.memory_space<hbm>>
        %dma_wait3A_232 = arith.constant 0 : i32
        %dma_wait3A_233 = tpu.memref_slice %arg5[%add3A_57, %dma_wait3A_232] : memref<10240x128xf32, #tpu.memory_space<hbm>> -> memref<128x128xf32, #tpu.memory_space<hbm>>
        tpu.wait_dma2 semaphore(%run_scoped3A : memref<!tpu.dma_semaphore, #tpu.memory_space<semaphore_mem>>) src(%arg7 : memref<128x128xf32, #tpu.memory_space<vmem>>) dst(%dma_wait3A_233 : memref<128x128xf32, #tpu.memory_space<hbm>>)
        tpu.yield
      }) : () -> ()
      %dma_start3A_58 = arith.constant 2 : i32
      %dma_start3A_59 = arith.constant 0 : i32
      %dma_start3A_60 = tpu.memref_slice %arg6[%dma_start3A_58, %dma_start3A_59] : memref<8x128xi32, #tpu.memory_space<vmem>> -> memref<1x128xi32, #tpu.memory_space<vmem>>
      %dma_start3A_61 = tpu.memref_squeeze %dma_start3A_60 : memref<1x128xi32, #tpu.memory_space<vmem>> -> memref<128xi32, #tpu.memory_space<vmem>>
      %dma_start3A_62 = arith.constant 0 : i32
      %dma_start3A_63 = arith.constant 0 : i32
      %dma_start3A_64 = tpu.memref_slice %arg2[%dma_start3A_62, %dma_start3A_63] : memref<5120x128xf32, #tpu.memory_space<hbm>> -> memref<5120x128xf32, #tpu.memory_space<hbm>>
      tpu.enqueue_indirect_dma source(%dma_start3A_64 : memref<5120x128xf32, #tpu.memory_space<hbm>>) target(%arg7 : memref<128x128xf32, #tpu.memory_space<vmem>>) offsets(%dma_start3A_61 : memref<128xi32, #tpu.memory_space<vmem>>) semaphore(%arg9 : memref<!tpu.dma_semaphore, #tpu.memory_space<semaphore_mem>>)
      %dma_wait3A_65 = arith.constant 2 : i32
      %dma_wait3A_66 = arith.constant 0 : i32
      %dma_wait3A_67 = tpu.memref_slice %arg6[%dma_wait3A_65, %dma_wait3A_66] : memref<8x128xi32, #tpu.memory_space<vmem>> -> memref<1x128xi32, #tpu.memory_space<vmem>>
      %dma_wait3A_68 = tpu.memref_squeeze %dma_wait3A_67 : memref<1x128xi32, #tpu.memory_space<vmem>> -> memref<128xi32, #tpu.memory_space<vmem>>
      %dma_wait3A_69 = arith.constant 0 : i32
      %dma_wait3A_70 = arith.constant 0 : i32
      %dma_wait3A_71 = tpu.memref_slice %arg2[%dma_wait3A_69, %dma_wait3A_70] : memref<5120x128xf32, #tpu.memory_space<hbm>> -> memref<5120x128xf32, #tpu.memory_space<hbm>>
      tpu.wait_indirect_dma semaphore(%arg9 : memref<!tpu.dma_semaphore, #tpu.memory_space<semaphore_mem>>) src(%dma_wait3A_71 : memref<5120x128xf32, #tpu.memory_space<hbm>>) dst(%arg7 : memref<128x128xf32, #tpu.memory_space<vmem>>)
      %mul3A_72 = arith.constant 1024 : i32
      %mul3A_73 = arith.muli %mul3A_72, %add3A : i32
      %add3A_74 = arith.constant 256 : i32
      %add3A_75 = arith.addi %mul3A_73, %add3A_74 : i32
      "tpu.region"() ({
        %run_scoped3A = tpu.sem_alloc : memref<!tpu.dma_semaphore, #tpu.memory_space<semaphore_mem>>
        %dma_start3A_226 = arith.constant 0 : i32
        %dma_start3A_227 = tpu.memref_slice %arg4[%add3A_75, %dma_start3A_226] : memref<10240x128xf32, #tpu.memory_space<hbm>> -> memref<128x128xf32, #tpu.memory_space<hbm>>
        %dma_start3A_228 = arith.constant 0 : i32
        %dma_start3A_229 = tpu.memref_slice %arg4[%add3A_75, %dma_start3A_228] : memref<10240x128xf32, #tpu.memory_space<hbm>> -> memref<128x128xf32, #tpu.memory_space<hbm>>
        tpu.enqueue_dma source(%dma_start3A_229 : memref<128x128xf32, #tpu.memory_space<hbm>>) target(%arg8 : memref<128x128xf32, #tpu.memory_space<vmem>>) target_semaphore(%run_scoped3A : memref<!tpu.dma_semaphore, #tpu.memory_space<semaphore_mem>>)
        %dma_wait3A_230 = arith.constant 0 : i32
        %dma_wait3A_231 = tpu.memref_slice %arg4[%add3A_75, %dma_wait3A_230] : memref<10240x128xf32, #tpu.memory_space<hbm>> -> memref<128x128xf32, #tpu.memory_space<hbm>>
        %dma_wait3A_232 = arith.constant 0 : i32
        %dma_wait3A_233 = tpu.memref_slice %arg4[%add3A_75, %dma_wait3A_232] : memref<10240x128xf32, #tpu.memory_space<hbm>> -> memref<128x128xf32, #tpu.memory_space<hbm>>
        tpu.wait_dma2 semaphore(%run_scoped3A : memref<!tpu.dma_semaphore, #tpu.memory_space<semaphore_mem>>) src(%dma_wait3A_233 : memref<128x128xf32, #tpu.memory_space<hbm>>) dst(%arg8 : memref<128x128xf32, #tpu.memory_space<vmem>>)
        tpu.yield
      }) : () -> ()
      %scan3A_76 = arith.constant 0 : i32
      %scan3A_77 = arith.constant 0 : i32
      %scan3A_78 = arith.constant 128 : i32
      %scan3A_79 = arith.addi %scan3A_77, %scan3A_78 : i32
      %scan3A_80 = arith.constant 1 : i32
      scf.for %scan3A_226 = %scan3A_77 to %scan3A_79 step %scan3A_80  : i32 {
        %get3A = arith.index_cast %scan3A_226 : i32 to index
        %get3A_227 = arith.constant 0 : index
        %get3A_228 = tpu.vector_load %arg7[%get3A, %get3A_227] {strides = array<i32>} : memref<128x128xf32, #tpu.memory_space<vmem>>, vector<1x16xf32>,
        %get3A_229 = vector.shape_cast %get3A_228 : vector<1x16xf32> to vector<16xf32>
        %get3A_230 = arith.index_cast %scan3A_226 : i32 to index
        %get3A_231 = arith.constant 0 : index
        %get3A_232 = tpu.vector_load %arg8[%get3A_230, %get3A_231] {strides = array<i32>} : memref<128x128xf32, #tpu.memory_space<vmem>>, vector<1x16xf32>,
        %get3A_233 = vector.shape_cast %get3A_232 : vector<1x16xf32> to vector<16xf32>
        %mul3A_234 = arith.mulf %get3A_229, %get3A_233 : vector<16xf32>
        %swap3A = arith.index_cast %scan3A_226 : i32 to index
        %swap3A_235 = arith.constant 0 : index
        %swap3A_236 = tpu.vector_load %arg7[%swap3A, %swap3A_235] {strides = array<i32>} : memref<128x128xf32, #tpu.memory_space<vmem>>, vector<1x16xf32>,
        %swap3A_237 = vector.shape_cast %swap3A_236 : vector<1x16xf32> to vector<16xf32>
        %swap3A_238 = vector.shape_cast %mul3A_234 : vector<16xf32> to vector<1x16xf32>
        tpu.vector_store %arg7[%swap3A, %swap3A_235], %swap3A_238 {strides = array<i32>} : memref<128x128xf32, #tpu.memory_space<vmem>>, vector<1x16xf32>,
        %get3A_239 = arith.index_cast %scan3A_226 : i32 to index
        %get3A_240 = arith.constant 16 : index
        %get3A_241 = tpu.vector_load %arg7[%get3A_239, %get3A_240] {strides = array<i32>} : memref<128x128xf32, #tpu.memory_space<vmem>>, vector<1x16xf32>,
        %get3A_242 = vector.shape_cast %get3A_241 : vector<1x16xf32> to vector<16xf32>
        %get3A_243 = arith.index_cast %scan3A_226 : i32 to index
        %get3A_244 = arith.constant 16 : index
        %get3A_245 = tpu.vector_load %arg8[%get3A_243, %get3A_244] {strides = array<i32>} : memref<128x128xf32, #tpu.memory_space<vmem>>, vector<1x16xf32>,
        %get3A_246 = vector.shape_cast %get3A_245 : vector<1x16xf32> to vector<16xf32>
        %mul3A_247 = arith.mulf %get3A_242, %get3A_246 : vector<16xf32>
        %swap3A_248 = arith.index_cast %scan3A_226 : i32 to index
        %swap3A_249 = arith.constant 16 : index
        %swap3A_250 = tpu.vector_load %arg7[%swap3A_248, %swap3A_249] {strides = array<i32>} : memref<128x128xf32, #tpu.memory_space<vmem>>, vector<1x16xf32>,
        %swap3A_251 = vector.shape_cast %swap3A_250 : vector<1x16xf32> to vector<16xf32>
        %swap3A_252 = vector.shape_cast %mul3A_247 : vector<16xf32> to vector<1x16xf32>
        tpu.vector_store %arg7[%swap3A_248, %swap3A_249], %swap3A_252 {strides = array<i32>} : memref<128x128xf32, #tpu.memory_space<vmem>>, vector<1x16xf32>,
        %get3A_253 = arith.index_cast %scan3A_226 : i32 to index
        %get3A_254 = arith.constant 32 : index
        %get3A_255 = tpu.vector_load %arg7[%get3A_253, %get3A_254] {strides = array<i32>} : memref<128x128xf32, #tpu.memory_space<vmem>>, vector<1x16xf32>,
        %get3A_256 = vector.shape_cast %get3A_255 : vector<1x16xf32> to vector<16xf32>
        %get3A_257 = arith.index_cast %scan3A_226 : i32 to index
        %get3A_258 = arith.constant 32 : index
        %get3A_259 = tpu.vector_load %arg8[%get3A_257, %get3A_258] {strides = array<i32>} : memref<128x128xf32, #tpu.memory_space<vmem>>, vector<1x16xf32>,
        %get3A_260 = vector.shape_cast %get3A_259 : vector<1x16xf32> to vector<16xf32>
        %mul3A_261 = arith.mulf %get3A_256, %get3A_260 : vector<16xf32>
        %swap3A_262 = arith.index_cast %scan3A_226 : i32 to index
        %swap3A_263 = arith.constant 32 : index
        %swap3A_264 = tpu.vector_load %arg7[%swap3A_262, %swap3A_263] {strides = array<i32>} : memref<128x128xf32, #tpu.memory_space<vmem>>, vector<1x16xf32>,
        %swap3A_265 = vector.shape_cast %swap3A_264 : vector<1x16xf32> to vector<16xf32>
        %swap3A_266 = vector.shape_cast %mul3A_261 : vector<16xf32> to vector<1x16xf32>
        tpu.vector_store %arg7[%swap3A_262, %swap3A_263], %swap3A_266 {strides = array<i32>} : memref<128x128xf32, #tpu.memory_space<vmem>>, vector<1x16xf32>,
        %get3A_267 = arith.index_cast %scan3A_226 : i32 to index
        %get3A_268 = arith.constant 48 : index
        %get3A_269 = tpu.vector_load %arg7[%get3A_267, %get3A_268] {strides = array<i32>} : memref<128x128xf32, #tpu.memory_space<vmem>>, vector<1x16xf32>,
        %get3A_270 = vector.shape_cast %get3A_269 : vector<1x16xf32> to vector<16xf32>
        %get3A_271 = arith.index_cast %scan3A_226 : i32 to index
        %get3A_272 = arith.constant 48 : index
        %get3A_273 = tpu.vector_load %arg8[%get3A_271, %get3A_272] {strides = array<i32>} : memref<128x128xf32, #tpu.memory_space<vmem>>, vector<1x16xf32>,
        %get3A_274 = vector.shape_cast %get3A_273 : vector<1x16xf32> to vector<16xf32>
        %mul3A_275 = arith.mulf %get3A_270, %get3A_274 : vector<16xf32>
        %swap3A_276 = arith.index_cast %scan3A_226 : i32 to index
        %swap3A_277 = arith.constant 48 : index
        %swap3A_278 = tpu.vector_load %arg7[%swap3A_276, %swap3A_277] {strides = array<i32>} : memref<128x128xf32, #tpu.memory_space<vmem>>, vector<1x16xf32>,
        %swap3A_279 = vector.shape_cast %swap3A_278 : vector<1x16xf32> to vector<16xf32>
        %swap3A_280 = vector.shape_cast %mul3A_275 : vector<16xf32> to vector<1x16xf32>
        tpu.vector_store %arg7[%swap3A_276, %swap3A_277], %swap3A_280 {strides = array<i32>} : memref<128x128xf32, #tpu.memory_space<vmem>>, vector<1x16xf32>,
        %get3A_281 = arith.index_cast %scan3A_226 : i32 to index
        %get3A_282 = arith.constant 64 : index
        %get3A_283 = tpu.vector_load %arg7[%get3A_281, %get3A_282] {strides = array<i32>} : memref<128x128xf32, #tpu.memory_space<vmem>>, vector<1x16xf32>,
        %get3A_284 = vector.shape_cast %get3A_283 : vector<1x16xf32> to vector<16xf32>
        %get3A_285 = arith.index_cast %scan3A_226 : i32 to index
        %get3A_286 = arith.constant 64 : index
        %get3A_287 = tpu.vector_load %arg8[%get3A_285, %get3A_286] {strides = array<i32>} : memref<128x128xf32, #tpu.memory_space<vmem>>, vector<1x16xf32>,
        %get3A_288 = vector.shape_cast %get3A_287 : vector<1x16xf32> to vector<16xf32>
        %mul3A_289 = arith.mulf %get3A_284, %get3A_288 : vector<16xf32>
        %swap3A_290 = arith.index_cast %scan3A_226 : i32 to index
        %swap3A_291 = arith.constant 64 : index
        %swap3A_292 = tpu.vector_load %arg7[%swap3A_290, %swap3A_291] {strides = array<i32>} : memref<128x128xf32, #tpu.memory_space<vmem>>, vector<1x16xf32>,
        %swap3A_293 = vector.shape_cast %swap3A_292 : vector<1x16xf32> to vector<16xf32>
        %swap3A_294 = vector.shape_cast %mul3A_289 : vector<16xf32> to vector<1x16xf32>
        tpu.vector_store %arg7[%swap3A_290, %swap3A_291], %swap3A_294 {strides = array<i32>} : memref<128x128xf32, #tpu.memory_space<vmem>>, vector<1x16xf32>,
        %get3A_295 = arith.index_cast %scan3A_226 : i32 to index
        %get3A_296 = arith.constant 80 : index
        %get3A_297 = tpu.vector_load %arg7[%get3A_295, %get3A_296] {strides = array<i32>} : memref<128x128xf32, #tpu.memory_space<vmem>>, vector<1x16xf32>,
        %get3A_298 = vector.shape_cast %get3A_297 : vector<1x16xf32> to vector<16xf32>
        %get3A_299 = arith.index_cast %scan3A_226 : i32 to index
        %get3A_300 = arith.constant 80 : index
        %get3A_301 = tpu.vector_load %arg8[%get3A_299, %get3A_300] {strides = array<i32>} : memref<128x128xf32, #tpu.memory_space<vmem>>, vector<1x16xf32>,
        %get3A_302 = vector.shape_cast %get3A_301 : vector<1x16xf32> to vector<16xf32>
        %mul3A_303 = arith.mulf %get3A_298, %get3A_302 : vector<16xf32>
        %swap3A_304 = arith.index_cast %scan3A_226 : i32 to index
        %swap3A_305 = arith.constant 80 : index
        %swap3A_306 = tpu.vector_load %arg7[%swap3A_304, %swap3A_305] {strides = array<i32>} : memref<128x128xf32, #tpu.memory_space<vmem>>, vector<1x16xf32>,
        %swap3A_307 = vector.shape_cast %swap3A_306 : vector<1x16xf32> to vector<16xf32>
        %swap3A_308 = vector.shape_cast %mul3A_303 : vector<16xf32> to vector<1x16xf32>
        tpu.vector_store %arg7[%swap3A_304, %swap3A_305], %swap3A_308 {strides = array<i32>} : memref<128x128xf32, #tpu.memory_space<vmem>>, vector<1x16xf32>,
        %get3A_309 = arith.index_cast %scan3A_226 : i32 to index
        %get3A_310 = arith.constant 96 : index
        %get3A_311 = tpu.vector_load %arg7[%get3A_309, %get3A_310] {strides = array<i32>} : memref<128x128xf32, #tpu.memory_space<vmem>>, vector<1x16xf32>,
        %get3A_312 = vector.shape_cast %get3A_311 : vector<1x16xf32> to vector<16xf32>
        %get3A_313 = arith.index_cast %scan3A_226 : i32 to index
        %get3A_314 = arith.constant 96 : index
        %get3A_315 = tpu.vector_load %arg8[%get3A_313, %get3A_314] {strides = array<i32>} : memref<128x128xf32, #tpu.memory_space<vmem>>, vector<1x16xf32>,
        %get3A_316 = vector.shape_cast %get3A_315 : vector<1x16xf32> to vector<16xf32>
        %mul3A_317 = arith.mulf %get3A_312, %get3A_316 : vector<16xf32>
        %swap3A_318 = arith.index_cast %scan3A_226 : i32 to index
        %swap3A_319 = arith.constant 96 : index
        %swap3A_320 = tpu.vector_load %arg7[%swap3A_318, %swap3A_319] {strides = array<i32>} : memref<128x128xf32, #tpu.memory_space<vmem>>, vector<1x16xf32>,
        %swap3A_321 = vector.shape_cast %swap3A_320 : vector<1x16xf32> to vector<16xf32>
        %swap3A_322 = vector.shape_cast %mul3A_317 : vector<16xf32> to vector<1x16xf32>
        tpu.vector_store %arg7[%swap3A_318, %swap3A_319], %swap3A_322 {strides = array<i32>} : memref<128x128xf32, #tpu.memory_space<vmem>>, vector<1x16xf32>,
        %get3A_323 = arith.index_cast %scan3A_226 : i32 to index
        %get3A_324 = arith.constant 112 : index
        %get3A_325 = tpu.vector_load %arg7[%get3A_323, %get3A_324] {strides = array<i32>} : memref<128x128xf32, #tpu.memory_space<vmem>>, vector<1x16xf32>,
        %get3A_326 = vector.shape_cast %get3A_325 : vector<1x16xf32> to vector<16xf32>
        %get3A_327 = arith.index_cast %scan3A_226 : i32 to index
        %get3A_328 = arith.constant 112 : index
        %get3A_329 = tpu.vector_load %arg8[%get3A_327, %get3A_328] {strides = array<i32>} : memref<128x128xf32, #tpu.memory_space<vmem>>, vector<1x16xf32>,
        %get3A_330 = vector.shape_cast %get3A_329 : vector<1x16xf32> to vector<16xf32>
        %mul3A_331 = arith.mulf %get3A_326, %get3A_330 : vector<16xf32>
        %swap3A_332 = arith.index_cast %scan3A_226 : i32 to index
        %swap3A_333 = arith.constant 112 : index
        %swap3A_334 = tpu.vector_load %arg7[%swap3A_332, %swap3A_333] {strides = array<i32>} : memref<128x128xf32, #tpu.memory_space<vmem>>, vector<1x16xf32>,
        %swap3A_335 = vector.shape_cast %swap3A_334 : vector<1x16xf32> to vector<16xf32>
        %swap3A_336 = vector.shape_cast %mul3A_331 : vector<16xf32> to vector<1x16xf32>
        tpu.vector_store %arg7[%swap3A_332, %swap3A_333], %swap3A_336 {strides = array<i32>} : memref<128x128xf32, #tpu.memory_space<vmem>>, vector<1x16xf32>,
      }
      %scan3A_81 = arith.constant 128 : i32
      %mul3A_82 = arith.constant 1024 : i32
      %mul3A_83 = arith.muli %mul3A_82, %add3A : i32
      %add3A_84 = arith.constant 256 : i32
      %add3A_85 = arith.addi %mul3A_83, %add3A_84 : i32
      "tpu.region"() ({
        %run_scoped3A = tpu.sem_alloc : memref<!tpu.dma_semaphore, #tpu.memory_space<semaphore_mem>>
        %dma_start3A_226 = arith.constant 0 : i32
        %dma_start3A_227 = tpu.memref_slice %arg5[%add3A_85, %dma_start3A_226] : memref<10240x128xf32, #tpu.memory_space<hbm>> -> memref<128x128xf32, #tpu.memory_space<hbm>>
        %dma_start3A_228 = arith.constant 0 : i32
        %dma_start3A_229 = tpu.memref_slice %arg5[%add3A_85, %dma_start3A_228] : memref<10240x128xf32, #tpu.memory_space<hbm>> -> memref<128x128xf32, #tpu.memory_space<hbm>>
        tpu.enqueue_dma source(%arg7 : memref<128x128xf32, #tpu.memory_space<vmem>>) target(%dma_start3A_229 : memref<128x128xf32, #tpu.memory_space<hbm>>) target_semaphore(%run_scoped3A : memref<!tpu.dma_semaphore, #tpu.memory_space<semaphore_mem>>)
        %dma_wait3A_230 = arith.constant 0 : i32
        %dma_wait3A_231 = tpu.memref_slice %arg5[%add3A_85, %dma_wait3A_230] : memref<10240x128xf32, #tpu.memory_space<hbm>> -> memref<128x128xf32, #tpu.memory_space<hbm>>
        %dma_wait3A_232 = arith.constant 0 : i32
        %dma_wait3A_233 = tpu.memref_slice %arg5[%add3A_85, %dma_wait3A_232] : memref<10240x128xf32, #tpu.memory_space<hbm>> -> memref<128x128xf32, #tpu.memory_space<hbm>>
        tpu.wait_dma2 semaphore(%run_scoped3A : memref<!tpu.dma_semaphore, #tpu.memory_space<semaphore_mem>>) src(%arg7 : memref<128x128xf32, #tpu.memory_space<vmem>>) dst(%dma_wait3A_233 : memref<128x128xf32, #tpu.memory_space<hbm>>)
        tpu.yield
      }) : () -> ()
      %dma_start3A_86 = arith.constant 3 : i32
      %dma_start3A_87 = arith.constant 0 : i32
      %dma_start3A_88 = tpu.memref_slice %arg6[%dma_start3A_86, %dma_start3A_87] : memref<8x128xi32, #tpu.memory_space<vmem>> -> memref<1x128xi32, #tpu.memory_space<vmem>>
      %dma_start3A_89 = tpu.memref_squeeze %dma_start3A_88 : memref<1x128xi32, #tpu.memory_space<vmem>> -> memref<128xi32, #tpu.memory_space<vmem>>
      %dma_start3A_90 = arith.constant 0 : i32
      %dma_start3A_91 = arith.constant 0 : i32
      %dma_start3A_92 = tpu.memref_slice %arg2[%dma_start3A_90, %dma_start3A_91] : memref<5120x128xf32, #tpu.memory_space<hbm>> -> memref<5120x128xf32, #tpu.memory_space<hbm>>
      tpu.enqueue_indirect_dma source(%dma_start3A_92 : memref<5120x128xf32, #tpu.memory_space<hbm>>) target(%arg7 : memref<128x128xf32, #tpu.memory_space<vmem>>) offsets(%dma_start3A_89 : memref<128xi32, #tpu.memory_space<vmem>>) semaphore(%arg9 : memref<!tpu.dma_semaphore, #tpu.memory_space<semaphore_mem>>)
      %dma_wait3A_93 = arith.constant 3 : i32
      %dma_wait3A_94 = arith.constant 0 : i32
      %dma_wait3A_95 = tpu.memref_slice %arg6[%dma_wait3A_93, %dma_wait3A_94] : memref<8x128xi32, #tpu.memory_space<vmem>> -> memref<1x128xi32, #tpu.memory_space<vmem>>
      %dma_wait3A_96 = tpu.memref_squeeze %dma_wait3A_95 : memref<1x128xi32, #tpu.memory_space<vmem>> -> memref<128xi32, #tpu.memory_space<vmem>>
      %dma_wait3A_97 = arith.constant 0 : i32
      %dma_wait3A_98 = arith.constant 0 : i32
      %dma_wait3A_99 = tpu.memref_slice %arg2[%dma_wait3A_97, %dma_wait3A_98] : memref<5120x128xf32, #tpu.memory_space<hbm>> -> memref<5120x128xf32, #tpu.memory_space<hbm>>
      tpu.wait_indirect_dma semaphore(%arg9 : memref<!tpu.dma_semaphore, #tpu.memory_space<semaphore_mem>>) src(%dma_wait3A_99 : memref<5120x128xf32, #tpu.memory_space<hbm>>) dst(%arg7 : memref<128x128xf32, #tpu.memory_space<vmem>>)
      %mul3A_100 = arith.constant 1024 : i32
      %mul3A_101 = arith.muli %mul3A_100, %add3A : i32
      %add3A_102 = arith.constant 384 : i32
      %add3A_103 = arith.addi %mul3A_101, %add3A_102 : i32
      "tpu.region"() ({
        %run_scoped3A = tpu.sem_alloc : memref<!tpu.dma_semaphore, #tpu.memory_space<semaphore_mem>>
        %dma_start3A_226 = arith.constant 0 : i32
        %dma_start3A_227 = tpu.memref_slice %arg4[%add3A_103, %dma_start3A_226] : memref<10240x128xf32, #tpu.memory_space<hbm>> -> memref<128x128xf32, #tpu.memory_space<hbm>>
        %dma_start3A_228 = arith.constant 0 : i32
        %dma_start3A_229 = tpu.memref_slice %arg4[%add3A_103, %dma_start3A_228] : memref<10240x128xf32, #tpu.memory_space<hbm>> -> memref<128x128xf32, #tpu.memory_space<hbm>>
        tpu.enqueue_dma source(%dma_start3A_229 : memref<128x128xf32, #tpu.memory_space<hbm>>) target(%arg8 : memref<128x128xf32, #tpu.memory_space<vmem>>) target_semaphore(%run_scoped3A : memref<!tpu.dma_semaphore, #tpu.memory_space<semaphore_mem>>)
        %dma_wait3A_230 = arith.constant 0 : i32
        %dma_wait3A_231 = tpu.memref_slice %arg4[%add3A_103, %dma_wait3A_230] : memref<10240x128xf32, #tpu.memory_space<hbm>> -> memref<128x128xf32, #tpu.memory_space<hbm>>
        %dma_wait3A_232 = arith.constant 0 : i32
        %dma_wait3A_233 = tpu.memref_slice %arg4[%add3A_103, %dma_wait3A_232] : memref<10240x128xf32, #tpu.memory_space<hbm>> -> memref<128x128xf32, #tpu.memory_space<hbm>>
        tpu.wait_dma2 semaphore(%run_scoped3A : memref<!tpu.dma_semaphore, #tpu.memory_space<semaphore_mem>>) src(%dma_wait3A_233 : memref<128x128xf32, #tpu.memory_space<hbm>>) dst(%arg8 : memref<128x128xf32, #tpu.memory_space<vmem>>)
        tpu.yield
      }) : () -> ()
      %scan3A_104 = arith.constant 0 : i32
      %scan3A_105 = arith.constant 0 : i32
      %scan3A_106 = arith.constant 128 : i32
      %scan3A_107 = arith.addi %scan3A_105, %scan3A_106 : i32
      %scan3A_108 = arith.constant 1 : i32
      scf.for %scan3A_226 = %scan3A_105 to %scan3A_107 step %scan3A_108  : i32 {
        %get3A = arith.index_cast %scan3A_226 : i32 to index
        %get3A_227 = arith.constant 0 : index
        %get3A_228 = tpu.vector_load %arg7[%get3A, %get3A_227] {strides = array<i32>} : memref<128x128xf32, #tpu.memory_space<vmem>>, vector<1x16xf32>,
        %get3A_229 = vector.shape_cast %get3A_228 : vector<1x16xf32> to vector<16xf32>
        %get3A_230 = arith.index_cast %scan3A_226 : i32 to index
        %get3A_231 = arith.constant 0 : index
        %get3A_232 = tpu.vector_load %arg8[%get3A_230, %get3A_231] {strides = array<i32>} : memref<128x128xf32, #tpu.memory_space<vmem>>, vector<1x16xf32>,
        %get3A_233 = vector.shape_cast %get3A_232 : vector<1x16xf32> to vector<16xf32>
        %mul3A_234 = arith.mulf %get3A_229, %get3A_233 : vector<16xf32>
        %swap3A = arith.index_cast %scan3A_226 : i32 to index
        %swap3A_235 = arith.constant 0 : index
        %swap3A_236 = tpu.vector_load %arg7[%swap3A, %swap3A_235] {strides = array<i32>} : memref<128x128xf32, #tpu.memory_space<vmem>>, vector<1x16xf32>,
        %swap3A_237 = vector.shape_cast %swap3A_236 : vector<1x16xf32> to vector<16xf32>
        %swap3A_238 = vector.shape_cast %mul3A_234 : vector<16xf32> to vector<1x16xf32>
        tpu.vector_store %arg7[%swap3A, %swap3A_235], %swap3A_238 {strides = array<i32>} : memref<128x128xf32, #tpu.memory_space<vmem>>, vector<1x16xf32>,
        %get3A_239 = arith.index_cast %scan3A_226 : i32 to index
        %get3A_240 = arith.constant 16 : index
        %get3A_241 = tpu.vector_load %arg7[%get3A_239, %get3A_240] {strides = array<i32>} : memref<128x128xf32, #tpu.memory_space<vmem>>, vector<1x16xf32>,
        %get3A_242 = vector.shape_cast %get3A_241 : vector<1x16xf32> to vector<16xf32>
        %get3A_243 = arith.index_cast %scan3A_226 : i32 to index
        %get3A_244 = arith.constant 16 : index
        %get3A_245 = tpu.vector_load %arg8[%get3A_243, %get3A_244] {strides = array<i32>} : memref<128x128xf32, #tpu.memory_space<vmem>>, vector<1x16xf32>,
        %get3A_246 = vector.shape_cast %get3A_245 : vector<1x16xf32> to vector<16xf32>
        %mul3A_247 = arith.mulf %get3A_242, %get3A_246 : vector<16xf32>
        %swap3A_248 = arith.index_cast %scan3A_226 : i32 to index
        %swap3A_249 = arith.constant 16 : index
        %swap3A_250 = tpu.vector_load %arg7[%swap3A_248, %swap3A_249] {strides = array<i32>} : memref<128x128xf32, #tpu.memory_space<vmem>>, vector<1x16xf32>,
        %swap3A_251 = vector.shape_cast %swap3A_250 : vector<1x16xf32> to vector<16xf32>
        %swap3A_252 = vector.shape_cast %mul3A_247 : vector<16xf32> to vector<1x16xf32>
        tpu.vector_store %arg7[%swap3A_248, %swap3A_249], %swap3A_252 {strides = array<i32>} : memref<128x128xf32, #tpu.memory_space<vmem>>, vector<1x16xf32>,
        %get3A_253 = arith.index_cast %scan3A_226 : i32 to index
        %get3A_254 = arith.constant 32 : index
        %get3A_255 = tpu.vector_load %arg7[%get3A_253, %get3A_254] {strides = array<i32>} : memref<128x128xf32, #tpu.memory_space<vmem>>, vector<1x16xf32>,
        %get3A_256 = vector.shape_cast %get3A_255 : vector<1x16xf32> to vector<16xf32>
        %get3A_257 = arith.index_cast %scan3A_226 : i32 to index
        %get3A_258 = arith.constant 32 : index
        %get3A_259 = tpu.vector_load %arg8[%get3A_257, %get3A_258] {strides = array<i32>} : memref<128x128xf32, #tpu.memory_space<vmem>>, vector<1x16xf32>,
        %get3A_260 = vector.shape_cast %get3A_259 : vector<1x16xf32> to vector<16xf32>
        %mul3A_261 = arith.mulf %get3A_256, %get3A_260 : vector<16xf32>
        %swap3A_262 = arith.index_cast %scan3A_226 : i32 to index
        %swap3A_263 = arith.constant 32 : index
        %swap3A_264 = tpu.vector_load %arg7[%swap3A_262, %swap3A_263] {strides = array<i32>} : memref<128x128xf32, #tpu.memory_space<vmem>>, vector<1x16xf32>,
        %swap3A_265 = vector.shape_cast %swap3A_264 : vector<1x16xf32> to vector<16xf32>
        %swap3A_266 = vector.shape_cast %mul3A_261 : vector<16xf32> to vector<1x16xf32>
        tpu.vector_store %arg7[%swap3A_262, %swap3A_263], %swap3A_266 {strides = array<i32>} : memref<128x128xf32, #tpu.memory_space<vmem>>, vector<1x16xf32>,
        %get3A_267 = arith.index_cast %scan3A_226 : i32 to index
        %get3A_268 = arith.constant 48 : index
        %get3A_269 = tpu.vector_load %arg7[%get3A_267, %get3A_268] {strides = array<i32>} : memref<128x128xf32, #tpu.memory_space<vmem>>, vector<1x16xf32>,
        %get3A_270 = vector.shape_cast %get3A_269 : vector<1x16xf32> to vector<16xf32>
        %get3A_271 = arith.index_cast %scan3A_226 : i32 to index
        %get3A_272 = arith.constant 48 : index
        %get3A_273 = tpu.vector_load %arg8[%get3A_271, %get3A_272] {strides = array<i32>} : memref<128x128xf32, #tpu.memory_space<vmem>>, vector<1x16xf32>,
        %get3A_274 = vector.shape_cast %get3A_273 : vector<1x16xf32> to vector<16xf32>
        %mul3A_275 = arith.mulf %get3A_270, %get3A_274 : vector<16xf32>
        %swap3A_276 = arith.index_cast %scan3A_226 : i32 to index
        %swap3A_277 = arith.constant 48 : index
        %swap3A_278 = tpu.vector_load %arg7[%swap3A_276, %swap3A_277] {strides = array<i32>} : memref<128x128xf32, #tpu.memory_space<vmem>>, vector<1x16xf32>,
        %swap3A_279 = vector.shape_cast %swap3A_278 : vector<1x16xf32> to vector<16xf32>
        %swap3A_280 = vector.shape_cast %mul3A_275 : vector<16xf32> to vector<1x16xf32>
        tpu.vector_store %arg7[%swap3A_276, %swap3A_277], %swap3A_280 {strides = array<i32>} : memref<128x128xf32, #tpu.memory_space<vmem>>, vector<1x16xf32>,
        %get3A_281 = arith.index_cast %scan3A_226 : i32 to index
        %get3A_282 = arith.constant 64 : index
        %get3A_283 = tpu.vector_load %arg7[%get3A_281, %get3A_282] {strides = array<i32>} : memref<128x128xf32, #tpu.memory_space<vmem>>, vector<1x16xf32>,
        %get3A_284 = vector.shape_cast %get3A_283 : vector<1x16xf32> to vector<16xf32>
        %get3A_285 = arith.index_cast %scan3A_226 : i32 to index
        %get3A_286 = arith.constant 64 : index
        %get3A_287 = tpu.vector_load %arg8[%get3A_285, %get3A_286] {strides = array<i32>} : memref<128x128xf32, #tpu.memory_space<vmem>>, vector<1x16xf32>,
        %get3A_288 = vector.shape_cast %get3A_287 : vector<1x16xf32> to vector<16xf32>
        %mul3A_289 = arith.mulf %get3A_284, %get3A_288 : vector<16xf32>
        %swap3A_290 = arith.index_cast %scan3A_226 : i32 to index
        %swap3A_291 = arith.constant 64 : index
        %swap3A_292 = tpu.vector_load %arg7[%swap3A_290, %swap3A_291] {strides = array<i32>} : memref<128x128xf32, #tpu.memory_space<vmem>>, vector<1x16xf32>,
        %swap3A_293 = vector.shape_cast %swap3A_292 : vector<1x16xf32> to vector<16xf32>
        %swap3A_294 = vector.shape_cast %mul3A_289 : vector<16xf32> to vector<1x16xf32>
        tpu.vector_store %arg7[%swap3A_290, %swap3A_291], %swap3A_294 {strides = array<i32>} : memref<128x128xf32, #tpu.memory_space<vmem>>, vector<1x16xf32>,
        %get3A_295 = arith.index_cast %scan3A_226 : i32 to index
        %get3A_296 = arith.constant 80 : index
        %get3A_297 = tpu.vector_load %arg7[%get3A_295, %get3A_296] {strides = array<i32>} : memref<128x128xf32, #tpu.memory_space<vmem>>, vector<1x16xf32>,
        %get3A_298 = vector.shape_cast %get3A_297 : vector<1x16xf32> to vector<16xf32>
        %get3A_299 = arith.index_cast %scan3A_226 : i32 to index
        %get3A_300 = arith.constant 80 : index
        %get3A_301 = tpu.vector_load %arg8[%get3A_299, %get3A_300] {strides = array<i32>} : memref<128x128xf32, #tpu.memory_space<vmem>>, vector<1x16xf32>,
        %get3A_302 = vector.shape_cast %get3A_301 : vector<1x16xf32> to vector<16xf32>
        %mul3A_303 = arith.mulf %get3A_298, %get3A_302 : vector<16xf32>
        %swap3A_304 = arith.index_cast %scan3A_226 : i32 to index
        %swap3A_305 = arith.constant 80 : index
        %swap3A_306 = tpu.vector_load %arg7[%swap3A_304, %swap3A_305] {strides = array<i32>} : memref<128x128xf32, #tpu.memory_space<vmem>>, vector<1x16xf32>,
        %swap3A_307 = vector.shape_cast %swap3A_306 : vector<1x16xf32> to vector<16xf32>
        %swap3A_308 = vector.shape_cast %mul3A_303 : vector<16xf32> to vector<1x16xf32>
        tpu.vector_store %arg7[%swap3A_304, %swap3A_305], %swap3A_308 {strides = array<i32>} : memref<128x128xf32, #tpu.memory_space<vmem>>, vector<1x16xf32>,
        %get3A_309 = arith.index_cast %scan3A_226 : i32 to index
        %get3A_310 = arith.constant 96 : index
        %get3A_311 = tpu.vector_load %arg7[%get3A_309, %get3A_310] {strides = array<i32>} : memref<128x128xf32, #tpu.memory_space<vmem>>, vector<1x16xf32>,
        %get3A_312 = vector.shape_cast %get3A_311 : vector<1x16xf32> to vector<16xf32>
        %get3A_313 = arith.index_cast %scan3A_226 : i32 to index
        %get3A_314 = arith.constant 96 : index
        %get3A_315 = tpu.vector_load %arg8[%get3A_313, %get3A_314] {strides = array<i32>} : memref<128x128xf32, #tpu.memory_space<vmem>>, vector<1x16xf32>,
        %get3A_316 = vector.shape_cast %get3A_315 : vector<1x16xf32> to vector<16xf32>
        %mul3A_317 = arith.mulf %get3A_312, %get3A_316 : vector<16xf32>
        %swap3A_318 = arith.index_cast %scan3A_226 : i32 to index
        %swap3A_319 = arith.constant 96 : index
        %swap3A_320 = tpu.vector_load %arg7[%swap3A_318, %swap3A_319] {strides = array<i32>} : memref<128x128xf32, #tpu.memory_space<vmem>>, vector<1x16xf32>,
        %swap3A_321 = vector.shape_cast %swap3A_320 : vector<1x16xf32> to vector<16xf32>
        %swap3A_322 = vector.shape_cast %mul3A_317 : vector<16xf32> to vector<1x16xf32>
        tpu.vector_store %arg7[%swap3A_318, %swap3A_319], %swap3A_322 {strides = array<i32>} : memref<128x128xf32, #tpu.memory_space<vmem>>, vector<1x16xf32>,
        %get3A_323 = arith.index_cast %scan3A_226 : i32 to index
        %get3A_324 = arith.constant 112 : index
        %get3A_325 = tpu.vector_load %arg7[%get3A_323, %get3A_324] {strides = array<i32>} : memref<128x128xf32, #tpu.memory_space<vmem>>, vector<1x16xf32>,
        %get3A_326 = vector.shape_cast %get3A_325 : vector<1x16xf32> to vector<16xf32>
        %get3A_327 = arith.index_cast %scan3A_226 : i32 to index
        %get3A_328 = arith.constant 112 : index
        %get3A_329 = tpu.vector_load %arg8[%get3A_327, %get3A_328] {strides = array<i32>} : memref<128x128xf32, #tpu.memory_space<vmem>>, vector<1x16xf32>,
        %get3A_330 = vector.shape_cast %get3A_329 : vector<1x16xf32> to vector<16xf32>
        %mul3A_331 = arith.mulf %get3A_326, %get3A_330 : vector<16xf32>
        %swap3A_332 = arith.index_cast %scan3A_226 : i32 to index
        %swap3A_333 = arith.constant 112 : index
        %swap3A_334 = tpu.vector_load %arg7[%swap3A_332, %swap3A_333] {strides = array<i32>} : memref<128x128xf32, #tpu.memory_space<vmem>>, vector<1x16xf32>,
        %swap3A_335 = vector.shape_cast %swap3A_334 : vector<1x16xf32> to vector<16xf32>
        %swap3A_336 = vector.shape_cast %mul3A_331 : vector<16xf32> to vector<1x16xf32>
        tpu.vector_store %arg7[%swap3A_332, %swap3A_333], %swap3A_336 {strides = array<i32>} : memref<128x128xf32, #tpu.memory_space<vmem>>, vector<1x16xf32>,
      }
      %scan3A_109 = arith.constant 128 : i32
      %mul3A_110 = arith.constant 1024 : i32
      %mul3A_111 = arith.muli %mul3A_110, %add3A : i32
      %add3A_112 = arith.constant 384 : i32
      %add3A_113 = arith.addi %mul3A_111, %add3A_112 : i32
      "tpu.region"() ({
        %run_scoped3A = tpu.sem_alloc : memref<!tpu.dma_semaphore, #tpu.memory_space<semaphore_mem>>
        %dma_start3A_226 = arith.constant 0 : i32
        %dma_start3A_227 = tpu.memref_slice %arg5[%add3A_113, %dma_start3A_226] : memref<10240x128xf32, #tpu.memory_space<hbm>> -> memref<128x128xf32, #tpu.memory_space<hbm>>
        %dma_start3A_228 = arith.constant 0 : i32
        %dma_start3A_229 = tpu.memref_slice %arg5[%add3A_113, %dma_start3A_228] : memref<10240x128xf32, #tpu.memory_space<hbm>> -> memref<128x128xf32, #tpu.memory_space<hbm>>
        tpu.enqueue_dma source(%arg7 : memref<128x128xf32, #tpu.memory_space<vmem>>) target(%dma_start3A_229 : memref<128x128xf32, #tpu.memory_space<hbm>>) target_semaphore(%run_scoped3A : memref<!tpu.dma_semaphore, #tpu.memory_space<semaphore_mem>>)
        %dma_wait3A_230 = arith.constant 0 : i32
        %dma_wait3A_231 = tpu.memref_slice %arg5[%add3A_113, %dma_wait3A_230] : memref<10240x128xf32, #tpu.memory_space<hbm>> -> memref<128x128xf32, #tpu.memory_space<hbm>>
        %dma_wait3A_232 = arith.constant 0 : i32
        %dma_wait3A_233 = tpu.memref_slice %arg5[%add3A_113, %dma_wait3A_232] : memref<10240x128xf32, #tpu.memory_space<hbm>> -> memref<128x128xf32, #tpu.memory_space<hbm>>
        tpu.wait_dma2 semaphore(%run_scoped3A : memref<!tpu.dma_semaphore, #tpu.memory_space<semaphore_mem>>) src(%arg7 : memref<128x128xf32, #tpu.memory_space<vmem>>) dst(%dma_wait3A_233 : memref<128x128xf32, #tpu.memory_space<hbm>>)
        tpu.yield
      }) : () -> ()
      %dma_start3A_114 = arith.constant 4 : i32
      %dma_start3A_115 = arith.constant 0 : i32
      %dma_start3A_116 = tpu.memref_slice %arg6[%dma_start3A_114, %dma_start3A_115] : memref<8x128xi32, #tpu.memory_space<vmem>> -> memref<1x128xi32, #tpu.memory_space<vmem>>
      %dma_start3A_117 = tpu.memref_squeeze %dma_start3A_116 : memref<1x128xi32, #tpu.memory_space<vmem>> -> memref<128xi32, #tpu.memory_space<vmem>>
      %dma_start3A_118 = arith.constant 0 : i32
      %dma_start3A_119 = arith.constant 0 : i32
      %dma_start3A_120 = tpu.memref_slice %arg2[%dma_start3A_118, %dma_start3A_119] : memref<5120x128xf32, #tpu.memory_space<hbm>> -> memref<5120x128xf32, #tpu.memory_space<hbm>>
      tpu.enqueue_indirect_dma source(%dma_start3A_120 : memref<5120x128xf32, #tpu.memory_space<hbm>>) target(%arg7 : memref<128x128xf32, #tpu.memory_space<vmem>>) offsets(%dma_start3A_117 : memref<128xi32, #tpu.memory_space<vmem>>) semaphore(%arg9 : memref<!tpu.dma_semaphore, #tpu.memory_space<semaphore_mem>>)
      %dma_wait3A_121 = arith.constant 4 : i32
      %dma_wait3A_122 = arith.constant 0 : i32
      %dma_wait3A_123 = tpu.memref_slice %arg6[%dma_wait3A_121, %dma_wait3A_122] : memref<8x128xi32, #tpu.memory_space<vmem>> -> memref<1x128xi32, #tpu.memory_space<vmem>>
      %dma_wait3A_124 = tpu.memref_squeeze %dma_wait3A_123 : memref<1x128xi32, #tpu.memory_space<vmem>> -> memref<128xi32, #tpu.memory_space<vmem>>
      %dma_wait3A_125 = arith.constant 0 : i32
      %dma_wait3A_126 = arith.constant 0 : i32
      %dma_wait3A_127 = tpu.memref_slice %arg2[%dma_wait3A_125, %dma_wait3A_126] : memref<5120x128xf32, #tpu.memory_space<hbm>> -> memref<5120x128xf32, #tpu.memory_space<hbm>>
      tpu.wait_indirect_dma semaphore(%arg9 : memref<!tpu.dma_semaphore, #tpu.memory_space<semaphore_mem>>) src(%dma_wait3A_127 : memref<5120x128xf32, #tpu.memory_space<hbm>>) dst(%arg7 : memref<128x128xf32, #tpu.memory_space<vmem>>)
      %mul3A_128 = arith.constant 1024 : i32
      %mul3A_129 = arith.muli %mul3A_128, %add3A : i32
      %add3A_130 = arith.constant 512 : i32
      %add3A_131 = arith.addi %mul3A_129, %add3A_130 : i32
      "tpu.region"() ({
        %run_scoped3A = tpu.sem_alloc : memref<!tpu.dma_semaphore, #tpu.memory_space<semaphore_mem>>
        %dma_start3A_226 = arith.constant 0 : i32
        %dma_start3A_227 = tpu.memref_slice %arg4[%add3A_131, %dma_start3A_226] : memref<10240x128xf32, #tpu.memory_space<hbm>> -> memref<128x128xf32, #tpu.memory_space<hbm>>
        %dma_start3A_228 = arith.constant 0 : i32
        %dma_start3A_229 = tpu.memref_slice %arg4[%add3A_131, %dma_start3A_228] : memref<10240x128xf32, #tpu.memory_space<hbm>> -> memref<128x128xf32, #tpu.memory_space<hbm>>
        tpu.enqueue_dma source(%dma_start3A_229 : memref<128x128xf32, #tpu.memory_space<hbm>>) target(%arg8 : memref<128x128xf32, #tpu.memory_space<vmem>>) target_semaphore(%run_scoped3A : memref<!tpu.dma_semaphore, #tpu.memory_space<semaphore_mem>>)
        %dma_wait3A_230 = arith.constant 0 : i32
        %dma_wait3A_231 = tpu.memref_slice %arg4[%add3A_131, %dma_wait3A_230] : memref<10240x128xf32, #tpu.memory_space<hbm>> -> memref<128x128xf32, #tpu.memory_space<hbm>>
        %dma_wait3A_232 = arith.constant 0 : i32
        %dma_wait3A_233 = tpu.memref_slice %arg4[%add3A_131, %dma_wait3A_232] : memref<10240x128xf32, #tpu.memory_space<hbm>> -> memref<128x128xf32, #tpu.memory_space<hbm>>
        tpu.wait_dma2 semaphore(%run_scoped3A : memref<!tpu.dma_semaphore, #tpu.memory_space<semaphore_mem>>) src(%dma_wait3A_233 : memref<128x128xf32, #tpu.memory_space<hbm>>) dst(%arg8 : memref<128x128xf32, #tpu.memory_space<vmem>>)
        tpu.yield
      }) : () -> ()
      %scan3A_132 = arith.constant 0 : i32
      %scan3A_133 = arith.constant 0 : i32
      %scan3A_134 = arith.constant 128 : i32
      %scan3A_135 = arith.addi %scan3A_133, %scan3A_134 : i32
      %scan3A_136 = arith.constant 1 : i32
      scf.for %scan3A_226 = %scan3A_133 to %scan3A_135 step %scan3A_136  : i32 {
        %get3A = arith.index_cast %scan3A_226 : i32 to index
        %get3A_227 = arith.constant 0 : index
        %get3A_228 = tpu.vector_load %arg7[%get3A, %get3A_227] {strides = array<i32>} : memref<128x128xf32, #tpu.memory_space<vmem>>, vector<1x16xf32>,
        %get3A_229 = vector.shape_cast %get3A_228 : vector<1x16xf32> to vector<16xf32>
        %get3A_230 = arith.index_cast %scan3A_226 : i32 to index
        %get3A_231 = arith.constant 0 : index
        %get3A_232 = tpu.vector_load %arg8[%get3A_230, %get3A_231] {strides = array<i32>} : memref<128x128xf32, #tpu.memory_space<vmem>>, vector<1x16xf32>,
        %get3A_233 = vector.shape_cast %get3A_232 : vector<1x16xf32> to vector<16xf32>
        %mul3A_234 = arith.mulf %get3A_229, %get3A_233 : vector<16xf32>
        %swap3A = arith.index_cast %scan3A_226 : i32 to index
        %swap3A_235 = arith.constant 0 : index
        %swap3A_236 = tpu.vector_load %arg7[%swap3A, %swap3A_235] {strides = array<i32>} : memref<128x128xf32, #tpu.memory_space<vmem>>, vector<1x16xf32>,
        %swap3A_237 = vector.shape_cast %swap3A_236 : vector<1x16xf32> to vector<16xf32>
        %swap3A_238 = vector.shape_cast %mul3A_234 : vector<16xf32> to vector<1x16xf32>
        tpu.vector_store %arg7[%swap3A, %swap3A_235], %swap3A_238 {strides = array<i32>} : memref<128x128xf32, #tpu.memory_space<vmem>>, vector<1x16xf32>,
        %get3A_239 = arith.index_cast %scan3A_226 : i32 to index
        %get3A_240 = arith.constant 16 : index
        %get3A_241 = tpu.vector_load %arg7[%get3A_239, %get3A_240] {strides = array<i32>} : memref<128x128xf32, #tpu.memory_space<vmem>>, vector<1x16xf32>,
        %get3A_242 = vector.shape_cast %get3A_241 : vector<1x16xf32> to vector<16xf32>
        %get3A_243 = arith.index_cast %scan3A_226 : i32 to index
        %get3A_244 = arith.constant 16 : index
        %get3A_245 = tpu.vector_load %arg8[%get3A_243, %get3A_244] {strides = array<i32>} : memref<128x128xf32, #tpu.memory_space<vmem>>, vector<1x16xf32>,
        %get3A_246 = vector.shape_cast %get3A_245 : vector<1x16xf32> to vector<16xf32>
        %mul3A_247 = arith.mulf %get3A_242, %get3A_246 : vector<16xf32>
        %swap3A_248 = arith.index_cast %scan3A_226 : i32 to index
        %swap3A_249 = arith.constant 16 : index
        %swap3A_250 = tpu.vector_load %arg7[%swap3A_248, %swap3A_249] {strides = array<i32>} : memref<128x128xf32, #tpu.memory_space<vmem>>, vector<1x16xf32>,
        %swap3A_251 = vector.shape_cast %swap3A_250 : vector<1x16xf32> to vector<16xf32>
        %swap3A_252 = vector.shape_cast %mul3A_247 : vector<16xf32> to vector<1x16xf32>
        tpu.vector_store %arg7[%swap3A_248, %swap3A_249], %swap3A_252 {strides = array<i32>} : memref<128x128xf32, #tpu.memory_space<vmem>>, vector<1x16xf32>,
        %get3A_253 = arith.index_cast %scan3A_226 : i32 to index
        %get3A_254 = arith.constant 32 : index
        %get3A_255 = tpu.vector_load %arg7[%get3A_253, %get3A_254] {strides = array<i32>} : memref<128x128xf32, #tpu.memory_space<vmem>>, vector<1x16xf32>,
        %get3A_256 = vector.shape_cast %get3A_255 : vector<1x16xf32> to vector<16xf32>
        %get3A_257 = arith.index_cast %scan3A_226 : i32 to index
        %get3A_258 = arith.constant 32 : index
        %get3A_259 = tpu.vector_load %arg8[%get3A_257, %get3A_258] {strides = array<i32>} : memref<128x128xf32, #tpu.memory_space<vmem>>, vector<1x16xf32>,
        %get3A_260 = vector.shape_cast %get3A_259 : vector<1x16xf32> to vector<16xf32>
        %mul3A_261 = arith.mulf %get3A_256, %get3A_260 : vector<16xf32>
        %swap3A_262 = arith.index_cast %scan3A_226 : i32 to index
        %swap3A_263 = arith.constant 32 : index
        %swap3A_264 = tpu.vector_load %arg7[%swap3A_262, %swap3A_263] {strides = array<i32>} : memref<128x128xf32, #tpu.memory_space<vmem>>, vector<1x16xf32>,
        %swap3A_265 = vector.shape_cast %swap3A_264 : vector<1x16xf32> to vector<16xf32>
        %swap3A_266 = vector.shape_cast %mul3A_261 : vector<16xf32> to vector<1x16xf32>
        tpu.vector_store %arg7[%swap3A_262, %swap3A_263], %swap3A_266 {strides = array<i32>} : memref<128x128xf32, #tpu.memory_space<vmem>>, vector<1x16xf32>,
        %get3A_267 = arith.index_cast %scan3A_226 : i32 to index
        %get3A_268 = arith.constant 48 : index
        %get3A_269 = tpu.vector_load %arg7[%get3A_267, %get3A_268] {strides = array<i32>} : memref<128x128xf32, #tpu.memory_space<vmem>>, vector<1x16xf32>,
        %get3A_270 = vector.shape_cast %get3A_269 : vector<1x16xf32> to vector<16xf32>
        %get3A_271 = arith.index_cast %scan3A_226 : i32 to index
        %get3A_272 = arith.constant 48 : index
        %get3A_273 = tpu.vector_load %arg8[%get3A_271, %get3A_272] {strides = array<i32>} : memref<128x128xf32, #tpu.memory_space<vmem>>, vector<1x16xf32>,
        %get3A_274 = vector.shape_cast %get3A_273 : vector<1x16xf32> to vector<16xf32>
        %mul3A_275 = arith.mulf %get3A_270, %get3A_274 : vector<16xf32>
        %swap3A_276 = arith.index_cast %scan3A_226 : i32 to index
        %swap3A_277 = arith.constant 48 : index
        %swap3A_278 = tpu.vector_load %arg7[%swap3A_276, %swap3A_277] {strides = array<i32>} : memref<128x128xf32, #tpu.memory_space<vmem>>, vector<1x16xf32>,
        %swap3A_279 = vector.shape_cast %swap3A_278 : vector<1x16xf32> to vector<16xf32>
        %swap3A_280 = vector.shape_cast %mul3A_275 : vector<16xf32> to vector<1x16xf32>
        tpu.vector_store %arg7[%swap3A_276, %swap3A_277], %swap3A_280 {strides = array<i32>} : memref<128x128xf32, #tpu.memory_space<vmem>>, vector<1x16xf32>,
        %get3A_281 = arith.index_cast %scan3A_226 : i32 to index
        %get3A_282 = arith.constant 64 : index
        %get3A_283 = tpu.vector_load %arg7[%get3A_281, %get3A_282] {strides = array<i32>} : memref<128x128xf32, #tpu.memory_space<vmem>>, vector<1x16xf32>,
        %get3A_284 = vector.shape_cast %get3A_283 : vector<1x16xf32> to vector<16xf32>
        %get3A_285 = arith.index_cast %scan3A_226 : i32 to index
        %get3A_286 = arith.constant 64 : index
        %get3A_287 = tpu.vector_load %arg8[%get3A_285, %get3A_286] {strides = array<i32>} : memref<128x128xf32, #tpu.memory_space<vmem>>, vector<1x16xf32>,
        %get3A_288 = vector.shape_cast %get3A_287 : vector<1x16xf32> to vector<16xf32>
        %mul3A_289 = arith.mulf %get3A_284, %get3A_288 : vector<16xf32>
        %swap3A_290 = arith.index_cast %scan3A_226 : i32 to index
        %swap3A_291 = arith.constant 64 : index
        %swap3A_292 = tpu.vector_load %arg7[%swap3A_290, %swap3A_291] {strides = array<i32>} : memref<128x128xf32, #tpu.memory_space<vmem>>, vector<1x16xf32>,
        %swap3A_293 = vector.shape_cast %swap3A_292 : vector<1x16xf32> to vector<16xf32>
        %swap3A_294 = vector.shape_cast %mul3A_289 : vector<16xf32> to vector<1x16xf32>
        tpu.vector_store %arg7[%swap3A_290, %swap3A_291], %swap3A_294 {strides = array<i32>} : memref<128x128xf32, #tpu.memory_space<vmem>>, vector<1x16xf32>,
        %get3A_295 = arith.index_cast %scan3A_226 : i32 to index
        %get3A_296 = arith.constant 80 : index
        %get3A_297 = tpu.vector_load %arg7[%get3A_295, %get3A_296] {strides = array<i32>} : memref<128x128xf32, #tpu.memory_space<vmem>>, vector<1x16xf32>,
        %get3A_298 = vector.shape_cast %get3A_297 : vector<1x16xf32> to vector<16xf32>
        %get3A_299 = arith.index_cast %scan3A_226 : i32 to index
        %get3A_300 = arith.constant 80 : index
        %get3A_301 = tpu.vector_load %arg8[%get3A_299, %get3A_300] {strides = array<i32>} : memref<128x128xf32, #tpu.memory_space<vmem>>, vector<1x16xf32>,
        %get3A_302 = vector.shape_cast %get3A_301 : vector<1x16xf32> to vector<16xf32>
        %mul3A_303 = arith.mulf %get3A_298, %get3A_302 : vector<16xf32>
        %swap3A_304 = arith.index_cast %scan3A_226 : i32 to index
        %swap3A_305 = arith.constant 80 : index
        %swap3A_306 = tpu.vector_load %arg7[%swap3A_304, %swap3A_305] {strides = array<i32>} : memref<128x128xf32, #tpu.memory_space<vmem>>, vector<1x16xf32>,
        %swap3A_307 = vector.shape_cast %swap3A_306 : vector<1x16xf32> to vector<16xf32>
        %swap3A_308 = vector.shape_cast %mul3A_303 : vector<16xf32> to vector<1x16xf32>
        tpu.vector_store %arg7[%swap3A_304, %swap3A_305], %swap3A_308 {strides = array<i32>} : memref<128x128xf32, #tpu.memory_space<vmem>>, vector<1x16xf32>,
        %get3A_309 = arith.index_cast %scan3A_226 : i32 to index
        %get3A_310 = arith.constant 96 : index
        %get3A_311 = tpu.vector_load %arg7[%get3A_309, %get3A_310] {strides = array<i32>} : memref<128x128xf32, #tpu.memory_space<vmem>>, vector<1x16xf32>,
        %get3A_312 = vector.shape_cast %get3A_311 : vector<1x16xf32> to vector<16xf32>
        %get3A_313 = arith.index_cast %scan3A_226 : i32 to index
        %get3A_314 = arith.constant 96 : index
        %get3A_315 = tpu.vector_load %arg8[%get3A_313, %get3A_314] {strides = array<i32>} : memref<128x128xf32, #tpu.memory_space<vmem>>, vector<1x16xf32>,
        %get3A_316 = vector.shape_cast %get3A_315 : vector<1x16xf32> to vector<16xf32>
        %mul3A_317 = arith.mulf %get3A_312, %get3A_316 : vector<16xf32>
        %swap3A_318 = arith.index_cast %scan3A_226 : i32 to index
        %swap3A_319 = arith.constant 96 : index
        %swap3A_320 = tpu.vector_load %arg7[%swap3A_318, %swap3A_319] {strides = array<i32>} : memref<128x128xf32, #tpu.memory_space<vmem>>, vector<1x16xf32>,
        %swap3A_321 = vector.shape_cast %swap3A_320 : vector<1x16xf32> to vector<16xf32>
        %swap3A_322 = vector.shape_cast %mul3A_317 : vector<16xf32> to vector<1x16xf32>
        tpu.vector_store %arg7[%swap3A_318, %swap3A_319], %swap3A_322 {strides = array<i32>} : memref<128x128xf32, #tpu.memory_space<vmem>>, vector<1x16xf32>,
        %get3A_323 = arith.index_cast %scan3A_226 : i32 to index
        %get3A_324 = arith.constant 112 : index
        %get3A_325 = tpu.vector_load %arg7[%get3A_323, %get3A_324] {strides = array<i32>} : memref<128x128xf32, #tpu.memory_space<vmem>>, vector<1x16xf32>,
        %get3A_326 = vector.shape_cast %get3A_325 : vector<1x16xf32> to vector<16xf32>
        %get3A_327 = arith.index_cast %scan3A_226 : i32 to index
        %get3A_328 = arith.constant 112 : index
        %get3A_329 = tpu.vector_load %arg8[%get3A_327, %get3A_328] {strides = array<i32>} : memref<128x128xf32, #tpu.memory_space<vmem>>, vector<1x16xf32>,
        %get3A_330 = vector.shape_cast %get3A_329 : vector<1x16xf32> to vector<16xf32>
        %mul3A_331 = arith.mulf %get3A_326, %get3A_330 : vector<16xf32>
        %swap3A_332 = arith.index_cast %scan3A_226 : i32 to index
        %swap3A_333 = arith.constant 112 : index
        %swap3A_334 = tpu.vector_load %arg7[%swap3A_332, %swap3A_333] {strides = array<i32>} : memref<128x128xf32, #tpu.memory_space<vmem>>, vector<1x16xf32>,
        %swap3A_335 = vector.shape_cast %swap3A_334 : vector<1x16xf32> to vector<16xf32>
        %swap3A_336 = vector.shape_cast %mul3A_331 : vector<16xf32> to vector<1x16xf32>
        tpu.vector_store %arg7[%swap3A_332, %swap3A_333], %swap3A_336 {strides = array<i32>} : memref<128x128xf32, #tpu.memory_space<vmem>>, vector<1x16xf32>,
      }
      %scan3A_137 = arith.constant 128 : i32
      %mul3A_138 = arith.constant 1024 : i32
      %mul3A_139 = arith.muli %mul3A_138, %add3A : i32
      %add3A_140 = arith.constant 512 : i32
      %add3A_141 = arith.addi %mul3A_139, %add3A_140 : i32
      "tpu.region"() ({
        %run_scoped3A = tpu.sem_alloc : memref<!tpu.dma_semaphore, #tpu.memory_space<semaphore_mem>>
        %dma_start3A_226 = arith.constant 0 : i32
        %dma_start3A_227 = tpu.memref_slice %arg5[%add3A_141, %dma_start3A_226] : memref<10240x128xf32, #tpu.memory_space<hbm>> -> memref<128x128xf32, #tpu.memory_space<hbm>>
        %dma_start3A_228 = arith.constant 0 : i32
        %dma_start3A_229 = tpu.memref_slice %arg5[%add3A_141, %dma_start3A_228] : memref<10240x128xf32, #tpu.memory_space<hbm>> -> memref<128x128xf32, #tpu.memory_space<hbm>>
        tpu.enqueue_dma source(%arg7 : memref<128x128xf32, #tpu.memory_space<vmem>>) target(%dma_start3A_229 : memref<128x128xf32, #tpu.memory_space<hbm>>) target_semaphore(%run_scoped3A : memref<!tpu.dma_semaphore, #tpu.memory_space<semaphore_mem>>)
        %dma_wait3A_230 = arith.constant 0 : i32
        %dma_wait3A_231 = tpu.memref_slice %arg5[%add3A_141, %dma_wait3A_230] : memref<10240x128xf32, #tpu.memory_space<hbm>> -> memref<128x128xf32, #tpu.memory_space<hbm>>
        %dma_wait3A_232 = arith.constant 0 : i32
        %dma_wait3A_233 = tpu.memref_slice %arg5[%add3A_141, %dma_wait3A_232] : memref<10240x128xf32, #tpu.memory_space<hbm>> -> memref<128x128xf32, #tpu.memory_space<hbm>>
        tpu.wait_dma2 semaphore(%run_scoped3A : memref<!tpu.dma_semaphore, #tpu.memory_space<semaphore_mem>>) src(%arg7 : memref<128x128xf32, #tpu.memory_space<vmem>>) dst(%dma_wait3A_233 : memref<128x128xf32, #tpu.memory_space<hbm>>)
        tpu.yield
      }) : () -> ()
      %dma_start3A_142 = arith.constant 5 : i32
      %dma_start3A_143 = arith.constant 0 : i32
      %dma_start3A_144 = tpu.memref_slice %arg6[%dma_start3A_142, %dma_start3A_143] : memref<8x128xi32, #tpu.memory_space<vmem>> -> memref<1x128xi32, #tpu.memory_space<vmem>>
      %dma_start3A_145 = tpu.memref_squeeze %dma_start3A_144 : memref<1x128xi32, #tpu.memory_space<vmem>> -> memref<128xi32, #tpu.memory_space<vmem>>
      %dma_start3A_146 = arith.constant 0 : i32
      %dma_start3A_147 = arith.constant 0 : i32
      %dma_start3A_148 = tpu.memref_slice %arg2[%dma_start3A_146, %dma_start3A_147] : memref<5120x128xf32, #tpu.memory_space<hbm>> -> memref<5120x128xf32, #tpu.memory_space<hbm>>
      tpu.enqueue_indirect_dma source(%dma_start3A_148 : memref<5120x128xf32, #tpu.memory_space<hbm>>) target(%arg7 : memref<128x128xf32, #tpu.memory_space<vmem>>) offsets(%dma_start3A_145 : memref<128xi32, #tpu.memory_space<vmem>>) semaphore(%arg9 : memref<!tpu.dma_semaphore, #tpu.memory_space<semaphore_mem>>)
      %dma_wait3A_149 = arith.constant 5 : i32
      %dma_wait3A_150 = arith.constant 0 : i32
      %dma_wait3A_151 = tpu.memref_slice %arg6[%dma_wait3A_149, %dma_wait3A_150] : memref<8x128xi32, #tpu.memory_space<vmem>> -> memref<1x128xi32, #tpu.memory_space<vmem>>
      %dma_wait3A_152 = tpu.memref_squeeze %dma_wait3A_151 : memref<1x128xi32, #tpu.memory_space<vmem>> -> memref<128xi32, #tpu.memory_space<vmem>>
      %dma_wait3A_153 = arith.constant 0 : i32
      %dma_wait3A_154 = arith.constant 0 : i32
      %dma_wait3A_155 = tpu.memref_slice %arg2[%dma_wait3A_153, %dma_wait3A_154] : memref<5120x128xf32, #tpu.memory_space<hbm>> -> memref<5120x128xf32, #tpu.memory_space<hbm>>
      tpu.wait_indirect_dma semaphore(%arg9 : memref<!tpu.dma_semaphore, #tpu.memory_space<semaphore_mem>>) src(%dma_wait3A_155 : memref<5120x128xf32, #tpu.memory_space<hbm>>) dst(%arg7 : memref<128x128xf32, #tpu.memory_space<vmem>>)
      %mul3A_156 = arith.constant 1024 : i32
      %mul3A_157 = arith.muli %mul3A_156, %add3A : i32
      %add3A_158 = arith.constant 640 : i32
      %add3A_159 = arith.addi %mul3A_157, %add3A_158 : i32
      "tpu.region"() ({
        %run_scoped3A = tpu.sem_alloc : memref<!tpu.dma_semaphore, #tpu.memory_space<semaphore_mem>>
        %dma_start3A_226 = arith.constant 0 : i32
        %dma_start3A_227 = tpu.memref_slice %arg4[%add3A_159, %dma_start3A_226] : memref<10240x128xf32, #tpu.memory_space<hbm>> -> memref<128x128xf32, #tpu.memory_space<hbm>>
        %dma_start3A_228 = arith.constant 0 : i32
        %dma_start3A_229 = tpu.memref_slice %arg4[%add3A_159, %dma_start3A_228] : memref<10240x128xf32, #tpu.memory_space<hbm>> -> memref<128x128xf32, #tpu.memory_space<hbm>>
        tpu.enqueue_dma source(%dma_start3A_229 : memref<128x128xf32, #tpu.memory_space<hbm>>) target(%arg8 : memref<128x128xf32, #tpu.memory_space<vmem>>) target_semaphore(%run_scoped3A : memref<!tpu.dma_semaphore, #tpu.memory_space<semaphore_mem>>)
        %dma_wait3A_230 = arith.constant 0 : i32
        %dma_wait3A_231 = tpu.memref_slice %arg4[%add3A_159, %dma_wait3A_230] : memref<10240x128xf32, #tpu.memory_space<hbm>> -> memref<128x128xf32, #tpu.memory_space<hbm>>
        %dma_wait3A_232 = arith.constant 0 : i32
        %dma_wait3A_233 = tpu.memref_slice %arg4[%add3A_159, %dma_wait3A_232] : memref<10240x128xf32, #tpu.memory_space<hbm>> -> memref<128x128xf32, #tpu.memory_space<hbm>>
        tpu.wait_dma2 semaphore(%run_scoped3A : memref<!tpu.dma_semaphore, #tpu.memory_space<semaphore_mem>>) src(%dma_wait3A_233 : memref<128x128xf32, #tpu.memory_space<hbm>>) dst(%arg8 : memref<128x128xf32, #tpu.memory_space<vmem>>)
        tpu.yield
      }) : () -> ()
      %scan3A_160 = arith.constant 0 : i32
      %scan3A_161 = arith.constant 0 : i32
      %scan3A_162 = arith.constant 128 : i32
      %scan3A_163 = arith.addi %scan3A_161, %scan3A_162 : i32
      %scan3A_164 = arith.constant 1 : i32
      scf.for %scan3A_226 = %scan3A_161 to %scan3A_163 step %scan3A_164  : i32 {
        %get3A = arith.index_cast %scan3A_226 : i32 to index
        %get3A_227 = arith.constant 0 : index
        %get3A_228 = tpu.vector_load %arg7[%get3A, %get3A_227] {strides = array<i32>} : memref<128x128xf32, #tpu.memory_space<vmem>>, vector<1x16xf32>,
        %get3A_229 = vector.shape_cast %get3A_228 : vector<1x16xf32> to vector<16xf32>
        %get3A_230 = arith.index_cast %scan3A_226 : i32 to index
        %get3A_231 = arith.constant 0 : index
        %get3A_232 = tpu.vector_load %arg8[%get3A_230, %get3A_231] {strides = array<i32>} : memref<128x128xf32, #tpu.memory_space<vmem>>, vector<1x16xf32>,
        %get3A_233 = vector.shape_cast %get3A_232 : vector<1x16xf32> to vector<16xf32>
        %mul3A_234 = arith.mulf %get3A_229, %get3A_233 : vector<16xf32>
        %swap3A = arith.index_cast %scan3A_226 : i32 to index
        %swap3A_235 = arith.constant 0 : index
        %swap3A_236 = tpu.vector_load %arg7[%swap3A, %swap3A_235] {strides = array<i32>} : memref<128x128xf32, #tpu.memory_space<vmem>>, vector<1x16xf32>,
        %swap3A_237 = vector.shape_cast %swap3A_236 : vector<1x16xf32> to vector<16xf32>
        %swap3A_238 = vector.shape_cast %mul3A_234 : vector<16xf32> to vector<1x16xf32>
        tpu.vector_store %arg7[%swap3A, %swap3A_235], %swap3A_238 {strides = array<i32>} : memref<128x128xf32, #tpu.memory_space<vmem>>, vector<1x16xf32>,
        %get3A_239 = arith.index_cast %scan3A_226 : i32 to index
        %get3A_240 = arith.constant 16 : index
        %get3A_241 = tpu.vector_load %arg7[%get3A_239, %get3A_240] {strides = array<i32>} : memref<128x128xf32, #tpu.memory_space<vmem>>, vector<1x16xf32>,
        %get3A_242 = vector.shape_cast %get3A_241 : vector<1x16xf32> to vector<16xf32>
        %get3A_243 = arith.index_cast %scan3A_226 : i32 to index
        %get3A_244 = arith.constant 16 : index
        %get3A_245 = tpu.vector_load %arg8[%get3A_243, %get3A_244] {strides = array<i32>} : memref<128x128xf32, #tpu.memory_space<vmem>>, vector<1x16xf32>,
        %get3A_246 = vector.shape_cast %get3A_245 : vector<1x16xf32> to vector<16xf32>
        %mul3A_247 = arith.mulf %get3A_242, %get3A_246 : vector<16xf32>
        %swap3A_248 = arith.index_cast %scan3A_226 : i32 to index
        %swap3A_249 = arith.constant 16 : index
        %swap3A_250 = tpu.vector_load %arg7[%swap3A_248, %swap3A_249] {strides = array<i32>} : memref<128x128xf32, #tpu.memory_space<vmem>>, vector<1x16xf32>,
        %swap3A_251 = vector.shape_cast %swap3A_250 : vector<1x16xf32> to vector<16xf32>
        %swap3A_252 = vector.shape_cast %mul3A_247 : vector<16xf32> to vector<1x16xf32>
        tpu.vector_store %arg7[%swap3A_248, %swap3A_249], %swap3A_252 {strides = array<i32>} : memref<128x128xf32, #tpu.memory_space<vmem>>, vector<1x16xf32>,
        %get3A_253 = arith.index_cast %scan3A_226 : i32 to index
        %get3A_254 = arith.constant 32 : index
        %get3A_255 = tpu.vector_load %arg7[%get3A_253, %get3A_254] {strides = array<i32>} : memref<128x128xf32, #tpu.memory_space<vmem>>, vector<1x16xf32>,
        %get3A_256 = vector.shape_cast %get3A_255 : vector<1x16xf32> to vector<16xf32>
        %get3A_257 = arith.index_cast %scan3A_226 : i32 to index
        %get3A_258 = arith.constant 32 : index
        %get3A_259 = tpu.vector_load %arg8[%get3A_257, %get3A_258] {strides = array<i32>} : memref<128x128xf32, #tpu.memory_space<vmem>>, vector<1x16xf32>,
        %get3A_260 = vector.shape_cast %get3A_259 : vector<1x16xf32> to vector<16xf32>
        %mul3A_261 = arith.mulf %get3A_256, %get3A_260 : vector<16xf32>
        %swap3A_262 = arith.index_cast %scan3A_226 : i32 to index
        %swap3A_263 = arith.constant 32 : index
        %swap3A_264 = tpu.vector_load %arg7[%swap3A_262, %swap3A_263] {strides = array<i32>} : memref<128x128xf32, #tpu.memory_space<vmem>>, vector<1x16xf32>,
        %swap3A_265 = vector.shape_cast %swap3A_264 : vector<1x16xf32> to vector<16xf32>
        %swap3A_266 = vector.shape_cast %mul3A_261 : vector<16xf32> to vector<1x16xf32>
        tpu.vector_store %arg7[%swap3A_262, %swap3A_263], %swap3A_266 {strides = array<i32>} : memref<128x128xf32, #tpu.memory_space<vmem>>, vector<1x16xf32>,
        %get3A_267 = arith.index_cast %scan3A_226 : i32 to index
        %get3A_268 = arith.constant 48 : index
        %get3A_269 = tpu.vector_load %arg7[%get3A_267, %get3A_268] {strides = array<i32>} : memref<128x128xf32, #tpu.memory_space<vmem>>, vector<1x16xf32>,
        %get3A_270 = vector.shape_cast %get3A_269 : vector<1x16xf32> to vector<16xf32>
        %get3A_271 = arith.index_cast %scan3A_226 : i32 to index
        %get3A_272 = arith.constant 48 : index
        %get3A_273 = tpu.vector_load %arg8[%get3A_271, %get3A_272] {strides = array<i32>} : memref<128x128xf32, #tpu.memory_space<vmem>>, vector<1x16xf32>,
        %get3A_274 = vector.shape_cast %get3A_273 : vector<1x16xf32> to vector<16xf32>
        %mul3A_275 = arith.mulf %get3A_270, %get3A_274 : vector<16xf32>
        %swap3A_276 = arith.index_cast %scan3A_226 : i32 to index
        %swap3A_277 = arith.constant 48 : index
        %swap3A_278 = tpu.vector_load %arg7[%swap3A_276, %swap3A_277] {strides = array<i32>} : memref<128x128xf32, #tpu.memory_space<vmem>>, vector<1x16xf32>,
        %swap3A_279 = vector.shape_cast %swap3A_278 : vector<1x16xf32> to vector<16xf32>
        %swap3A_280 = vector.shape_cast %mul3A_275 : vector<16xf32> to vector<1x16xf32>
        tpu.vector_store %arg7[%swap3A_276, %swap3A_277], %swap3A_280 {strides = array<i32>} : memref<128x128xf32, #tpu.memory_space<vmem>>, vector<1x16xf32>,
        %get3A_281 = arith.index_cast %scan3A_226 : i32 to index
        %get3A_282 = arith.constant 64 : index
        %get3A_283 = tpu.vector_load %arg7[%get3A_281, %get3A_282] {strides = array<i32>} : memref<128x128xf32, #tpu.memory_space<vmem>>, vector<1x16xf32>,
        %get3A_284 = vector.shape_cast %get3A_283 : vector<1x16xf32> to vector<16xf32>
        %get3A_285 = arith.index_cast %scan3A_226 : i32 to index
        %get3A_286 = arith.constant 64 : index
        %get3A_287 = tpu.vector_load %arg8[%get3A_285, %get3A_286] {strides = array<i32>} : memref<128x128xf32, #tpu.memory_space<vmem>>, vector<1x16xf32>,
        %get3A_288 = vector.shape_cast %get3A_287 : vector<1x16xf32> to vector<16xf32>
        %mul3A_289 = arith.mulf %get3A_284, %get3A_288 : vector<16xf32>
        %swap3A_290 = arith.index_cast %scan3A_226 : i32 to index
        %swap3A_291 = arith.constant 64 : index
        %swap3A_292 = tpu.vector_load %arg7[%swap3A_290, %swap3A_291] {strides = array<i32>} : memref<128x128xf32, #tpu.memory_space<vmem>>, vector<1x16xf32>,
        %swap3A_293 = vector.shape_cast %swap3A_292 : vector<1x16xf32> to vector<16xf32>
        %swap3A_294 = vector.shape_cast %mul3A_289 : vector<16xf32> to vector<1x16xf32>
        tpu.vector_store %arg7[%swap3A_290, %swap3A_291], %swap3A_294 {strides = array<i32>} : memref<128x128xf32, #tpu.memory_space<vmem>>, vector<1x16xf32>,
        %get3A_295 = arith.index_cast %scan3A_226 : i32 to index
        %get3A_296 = arith.constant 80 : index
        %get3A_297 = tpu.vector_load %arg7[%get3A_295, %get3A_296] {strides = array<i32>} : memref<128x128xf32, #tpu.memory_space<vmem>>, vector<1x16xf32>,
        %get3A_298 = vector.shape_cast %get3A_297 : vector<1x16xf32> to vector<16xf32>
        %get3A_299 = arith.index_cast %scan3A_226 : i32 to index
        %get3A_300 = arith.constant 80 : index
        %get3A_301 = tpu.vector_load %arg8[%get3A_299, %get3A_300] {strides = array<i32>} : memref<128x128xf32, #tpu.memory_space<vmem>>, vector<1x16xf32>,
        %get3A_302 = vector.shape_cast %get3A_301 : vector<1x16xf32> to vector<16xf32>
        %mul3A_303 = arith.mulf %get3A_298, %get3A_302 : vector<16xf32>
        %swap3A_304 = arith.index_cast %scan3A_226 : i32 to index
        %swap3A_305 = arith.constant 80 : index
        %swap3A_306 = tpu.vector_load %arg7[%swap3A_304, %swap3A_305] {strides = array<i32>} : memref<128x128xf32, #tpu.memory_space<vmem>>, vector<1x16xf32>,
        %swap3A_307 = vector.shape_cast %swap3A_306 : vector<1x16xf32> to vector<16xf32>
        %swap3A_308 = vector.shape_cast %mul3A_303 : vector<16xf32> to vector<1x16xf32>
        tpu.vector_store %arg7[%swap3A_304, %swap3A_305], %swap3A_308 {strides = array<i32>} : memref<128x128xf32, #tpu.memory_space<vmem>>, vector<1x16xf32>,
        %get3A_309 = arith.index_cast %scan3A_226 : i32 to index
        %get3A_310 = arith.constant 96 : index
        %get3A_311 = tpu.vector_load %arg7[%get3A_309, %get3A_310] {strides = array<i32>} : memref<128x128xf32, #tpu.memory_space<vmem>>, vector<1x16xf32>,
        %get3A_312 = vector.shape_cast %get3A_311 : vector<1x16xf32> to vector<16xf32>
        %get3A_313 = arith.index_cast %scan3A_226 : i32 to index
        %get3A_314 = arith.constant 96 : index
        %get3A_315 = tpu.vector_load %arg8[%get3A_313, %get3A_314] {strides = array<i32>} : memref<128x128xf32, #tpu.memory_space<vmem>>, vector<1x16xf32>,
        %get3A_316 = vector.shape_cast %get3A_315 : vector<1x16xf32> to vector<16xf32>
        %mul3A_317 = arith.mulf %get3A_312, %get3A_316 : vector<16xf32>
        %swap3A_318 = arith.index_cast %scan3A_226 : i32 to index
        %swap3A_319 = arith.constant 96 : index
        %swap3A_320 = tpu.vector_load %arg7[%swap3A_318, %swap3A_319] {strides = array<i32>} : memref<128x128xf32, #tpu.memory_space<vmem>>, vector<1x16xf32>,
        %swap3A_321 = vector.shape_cast %swap3A_320 : vector<1x16xf32> to vector<16xf32>
        %swap3A_322 = vector.shape_cast %mul3A_317 : vector<16xf32> to vector<1x16xf32>
        tpu.vector_store %arg7[%swap3A_318, %swap3A_319], %swap3A_322 {strides = array<i32>} : memref<128x128xf32, #tpu.memory_space<vmem>>, vector<1x16xf32>,
        %get3A_323 = arith.index_cast %scan3A_226 : i32 to index
        %get3A_324 = arith.constant 112 : index
        %get3A_325 = tpu.vector_load %arg7[%get3A_323, %get3A_324] {strides = array<i32>} : memref<128x128xf32, #tpu.memory_space<vmem>>, vector<1x16xf32>,
        %get3A_326 = vector.shape_cast %get3A_325 : vector<1x16xf32> to vector<16xf32>
        %get3A_327 = arith.index_cast %scan3A_226 : i32 to index
        %get3A_328 = arith.constant 112 : index
        %get3A_329 = tpu.vector_load %arg8[%get3A_327, %get3A_328] {strides = array<i32>} : memref<128x128xf32, #tpu.memory_space<vmem>>, vector<1x16xf32>,
        %get3A_330 = vector.shape_cast %get3A_329 : vector<1x16xf32> to vector<16xf32>
        %mul3A_331 = arith.mulf %get3A_326, %get3A_330 : vector<16xf32>
        %swap3A_332 = arith.index_cast %scan3A_226 : i32 to index
        %swap3A_333 = arith.constant 112 : index
        %swap3A_334 = tpu.vector_load %arg7[%swap3A_332, %swap3A_333] {strides = array<i32>} : memref<128x128xf32, #tpu.memory_space<vmem>>, vector<1x16xf32>,
        %swap3A_335 = vector.shape_cast %swap3A_334 : vector<1x16xf32> to vector<16xf32>
        %swap3A_336 = vector.shape_cast %mul3A_331 : vector<16xf32> to vector<1x16xf32>
        tpu.vector_store %arg7[%swap3A_332, %swap3A_333], %swap3A_336 {strides = array<i32>} : memref<128x128xf32, #tpu.memory_space<vmem>>, vector<1x16xf32>,
      }
      %scan3A_165 = arith.constant 128 : i32
      %mul3A_166 = arith.constant 1024 : i32
      %mul3A_167 = arith.muli %mul3A_166, %add3A : i32
      %add3A_168 = arith.constant 640 : i32
      %add3A_169 = arith.addi %mul3A_167, %add3A_168 : i32
      "tpu.region"() ({
        %run_scoped3A = tpu.sem_alloc : memref<!tpu.dma_semaphore, #tpu.memory_space<semaphore_mem>>
        %dma_start3A_226 = arith.constant 0 : i32
        %dma_start3A_227 = tpu.memref_slice %arg5[%add3A_169, %dma_start3A_226] : memref<10240x128xf32, #tpu.memory_space<hbm>> -> memref<128x128xf32, #tpu.memory_space<hbm>>
        %dma_start3A_228 = arith.constant 0 : i32
        %dma_start3A_229 = tpu.memref_slice %arg5[%add3A_169, %dma_start3A_228] : memref<10240x128xf32, #tpu.memory_space<hbm>> -> memref<128x128xf32, #tpu.memory_space<hbm>>
        tpu.enqueue_dma source(%arg7 : memref<128x128xf32, #tpu.memory_space<vmem>>) target(%dma_start3A_229 : memref<128x128xf32, #tpu.memory_space<hbm>>) target_semaphore(%run_scoped3A : memref<!tpu.dma_semaphore, #tpu.memory_space<semaphore_mem>>)
        %dma_wait3A_230 = arith.constant 0 : i32
        %dma_wait3A_231 = tpu.memref_slice %arg5[%add3A_169, %dma_wait3A_230] : memref<10240x128xf32, #tpu.memory_space<hbm>> -> memref<128x128xf32, #tpu.memory_space<hbm>>
        %dma_wait3A_232 = arith.constant 0 : i32
        %dma_wait3A_233 = tpu.memref_slice %arg5[%add3A_169, %dma_wait3A_232] : memref<10240x128xf32, #tpu.memory_space<hbm>> -> memref<128x128xf32, #tpu.memory_space<hbm>>
        tpu.wait_dma2 semaphore(%run_scoped3A : memref<!tpu.dma_semaphore, #tpu.memory_space<semaphore_mem>>) src(%arg7 : memref<128x128xf32, #tpu.memory_space<vmem>>) dst(%dma_wait3A_233 : memref<128x128xf32, #tpu.memory_space<hbm>>)
        tpu.yield
      }) : () -> ()
      %dma_start3A_170 = arith.constant 6 : i32
      %dma_start3A_171 = arith.constant 0 : i32
      %dma_start3A_172 = tpu.memref_slice %arg6[%dma_start3A_170, %dma_start3A_171] : memref<8x128xi32, #tpu.memory_space<vmem>> -> memref<1x128xi32, #tpu.memory_space<vmem>>
      %dma_start3A_173 = tpu.memref_squeeze %dma_start3A_172 : memref<1x128xi32, #tpu.memory_space<vmem>> -> memref<128xi32, #tpu.memory_space<vmem>>
      %dma_start3A_174 = arith.constant 0 : i32
      %dma_start3A_175 = arith.constant 0 : i32
      %dma_start3A_176 = tpu.memref_slice %arg2[%dma_start3A_174, %dma_start3A_175] : memref<5120x128xf32, #tpu.memory_space<hbm>> -> memref<5120x128xf32, #tpu.memory_space<hbm>>
      tpu.enqueue_indirect_dma source(%dma_start3A_176 : memref<5120x128xf32, #tpu.memory_space<hbm>>) target(%arg7 : memref<128x128xf32, #tpu.memory_space<vmem>>) offsets(%dma_start3A_173 : memref<128xi32, #tpu.memory_space<vmem>>) semaphore(%arg9 : memref<!tpu.dma_semaphore, #tpu.memory_space<semaphore_mem>>)
      %dma_wait3A_177 = arith.constant 6 : i32
      %dma_wait3A_178 = arith.constant 0 : i32
      %dma_wait3A_179 = tpu.memref_slice %arg6[%dma_wait3A_177, %dma_wait3A_178] : memref<8x128xi32, #tpu.memory_space<vmem>> -> memref<1x128xi32, #tpu.memory_space<vmem>>
      %dma_wait3A_180 = tpu.memref_squeeze %dma_wait3A_179 : memref<1x128xi32, #tpu.memory_space<vmem>> -> memref<128xi32, #tpu.memory_space<vmem>>
      %dma_wait3A_181 = arith.constant 0 : i32
      %dma_wait3A_182 = arith.constant 0 : i32
      %dma_wait3A_183 = tpu.memref_slice %arg2[%dma_wait3A_181, %dma_wait3A_182] : memref<5120x128xf32, #tpu.memory_space<hbm>> -> memref<5120x128xf32, #tpu.memory_space<hbm>>
      tpu.wait_indirect_dma semaphore(%arg9 : memref<!tpu.dma_semaphore, #tpu.memory_space<semaphore_mem>>) src(%dma_wait3A_183 : memref<5120x128xf32, #tpu.memory_space<hbm>>) dst(%arg7 : memref<128x128xf32, #tpu.memory_space<vmem>>)
      %mul3A_184 = arith.constant 1024 : i32
      %mul3A_185 = arith.muli %mul3A_184, %add3A : i32
      %add3A_186 = arith.constant 768 : i32
      %add3A_187 = arith.addi %mul3A_185, %add3A_186 : i32
      "tpu.region"() ({
        %run_scoped3A = tpu.sem_alloc : memref<!tpu.dma_semaphore, #tpu.memory_space<semaphore_mem>>
        %dma_start3A_226 = arith.constant 0 : i32
        %dma_start3A_227 = tpu.memref_slice %arg4[%add3A_187, %dma_start3A_226] : memref<10240x128xf32, #tpu.memory_space<hbm>> -> memref<128x128xf32, #tpu.memory_space<hbm>>
        %dma_start3A_228 = arith.constant 0 : i32
        %dma_start3A_229 = tpu.memref_slice %arg4[%add3A_187, %dma_start3A_228] : memref<10240x128xf32, #tpu.memory_space<hbm>> -> memref<128x128xf32, #tpu.memory_space<hbm>>
        tpu.enqueue_dma source(%dma_start3A_229 : memref<128x128xf32, #tpu.memory_space<hbm>>) target(%arg8 : memref<128x128xf32, #tpu.memory_space<vmem>>) target_semaphore(%run_scoped3A : memref<!tpu.dma_semaphore, #tpu.memory_space<semaphore_mem>>)
        %dma_wait3A_230 = arith.constant 0 : i32
        %dma_wait3A_231 = tpu.memref_slice %arg4[%add3A_187, %dma_wait3A_230] : memref<10240x128xf32, #tpu.memory_space<hbm>> -> memref<128x128xf32, #tpu.memory_space<hbm>>
        %dma_wait3A_232 = arith.constant 0 : i32
        %dma_wait3A_233 = tpu.memref_slice %arg4[%add3A_187, %dma_wait3A_232] : memref<10240x128xf32, #tpu.memory_space<hbm>> -> memref<128x128xf32, #tpu.memory_space<hbm>>
        tpu.wait_dma2 semaphore(%run_scoped3A : memref<!tpu.dma_semaphore, #tpu.memory_space<semaphore_mem>>) src(%dma_wait3A_233 : memref<128x128xf32, #tpu.memory_space<hbm>>) dst(%arg8 : memref<128x128xf32, #tpu.memory_space<vmem>>)
        tpu.yield
      }) : () -> ()
      %scan3A_188 = arith.constant 0 : i32
      %scan3A_189 = arith.constant 0 : i32
      %scan3A_190 = arith.constant 128 : i32
      %scan3A_191 = arith.addi %scan3A_189, %scan3A_190 : i32
      %scan3A_192 = arith.constant 1 : i32
      scf.for %scan3A_226 = %scan3A_189 to %scan3A_191 step %scan3A_192  : i32 {
        %get3A = arith.index_cast %scan3A_226 : i32 to index
        %get3A_227 = arith.constant 0 : index
        %get3A_228 = tpu.vector_load %arg7[%get3A, %get3A_227] {strides = array<i32>} : memref<128x128xf32, #tpu.memory_space<vmem>>, vector<1x16xf32>,
        %get3A_229 = vector.shape_cast %get3A_228 : vector<1x16xf32> to vector<16xf32>
        %get3A_230 = arith.index_cast %scan3A_226 : i32 to index
        %get3A_231 = arith.constant 0 : index
        %get3A_232 = tpu.vector_load %arg8[%get3A_230, %get3A_231] {strides = array<i32>} : memref<128x128xf32, #tpu.memory_space<vmem>>, vector<1x16xf32>,
        %get3A_233 = vector.shape_cast %get3A_232 : vector<1x16xf32> to vector<16xf32>
        %mul3A_234 = arith.mulf %get3A_229, %get3A_233 : vector<16xf32>
        %swap3A = arith.index_cast %scan3A_226 : i32 to index
        %swap3A_235 = arith.constant 0 : index
        %swap3A_236 = tpu.vector_load %arg7[%swap3A, %swap3A_235] {strides = array<i32>} : memref<128x128xf32, #tpu.memory_space<vmem>>, vector<1x16xf32>,
        %swap3A_237 = vector.shape_cast %swap3A_236 : vector<1x16xf32> to vector<16xf32>
        %swap3A_238 = vector.shape_cast %mul3A_234 : vector<16xf32> to vector<1x16xf32>
        tpu.vector_store %arg7[%swap3A, %swap3A_235], %swap3A_238 {strides = array<i32>} : memref<128x128xf32, #tpu.memory_space<vmem>>, vector<1x16xf32>,
        %get3A_239 = arith.index_cast %scan3A_226 : i32 to index
        %get3A_240 = arith.constant 16 : index
        %get3A_241 = tpu.vector_load %arg7[%get3A_239, %get3A_240] {strides = array<i32>} : memref<128x128xf32, #tpu.memory_space<vmem>>, vector<1x16xf32>,
        %get3A_242 = vector.shape_cast %get3A_241 : vector<1x16xf32> to vector<16xf32>
        %get3A_243 = arith.index_cast %scan3A_226 : i32 to index
        %get3A_244 = arith.constant 16 : index
        %get3A_245 = tpu.vector_load %arg8[%get3A_243, %get3A_244] {strides = array<i32>} : memref<128x128xf32, #tpu.memory_space<vmem>>, vector<1x16xf32>,
        %get3A_246 = vector.shape_cast %get3A_245 : vector<1x16xf32> to vector<16xf32>
        %mul3A_247 = arith.mulf %get3A_242, %get3A_246 : vector<16xf32>
        %swap3A_248 = arith.index_cast %scan3A_226 : i32 to index
        %swap3A_249 = arith.constant 16 : index
        %swap3A_250 = tpu.vector_load %arg7[%swap3A_248, %swap3A_249] {strides = array<i32>} : memref<128x128xf32, #tpu.memory_space<vmem>>, vector<1x16xf32>,
        %swap3A_251 = vector.shape_cast %swap3A_250 : vector<1x16xf32> to vector<16xf32>
        %swap3A_252 = vector.shape_cast %mul3A_247 : vector<16xf32> to vector<1x16xf32>
        tpu.vector_store %arg7[%swap3A_248, %swap3A_249], %swap3A_252 {strides = array<i32>} : memref<128x128xf32, #tpu.memory_space<vmem>>, vector<1x16xf32>,
        %get3A_253 = arith.index_cast %scan3A_226 : i32 to index
        %get3A_254 = arith.constant 32 : index
        %get3A_255 = tpu.vector_load %arg7[%get3A_253, %get3A_254] {strides = array<i32>} : memref<128x128xf32, #tpu.memory_space<vmem>>, vector<1x16xf32>,
        %get3A_256 = vector.shape_cast %get3A_255 : vector<1x16xf32> to vector<16xf32>
        %get3A_257 = arith.index_cast %scan3A_226 : i32 to index
        %get3A_258 = arith.constant 32 : index
        %get3A_259 = tpu.vector_load %arg8[%get3A_257, %get3A_258] {strides = array<i32>} : memref<128x128xf32, #tpu.memory_space<vmem>>, vector<1x16xf32>,
        %get3A_260 = vector.shape_cast %get3A_259 : vector<1x16xf32> to vector<16xf32>
        %mul3A_261 = arith.mulf %get3A_256, %get3A_260 : vector<16xf32>
        %swap3A_262 = arith.index_cast %scan3A_226 : i32 to index
        %swap3A_263 = arith.constant 32 : index
        %swap3A_264 = tpu.vector_load %arg7[%swap3A_262, %swap3A_263] {strides = array<i32>} : memref<128x128xf32, #tpu.memory_space<vmem>>, vector<1x16xf32>,
        %swap3A_265 = vector.shape_cast %swap3A_264 : vector<1x16xf32> to vector<16xf32>
        %swap3A_266 = vector.shape_cast %mul3A_261 : vector<16xf32> to vector<1x16xf32>
        tpu.vector_store %arg7[%swap3A_262, %swap3A_263], %swap3A_266 {strides = array<i32>} : memref<128x128xf32, #tpu.memory_space<vmem>>, vector<1x16xf32>,
        %get3A_267 = arith.index_cast %scan3A_226 : i32 to index
        %get3A_268 = arith.constant 48 : index
        %get3A_269 = tpu.vector_load %arg7[%get3A_267, %get3A_268] {strides = array<i32>} : memref<128x128xf32, #tpu.memory_space<vmem>>, vector<1x16xf32>,
        %get3A_270 = vector.shape_cast %get3A_269 : vector<1x16xf32> to vector<16xf32>
        %get3A_271 = arith.index_cast %scan3A_226 : i32 to index
        %get3A_272 = arith.constant 48 : index
        %get3A_273 = tpu.vector_load %arg8[%get3A_271, %get3A_272] {strides = array<i32>} : memref<128x128xf32, #tpu.memory_space<vmem>>, vector<1x16xf32>,
        %get3A_274 = vector.shape_cast %get3A_273 : vector<1x16xf32> to vector<16xf32>
        %mul3A_275 = arith.mulf %get3A_270, %get3A_274 : vector<16xf32>
        %swap3A_276 = arith.index_cast %scan3A_226 : i32 to index
        %swap3A_277 = arith.constant 48 : index
        %swap3A_278 = tpu.vector_load %arg7[%swap3A_276, %swap3A_277] {strides = array<i32>} : memref<128x128xf32, #tpu.memory_space<vmem>>, vector<1x16xf32>,
        %swap3A_279 = vector.shape_cast %swap3A_278 : vector<1x16xf32> to vector<16xf32>
        %swap3A_280 = vector.shape_cast %mul3A_275 : vector<16xf32> to vector<1x16xf32>
        tpu.vector_store %arg7[%swap3A_276, %swap3A_277], %swap3A_280 {strides = array<i32>} : memref<128x128xf32, #tpu.memory_space<vmem>>, vector<1x16xf32>,
        %get3A_281 = arith.index_cast %scan3A_226 : i32 to index
        %get3A_282 = arith.constant 64 : index
        %get3A_283 = tpu.vector_load %arg7[%get3A_281, %get3A_282] {strides = array<i32>} : memref<128x128xf32, #tpu.memory_space<vmem>>, vector<1x16xf32>,
        %get3A_284 = vector.shape_cast %get3A_283 : vector<1x16xf32> to vector<16xf32>
        %get3A_285 = arith.index_cast %scan3A_226 : i32 to index
        %get3A_286 = arith.constant 64 : index
        %get3A_287 = tpu.vector_load %arg8[%get3A_285, %get3A_286] {strides = array<i32>} : memref<128x128xf32, #tpu.memory_space<vmem>>, vector<1x16xf32>,
        %get3A_288 = vector.shape_cast %get3A_287 : vector<1x16xf32> to vector<16xf32>
        %mul3A_289 = arith.mulf %get3A_284, %get3A_288 : vector<16xf32>
        %swap3A_290 = arith.index_cast %scan3A_226 : i32 to index
        %swap3A_291 = arith.constant 64 : index
        %swap3A_292 = tpu.vector_load %arg7[%swap3A_290, %swap3A_291] {strides = array<i32>} : memref<128x128xf32, #tpu.memory_space<vmem>>, vector<1x16xf32>,
        %swap3A_293 = vector.shape_cast %swap3A_292 : vector<1x16xf32> to vector<16xf32>
        %swap3A_294 = vector.shape_cast %mul3A_289 : vector<16xf32> to vector<1x16xf32>
        tpu.vector_store %arg7[%swap3A_290, %swap3A_291], %swap3A_294 {strides = array<i32>} : memref<128x128xf32, #tpu.memory_space<vmem>>, vector<1x16xf32>,
        %get3A_295 = arith.index_cast %scan3A_226 : i32 to index
        %get3A_296 = arith.constant 80 : index
        %get3A_297 = tpu.vector_load %arg7[%get3A_295, %get3A_296] {strides = array<i32>} : memref<128x128xf32, #tpu.memory_space<vmem>>, vector<1x16xf32>,
        %get3A_298 = vector.shape_cast %get3A_297 : vector<1x16xf32> to vector<16xf32>
        %get3A_299 = arith.index_cast %scan3A_226 : i32 to index
        %get3A_300 = arith.constant 80 : index
        %get3A_301 = tpu.vector_load %arg8[%get3A_299, %get3A_300] {strides = array<i32>} : memref<128x128xf32, #tpu.memory_space<vmem>>, vector<1x16xf32>,
        %get3A_302 = vector.shape_cast %get3A_301 : vector<1x16xf32> to vector<16xf32>
        %mul3A_303 = arith.mulf %get3A_298, %get3A_302 : vector<16xf32>
        %swap3A_304 = arith.index_cast %scan3A_226 : i32 to index
        %swap3A_305 = arith.constant 80 : index
        %swap3A_306 = tpu.vector_load %arg7[%swap3A_304, %swap3A_305] {strides = array<i32>} : memref<128x128xf32, #tpu.memory_space<vmem>>, vector<1x16xf32>,
        %swap3A_307 = vector.shape_cast %swap3A_306 : vector<1x16xf32> to vector<16xf32>
        %swap3A_308 = vector.shape_cast %mul3A_303 : vector<16xf32> to vector<1x16xf32>
        tpu.vector_store %arg7[%swap3A_304, %swap3A_305], %swap3A_308 {strides = array<i32>} : memref<128x128xf32, #tpu.memory_space<vmem>>, vector<1x16xf32>,
        %get3A_309 = arith.index_cast %scan3A_226 : i32 to index
        %get3A_310 = arith.constant 96 : index
        %get3A_311 = tpu.vector_load %arg7[%get3A_309, %get3A_310] {strides = array<i32>} : memref<128x128xf32, #tpu.memory_space<vmem>>, vector<1x16xf32>,
        %get3A_312 = vector.shape_cast %get3A_311 : vector<1x16xf32> to vector<16xf32>
        %get3A_313 = arith.index_cast %scan3A_226 : i32 to index
        %get3A_314 = arith.constant 96 : index
        %get3A_315 = tpu.vector_load %arg8[%get3A_313, %get3A_314] {strides = array<i32>} : memref<128x128xf32, #tpu.memory_space<vmem>>, vector<1x16xf32>,
        %get3A_316 = vector.shape_cast %get3A_315 : vector<1x16xf32> to vector<16xf32>
        %mul3A_317 = arith.mulf %get3A_312, %get3A_316 : vector<16xf32>
        %swap3A_318 = arith.index_cast %scan3A_226 : i32 to index
        %swap3A_319 = arith.constant 96 : index
        %swap3A_320 = tpu.vector_load %arg7[%swap3A_318, %swap3A_319] {strides = array<i32>} : memref<128x128xf32, #tpu.memory_space<vmem>>, vector<1x16xf32>,
        %swap3A_321 = vector.shape_cast %swap3A_320 : vector<1x16xf32> to vector<16xf32>
        %swap3A_322 = vector.shape_cast %mul3A_317 : vector<16xf32> to vector<1x16xf32>
        tpu.vector_store %arg7[%swap3A_318, %swap3A_319], %swap3A_322 {strides = array<i32>} : memref<128x128xf32, #tpu.memory_space<vmem>>, vector<1x16xf32>,
        %get3A_323 = arith.index_cast %scan3A_226 : i32 to index
        %get3A_324 = arith.constant 112 : index
        %get3A_325 = tpu.vector_load %arg7[%get3A_323, %get3A_324] {strides = array<i32>} : memref<128x128xf32, #tpu.memory_space<vmem>>, vector<1x16xf32>,
        %get3A_326 = vector.shape_cast %get3A_325 : vector<1x16xf32> to vector<16xf32>
        %get3A_327 = arith.index_cast %scan3A_226 : i32 to index
        %get3A_328 = arith.constant 112 : index
        %get3A_329 = tpu.vector_load %arg8[%get3A_327, %get3A_328] {strides = array<i32>} : memref<128x128xf32, #tpu.memory_space<vmem>>, vector<1x16xf32>,
        %get3A_330 = vector.shape_cast %get3A_329 : vector<1x16xf32> to vector<16xf32>
        %mul3A_331 = arith.mulf %get3A_326, %get3A_330 : vector<16xf32>
        %swap3A_332 = arith.index_cast %scan3A_226 : i32 to index
        %swap3A_333 = arith.constant 112 : index
        %swap3A_334 = tpu.vector_load %arg7[%swap3A_332, %swap3A_333] {strides = array<i32>} : memref<128x128xf32, #tpu.memory_space<vmem>>, vector<1x16xf32>,
        %swap3A_335 = vector.shape_cast %swap3A_334 : vector<1x16xf32> to vector<16xf32>
        %swap3A_336 = vector.shape_cast %mul3A_331 : vector<16xf32> to vector<1x16xf32>
        tpu.vector_store %arg7[%swap3A_332, %swap3A_333], %swap3A_336 {strides = array<i32>} : memref<128x128xf32, #tpu.memory_space<vmem>>, vector<1x16xf32>,
      }
      %scan3A_193 = arith.constant 128 : i32
      %mul3A_194 = arith.constant 1024 : i32
      %mul3A_195 = arith.muli %mul3A_194, %add3A : i32
      %add3A_196 = arith.constant 768 : i32
      %add3A_197 = arith.addi %mul3A_195, %add3A_196 : i32
      "tpu.region"() ({
        %run_scoped3A = tpu.sem_alloc : memref<!tpu.dma_semaphore, #tpu.memory_space<semaphore_mem>>
        %dma_start3A_226 = arith.constant 0 : i32
        %dma_start3A_227 = tpu.memref_slice %arg5[%add3A_197, %dma_start3A_226] : memref<10240x128xf32, #tpu.memory_space<hbm>> -> memref<128x128xf32, #tpu.memory_space<hbm>>
        %dma_start3A_228 = arith.constant 0 : i32
        %dma_start3A_229 = tpu.memref_slice %arg5[%add3A_197, %dma_start3A_228] : memref<10240x128xf32, #tpu.memory_space<hbm>> -> memref<128x128xf32, #tpu.memory_space<hbm>>
        tpu.enqueue_dma source(%arg7 : memref<128x128xf32, #tpu.memory_space<vmem>>) target(%dma_start3A_229 : memref<128x128xf32, #tpu.memory_space<hbm>>) target_semaphore(%run_scoped3A : memref<!tpu.dma_semaphore, #tpu.memory_space<semaphore_mem>>)
        %dma_wait3A_230 = arith.constant 0 : i32
        %dma_wait3A_231 = tpu.memref_slice %arg5[%add3A_197, %dma_wait3A_230] : memref<10240x128xf32, #tpu.memory_space<hbm>> -> memref<128x128xf32, #tpu.memory_space<hbm>>
        %dma_wait3A_232 = arith.constant 0 : i32
        %dma_wait3A_233 = tpu.memref_slice %arg5[%add3A_197, %dma_wait3A_232] : memref<10240x128xf32, #tpu.memory_space<hbm>> -> memref<128x128xf32, #tpu.memory_space<hbm>>
        tpu.wait_dma2 semaphore(%run_scoped3A : memref<!tpu.dma_semaphore, #tpu.memory_space<semaphore_mem>>) src(%arg7 : memref<128x128xf32, #tpu.memory_space<vmem>>) dst(%dma_wait3A_233 : memref<128x128xf32, #tpu.memory_space<hbm>>)
        tpu.yield
      }) : () -> ()
      %dma_start3A_198 = arith.constant 7 : i32
      %dma_start3A_199 = arith.constant 0 : i32
      %dma_start3A_200 = tpu.memref_slice %arg6[%dma_start3A_198, %dma_start3A_199] : memref<8x128xi32, #tpu.memory_space<vmem>> -> memref<1x128xi32, #tpu.memory_space<vmem>>
      %dma_start3A_201 = tpu.memref_squeeze %dma_start3A_200 : memref<1x128xi32, #tpu.memory_space<vmem>> -> memref<128xi32, #tpu.memory_space<vmem>>
      %dma_start3A_202 = arith.constant 0 : i32
      %dma_start3A_203 = arith.constant 0 : i32
      %dma_start3A_204 = tpu.memref_slice %arg2[%dma_start3A_202, %dma_start3A_203] : memref<5120x128xf32, #tpu.memory_space<hbm>> -> memref<5120x128xf32, #tpu.memory_space<hbm>>
      tpu.enqueue_indirect_dma source(%dma_start3A_204 : memref<5120x128xf32, #tpu.memory_space<hbm>>) target(%arg7 : memref<128x128xf32, #tpu.memory_space<vmem>>) offsets(%dma_start3A_201 : memref<128xi32, #tpu.memory_space<vmem>>) semaphore(%arg9 : memref<!tpu.dma_semaphore, #tpu.memory_space<semaphore_mem>>)
      %dma_wait3A_205 = arith.constant 7 : i32
      %dma_wait3A_206 = arith.constant 0 : i32
      %dma_wait3A_207 = tpu.memref_slice %arg6[%dma_wait3A_205, %dma_wait3A_206] : memref<8x128xi32, #tpu.memory_space<vmem>> -> memref<1x128xi32, #tpu.memory_space<vmem>>
      %dma_wait3A_208 = tpu.memref_squeeze %dma_wait3A_207 : memref<1x128xi32, #tpu.memory_space<vmem>> -> memref<128xi32, #tpu.memory_space<vmem>>
      %dma_wait3A_209 = arith.constant 0 : i32
      %dma_wait3A_210 = arith.constant 0 : i32
      %dma_wait3A_211 = tpu.memref_slice %arg2[%dma_wait3A_209, %dma_wait3A_210] : memref<5120x128xf32, #tpu.memory_space<hbm>> -> memref<5120x128xf32, #tpu.memory_space<hbm>>
      tpu.wait_indirect_dma semaphore(%arg9 : memref<!tpu.dma_semaphore, #tpu.memory_space<semaphore_mem>>) src(%dma_wait3A_211 : memref<5120x128xf32, #tpu.memory_space<hbm>>) dst(%arg7 : memref<128x128xf32, #tpu.memory_space<vmem>>)
      %mul3A_212 = arith.constant 1024 : i32
      %mul3A_213 = arith.muli %mul3A_212, %add3A : i32
      %add3A_214 = arith.constant 896 : i32
      %add3A_215 = arith.addi %mul3A_213, %add3A_214 : i32
      "tpu.region"() ({
        %run_scoped3A = tpu.sem_alloc : memref<!tpu.dma_semaphore, #tpu.memory_space<semaphore_mem>>
        %dma_start3A_226 = arith.constant 0 : i32
        %dma_start3A_227 = tpu.memref_slice %arg4[%add3A_215, %dma_start3A_226] : memref<10240x128xf32, #tpu.memory_space<hbm>> -> memref<128x128xf32, #tpu.memory_space<hbm>>
        %dma_start3A_228 = arith.constant 0 : i32
        %dma_start3A_229 = tpu.memref_slice %arg4[%add3A_215, %dma_start3A_228] : memref<10240x128xf32, #tpu.memory_space<hbm>> -> memref<128x128xf32, #tpu.memory_space<hbm>>
        tpu.enqueue_dma source(%dma_start3A_229 : memref<128x128xf32, #tpu.memory_space<hbm>>) target(%arg8 : memref<128x128xf32, #tpu.memory_space<vmem>>) target_semaphore(%run_scoped3A : memref<!tpu.dma_semaphore, #tpu.memory_space<semaphore_mem>>)
        %dma_wait3A_230 = arith.constant 0 : i32
        %dma_wait3A_231 = tpu.memref_slice %arg4[%add3A_215, %dma_wait3A_230] : memref<10240x128xf32, #tpu.memory_space<hbm>> -> memref<128x128xf32, #tpu.memory_space<hbm>>
        %dma_wait3A_232 = arith.constant 0 : i32
        %dma_wait3A_233 = tpu.memref_slice %arg4[%add3A_215, %dma_wait3A_232] : memref<10240x128xf32, #tpu.memory_space<hbm>> -> memref<128x128xf32, #tpu.memory_space<hbm>>
        tpu.wait_dma2 semaphore(%run_scoped3A : memref<!tpu.dma_semaphore, #tpu.memory_space<semaphore_mem>>) src(%dma_wait3A_233 : memref<128x128xf32, #tpu.memory_space<hbm>>) dst(%arg8 : memref<128x128xf32, #tpu.memory_space<vmem>>)
        tpu.yield
      }) : () -> ()
      %scan3A_216 = arith.constant 0 : i32
      %scan3A_217 = arith.constant 0 : i32
      %scan3A_218 = arith.constant 128 : i32
      %scan3A_219 = arith.addi %scan3A_217, %scan3A_218 : i32
      %scan3A_220 = arith.constant 1 : i32
      scf.for %scan3A_226 = %scan3A_217 to %scan3A_219 step %scan3A_220  : i32 {
        %get3A = arith.index_cast %scan3A_226 : i32 to index
        %get3A_227 = arith.constant 0 : index
        %get3A_228 = tpu.vector_load %arg7[%get3A, %get3A_227] {strides = array<i32>} : memref<128x128xf32, #tpu.memory_space<vmem>>, vector<1x16xf32>,
        %get3A_229 = vector.shape_cast %get3A_228 : vector<1x16xf32> to vector<16xf32>
        %get3A_230 = arith.index_cast %scan3A_226 : i32 to index
        %get3A_231 = arith.constant 0 : index
        %get3A_232 = tpu.vector_load %arg8[%get3A_230, %get3A_231] {strides = array<i32>} : memref<128x128xf32, #tpu.memory_space<vmem>>, vector<1x16xf32>,
        %get3A_233 = vector.shape_cast %get3A_232 : vector<1x16xf32> to vector<16xf32>
        %mul3A_234 = arith.mulf %get3A_229, %get3A_233 : vector<16xf32>
        %swap3A = arith.index_cast %scan3A_226 : i32 to index
        %swap3A_235 = arith.constant 0 : index
        %swap3A_236 = tpu.vector_load %arg7[%swap3A, %swap3A_235] {strides = array<i32>} : memref<128x128xf32, #tpu.memory_space<vmem>>, vector<1x16xf32>,
        %swap3A_237 = vector.shape_cast %swap3A_236 : vector<1x16xf32> to vector<16xf32>
        %swap3A_238 = vector.shape_cast %mul3A_234 : vector<16xf32> to vector<1x16xf32>
        tpu.vector_store %arg7[%swap3A, %swap3A_235], %swap3A_238 {strides = array<i32>} : memref<128x128xf32, #tpu.memory_space<vmem>>, vector<1x16xf32>,
        %get3A_239 = arith.index_cast %scan3A_226 : i32 to index
        %get3A_240 = arith.constant 16 : index
        %get3A_241 = tpu.vector_load %arg7[%get3A_239, %get3A_240] {strides = array<i32>} : memref<128x128xf32, #tpu.memory_space<vmem>>, vector<1x16xf32>,
        %get3A_242 = vector.shape_cast %get3A_241 : vector<1x16xf32> to vector<16xf32>
        %get3A_243 = arith.index_cast %scan3A_226 : i32 to index
        %get3A_244 = arith.constant 16 : index
        %get3A_245 = tpu.vector_load %arg8[%get3A_243, %get3A_244] {strides = array<i32>} : memref<128x128xf32, #tpu.memory_space<vmem>>, vector<1x16xf32>,
        %get3A_246 = vector.shape_cast %get3A_245 : vector<1x16xf32> to vector<16xf32>
        %mul3A_247 = arith.mulf %get3A_242, %get3A_246 : vector<16xf32>
        %swap3A_248 = arith.index_cast %scan3A_226 : i32 to index
        %swap3A_249 = arith.constant 16 : index
        %swap3A_250 = tpu.vector_load %arg7[%swap3A_248, %swap3A_249] {strides = array<i32>} : memref<128x128xf32, #tpu.memory_space<vmem>>, vector<1x16xf32>,
        %swap3A_251 = vector.shape_cast %swap3A_250 : vector<1x16xf32> to vector<16xf32>
        %swap3A_252 = vector.shape_cast %mul3A_247 : vector<16xf32> to vector<1x16xf32>
        tpu.vector_store %arg7[%swap3A_248, %swap3A_249], %swap3A_252 {strides = array<i32>} : memref<128x128xf32, #tpu.memory_space<vmem>>, vector<1x16xf32>,
        %get3A_253 = arith.index_cast %scan3A_226 : i32 to index
        %get3A_254 = arith.constant 32 : index
        %get3A_255 = tpu.vector_load %arg7[%get3A_253, %get3A_254] {strides = array<i32>} : memref<128x128xf32, #tpu.memory_space<vmem>>, vector<1x16xf32>,
        %get3A_256 = vector.shape_cast %get3A_255 : vector<1x16xf32> to vector<16xf32>
        %get3A_257 = arith.index_cast %scan3A_226 : i32 to index
        %get3A_258 = arith.constant 32 : index
        %get3A_259 = tpu.vector_load %arg8[%get3A_257, %get3A_258] {strides = array<i32>} : memref<128x128xf32, #tpu.memory_space<vmem>>, vector<1x16xf32>,
        %get3A_260 = vector.shape_cast %get3A_259 : vector<1x16xf32> to vector<16xf32>
        %mul3A_261 = arith.mulf %get3A_256, %get3A_260 : vector<16xf32>
        %swap3A_262 = arith.index_cast %scan3A_226 : i32 to index
        %swap3A_263 = arith.constant 32 : index
        %swap3A_264 = tpu.vector_load %arg7[%swap3A_262, %swap3A_263] {strides = array<i32>} : memref<128x128xf32, #tpu.memory_space<vmem>>, vector<1x16xf32>,
        %swap3A_265 = vector.shape_cast %swap3A_264 : vector<1x16xf32> to vector<16xf32>
        %swap3A_266 = vector.shape_cast %mul3A_261 : vector<16xf32> to vector<1x16xf32>
        tpu.vector_store %arg7[%swap3A_262, %swap3A_263], %swap3A_266 {strides = array<i32>} : memref<128x128xf32, #tpu.memory_space<vmem>>, vector<1x16xf32>,
        %get3A_267 = arith.index_cast %scan3A_226 : i32 to index
        %get3A_268 = arith.constant 48 : index
        %get3A_269 = tpu.vector_load %arg7[%get3A_267, %get3A_268] {strides = array<i32>} : memref<128x128xf32, #tpu.memory_space<vmem>>, vector<1x16xf32>,
        %get3A_270 = vector.shape_cast %get3A_269 : vector<1x16xf32> to vector<16xf32>
        %get3A_271 = arith.index_cast %scan3A_226 : i32 to index
        %get3A_272 = arith.constant 48 : index
        %get3A_273 = tpu.vector_load %arg8[%get3A_271, %get3A_272] {strides = array<i32>} : memref<128x128xf32, #tpu.memory_space<vmem>>, vector<1x16xf32>,
        %get3A_274 = vector.shape_cast %get3A_273 : vector<1x16xf32> to vector<16xf32>
        %mul3A_275 = arith.mulf %get3A_270, %get3A_274 : vector<16xf32>
        %swap3A_276 = arith.index_cast %scan3A_226 : i32 to index
        %swap3A_277 = arith.constant 48 : index
        %swap3A_278 = tpu.vector_load %arg7[%swap3A_276, %swap3A_277] {strides = array<i32>} : memref<128x128xf32, #tpu.memory_space<vmem>>, vector<1x16xf32>,
        %swap3A_279 = vector.shape_cast %swap3A_278 : vector<1x16xf32> to vector<16xf32>
        %swap3A_280 = vector.shape_cast %mul3A_275 : vector<16xf32> to vector<1x16xf32>
        tpu.vector_store %arg7[%swap3A_276, %swap3A_277], %swap3A_280 {strides = array<i32>} : memref<128x128xf32, #tpu.memory_space<vmem>>, vector<1x16xf32>,
        %get3A_281 = arith.index_cast %scan3A_226 : i32 to index
        %get3A_282 = arith.constant 64 : index
        %get3A_283 = tpu.vector_load %arg7[%get3A_281, %get3A_282] {strides = array<i32>} : memref<128x128xf32, #tpu.memory_space<vmem>>, vector<1x16xf32>,
        %get3A_284 = vector.shape_cast %get3A_283 : vector<1x16xf32> to vector<16xf32>
        %get3A_285 = arith.index_cast %scan3A_226 : i32 to index
        %get3A_286 = arith.constant 64 : index
        %get3A_287 = tpu.vector_load %arg8[%get3A_285, %get3A_286] {strides = array<i32>} : memref<128x128xf32, #tpu.memory_space<vmem>>, vector<1x16xf32>,
        %get3A_288 = vector.shape_cast %get3A_287 : vector<1x16xf32> to vector<16xf32>
        %mul3A_289 = arith.mulf %get3A_284, %get3A_288 : vector<16xf32>
        %swap3A_290 = arith.index_cast %scan3A_226 : i32 to index
        %swap3A_291 = arith.constant 64 : index
        %swap3A_292 = tpu.vector_load %arg7[%swap3A_290, %swap3A_291] {strides = array<i32>} : memref<128x128xf32, #tpu.memory_space<vmem>>, vector<1x16xf32>,
        %swap3A_293 = vector.shape_cast %swap3A_292 : vector<1x16xf32> to vector<16xf32>
        %swap3A_294 = vector.shape_cast %mul3A_289 : vector<16xf32> to vector<1x16xf32>
        tpu.vector_store %arg7[%swap3A_290, %swap3A_291], %swap3A_294 {strides = array<i32>} : memref<128x128xf32, #tpu.memory_space<vmem>>, vector<1x16xf32>,
        %get3A_295 = arith.index_cast %scan3A_226 : i32 to index
        %get3A_296 = arith.constant 80 : index
        %get3A_297 = tpu.vector_load %arg7[%get3A_295, %get3A_296] {strides = array<i32>} : memref<128x128xf32, #tpu.memory_space<vmem>>, vector<1x16xf32>,
        %get3A_298 = vector.shape_cast %get3A_297 : vector<1x16xf32> to vector<16xf32>
        %get3A_299 = arith.index_cast %scan3A_226 : i32 to index
        %get3A_300 = arith.constant 80 : index
        %get3A_301 = tpu.vector_load %arg8[%get3A_299, %get3A_300] {strides = array<i32>} : memref<128x128xf32, #tpu.memory_space<vmem>>, vector<1x16xf32>,
        %get3A_302 = vector.shape_cast %get3A_301 : vector<1x16xf32> to vector<16xf32>
        %mul3A_303 = arith.mulf %get3A_298, %get3A_302 : vector<16xf32>
        %swap3A_304 = arith.index_cast %scan3A_226 : i32 to index
        %swap3A_305 = arith.constant 80 : index
        %swap3A_306 = tpu.vector_load %arg7[%swap3A_304, %swap3A_305] {strides = array<i32>} : memref<128x128xf32, #tpu.memory_space<vmem>>, vector<1x16xf32>,
        %swap3A_307 = vector.shape_cast %swap3A_306 : vector<1x16xf32> to vector<16xf32>
        %swap3A_308 = vector.shape_cast %mul3A_303 : vector<16xf32> to vector<1x16xf32>
        tpu.vector_store %arg7[%swap3A_304, %swap3A_305], %swap3A_308 {strides = array<i32>} : memref<128x128xf32, #tpu.memory_space<vmem>>, vector<1x16xf32>,
        %get3A_309 = arith.index_cast %scan3A_226 : i32 to index
        %get3A_310 = arith.constant 96 : index
        %get3A_311 = tpu.vector_load %arg7[%get3A_309, %get3A_310] {strides = array<i32>} : memref<128x128xf32, #tpu.memory_space<vmem>>, vector<1x16xf32>,
        %get3A_312 = vector.shape_cast %get3A_311 : vector<1x16xf32> to vector<16xf32>
        %get3A_313 = arith.index_cast %scan3A_226 : i32 to index
        %get3A_314 = arith.constant 96 : index
        %get3A_315 = tpu.vector_load %arg8[%get3A_313, %get3A_314] {strides = array<i32>} : memref<128x128xf32, #tpu.memory_space<vmem>>, vector<1x16xf32>,
        %get3A_316 = vector.shape_cast %get3A_315 : vector<1x16xf32> to vector<16xf32>
        %mul3A_317 = arith.mulf %get3A_312, %get3A_316 : vector<16xf32>
        %swap3A_318 = arith.index_cast %scan3A_226 : i32 to index
        %swap3A_319 = arith.constant 96 : index
        %swap3A_320 = tpu.vector_load %arg7[%swap3A_318, %swap3A_319] {strides = array<i32>} : memref<128x128xf32, #tpu.memory_space<vmem>>, vector<1x16xf32>,
        %swap3A_321 = vector.shape_cast %swap3A_320 : vector<1x16xf32> to vector<16xf32>
        %swap3A_322 = vector.shape_cast %mul3A_317 : vector<16xf32> to vector<1x16xf32>
        tpu.vector_store %arg7[%swap3A_318, %swap3A_319], %swap3A_322 {strides = array<i32>} : memref<128x128xf32, #tpu.memory_space<vmem>>, vector<1x16xf32>,
        %get3A_323 = arith.index_cast %scan3A_226 : i32 to index
        %get3A_324 = arith.constant 112 : index
        %get3A_325 = tpu.vector_load %arg7[%get3A_323, %get3A_324] {strides = array<i32>} : memref<128x128xf32, #tpu.memory_space<vmem>>, vector<1x16xf32>,
        %get3A_326 = vector.shape_cast %get3A_325 : vector<1x16xf32> to vector<16xf32>
        %get3A_327 = arith.index_cast %scan3A_226 : i32 to index
        %get3A_328 = arith.constant 112 : index
        %get3A_329 = tpu.vector_load %arg8[%get3A_327, %get3A_328] {strides = array<i32>} : memref<128x128xf32, #tpu.memory_space<vmem>>, vector<1x16xf32>,
        %get3A_330 = vector.shape_cast %get3A_329 : vector<1x16xf32> to vector<16xf32>
        %mul3A_331 = arith.mulf %get3A_326, %get3A_330 : vector<16xf32>
        %swap3A_332 = arith.index_cast %scan3A_226 : i32 to index
        %swap3A_333 = arith.constant 112 : index
        %swap3A_334 = tpu.vector_load %arg7[%swap3A_332, %swap3A_333] {strides = array<i32>} : memref<128x128xf32, #tpu.memory_space<vmem>>, vector<1x16xf32>,
        %swap3A_335 = vector.shape_cast %swap3A_334 : vector<1x16xf32> to vector<16xf32>
        %swap3A_336 = vector.shape_cast %mul3A_331 : vector<16xf32> to vector<1x16xf32>
        tpu.vector_store %arg7[%swap3A_332, %swap3A_333], %swap3A_336 {strides = array<i32>} : memref<128x128xf32, #tpu.memory_space<vmem>>, vector<1x16xf32>,
      }
      %scan3A_221 = arith.constant 128 : i32
      %mul3A_222 = arith.constant 1024 : i32
      %mul3A_223 = arith.muli %mul3A_222, %add3A : i32
      %add3A_224 = arith.constant 896 : i32
      %add3A_225 = arith.addi %mul3A_223, %add3A_224 : i32
      "tpu.region"() ({
        %run_scoped3A = tpu.sem_alloc : memref<!tpu.dma_semaphore, #tpu.memory_space<semaphore_mem>>
        %dma_start3A_226 = arith.constant 0 : i32
        %dma_start3A_227 = tpu.memref_slice %arg5[%add3A_225, %dma_start3A_226] : memref<10240x128xf32, #tpu.memory_space<hbm>> -> memref<128x128xf32, #tpu.memory_space<hbm>>
        %dma_start3A_228 = arith.constant 0 : i32
        %dma_start3A_229 = tpu.memref_slice %arg5[%add3A_225, %dma_start3A_228] : memref<10240x128xf32, #tpu.memory_space<hbm>> -> memref<128x128xf32, #tpu.memory_space<hbm>>
        tpu.enqueue_dma source(%arg7 : memref<128x128xf32, #tpu.memory_space<vmem>>) target(%dma_start3A_229 : memref<128x128xf32, #tpu.memory_space<hbm>>) target_semaphore(%run_scoped3A : memref<!tpu.dma_semaphore, #tpu.memory_space<semaphore_mem>>)
        %dma_wait3A_230 = arith.constant 0 : i32
        %dma_wait3A_231 = tpu.memref_slice %arg5[%add3A_225, %dma_wait3A_230] : memref<10240x128xf32, #tpu.memory_space<hbm>> -> memref<128x128xf32, #tpu.memory_space<hbm>>
        %dma_wait3A_232 = arith.constant 0 : i32
        %dma_wait3A_233 = tpu.memref_slice %arg5[%add3A_225, %dma_wait3A_232] : memref<10240x128xf32, #tpu.memory_space<hbm>> -> memref<128x128xf32, #tpu.memory_space<hbm>>
        tpu.wait_dma2 semaphore(%run_scoped3A : memref<!tpu.dma_semaphore, #tpu.memory_space<semaphore_mem>>) src(%arg7 : memref<128x128xf32, #tpu.memory_space<vmem>>) dst(%dma_wait3A_233 : memref<128x128xf32, #tpu.memory_space<hbm>>)
        tpu.yield
      }) : () -> ()
    } else {
    }
    return
  }
}

module attributes {stable_mosaic.version = 14 : i64} {
  func.func @_dense_body(%arg0: memref<5000x128xf32, #tpu.memory_space<vmem>>, %arg1: memref<5000x1xf32, #tpu.memory_space<vmem>>, %arg2: memref<128x128xf32, #tpu.memory_space<vmem>>, %arg3: memref<1x128xf32, #tpu.memory_space<vmem>>, %arg4: memref<1x128xf32, #tpu.memory_space<vmem>>, %arg5: memref<1x128xf32, #tpu.memory_space<vmem>>, %arg6: memref<128x128xf32, #tpu.memory_space<vmem>>, %arg7: memref<5000x1xf32, #tpu.memory_space<vmem>>, %arg8: memref<10240x1xf32, #tpu.memory_space<vmem>>, %arg9: memref<10240x1xf32, #tpu.memory_space<vmem>>, %arg10: memref<5120x128xf32, #tpu.memory_space<vmem>>, %arg11: memref<10240x128xf32, #tpu.memory_space<vmem>>, %arg12: memref<10240x1xf32, #tpu.memory_space<vmem>>) attributes {dimension_semantics = [], scalar_prefetch = 0 : i64, scratch_operands = 0 : i64, tpu.core_type = #tpu.core_type<tc>} {
    %get3A = arith.constant 0 : index
    %get3A_0 = arith.constant 0 : index
    %get3A_1 = vector.load %arg0[%get3A, %get3A_0] : memref<5000x128xf32, #tpu.memory_space<vmem>>, vector<5000x128xf32>
    %get3A_2 = arith.constant 0 : index
    %get3A_3 = arith.constant 0 : index
    %get3A_4 = vector.load %arg1[%get3A_2, %get3A_3] : memref<5000x1xf32, #tpu.memory_space<vmem>>, vector<5000x1xf32>
    %div3A = vector.broadcast %get3A_4 : vector<5000x1xf32> to vector<5000x128xf32>
    %div3A_5 = arith.divf %get3A_1, %div3A : vector<5000x128xf32>
    %get3A_6 = arith.constant 0 : index
    %get3A_7 = arith.constant 0 : index
    %get3A_8 = vector.load %arg2[%get3A_6, %get3A_7] : memref<128x128xf32, #tpu.memory_space<vmem>>, vector<128x128xf32>
    %dot_general3A = arith.constant dense<0.000000e+00> : vector<5000x128xf32>
    %dot_general3A_9 = tpu.matmul %div3A_5, %get3A_8, %dot_general3A {dimension_numbers = #tpu.dot_dimension_numbers<[1], [0], [0], [1], [0, 0, 1, 1], [], []>, transpose_lhs_hint = false} : vector<5000x128xf32>, vector<128x128xf32>, vector<5000x128xf32> -> vector<5000x128xf32>
    %get3A_10 = arith.constant 0 : index
    %get3A_11 = arith.constant 0 : index
    %get3A_12 = vector.load %arg3[%get3A_10, %get3A_11] : memref<1x128xf32, #tpu.memory_space<vmem>>, vector<1x128xf32>
    %add3A = vector.broadcast %get3A_12 : vector<1x128xf32> to vector<5000x128xf32>
    %add3A_13 = arith.addf %dot_general3A_9, %add3A : vector<5000x128xf32>
    %get3A_14 = arith.constant 0 : index
    %get3A_15 = arith.constant 0 : index
    %get3A_16 = vector.load %arg7[%get3A_14, %get3A_15] : memref<5000x1xf32, #tpu.memory_space<vmem>>, vector<5000x1xf32>
    %mul3A = vector.broadcast %get3A_16 : vector<5000x1xf32> to vector<5000x128xf32>
    %mul3A_17 = arith.mulf %mul3A, %add3A_13 : vector<5000x128xf32>
    %reduce_sum3A = arith.constant dense<0.000000e+00> : vector<128xf32>
    %reduce_sum3A_18 = vector.multi_reduction <add>, %mul3A_17, %reduce_sum3A [0] : vector<5000x128xf32> to vector<128xf32>
    %broadcast_in_dim3A = vector.shape_cast %reduce_sum3A_18 : vector<128xf32> to vector<1x128xf32>
    %mul3A_19 = arith.constant 9.99999974E-5 : f32
    %mul3A_20 = vector.broadcast %mul3A_19 : f32 to vector<1x128xf32>
    %mul3A_21 = arith.mulf %broadcast_in_dim3A, %mul3A_20 : vector<1x128xf32>
    %mul3A_22 = arith.mulf %mul3A_17, %add3A_13 : vector<5000x128xf32>
    %reduce_sum3A_23 = arith.constant dense<0.000000e+00> : vector<128xf32>
    %reduce_sum3A_24 = vector.multi_reduction <add>, %mul3A_22, %reduce_sum3A_23 [0] : vector<5000x128xf32> to vector<128xf32>
    %broadcast_in_dim3A_25 = vector.shape_cast %reduce_sum3A_24 : vector<128xf32> to vector<1x128xf32>
    %mul3A_26 = arith.constant 9.99999974E-5 : f32
    %mul3A_27 = vector.broadcast %mul3A_26 : f32 to vector<1x128xf32>
    %mul3A_28 = arith.mulf %broadcast_in_dim3A_25, %mul3A_27 : vector<1x128xf32>
    %mul3A_29 = arith.mulf %mul3A_21, %mul3A_21 : vector<1x128xf32>
    %sub3A = arith.subf %mul3A_28, %mul3A_29 : vector<1x128xf32>
    %sub3A_30 = vector.broadcast %mul3A_21 : vector<1x128xf32> to vector<5000x128xf32>
    %sub3A_31 = arith.subf %add3A_13, %sub3A_30 : vector<5000x128xf32>
    %add3A_32 = arith.constant 9.99999974E-6 : f32
    %add3A_33 = vector.broadcast %add3A_32 : f32 to vector<1x128xf32>
    %add3A_34 = arith.addf %sub3A, %add3A_33 : vector<1x128xf32>
    %rsqrt3A = math.rsqrt %add3A_34 : vector<1x128xf32>
    %mul3A_35 = vector.broadcast %rsqrt3A : vector<1x128xf32> to vector<5000x128xf32>
    %mul3A_36 = arith.mulf %sub3A_31, %mul3A_35 : vector<5000x128xf32>
    %get3A_37 = arith.constant 0 : index
    %get3A_38 = arith.constant 0 : index
    %get3A_39 = vector.load %arg4[%get3A_37, %get3A_38] : memref<1x128xf32, #tpu.memory_space<vmem>>, vector<1x128xf32>
    %mul3A_40 = vector.broadcast %get3A_39 : vector<1x128xf32> to vector<5000x128xf32>
    %mul3A_41 = arith.mulf %mul3A_36, %mul3A_40 : vector<5000x128xf32>
    %get3A_42 = arith.constant 0 : index
    %get3A_43 = arith.constant 0 : index
    %get3A_44 = vector.load %arg5[%get3A_42, %get3A_43] : memref<1x128xf32, #tpu.memory_space<vmem>>, vector<1x128xf32>
    %add3A_45 = vector.broadcast %get3A_44 : vector<1x128xf32> to vector<5000x128xf32>
    %add3A_46 = arith.addf %mul3A_41, %add3A_45 : vector<5000x128xf32>
    %max3A = arith.constant 0.000000e+00 : f32
    %max3A_47 = vector.broadcast %max3A : f32 to vector<5000x128xf32>
    %max3A_48 = arith.maximumf %add3A_46, %max3A_47 : vector<5000x128xf32>
    %get3A_49 = arith.constant 0 : index
    %get3A_50 = arith.constant 0 : index
    %get3A_51 = vector.load %arg6[%get3A_49, %get3A_50] : memref<128x128xf32, #tpu.memory_space<vmem>>, vector<128x128xf32>
    %dot_general3A_52 = arith.constant dense<0.000000e+00> : vector<5000x128xf32>
    %dot_general3A_53 = tpu.matmul %max3A_48, %get3A_51, %dot_general3A_52 {dimension_numbers = #tpu.dot_dimension_numbers<[1], [0], [0], [1], [0, 0, 1, 1], [], []>, transpose_lhs_hint = false} : vector<5000x128xf32>, vector<128x128xf32>, vector<5000x128xf32> -> vector<5000x128xf32>
    %swap3A = arith.constant 0 : index
    %swap3A_54 = arith.constant 0 : index
    %swap3A_55 = vector.load %arg10[%swap3A, %swap3A_54] : memref<5120x128xf32, #tpu.memory_space<vmem>>, vector<5000x128xf32>
    tpu.vector_store %arg10[%swap3A, %swap3A_54], %dot_general3A_53 {strides = array<i32>} : memref<5120x128xf32, #tpu.memory_space<vmem>>, vector<5000x128xf32>,
    %broadcast_in_dim3A_56 = arith.constant 0.000000e+00 : f32
    %broadcast_in_dim3A_57 = vector.broadcast %broadcast_in_dim3A_56 : f32 to vector<120x128xf32>
    %swap3A_58 = arith.constant 5000 : index
    %swap3A_59 = arith.constant 0 : index
    %swap3A_60 = vector.load %arg10[%swap3A_58, %swap3A_59] : memref<5120x128xf32, #tpu.memory_space<vmem>>, vector<120x128xf32>
    tpu.vector_store %arg10[%swap3A_58, %swap3A_59], %broadcast_in_dim3A_57 {strides = array<i32>} : memref<5120x128xf32, #tpu.memory_space<vmem>>, vector<120x128xf32>,
    %get3A_61 = arith.constant 0 : index
    %get3A_62 = arith.constant 0 : index
    %get3A_63 = vector.load %arg8[%get3A_61, %get3A_62] : memref<10240x1xf32, #tpu.memory_space<vmem>>, vector<10240x1xf32>
    %get3A_64 = arith.constant 0 : index
    %get3A_65 = arith.constant 0 : index
    %get3A_66 = vector.load %arg9[%get3A_64, %get3A_65] : memref<10240x1xf32, #tpu.memory_space<vmem>>, vector<10240x1xf32>
    %add3A_67 = arith.addf %get3A_63, %get3A_66 : vector<10240x1xf32>
    %add3A_68 = arith.constant 1.000000e+00 : f32
    %add3A_69 = vector.broadcast %add3A_68 : f32 to vector<10240x1xf32>
    %add3A_70 = arith.addf %add3A_67, %add3A_69 : vector<10240x1xf32>
    %rsqrt3A_71 = math.rsqrt %add3A_70 : vector<10240x1xf32>
    %swap3A_72 = arith.constant 0 : index
    %swap3A_73 = arith.constant 0 : index
    %swap3A_74 = vector.load %arg12[%swap3A_72, %swap3A_73] : memref<10240x1xf32, #tpu.memory_space<vmem>>, vector<10240x1xf32>
    tpu.vector_store %arg12[%swap3A_72, %swap3A_73], %rsqrt3A_71 {strides = array<i32>} : memref<10240x1xf32, #tpu.memory_space<vmem>>, vector<10240x1xf32>,
    %broadcast_in_dim3A_75 = vector.shape_cast %rsqrt3A_71 : vector<10240x1xf32> to vector<10240x1xf32>
    %broadcast_in_dim3A_76 = vector.broadcast %broadcast_in_dim3A_75 : vector<10240x1xf32> to vector<10240x128xf32>
    %swap3A_77 = arith.constant 0 : index
    %swap3A_78 = arith.constant 0 : index
    %swap3A_79 = vector.load %arg11[%swap3A_77, %swap3A_78] : memref<10240x128xf32, #tpu.memory_space<vmem>>, vector<10240x128xf32>
    tpu.vector_store %arg11[%swap3A_77, %swap3A_78], %broadcast_in_dim3A_76 {strides = array<i32>} : memref<10240x128xf32, #tpu.memory_space<vmem>>, vector<10240x128xf32>,
    return
  }
}

module attributes {stable_mosaic.version = 14 : i64} {
  func.func @_final_body(%arg0: memref<2x10240x128xf32, #tpu.memory_space<vmem>>, %arg1: memref<10240x128xf32, #tpu.memory_space<vmem>>, %arg2: memref<10240x1xf32, #tpu.memory_space<vmem>>, %arg3: memref<1x128xf32, #tpu.memory_space<vmem>>, %arg4: memref<10000x128xf32, #tpu.memory_space<vmem>>) attributes {dimension_semantics = [], scalar_prefetch = 0 : i64, scratch_operands = 0 : i64, tpu.core_type = #tpu.core_type<tc>} {
    %get3A = arith.constant 0 : index
    %get3A_0 = arith.constant 0 : index
    %get3A_1 = vector.load %arg2[%get3A, %get3A_0] : memref<10240x1xf32, #tpu.memory_space<vmem>>, vector<10000x1xf32>
    %get3A_2 = arith.constant 0 : index
    %get3A_3 = arith.constant 0 : index
    %get3A_4 = arith.constant 0 : index
    %get3A_5 = vector.load %arg0[%get3A_2, %get3A_3, %get3A_4] : memref<2x10240x128xf32, #tpu.memory_space<vmem>>, vector<1x10000x128xf32>
    %get3A_6 = vector.shape_cast %get3A_5 : vector<1x10000x128xf32> to vector<10000x128xf32>
    %get3A_7 = arith.constant 1 : index
    %get3A_8 = arith.constant 0 : index
    %get3A_9 = arith.constant 0 : index
    %get3A_10 = vector.load %arg0[%get3A_7, %get3A_8, %get3A_9] : memref<2x10240x128xf32, #tpu.memory_space<vmem>>, vector<1x10000x128xf32>
    %get3A_11 = vector.shape_cast %get3A_10 : vector<1x10000x128xf32> to vector<10000x128xf32>
    %add3A = arith.addf %get3A_6, %get3A_11 : vector<10000x128xf32>
    %get3A_12 = arith.constant 0 : index
    %get3A_13 = arith.constant 0 : index
    %get3A_14 = vector.load %arg1[%get3A_12, %get3A_13] : memref<10240x128xf32, #tpu.memory_space<vmem>>, vector<10000x128xf32>
    %add3A_15 = arith.addf %add3A, %get3A_14 : vector<10000x128xf32>
    %mul3A = vector.broadcast %get3A_1 : vector<10000x1xf32> to vector<10000x128xf32>
    %mul3A_16 = arith.mulf %mul3A, %add3A_15 : vector<10000x128xf32>
    %get3A_17 = arith.constant 0 : index
    %get3A_18 = arith.constant 0 : index
    %get3A_19 = vector.load %arg3[%get3A_17, %get3A_18] : memref<1x128xf32, #tpu.memory_space<vmem>>, vector<1x128xf32>
    %add3A_20 = vector.broadcast %get3A_19 : vector<1x128xf32> to vector<10000x128xf32>
    %add3A_21 = arith.addf %mul3A_16, %add3A_20 : vector<10000x128xf32>
    %swap3A = arith.constant 0 : index
    %swap3A_22 = arith.constant 0 : index
    %swap3A_23 = vector.load %arg4[%swap3A, %swap3A_22] : memref<10000x128xf32, #tpu.memory_space<vmem>>, vector<10000x128xf32>
    tpu.vector_store %arg4[%swap3A, %swap3A_22], %add3A_21 {strides = array<i32>} : memref<10000x128xf32, #tpu.memory_space<vmem>>, vector<10000x128xf32>,
    return
  }
}

</mosaic_0001>

<sc_bundles>
// kernel: kernel.10.cloned.1.call-start
scs
__scs_entry_jumppad:
0x0: {  	(pc) =	sbr.rel $0x88, $3  }
0x1: {  	(tag) =	ssettag $0x0;
	lr =	simm.s32 $0x1  }
0x2: {  	[smem:$0x3F96] =	sst lr;
	_ =	strace $0xD0000000  }
0x3: {  	_ = 	snop  }
0x4: {  	_ = 	snop  }
0x5: {  	_ = 	snop  }
0x6: {  	_ = 	snop  }
0x7: {  	_ = 	snop  }
__scs_overlays_trampoline_lowered:
0x8: {  	[smem:$0x3FA5] =	sst s0  }
0x9: {  	[smem:$0x3FA6] =	sst s1  }
0xa: {  	[smem:$0x3FA7] =	sst s2  }
0xb: {  	[smem:$0x3FA8] =	sst s3  }
0xc: {  	[smem:$0x3FA9] =	sst s4  }
0xd: {  	[smem:$0x3FAA] =	sst s5  }
0xe: {  	[smem:$0x3FAB] =	sst s6  }
0xf: {  	[smem:$0x3FAC] =	sst s7  }
0x10: {  	[smem:$0x3FAD] =	sst s8  }
0x11: {  	[smem:$0x3FAE] =	sst s9;
	s0 =	simm.s32 @!p0 $0x0  }
0x12: {  	s1 =	sld [smem:$0x3F94];
	s0 =	simm.s32 @p0 $0x1  }
0x13: {  	[smem:$0x3FAF] =	sst s0;
	s0 =	simm.s32 @!p1 $0x0  }
0x14: {  	s2 =	sld [smem:$0x3F93];
	s0 =	simm.s32 @p1 $0x1  }
0x15: {  	[smem:$0x3FB0] =	sst s0;
	s0 =	simm.s32 @!p2 $0x0  }
0x16: {  	s3 =	sld [smem:$0x3FDB];
	s0 =	simm.s32 @p2 $0x1  }
0x17: {  	s4 =	simm.s32 $0x1BF5;
	[smem:$0x3FB2] =	sst s0  }
0x18: {  	s0 =	sld [smem:$0x3F95];
	_ =	swait.ge [sflag:s4], $0x0  }
0x19: {  	s7 =	sld [smem:$0x3F96]  }
0x1a: {  	s8 =	sadd.s32 $0xFFFFE003, lr  }
0x1b: {  	s9 =	sadd.s32 $0xFFFFFEF7, lr;
	s5 =	simm.s32 $0xFFFFFFFF;
	p2 =	slt.u32 s8, $0xFFFFF086  }
0x1c: {  	p1 =	slt.u32 s9, $0xF7A;
	s5 =	simm.s32 @!p2 $0x0  }
0x1d: {  	s5 =	simm.s32 @p1 $0x1;
	p0 =	seq.s32 s7, s2  }
0x1e: {  	s7 =	smul.u32 @!p0 $0xF7A, s2;
	p2 =	seq.s32 @!p0 s5, $0x0  }
0x1f: {  	s9 =	smul.u32 $0xF7A, s1;
	s8 =	simm.s32 @!p0 $0x1BF5;
	p2 =	por !p2, p0  }
0x20: {  	[sflag:s8] =	ssyncset.s32 @!p0 $0xFFFFF086;
	s6 =	sadd.s32 @!p0 s3, s7;
	s7 =	simm.s32 @!p0 $0x108  }
0x21: {  	s3 =	sadd.s32 s3, s9;
	s6 =	sadd.s32 @!p0 $0x88, s6;
	s7 =	simm.s32 @p2 $0x1082  }
0x22: {  	[simem:s7], [sflag:s8] =	dma.local @!p0 [hbm:s6], $0xF7A  }
0x23: {  	s9 =	sor.u32 $0xD0000000, s2;
	s6 =	simm.s32 $0x108;
	_ =	swait.ge @!p0 [sflag:s8], $0x0  }
0x24: {  	s3 =	sadd.s32 $0x88, s3;
	s6 =	simm.s32 @!p1 $0x1082;
	[sflag:s4] =	ssyncset.s32 $0xFFFFF086  }
0x25: {  	[simem:s6], [sflag:s4] =	dma.local [hbm:s3], $0xF7A  }
0x26: {  	[smem:$0x3F96] =	sst s1;
	(tag) =	ssettag s2;
	_ =	strace s9  }
0x27: {  	s1 =	sld [smem:$0x3FA6]  }
0x28: {  	s2 =	sld [smem:$0x3FA7]  }
0x29: {  	s4 =	sld [smem:$0x3FA9]  }
0x2a: {  	p0 =	seq.s32 s5, $0x0;
	s5 =	sld [smem:$0x3FAA]  }
0x2b: {  	s6 =	sld [smem:$0x3FAB]  }
0x2c: {  	s7 =	sld [smem:$0x3FAC]  }
0x2d: {  	s3 =	simm.s32 $0x108;
	s8 =	sld [smem:$0x3FAD]  }
0x2e: {  	s3 =	simm.s32 @!p0 $0x1082;
	s9 =	sld [smem:$0x3FAE]  }
0x2f: {  	lr =	sadd.s32 s0, s3;
	s0 =	sld [smem:$0x3FA5]  }
0x30: {  	s3 =	sld [smem:$0x3FA8]  }
0x31: {  	[smem:$0x3FB1] =	sst s10  }
0x32: {  	s10 =	sld [smem:$0x3FAF];
	_ =	sdelay $0x3  }
0x33: {  	p0 =	seq.s32 s10, $0x1;
	s10 =	sld [smem:$0x3FB1];
	_ =	sdelay $0x3  }
0x34: {  	[smem:$0x3FB1] =	sst s10  }
0x35: {  	s10 =	sld [smem:$0x3FB0];
	_ =	sdelay $0x3  }
0x36: {  	p1 =	seq.s32 s10, $0x1;
	s10 =	sld [smem:$0x3FB1];
	_ =	sdelay $0x3  }
0x37: {  	[smem:$0x3FB1] =	sst s10  }
0x38: {  	s10 =	sld [smem:$0x3FB2]  }
0x39: {  	_ = 	snop;
	(pc) =	sbr.ind lr, $3  }
0x3a: {  	_ = 	snop  }
0x3b: {  	_ = 	snop  }
0x3c: {  	p2 =	seq.s32 s10, $0x1;
	s10 =	sld [smem:$0x3FB1]  }
0x3d: {  	_ =	shalt  }
0x3e: {  	_ =	shalt  }
0x3f: {  	_ =	shalt  }
0x40: {  	_ =	shalt  }
0x41: {  	_ =	shalt  }
0x42: {  	_ =	shalt  }
0x43: {  	_ =	shalt  }
0x44: {  	_ =	shalt  }
0x45: {  	_ =	shalt  }
0x46: {  	_ =	shalt  }
0x47: {  	_ =	shalt  }
0x48: {  	_ =	shalt  }
0x49: {  	_ =	shalt  }
0x4a: {  	_ =	shalt  }
0x4b: {  	_ =	shalt  }
0x4c: {  	_ =	shalt  }
0x4d: {  	_ =	shalt  }
0x4e: {  	_ =	shalt  }
0x4f: {  	_ =	shalt  }
0x50: {  	_ =	shalt  }
0x51: {  	_ =	shalt  }
0x52: {  	_ =	shalt  }
0x53: {  	_ =	shalt  }
0x54: {  	_ =	shalt  }
0x55: {  	_ =	shalt  }
0x56: {  	_ =	shalt  }
0x57: {  	_ =	shalt  }
0x58: {  	_ =	shalt  }
0x59: {  	_ =	shalt  }
0x5a: {  	_ =	shalt  }
0x5b: {  	_ =	shalt  }
0x5c: {  	_ =	shalt  }
0x5d: {  	_ =	shalt  }
0x5e: {  	_ =	shalt  }
0x5f: {  	_ =	shalt  }
0x60: {  	_ =	shalt  }
0x61: {  	_ =	shalt  }
0x62: {  	_ =	shalt  }
0x63: {  	_ =	shalt  }
0x64: {  	_ =	shalt  }
0x65: {  	_ =	shalt  }
0x66: {  	_ =	shalt  }
0x67: {  	_ =	shalt  }
0x68: {  	_ =	shalt  }
0x69: {  	_ =	shalt  }
0x6a: {  	_ =	shalt  }
0x6b: {  	_ =	shalt  }
0x6c: {  	_ =	shalt  }
0x6d: {  	_ =	shalt  }
0x6e: {  	_ =	shalt  }
0x6f: {  	_ =	shalt  }
0x70: {  	_ =	shalt  }
0x71: {  	_ =	shalt  }
0x72: {  	_ =	shalt  }
0x73: {  	_ =	shalt  }
0x74: {  	_ =	shalt  }
0x75: {  	_ =	shalt  }
0x76: {  	_ =	shalt  }
0x77: {  	_ =	shalt  }
0x78: {  	_ =	shalt  }
0x79: {  	_ =	shalt  }
0x7a: {  	_ =	shalt  }
0x7b: {  	_ =	shalt  }
0x7c: {  	_ =	shalt  }
0x7d: {  	_ =	shalt  }
0x7e: {  	_ =	shalt  }
0x7f: {  	_ =	shalt  }
0x80: {  	_ =	shalt  }
0x81: {  	_ =	shalt  }
0x82: {  	_ =	shalt  }
0x83: {  	_ =	shalt  }
0x84: {  	_ =	shalt  }
0x85: {  	_ =	shalt  }
0x86: {  	_ =	shalt  }
0x87: {  	_ =	shalt  }
.Lfunc_end0:
.L_simem_size_0:
called_computation.1_lowered:
.L_overlay_start_0:
0x88: {  	s2 =	sld [smem:$0x3FD9]  }
0x89: {  	s3 =	sld [smem:$0x3FFE];
	_ =	sdelay $0x1  }
0x8a: {  	s1 =	srdreg.scid  }
0x8b: {  	s0 =	sand.u32 $0x1, s1  }
0x8c: {  	s14 =	sshll.u32 s0, $0xA;
	s2 =	sadd.s32 s3, s2  }
0x8d: {  	s2 =	sadd.s32 s2, s14  }
0x8e: {  	[smem:$0x3FBD] =	sst s2  }
0x8f: {  	_ = 	snop  }
0x90: {  	s2 =	sld [smem:$0x3FD0];
	_ =	sdelay $0x2  }
0x91: {  	s15 =	simm.s32 $0xA;
	s4 =	simm.s32 $0x10  }
0x92: {  	[smem:s4], [sflag:s15] =	dma.local [hbm:s2], $0x1  }
0x93: {  	_ =	swait.eq [sflag:s15], $0x1  }
0x94: {  	[sflag:s15] =	ssyncset.done $0x0  }
0x95: {  	s16 =	sld [smem:$0x10];
	[sflag:s15] =	ssyncadd.s32 $0xFFFFFFFF  }
0x96: {  	s17 =	sld [smem:$0x12];
	(tm) =	ssettm $0x1  }
0x97: {  	s18 =	sld [smem:$0x3FFB];
	_ =	sdelay $0x3  }
0x98: {  	_ =	strace s18  }
0x99: {  	s4 =	sld [smem:$0x3FFC];
	_ =	sdelay $0x3  }
0x9a: {  	_ =	strace s4  }
0x9b: {  	s4 =	sld [smem:$0x3FFD];
	_ =	sdelay $0x3  }
0x9c: {  	_ =	strace s4  }
0x9d: {  	_ =	strace $0x8FFFFFFF  }
0x9e: {  	s19 =	sld [smem:$0x3FDB];
	_ =	sdelay $0x1  }
0x9f: {  	s5 =	simm.s32 $_scs_section_size  }
0xa0: {  	s6 =	simm.s32 $_size__tile_overlayer_lowered;
	s7 =	simm.s32 $_tile_overlayer_lowered  }
0xa1: {  	s22 =	simm.s32 $0x1BFF;
	s21 =	sshll.u32 s7, $0x1;
	s4 =	sadd.s32 s5, s19  }
0xa2: {  	s8 =	simm.s32 $0x0;
	s20 =	sshll.u32 s6, $0x1;
	s6 =	sadd.s32 s21, s4  }
0xa3: {  	[timem:s8], [sflag:s22] =	dma.local [hbm:s6], s20  }
0xa4: {  	_ =	swait.ge [sflag:s22], s20  }
0xa5: {  	s5 =	ssub.s32 $0x0, s20;
	[sflag:s22] =	ssyncset.done $0x0  }
0xa6: {  	[sflag:s22] =	ssyncadd.s32 s5;
	_ =	sdelay $0x1  }
0xa7: {  	s23 =	simm.s32 $0x1B8B  }
0xa8: {  	_ =	swait.ge [sflag:s23], $0x1  }
0xa9: {  	[sflag:s23] =	ssyncset.done $0x0  }
0xaa: {  	s25 =	simm.s32 $0x1B8E;
	s24 =	sld [smem:$0x3FFE];
	[sflag:s23] =	ssyncadd.s32 $0xFFFFFFFF  }
0xab: {  	s26 =	simm.s32 $execute0_lowered;
	[smem:$0x3FD2] =	sst s25  }
0xac: {  	s6 =	sshll.u32 s26, $0x1;
	_ =	strace $0x80000049;
	[dreg:$0x1] =	wrdreg $0xFFFFFFFF  }
0xad: {  	s28 =	simm.s32 $_size_execute0_lowered;
	s4 =	sadd.s32 s4, s6;
	[dreg:$0x0] =	wrdreg $0x0  }
0xae: {  	s6 =	sshll.u32 s28, $0x1;
	[dreg:$0x2] =	wrdreg s4  }
0xaf: {  	[dreg:$0x3] =	wrdreg s6  }
0xb0: {  	[dreg:$0x4] =	wrdreg $0xC0  }
0xb1: {  	_ =	task [dreg:s8], $0x5FFFF  }
0xb2: {  	[dreg:$0x1] =	wrdreg $0xFFFFFFFF  }
0xb3: {  	[dreg:$0x0] =	wrdreg $0x60  }
0xb4: {  	[dreg:$0x2] =	wrdreg s16  }
0xb5: {  	[dreg:$0x3] =	wrdreg s17  }
0xb6: {  	[dreg:$0x4] =	wrdreg s24  }
0xb7: {  	[dreg:$0x5] =	wrdreg $0x9  }
0xb8: {  	_ =	task.clear_ibuf [dreg:s8], $0x6FFFF;
	_ =	strace $0x90000049  }
0xb9: {  	s29 =	simm.s32 $0x9;
	_ =	strace $0x8000004B  }
0xba: {  	_ =	swait.ge [sflag:s29], $0x1  }
0xbb: {  	[sflag:s29] =	ssyncadd.s32 $0xFFFFFFFF  }
0xbc: {  	_ =	strace $0x9000004B  }
0xbd: {  	_ =	sfence  }
0xbe: {  	s30 =	sld [smem:$0x0];
	_ =	sdelay $0x2  }
0xbf: {  	s31 =	sshll.u32 s1, $0xD;
	s1 =	sshrl.u32 s1, $0x2  }
0xc0: {  	s3 =	sand.u32 $0x4000, s31;
	s1 =	sadd.s32 s1, s30  }
0xc1: {  	s0 =	sor.u32 s3, s0;
	s1 =	sshll.u32 s1, $0x11  }
0xc2: {  	s0 =	sor.u32 s1, s0  }
0xc3: {  	s0 =	sadd.s32 $0x8F2B, s0  }
0xc4: {  	[sflag:s0] =	ssyncadd.remote.s32 $0x1  }
0xc5: {  	_ =	sfence.sel $0xFFFF  }
0xc6: {  	[dreg:$0x0] =	wrdreg $0xFFFFFFFF;
	(pc) =	sbr.abs _section_cstart, $3  }
0xc7: {  	[dreg:$0x1] =	wrdreg $0xFFFFFFFF  }
0xc8: {  	_ =	task.clear_ibuf [dreg:s8], $0x2FFFF;
	_ =	strace $0x9FFFFFFF  }
0xc9: {  	(tm) =	ssettm $0x7FFFFFFF  }
tec
execute0_lowered:
.L_overlay_start_1:
0x0: {  	(tag) =	ssettag $0x1  }
0x1: {  	s4 =	stileid.u32  }
0x2: {  	p0 =	sgt.u32 s4, $0x4  }
.Ltmp0:
0x3: {  	_ = 	snop;
	(pc) =	sbr.rel @p0 .LBB2_19-.Ltmp0, $4  }
0x4: {  	s1 =	rddreg [dreg:$0x0]  }
0x5: {  	s0 =	rddreg [dreg:$0x1];
	s3 =	simm.s32 $0x0  }
0x6: {  	[smem:$0x7FF] =	sst s3  }
0x7: {  	s2 =	rddreg [dreg:$0x2];
	_ =	strace $0x8000004A  }
0x8: {  	s4 =	srdreg.scid;
	s26 =	stileid.u32;
	s18 =	sadd.s32 $0xD000, s2  }
0x9: {  	s29 =	sadd.s32 $0x35000, s2;
	s23 =	simm.s32 $0x80;
	s24 =	simm.s32 $0x400  }
0xa: {  	s25 =	simm.s32 $0x1;
	s17 =	sand.u32 $0x1, s4;
	s4 =	sshll.u32 s26, $0x1  }
0xb: {  	s2 =	simm.s32 $0x380;
	s28 =	simm.s32 $0x0;
	s19 =	sor.u32 s17, s4  }
0xc: {  	s26 =	simm.s32 $0x4400;
	s22 =	ssub.s32 $0x2, s17;
	s20 =	sshll.u32 s19, $0xE  }
0xd: {  	s30 =	sshrl.u32 s22, $0x1;
	s31 =	sshll.u32 s19, $0x7;
	s4 =	sadd.s32 s18, s20  }
0xe: {  	s7 =	sor.u32 $0x800, s20;
	s5 =	sadd.s32 s29, s20;
	s9 =	sor.u32 $0x1000, s20  }
0xf: {  	s11 =	sor.u32 $0x1800, s20;
	s13 =	sor.u32 $0x2000, s20;
	s15 =	sor.u32 $0x2800, s20  }
0x10: {  	s21 =	sor.u32 $0x3000, s20;
	s20 =	sor.u32 $0x3800, s20;
	s6 =	sadd.s32 s18, s7  }
0x11: {  	s7 =	sadd.s32 s29, s7;
	s8 =	sadd.s32 s18, s9;
	s9 =	sadd.s32 s29, s9  }
0x12: {  	s10 =	sadd.s32 s18, s11;
	s11 =	sadd.s32 s29, s11;
	s12 =	sadd.s32 s18, s13  }
0x13: {  	s13 =	sadd.s32 s29, s13;
	s14 =	sadd.s32 s18, s15;
	s15 =	sadd.s32 s29, s15  }
0x14: {  	s16 =	sadd.s32 s18, s21;
	s17 =	sadd.s32 s29, s21;
	s18 =	sadd.s32 s18, s20  }
0x15: {  	s21 =	ssub.s32 s22, s30;
	s19 =	sadd.s32 s29, s20;
	s20 =	sadd.s32 s0, s31  }
0x16: {  	s22 =	simm.s32 $0x2;
	s0 =	simm.s32 $0x300;
	s21 =	smax.u32 s21, $0x1  }
.LBB2_2:
0x17: {  	s29 =	simm.s32 $0x0  }
0x18: {  	[tilespmem:s29], [sflag:$0x2] =	stream.linear.gather [hbm4b:s20+s29], $0x400, $0x38;
	[tilespmem:$0x8400] =	vst v63  }
0x19: {  	_ =	swait.ge [sflag:s22], $0x400  }
0x1a: {  	[sflag:s22] =	ssyncset.done $0x0  }
0x1b: {  	[sflag:s22] =	ssyncadd.s32 $0xFFFFFC00  }
0x1c: {  	[tilespmem:s24], [sflag:$0x1] =	stream.indirect.gather [hbm4b:s1+s23], $0x80, s29, s23, $0xb8;
	[tilespmem:$0x8400] =	vst v63  }
0x1d: {  	_ =	swait.ge [sflag:s25], $0x4000  }
0x1e: {  	[sflag:s25] =	ssyncset.done $0x0  }
0x1f: {  	[sflag:s25] =	ssyncadd.s32 $0xFFFFC000  }
0x20: {  	[tilespmem:s26], [sflag:$0x2] =	stream.linear.gather [hbm4b:s4+s29], $0x4000, $0x38;
	[tilespmem:$0x8400] =	vst v63  }
0x21: {  	_ =	swait.ge [sflag:s22], $0x4000  }
0x22: {  	[sflag:s22] =	ssyncset.done $0x0  }
0x23: {  	s29 =	simm.s32 $0x0;
	[sflag:s22] =	ssyncadd.s32 $0xFFFFC000  }
0x24: {  	v7 =	vld [tilespmem:s29+$0x4400]  }
0x25: {  	v11 =	vld [tilespmem:s29+$0x4410]  }
0x26: {  	v5 =	vld [tilespmem:s29+$0x4420]  }
0x27: {  	v4 =	vld [tilespmem:s29+$0x4430]  }
0x28: {  	v3 =	vld [tilespmem:s29+$0x4440]  }
0x29: {  	v2 =	vld [tilespmem:s29+$0x4450]  }
0x2a: {  	v1 =	vld [tilespmem:s29+$0x4460]  }
0x2b: {  	v0 =	vld [tilespmem:s29+$0x4470]  }
0x2c: {  	v12 =	vld [tilespmem:s29+$0x400]  }
0x2d: {  	v13 =	vld [tilespmem:s29+$0x410]  }
0x2e: {  	v10 =	vld [tilespmem:s29+$0x420]  }
0x2f: {  	v9 =	vld [tilespmem:s29+$0x430]  }
0x30: {  	v8 =	vld [tilespmem:s29+$0x440]  }
0x31: {  	v6 =	vld [tilespmem:s29+$0x450];
	v12 =	vmul.f32 v7, v12  }
0x32: {  	s30 =	simm.s32 $0x200;
	v11 =	vmul.f32 v11, v13;
	v7 =	vld [tilespmem:s29+$0x460]  }
.LBB2_3:
0x33: {  	s31 =	sshra.s32 s30, $0x2;
	p0 =	sne.s32 s30, $0xFE00;
	[tilespmem:s29+$0x400] =	vst v12;
	v5 =	vmul.f32 v5, v10;
	v10 =	vld [tilespmem:s29+$0x470]  }
0x34: {  	v12 =	vld [tilespmem:s31+$0x4400];
	[tilespmem:s29+$0x410] =	vst v11;
	v4 =	vmul.f32 v4, v9  }
0x35: {  	v11 =	vld [tilespmem:s31+$0x4410];
	[tilespmem:s29+$0x420] =	vst v5;
	v3 =	vmul.f32 v3, v8  }
0x36: {  	v5 =	vld [tilespmem:s31+$0x4420];
	[tilespmem:s29+$0x430] =	vst v4;
	v2 =	vmul.f32 v2, v6  }
0x37: {  	v4 =	vld [tilespmem:s31+$0x4430];
	[tilespmem:s29+$0x440] =	vst v3;
	v1 =	vmul.f32 v1, v7  }
0x38: {  	v3 =	vld [tilespmem:s31+$0x4440];
	[tilespmem:s29+$0x450] =	vst v2;
	v0 =	vmul.f32 v0, v10  }
0x39: {  	v2 =	vld [tilespmem:s31+$0x4450];
	[tilespmem:s29+$0x460] =	vst v1  }
0x3a: {  	v1 =	vld [tilespmem:s31+$0x4460];
	[tilespmem:s29+$0x470] =	vst v0;
	s29 =	smov.u32 s31  }
0x3b: {  	v0 =	vld [tilespmem:s29+$0x4470]  }
0x3c: {  	v6 =	vld [tilespmem:s29+$0x400]  }
0x3d: {  	v7 =	vld [tilespmem:s29+$0x410]  }
.Ltmp1:
0x3e: {  	v10 =	vld [tilespmem:s29+$0x420];
	(pc) =	sbr.rel @p0 .LBB2_3-.Ltmp1, $4  }
0x3f: {  	v9 =	vld [tilespmem:s29+$0x430]  }
0x40: {  	v8 =	vld [tilespmem:s29+$0x440]  }
0x41: {  	v12 =	vmul.f32 v12, v6;
	v6 =	vld [tilespmem:s29+$0x450]  }
0x42: {  	s30 =	sadd.s32 $0x200, s30;
	v11 =	vmul.f32 v11, v7;
	v7 =	vld [tilespmem:s29+$0x460]  }
0x43: {  	[tilespmem:s29+$0x400] =	vst v12;
	v5 =	vmul.f32 v5, v10;
	v10 =	vld [tilespmem:s29+$0x470]  }
0x44: {  	[tilespmem:s29+$0x410] =	vst v11;
	v4 =	vmul.f32 v4, v9  }
0x45: {  	[tilespmem:s29+$0x420] =	vst v5;
	v3 =	vmul.f32 v3, v8  }
0x46: {  	[tilespmem:s29+$0x430] =	vst v4;
	v2 =	vmul.f32 v2, v6  }
0x47: {  	[tilespmem:s29+$0x440] =	vst v3;
	v1 =	vmul.f32 v1, v7  }
0x48: {  	[tilespmem:s29+$0x450] =	vst v2;
	v0 =	vmul.f32 v0, v10  }
0x49: {  	[tilespmem:s29+$0x460] =	vst v1  }
0x4a: {  	[tilespmem:s29+$0x470] =	vst v0;
	s29 =	simm.s32 $0x0  }
0x4b: {  	[hbm4b:s5+s29] =	stream.linear.scatter [tilespmem:s24], [sflag:$0x2], $0x4000, $0x38;
	[tilespmem:$0x8400] =	vst v63  }
0x4c: {  	_ =	swait.ge [sflag:s22], $0x4000  }
0x4d: {  	[sflag:s22] =	ssyncset.done $0x0  }
0x4e: {  	[sflag:s22] =	ssyncadd.s32 $0xFFFFC000  }
0x4f: {  	[tilespmem:s24], [sflag:$0x1] =	stream.indirect.gather [hbm4b:s1+s23], $0x80, s23, s23, $0xb8;
	[tilespmem:$0x8400] =	vst v63  }
0x50: {  	_ =	swait.ge [sflag:s25], $0x4000  }
0x51: {  	[sflag:s25] =	ssyncset.done $0x0  }
0x52: {  	[sflag:s25] =	ssyncadd.s32 $0xFFFFC000  }
0x53: {  	[tilespmem:s26], [sflag:$0x2] =	stream.linear.gather [hbm4b:s6+s29], $0x4000, $0x38;
	[tilespmem:$0x8400] =	vst v63  }
0x54: {  	_ =	swait.ge [sflag:s22], $0x4000  }
0x55: {  	[sflag:s22] =	ssyncset.done $0x0  }
0x56: {  	s29 =	simm.s32 $0x0;
	[sflag:s22] =	ssyncadd.s32 $0xFFFFC000  }
0x57: {  	v7 =	vld [tilespmem:s29+$0x4400]  }
0x58: {  	v11 =	vld [tilespmem:s29+$0x4410]  }
0x59: {  	v5 =	vld [tilespmem:s29+$0x4420]  }
0x5a: {  	v4 =	vld [tilespmem:s29+$0x4430]  }
0x5b: {  	v3 =	vld [tilespmem:s29+$0x4440]  }
0x5c: {  	v2 =	vld [tilespmem:s29+$0x4450]  }
0x5d: {  	v1 =	vld [tilespmem:s29+$0x4460]  }
0x5e: {  	v0 =	vld [tilespmem:s29+$0x4470]  }
0x5f: {  	v12 =	vld [tilespmem:s29+$0x400]  }
0x60: {  	v13 =	vld [tilespmem:s29+$0x410]  }
0x61: {  	v10 =	vld [tilespmem:s29+$0x420]  }
0x62: {  	v9 =	vld [tilespmem:s29+$0x430]  }
0x63: {  	v8 =	vld [tilespmem:s29+$0x440]  }
0x64: {  	v6 =	vld [tilespmem:s29+$0x450];
	v12 =	vmul.f32 v7, v12  }
0x65: {  	s30 =	simm.s32 $0x200;
	v11 =	vmul.f32 v11, v13;
	v7 =	vld [tilespmem:s29+$0x460]  }
.LBB2_5:
0x66: {  	s31 =	sshra.s32 s30, $0x2;
	p0 =	sne.s32 s30, $0xFE00;
	[tilespmem:s29+$0x400] =	vst v12;
	v5 =	vmul.f32 v5, v10;
	v10 =	vld [tilespmem:s29+$0x470]  }
0x67: {  	v12 =	vld [tilespmem:s31+$0x4400];
	[tilespmem:s29+$0x410] =	vst v11;
	v4 =	vmul.f32 v4, v9  }
0x68: {  	v11 =	vld [tilespmem:s31+$0x4410];
	[tilespmem:s29+$0x420] =	vst v5;
	v3 =	vmul.f32 v3, v8  }
0x69: {  	v5 =	vld [tilespmem:s31+$0x4420];
	[tilespmem:s29+$0x430] =	vst v4;
	v2 =	vmul.f32 v2, v6  }
0x6a: {  	v4 =	vld [tilespmem:s31+$0x4430];
	[tilespmem:s29+$0x440] =	vst v3;
	v1 =	vmul.f32 v1, v7  }
0x6b: {  	v3 =	vld [tilespmem:s31+$0x4440];
	[tilespmem:s29+$0x450] =	vst v2;
	v0 =	vmul.f32 v0, v10  }
0x6c: {  	v2 =	vld [tilespmem:s31+$0x4450];
	[tilespmem:s29+$0x460] =	vst v1  }
0x6d: {  	v1 =	vld [tilespmem:s31+$0x4460];
	[tilespmem:s29+$0x470] =	vst v0;
	s29 =	smov.u32 s31  }
0x6e: {  	v0 =	vld [tilespmem:s29+$0x4470]  }
0x6f: {  	v6 =	vld [tilespmem:s29+$0x400]  }
0x70: {  	v7 =	vld [tilespmem:s29+$0x410]  }
.Ltmp2:
0x71: {  	v10 =	vld [tilespmem:s29+$0x420];
	(pc) =	sbr.rel @p0 .LBB2_5-.Ltmp2, $4  }
0x72: {  	v9 =	vld [tilespmem:s29+$0x430]  }
0x73: {  	v8 =	vld [tilespmem:s29+$0x440]  }
0x74: {  	v12 =	vmul.f32 v12, v6;
	v6 =	vld [tilespmem:s29+$0x450]  }
0x75: {  	s30 =	sadd.s32 $0x200, s30;
	v11 =	vmul.f32 v11, v7;
	v7 =	vld [tilespmem:s29+$0x460]  }
0x76: {  	[tilespmem:s29+$0x400] =	vst v12;
	v5 =	vmul.f32 v5, v10;
	v10 =	vld [tilespmem:s29+$0x470]  }
0x77: {  	[tilespmem:s29+$0x410] =	vst v11;
	v4 =	vmul.f32 v4, v9  }
0x78: {  	[tilespmem:s29+$0x420] =	vst v5;
	v3 =	vmul.f32 v3, v8  }
0x79: {  	[tilespmem:s29+$0x430] =	vst v4;
	v2 =	vmul.f32 v2, v6  }
0x7a: {  	[tilespmem:s29+$0x440] =	vst v3;
	v1 =	vmul.f32 v1, v7  }
0x7b: {  	[tilespmem:s29+$0x450] =	vst v2;
	v0 =	vmul.f32 v0, v10  }
0x7c: {  	[tilespmem:s29+$0x460] =	vst v1  }
0x7d: {  	[tilespmem:s29+$0x470] =	vst v0;
	s29 =	simm.s32 $0x0  }
0x7e: {  	[hbm4b:s7+s29] =	stream.linear.scatter [tilespmem:s24], [sflag:$0x2], $0x4000, $0x38;
	[tilespmem:$0x8400] =	vst v63  }
0x7f: {  	_ =	swait.ge [sflag:s22], $0x4000  }
0x80: {  	[sflag:s22] =	ssyncset.done $0x0  }
0x81: {  	s30 =	simm.s32 $0x100;
	[sflag:s22] =	ssyncadd.s32 $0xFFFFC000  }
0x82: {  	[tilespmem:s24], [sflag:$0x1] =	stream.indirect.gather [hbm4b:s1+s23], $0x80, s30, s23, $0xb8;
	[tilespmem:$0x8400] =	vst v63  }
0x83: {  	_ =	swait.ge [sflag:s25], $0x4000  }
0x84: {  	[sflag:s25] =	ssyncset.done $0x0  }
0x85: {  	[sflag:s25] =	ssyncadd.s32 $0xFFFFC000  }
0x86: {  	[tilespmem:s26], [sflag:$0x2] =	stream.linear.gather [hbm4b:s8+s29], $0x4000, $0x38;
	[tilespmem:$0x8400] =	vst v63  }
0x87: {  	_ =	swait.ge [sflag:s22], $0x4000  }
0x88: {  	[sflag:s22] =	ssyncset.done $0x0  }
0x89: {  	s29 =	simm.s32 $0x0;
	[sflag:s22] =	ssyncadd.s32 $0xFFFFC000  }
0x8a: {  	v7 =	vld [tilespmem:s29+$0x4400]  }
0x8b: {  	v11 =	vld [tilespmem:s29+$0x4410]  }
0x8c: {  	v5 =	vld [tilespmem:s29+$0x4420]  }
0x8d: {  	v4 =	vld [tilespmem:s29+$0x4430]  }
0x8e: {  	v3 =	vld [tilespmem:s29+$0x4440]  }
0x8f: {  	v2 =	vld [tilespmem:s29+$0x4450]  }
0x90: {  	v1 =	vld [tilespmem:s29+$0x4460]  }
0x91: {  	v0 =	vld [tilespmem:s29+$0x4470]  }
0x92: {  	v12 =	vld [tilespmem:s29+$0x400]  }
0x93: {  	v13 =	vld [tilespmem:s29+$0x410]  }
0x94: {  	v10 =	vld [tilespmem:s29+$0x420]  }
0x95: {  	v9 =	vld [tilespmem:s29+$0x430]  }
0x96: {  	v8 =	vld [tilespmem:s29+$0x440]  }
0x97: {  	v6 =	vld [tilespmem:s29+$0x450];
	v12 =	vmul.f32 v7, v12  }
0x98: {  	s30 =	simm.s32 $0x200;
	v11 =	vmul.f32 v11, v13;
	v7 =	vld [tilespmem:s29+$0x460]  }
.LBB2_7:
0x99: {  	s31 =	sshra.s32 s30, $0x2;
	p0 =	sne.s32 s30, $0xFE00;
	[tilespmem:s29+$0x400] =	vst v12;
	v5 =	vmul.f32 v5, v10;
	v10 =	vld [tilespmem:s29+$0x470]  }
0x9a: {  	v12 =	vld [tilespmem:s31+$0x4400];
	[tilespmem:s29+$0x410] =	vst v11;
	v4 =	vmul.f32 v4, v9  }
0x9b: {  	v11 =	vld [tilespmem:s31+$0x4410];
	[tilespmem:s29+$0x420] =	vst v5;
	v3 =	vmul.f32 v3, v8  }
0x9c: {  	v5 =	vld [tilespmem:s31+$0x4420];
	[tilespmem:s29+$0x430] =	vst v4;
	v2 =	vmul.f32 v2, v6  }
0x9d: {  	v4 =	vld [tilespmem:s31+$0x4430];
	[tilespmem:s29+$0x440] =	vst v3;
	v1 =	vmul.f32 v1, v7  }
0x9e: {  	v3 =	vld [tilespmem:s31+$0x4440];
	[tilespmem:s29+$0x450] =	vst v2;
	v0 =	vmul.f32 v0, v10  }
0x9f: {  	v2 =	vld [tilespmem:s31+$0x4450];
	[tilespmem:s29+$0x460] =	vst v1  }
0xa0: {  	v1 =	vld [tilespmem:s31+$0x4460];
	[tilespmem:s29+$0x470] =	vst v0;
	s29 =	smov.u32 s31  }
0xa1: {  	v0 =	vld [tilespmem:s29+$0x4470]  }
0xa2: {  	v6 =	vld [tilespmem:s29+$0x400]  }
0xa3: {  	v7 =	vld [tilespmem:s29+$0x410]  }
.Ltmp3:
0xa4: {  	v10 =	vld [tilespmem:s29+$0x420];
	(pc) =	sbr.rel @p0 .LBB2_7-.Ltmp3, $4  }
0xa5: {  	v9 =	vld [tilespmem:s29+$0x430]  }
0xa6: {  	v8 =	vld [tilespmem:s29+$0x440]  }
0xa7: {  	v12 =	vmul.f32 v12, v6;
	v6 =	vld [tilespmem:s29+$0x450]  }
0xa8: {  	s30 =	sadd.s32 $0x200, s30;
	v11 =	vmul.f32 v11, v7;
	v7 =	vld [tilespmem:s29+$0x460]  }
0xa9: {  	[tilespmem:s29+$0x400] =	vst v12;
	v5 =	vmul.f32 v5, v10;
	v10 =	vld [tilespmem:s29+$0x470]  }
0xaa: {  	[tilespmem:s29+$0x410] =	vst v11;
	v4 =	vmul.f32 v4, v9  }
0xab: {  	[tilespmem:s29+$0x420] =	vst v5;
	v3 =	vmul.f32 v3, v8  }
0xac: {  	[tilespmem:s29+$0x430] =	vst v4;
	v2 =	vmul.f32 v2, v6  }
0xad: {  	[tilespmem:s29+$0x440] =	vst v3;
	v1 =	vmul.f32 v1, v7  }
0xae: {  	[tilespmem:s29+$0x450] =	vst v2;
	v0 =	vmul.f32 v0, v10  }
0xaf: {  	[tilespmem:s29+$0x460] =	vst v1  }
0xb0: {  	[tilespmem:s29+$0x470] =	vst v0;
	s29 =	simm.s32 $0x0  }
0xb1: {  	[hbm4b:s9+s29] =	stream.linear.scatter [tilespmem:s24], [sflag:$0x2], $0x4000, $0x38;
	[tilespmem:$0x8400] =	vst v63  }
0xb2: {  	_ =	swait.ge [sflag:s22], $0x4000  }
0xb3: {  	[sflag:s22] =	ssyncset.done $0x0  }
0xb4: {  	s30 =	simm.s32 $0x180;
	[sflag:s22] =	ssyncadd.s32 $0xFFFFC000  }
0xb5: {  	[tilespmem:s24], [sflag:$0x1] =	stream.indirect.gather [hbm4b:s1+s23], $0x80, s30, s23, $0xb8;
	[tilespmem:$0x8400] =	vst v63  }
0xb6: {  	_ =	swait.ge [sflag:s25], $0x4000  }
0xb7: {  	[sflag:s25] =	ssyncset.done $0x0  }
0xb8: {  	[sflag:s25] =	ssyncadd.s32 $0xFFFFC000  }
0xb9: {  	[tilespmem:s26], [sflag:$0x2] =	stream.linear.gather [hbm4b:s10+s29], $0x4000, $0x38;
	[tilespmem:$0x8400] =	vst v63  }
0xba: {  	_ =	swait.ge [sflag:s22], $0x4000  }
0xbb: {  	[sflag:s22] =	ssyncset.done $0x0  }
0xbc: {  	s29 =	simm.s32 $0x0;
	[sflag:s22] =	ssyncadd.s32 $0xFFFFC000  }
0xbd: {  	v7 =	vld [tilespmem:s29+$0x4400]  }
0xbe: {  	v11 =	vld [tilespmem:s29+$0x4410]  }
0xbf: {  	v5 =	vld [tilespmem:s29+$0x4420]  }
0xc0: {  	v4 =	vld [tilespmem:s29+$0x4430]  }
0xc1: {  	v3 =	vld [tilespmem:s29+$0x4440]  }
0xc2: {  	v2 =	vld [tilespmem:s29+$0x4450]  }
0xc3: {  	v1 =	vld [tilespmem:s29+$0x4460]  }
0xc4: {  	v0 =	vld [tilespmem:s29+$0x4470]  }
0xc5: {  	v12 =	vld [tilespmem:s29+$0x400]  }
0xc6: {  	v13 =	vld [tilespmem:s29+$0x410]  }
0xc7: {  	v10 =	vld [tilespmem:s29+$0x420]  }
0xc8: {  	v9 =	vld [tilespmem:s29+$0x430]  }
0xc9: {  	v8 =	vld [tilespmem:s29+$0x440]  }
0xca: {  	v6 =	vld [tilespmem:s29+$0x450];
	v12 =	vmul.f32 v7, v12  }
0xcb: {  	s30 =	simm.s32 $0x200;
	v11 =	vmul.f32 v11, v13;
	v7 =	vld [tilespmem:s29+$0x460]  }
.LBB2_9:
0xcc: {  	s31 =	sshra.s32 s30, $0x2;
	p0 =	sne.s32 s30, $0xFE00;
	[tilespmem:s29+$0x400] =	vst v12;
	v5 =	vmul.f32 v5, v10;
	v10 =	vld [tilespmem:s29+$0x470]  }
0xcd: {  	v12 =	vld [tilespmem:s31+$0x4400];
	[tilespmem:s29+$0x410] =	vst v11;
	v4 =	vmul.f32 v4, v9  }
0xce: {  	v11 =	vld [tilespmem:s31+$0x4410];
	[tilespmem:s29+$0x420] =	vst v5;
	v3 =	vmul.f32 v3, v8  }
0xcf: {  	v5 =	vld [tilespmem:s31+$0x4420];
	[tilespmem:s29+$0x430] =	vst v4;
	v2 =	vmul.f32 v2, v6  }
0xd0: {  	v4 =	vld [tilespmem:s31+$0x4430];
	[tilespmem:s29+$0x440] =	vst v3;
	v1 =	vmul.f32 v1, v7  }
0xd1: {  	v3 =	vld [tilespmem:s31+$0x4440];
	[tilespmem:s29+$0x450] =	vst v2;
	v0 =	vmul.f32 v0, v10  }
0xd2: {  	v2 =	vld [tilespmem:s31+$0x4450];
	[tilespmem:s29+$0x460] =	vst v1  }
0xd3: {  	v1 =	vld [tilespmem:s31+$0x4460];
	[tilespmem:s29+$0x470] =	vst v0;
	s29 =	smov.u32 s31  }
0xd4: {  	v0 =	vld [tilespmem:s29+$0x4470]  }
0xd5: {  	v6 =	vld [tilespmem:s29+$0x400]  }
0xd6: {  	v7 =	vld [tilespmem:s29+$0x410]  }
.Ltmp4:
0xd7: {  	v10 =	vld [tilespmem:s29+$0x420];
	(pc) =	sbr.rel @p0 .LBB2_9-.Ltmp4, $4  }
0xd8: {  	v9 =	vld [tilespmem:s29+$0x430]  }
0xd9: {  	v8 =	vld [tilespmem:s29+$0x440]  }
0xda: {  	v12 =	vmul.f32 v12, v6;
	v6 =	vld [tilespmem:s29+$0x450]  }
0xdb: {  	s30 =	sadd.s32 $0x200, s30;
	v11 =	vmul.f32 v11, v7;
	v7 =	vld [tilespmem:s29+$0x460]  }
0xdc: {  	[tilespmem:s29+$0x400] =	vst v12;
	v5 =	vmul.f32 v5, v10;
	v10 =	vld [tilespmem:s29+$0x470]  }
0xdd: {  	[tilespmem:s29+$0x410] =	vst v11;
	v4 =	vmul.f32 v4, v9  }
0xde: {  	[tilespmem:s29+$0x420] =	vst v5;
	v3 =	vmul.f32 v3, v8  }
0xdf: {  	[tilespmem:s29+$0x430] =	vst v4;
	v2 =	vmul.f32 v2, v6  }
0xe0: {  	[tilespmem:s29+$0x440] =	vst v3;
	v1 =	vmul.f32 v1, v7  }
0xe1: {  	[tilespmem:s29+$0x450] =	vst v2;
	v0 =	vmul.f32 v0, v10  }
0xe2: {  	[tilespmem:s29+$0x460] =	vst v1  }
0xe3: {  	[tilespmem:s29+$0x470] =	vst v0;
	s29 =	simm.s32 $0x0  }
0xe4: {  	[hbm4b:s11+s29] =	stream.linear.scatter [tilespmem:s24], [sflag:$0x2], $0x4000, $0x38;
	[tilespmem:$0x8400] =	vst v63  }
0xe5: {  	_ =	swait.ge [sflag:s22], $0x4000  }
0xe6: {  	[sflag:s22] =	ssyncset.done $0x0  }
0xe7: {  	s30 =	simm.s32 $0x200;
	[sflag:s22] =	ssyncadd.s32 $0xFFFFC000  }
0xe8: {  	[tilespmem:s24], [sflag:$0x1] =	stream.indirect.gather [hbm4b:s1+s23], $0x80, s30, s23, $0xb8;
	[tilespmem:$0x8400] =	vst v63  }
0xe9: {  	_ =	swait.ge [sflag:s25], $0x4000  }
0xea: {  	[sflag:s25] =	ssyncset.done $0x0  }
0xeb: {  	[sflag:s25] =	ssyncadd.s32 $0xFFFFC000  }
0xec: {  	[tilespmem:s26], [sflag:$0x2] =	stream.linear.gather [hbm4b:s12+s29], $0x4000, $0x38;
	[tilespmem:$0x8400] =	vst v63  }
0xed: {  	_ =	swait.ge [sflag:s22], $0x4000  }
0xee: {  	[sflag:s22] =	ssyncset.done $0x0  }
0xef: {  	s29 =	simm.s32 $0x0;
	[sflag:s22] =	ssyncadd.s32 $0xFFFFC000  }
0xf0: {  	v7 =	vld [tilespmem:s29+$0x4400]  }
0xf1: {  	v11 =	vld [tilespmem:s29+$0x4410]  }
0xf2: {  	v5 =	vld [tilespmem:s29+$0x4420]  }
0xf3: {  	v4 =	vld [tilespmem:s29+$0x4430]  }
0xf4: {  	v3 =	vld [tilespmem:s29+$0x4440]  }
0xf5: {  	v2 =	vld [tilespmem:s29+$0x4450]  }
0xf6: {  	v1 =	vld [tilespmem:s29+$0x4460]  }
0xf7: {  	v0 =	vld [tilespmem:s29+$0x4470]  }
0xf8: {  	v12 =	vld [tilespmem:s29+$0x400]  }
0xf9: {  	v13 =	vld [tilespmem:s29+$0x410]  }
0xfa: {  	v10 =	vld [tilespmem:s29+$0x420]  }
0xfb: {  	v9 =	vld [tilespmem:s29+$0x430]  }
0xfc: {  	v8 =	vld [tilespmem:s29+$0x440]  }
0xfd: {  	v6 =	vld [tilespmem:s29+$0x450];
	v12 =	vmul.f32 v7, v12  }
0xfe: {  	s30 =	simm.s32 $0x200;
	v11 =	vmul.f32 v11, v13;
	v7 =	vld [tilespmem:s29+$0x460]  }
.LBB2_11:
0xff: {  	s31 =	sshra.s32 s30, $0x2;
	p0 =	sne.s32 s30, $0xFE00;
	[tilespmem:s29+$0x400] =	vst v12;
	v5 =	vmul.f32 v5, v10;
	v10 =	vld [tilespmem:s29+$0x470]  }
0x100: {  	v12 =	vld [tilespmem:s31+$0x4400];
	[tilespmem:s29+$0x410] =	vst v11;
	v4 =	vmul.f32 v4, v9  }
0x101: {  	v11 =	vld [tilespmem:s31+$0x4410];
	[tilespmem:s29+$0x420] =	vst v5;
	v3 =	vmul.f32 v3, v8  }
0x102: {  	v5 =	vld [tilespmem:s31+$0x4420];
	[tilespmem:s29+$0x430] =	vst v4;
	v2 =	vmul.f32 v2, v6  }
0x103: {  	v4 =	vld [tilespmem:s31+$0x4430];
	[tilespmem:s29+$0x440] =	vst v3;
	v1 =	vmul.f32 v1, v7  }
0x104: {  	v3 =	vld [tilespmem:s31+$0x4440];
	[tilespmem:s29+$0x450] =	vst v2;
	v0 =	vmul.f32 v0, v10  }
0x105: {  	v2 =	vld [tilespmem:s31+$0x4450];
	[tilespmem:s29+$0x460] =	vst v1  }
0x106: {  	v1 =	vld [tilespmem:s31+$0x4460];
	[tilespmem:s29+$0x470] =	vst v0;
	s29 =	smov.u32 s31  }
0x107: {  	v0 =	vld [tilespmem:s29+$0x4470]  }
0x108: {  	v6 =	vld [tilespmem:s29+$0x400]  }
0x109: {  	v7 =	vld [tilespmem:s29+$0x410]  }
.Ltmp5:
0x10a: {  	v10 =	vld [tilespmem:s29+$0x420];
	(pc) =	sbr.rel @p0 .LBB2_11-.Ltmp5, $4  }
0x10b: {  	v9 =	vld [tilespmem:s29+$0x430]  }
0x10c: {  	v8 =	vld [tilespmem:s29+$0x440]  }
0x10d: {  	v12 =	vmul.f32 v12, v6;
	v6 =	vld [tilespmem:s29+$0x450]  }
0x10e: {  	s30 =	sadd.s32 $0x200, s30;
	v11 =	vmul.f32 v11, v7;
	v7 =	vld [tilespmem:s29+$0x460]  }
0x10f: {  	[tilespmem:s29+$0x400] =	vst v12;
	v5 =	vmul.f32 v5, v10;
	v10 =	vld [tilespmem:s29+$0x470]  }
0x110: {  	[tilespmem:s29+$0x410] =	vst v11;
	v4 =	vmul.f32 v4, v9  }
0x111: {  	[tilespmem:s29+$0x420] =	vst v5;
	v3 =	vmul.f32 v3, v8  }
0x112: {  	[tilespmem:s29+$0x430] =	vst v4;
	v2 =	vmul.f32 v2, v6  }
0x113: {  	[tilespmem:s29+$0x440] =	vst v3;
	v1 =	vmul.f32 v1, v7  }
0x114: {  	[tilespmem:s29+$0x450] =	vst v2;
	v0 =	vmul.f32 v0, v10  }
0x115: {  	[tilespmem:s29+$0x460] =	vst v1  }
0x116: {  	[tilespmem:s29+$0x470] =	vst v0;
	s29 =	simm.s32 $0x0  }
0x117: {  	[hbm4b:s13+s29] =	stream.linear.scatter [tilespmem:s24], [sflag:$0x2], $0x4000, $0x38;
	[tilespmem:$0x8400] =	vst v63  }
0x118: {  	_ =	swait.ge [sflag:s22], $0x4000  }
0x119: {  	[sflag:s22] =	ssyncset.done $0x0  }
0x11a: {  	s30 =	simm.s32 $0x280;
	[sflag:s22] =	ssyncadd.s32 $0xFFFFC000  }
0x11b: {  	[tilespmem:s24], [sflag:$0x1] =	stream.indirect.gather [hbm4b:s1+s23], $0x80, s30, s23, $0xb8;
	[tilespmem:$0x8400] =	vst v63  }
0x11c: {  	_ =	swait.ge [sflag:s25], $0x4000  }
0x11d: {  	[sflag:s25] =	ssyncset.done $0x0  }
0x11e: {  	[sflag:s25] =	ssyncadd.s32 $0xFFFFC000  }
0x11f: {  	[tilespmem:s26], [sflag:$0x2] =	stream.linear.gather [hbm4b:s14+s29], $0x4000, $0x38;
	[tilespmem:$0x8400] =	vst v63  }
0x120: {  	_ =	swait.ge [sflag:s22], $0x4000  }
0x121: {  	[sflag:s22] =	ssyncset.done $0x0  }
0x122: {  	s29 =	simm.s32 $0x0;
	[sflag:s22] =	ssyncadd.s32 $0xFFFFC000  }
0x123: {  	v7 =	vld [tilespmem:s29+$0x4400]  }
0x124: {  	v11 =	vld [tilespmem:s29+$0x4410]  }
0x125: {  	v5 =	vld [tilespmem:s29+$0x4420]  }
0x126: {  	v4 =	vld [tilespmem:s29+$0x4430]  }
0x127: {  	v3 =	vld [tilespmem:s29+$0x4440]  }
0x128: {  	v2 =	vld [tilespmem:s29+$0x4450]  }
0x129: {  	v1 =	vld [tilespmem:s29+$0x4460]  }
0x12a: {  	v0 =	vld [tilespmem:s29+$0x4470]  }
0x12b: {  	v12 =	vld [tilespmem:s29+$0x400]  }
0x12c: {  	v13 =	vld [tilespmem:s29+$0x410]  }
0x12d: {  	v10 =	vld [tilespmem:s29+$0x420]  }
0x12e: {  	v9 =	vld [tilespmem:s29+$0x430]  }
0x12f: {  	v8 =	vld [tilespmem:s29+$0x440]  }
0x130: {  	v6 =	vld [tilespmem:s29+$0x450];
	v12 =	vmul.f32 v7, v12  }
0x131: {  	s30 =	simm.s32 $0x200;
	v11 =	vmul.f32 v11, v13;
	v7 =	vld [tilespmem:s29+$0x460]  }
.LBB2_13:
0x132: {  	s31 =	sshra.s32 s30, $0x2;
	p0 =	sne.s32 s30, $0xFE00;
	[tilespmem:s29+$0x400] =	vst v12;
	v5 =	vmul.f32 v5, v10;
	v10 =	vld [tilespmem:s29+$0x470]  }
0x133: {  	v12 =	vld [tilespmem:s31+$0x4400];
	[tilespmem:s29+$0x410] =	vst v11;
	v4 =	vmul.f32 v4, v9  }
0x134: {  	v11 =	vld [tilespmem:s31+$0x4410];
	[tilespmem:s29+$0x420] =	vst v5;
	v3 =	vmul.f32 v3, v8  }
0x135: {  	v5 =	vld [tilespmem:s31+$0x4420];
	[tilespmem:s29+$0x430] =	vst v4;
	v2 =	vmul.f32 v2, v6  }
0x136: {  	v4 =	vld [tilespmem:s31+$0x4430];
	[tilespmem:s29+$0x440] =	vst v3;
	v1 =	vmul.f32 v1, v7  }
0x137: {  	v3 =	vld [tilespmem:s31+$0x4440];
	[tilespmem:s29+$0x450] =	vst v2;
	v0 =	vmul.f32 v0, v10  }
0x138: {  	v2 =	vld [tilespmem:s31+$0x4450];
	[tilespmem:s29+$0x460] =	vst v1  }
0x139: {  	v1 =	vld [tilespmem:s31+$0x4460];
	[tilespmem:s29+$0x470] =	vst v0;
	s29 =	smov.u32 s31  }
0x13a: {  	v0 =	vld [tilespmem:s29+$0x4470]  }
0x13b: {  	v6 =	vld [tilespmem:s29+$0x400]  }
0x13c: {  	v7 =	vld [tilespmem:s29+$0x410]  }
.Ltmp6:
0x13d: {  	v10 =	vld [tilespmem:s29+$0x420];
	(pc) =	sbr.rel @p0 .LBB2_13-.Ltmp6, $4  }
0x13e: {  	v9 =	vld [tilespmem:s29+$0x430]  }
0x13f: {  	v8 =	vld [tilespmem:s29+$0x440]  }
0x140: {  	v12 =	vmul.f32 v12, v6;
	v6 =	vld [tilespmem:s29+$0x450]  }
0x141: {  	s30 =	sadd.s32 $0x200, s30;
	v11 =	vmul.f32 v11, v7;
	v7 =	vld [tilespmem:s29+$0x460]  }
0x142: {  	[tilespmem:s29+$0x400] =	vst v12;
	v5 =	vmul.f32 v5, v10;
	v10 =	vld [tilespmem:s29+$0x470]  }
0x143: {  	[tilespmem:s29+$0x410] =	vst v11;
	v4 =	vmul.f32 v4, v9  }
0x144: {  	[tilespmem:s29+$0x420] =	vst v5;
	v3 =	vmul.f32 v3, v8  }
0x145: {  	[tilespmem:s29+$0x430] =	vst v4;
	v2 =	vmul.f32 v2, v6  }
0x146: {  	[tilespmem:s29+$0x440] =	vst v3;
	v1 =	vmul.f32 v1, v7  }
0x147: {  	[tilespmem:s29+$0x450] =	vst v2;
	v0 =	vmul.f32 v0, v10  }
0x148: {  	[tilespmem:s29+$0x460] =	vst v1  }
0x149: {  	[tilespmem:s29+$0x470] =	vst v0;
	s29 =	simm.s32 $0x0  }
0x14a: {  	[hbm4b:s15+s29] =	stream.linear.scatter [tilespmem:s24], [sflag:$0x2], $0x4000, $0x38;
	[tilespmem:$0x8400] =	vst v63  }
0x14b: {  	_ =	swait.ge [sflag:s22], $0x4000  }
0x14c: {  	[sflag:s22] =	ssyncset.done $0x0  }
0x14d: {  	[sflag:s22] =	ssyncadd.s32 $0xFFFFC000  }
0x14e: {  	[tilespmem:s24], [sflag:$0x1] =	stream.indirect.gather [hbm4b:s1+s23], $0x80, s0, s23, $0xb8;
	[tilespmem:$0x8400] =	vst v63  }
0x14f: {  	_ =	swait.ge [sflag:s25], $0x4000  }
0x150: {  	[sflag:s25] =	ssyncset.done $0x0  }
0x151: {  	[sflag:s25] =	ssyncadd.s32 $0xFFFFC000  }
0x152: {  	[tilespmem:s26], [sflag:$0x2] =	stream.linear.gather [hbm4b:s16+s29], $0x4000, $0x38;
	[tilespmem:$0x8400] =	vst v63  }
0x153: {  	_ =	swait.ge [sflag:s22], $0x4000  }
0x154: {  	[sflag:s22] =	ssyncset.done $0x0  }
0x155: {  	s29 =	simm.s32 $0x0;
	[sflag:s22] =	ssyncadd.s32 $0xFFFFC000  }
0x156: {  	v7 =	vld [tilespmem:s29+$0x4400]  }
0x157: {  	v11 =	vld [tilespmem:s29+$0x4410]  }
0x158: {  	v5 =	vld [tilespmem:s29+$0x4420]  }
0x159: {  	v4 =	vld [tilespmem:s29+$0x4430]  }
0x15a: {  	v3 =	vld [tilespmem:s29+$0x4440]  }
0x15b: {  	v2 =	vld [tilespmem:s29+$0x4450]  }
0x15c: {  	v1 =	vld [tilespmem:s29+$0x4460]  }
0x15d: {  	v0 =	vld [tilespmem:s29+$0x4470]  }
0x15e: {  	v12 =	vld [tilespmem:s29+$0x400]  }
0x15f: {  	v13 =	vld [tilespmem:s29+$0x410]  }
0x160: {  	v10 =	vld [tilespmem:s29+$0x420]  }
0x161: {  	v9 =	vld [tilespmem:s29+$0x430]  }
0x162: {  	v8 =	vld [tilespmem:s29+$0x440]  }
0x163: {  	v6 =	vld [tilespmem:s29+$0x450];
	v12 =	vmul.f32 v7, v12  }
0x164: {  	s30 =	simm.s32 $0x200;
	v11 =	vmul.f32 v11, v13;
	v7 =	vld [tilespmem:s29+$0x460]  }
.LBB2_15:
0x165: {  	s31 =	sshra.s32 s30, $0x2;
	p0 =	sne.s32 s30, $0xFE00;
	[tilespmem:s29+$0x400] =	vst v12;
	v5 =	vmul.f32 v5, v10;
	v10 =	vld [tilespmem:s29+$0x470]  }
0x166: {  	v12 =	vld [tilespmem:s31+$0x4400];
	[tilespmem:s29+$0x410] =	vst v11;
	v4 =	vmul.f32 v4, v9  }
0x167: {  	v11 =	vld [tilespmem:s31+$0x4410];
	[tilespmem:s29+$0x420] =	vst v5;
	v3 =	vmul.f32 v3, v8  }
0x168: {  	v5 =	vld [tilespmem:s31+$0x4420];
	[tilespmem:s29+$0x430] =	vst v4;
	v2 =	vmul.f32 v2, v6  }
0x169: {  	v4 =	vld [tilespmem:s31+$0x4430];
	[tilespmem:s29+$0x440] =	vst v3;
	v1 =	vmul.f32 v1, v7  }
0x16a: {  	v3 =	vld [tilespmem:s31+$0x4440];
	[tilespmem:s29+$0x450] =	vst v2;
	v0 =	vmul.f32 v0, v10  }
0x16b: {  	v2 =	vld [tilespmem:s31+$0x4450];
	[tilespmem:s29+$0x460] =	vst v1  }
0x16c: {  	v1 =	vld [tilespmem:s31+$0x4460];
	[tilespmem:s29+$0x470] =	vst v0;
	s29 =	smov.u32 s31  }
0x16d: {  	v0 =	vld [tilespmem:s29+$0x4470]  }
0x16e: {  	v6 =	vld [tilespmem:s29+$0x400]  }
0x16f: {  	v7 =	vld [tilespmem:s29+$0x410]  }
.Ltmp7:
0x170: {  	v10 =	vld [tilespmem:s29+$0x420];
	(pc) =	sbr.rel @p0 .LBB2_15-.Ltmp7, $4  }
0x171: {  	v9 =	vld [tilespmem:s29+$0x430]  }
0x172: {  	v8 =	vld [tilespmem:s29+$0x440]  }
0x173: {  	v12 =	vmul.f32 v12, v6;
	v6 =	vld [tilespmem:s29+$0x450]  }
0x174: {  	s30 =	sadd.s32 $0x200, s30;
	v11 =	vmul.f32 v11, v7;
	v7 =	vld [tilespmem:s29+$0x460]  }
0x175: {  	[tilespmem:s29+$0x400] =	vst v12;
	v5 =	vmul.f32 v5, v10;
	v10 =	vld [tilespmem:s29+$0x470]  }
0x176: {  	[tilespmem:s29+$0x410] =	vst v11;
	v4 =	vmul.f32 v4, v9  }
0x177: {  	[tilespmem:s29+$0x420] =	vst v5;
	v3 =	vmul.f32 v3, v8  }
0x178: {  	[tilespmem:s29+$0x430] =	vst v4;
	v2 =	vmul.f32 v2, v6  }
0x179: {  	[tilespmem:s29+$0x440] =	vst v3;
	v1 =	vmul.f32 v1, v7  }
0x17a: {  	[tilespmem:s29+$0x450] =	vst v2;
	v0 =	vmul.f32 v0, v10  }
0x17b: {  	[tilespmem:s29+$0x460] =	vst v1  }
0x17c: {  	[tilespmem:s29+$0x470] =	vst v0;
	s29 =	simm.s32 $0x0  }
0x17d: {  	[hbm4b:s17+s29] =	stream.linear.scatter [tilespmem:s24], [sflag:$0x2], $0x4000, $0x38;
	[tilespmem:$0x8400] =	vst v63  }
0x17e: {  	_ =	swait.ge [sflag:s22], $0x4000  }
0x17f: {  	[sflag:s22] =	ssyncset.done $0x0  }
0x180: {  	[sflag:s22] =	ssyncadd.s32 $0xFFFFC000  }
0x181: {  	[tilespmem:s24], [sflag:$0x1] =	stream.indirect.gather [hbm4b:s1+s23], $0x80, s2, s23, $0xb8;
	[tilespmem:$0x8400] =	vst v63  }
0x182: {  	_ =	swait.ge [sflag:s25], $0x4000  }
0x183: {  	[sflag:s25] =	ssyncset.done $0x0  }
0x184: {  	[sflag:s25] =	ssyncadd.s32 $0xFFFFC000  }
0x185: {  	[tilespmem:s26], [sflag:$0x2] =	stream.linear.gather [hbm4b:s18+s29], $0x4000, $0x38;
	[tilespmem:$0x8400] =	vst v63  }
0x186: {  	_ =	swait.ge [sflag:s22], $0x4000  }
0x187: {  	[sflag:s22] =	ssyncset.done $0x0  }
0x188: {  	s29 =	simm.s32 $0x0;
	[sflag:s22] =	ssyncadd.s32 $0xFFFFC000  }
0x189: {  	v7 =	vld [tilespmem:s29+$0x4400]  }
0x18a: {  	v11 =	vld [tilespmem:s29+$0x4410]  }
0x18b: {  	v5 =	vld [tilespmem:s29+$0x4420]  }
0x18c: {  	v4 =	vld [tilespmem:s29+$0x4430]  }
0x18d: {  	v3 =	vld [tilespmem:s29+$0x4440]  }
0x18e: {  	v2 =	vld [tilespmem:s29+$0x4450]  }
0x18f: {  	v1 =	vld [tilespmem:s29+$0x4460]  }
0x190: {  	v0 =	vld [tilespmem:s29+$0x4470]  }
0x191: {  	v12 =	vld [tilespmem:s29+$0x400]  }
0x192: {  	v13 =	vld [tilespmem:s29+$0x410]  }
0x193: {  	v10 =	vld [tilespmem:s29+$0x420]  }
0x194: {  	v9 =	vld [tilespmem:s29+$0x430]  }
0x195: {  	v8 =	vld [tilespmem:s29+$0x440]  }
0x196: {  	v6 =	vld [tilespmem:s29+$0x450];
	v12 =	vmul.f32 v7, v12  }
0x197: {  	s30 =	simm.s32 $0x200;
	v11 =	vmul.f32 v11, v13;
	v7 =	vld [tilespmem:s29+$0x460]  }
.LBB2_17:
0x198: {  	s31 =	sshra.s32 s30, $0x2;
	p0 =	sne.s32 s30, $0xFE00;
	[tilespmem:s29+$0x400] =	vst v12;
	v5 =	vmul.f32 v5, v10;
	v10 =	vld [tilespmem:s29+$0x470]  }
0x199: {  	v12 =	vld [tilespmem:s31+$0x4400];
	[tilespmem:s29+$0x410] =	vst v11;
	v4 =	vmul.f32 v4, v9  }
0x19a: {  	v11 =	vld [tilespmem:s31+$0x4410];
	[tilespmem:s29+$0x420] =	vst v5;
	v3 =	vmul.f32 v3, v8  }
0x19b: {  	v5 =	vld [tilespmem:s31+$0x4420];
	[tilespmem:s29+$0x430] =	vst v4;
	v2 =	vmul.f32 v2, v6  }
0x19c: {  	v4 =	vld [tilespmem:s31+$0x4430];
	[tilespmem:s29+$0x440] =	vst v3;
	v1 =	vmul.f32 v1, v7  }
0x19d: {  	v3 =	vld [tilespmem:s31+$0x4440];
	[tilespmem:s29+$0x450] =	vst v2;
	v0 =	vmul.f32 v0, v10  }
0x19e: {  	v2 =	vld [tilespmem:s31+$0x4450];
	[tilespmem:s29+$0x460] =	vst v1  }
0x19f: {  	v1 =	vld [tilespmem:s31+$0x4460];
	[tilespmem:s29+$0x470] =	vst v0;
	s29 =	smov.u32 s31  }
0x1a0: {  	v0 =	vld [tilespmem:s29+$0x4470]  }
0x1a1: {  	v6 =	vld [tilespmem:s29+$0x400]  }
0x1a2: {  	v7 =	vld [tilespmem:s29+$0x410]  }
.Ltmp8:
0x1a3: {  	v10 =	vld [tilespmem:s29+$0x420];
	(pc) =	sbr.rel @p0 .LBB2_17-.Ltmp8, $4  }
0x1a4: {  	v9 =	vld [tilespmem:s29+$0x430]  }
0x1a5: {  	v8 =	vld [tilespmem:s29+$0x440]  }
0x1a6: {  	v12 =	vmul.f32 v12, v6;
	v6 =	vld [tilespmem:s29+$0x450]  }
0x1a7: {  	s30 =	sadd.s32 $0x200, s30;
	v11 =	vmul.f32 v11, v7;
	v7 =	vld [tilespmem:s29+$0x460]  }
0x1a8: {  	[tilespmem:s29+$0x400] =	vst v12;
	v5 =	vmul.f32 v5, v10;
	v63 =	vld [tilespmem:s29+$0x470]  }
0x1a9: {  	[tilespmem:s29+$0x410] =	vst v11;
	v4 =	vmul.f32 v4, v9  }
0x1aa: {  	[tilespmem:s29+$0x420] =	vst v5;
	v3 =	vmul.f32 v3, v8  }
0x1ab: {  	[tilespmem:s29+$0x430] =	vst v4;
	v2 =	vmul.f32 v2, v6  }
0x1ac: {  	[tilespmem:s29+$0x440] =	vst v3;
	v1 =	vmul.f32 v1, v7  }
0x1ad: {  	s28 =	sadd.s32 $0x1, s28;
	[tilespmem:s29+$0x450] =	vst v2;
	v0 =	vmul.f32 v0, v63  }
0x1ae: {  	p0 =	sne.s32 s28, s21;
	[tilespmem:s29+$0x460] =	vst v1  }
.Ltmp9:
0x1af: {  	[tilespmem:s29+$0x470] =	vst v0;
	(pc) =	sbr.rel @p0 .LBB2_2-.Ltmp9, $4  }
0x1b0: {  	[hbm4b:s19+s3] =	stream.linear.scatter [tilespmem:s24], [sflag:$0x2], $0x4000, $0x38;
	[tilespmem:$0x8400] =	vst v63  }
0x1b1: {  	_ =	swait.ge [sflag:s22], $0x4000  }
0x1b2: {  	[sflag:s22] =	ssyncset.done $0x0  }
0x1b3: {  	[sflag:s22] =	ssyncadd.s32 $0xFFFFC000  }
.LBB2_19:
0x1b4: {  	_ =	sfence.sel $0x180000  }
0x1b5: {  	[bflag:$0x0] =	sbarrier.arrive $0xFFFF  }
0x1b6: {  	_ =	strace $0x9000004A  }
0x1b7: {  	s0 =	stileid.u32;
	[bflag:$0x2] =	sbarrier.arrive $0xFFFF  }
0x1b8: {  	p0 =	sne.s32 s0, $0x0;
	s0 =	rddreg [dreg:$0x3]  }
0x1b9: {  	s0 =	sadd.s32 @!p0 $0x100000, s0  }
0x1ba: {  	[sflag:s0] =	ssyncadd.tile.s32 @!p0 $0x1;
	_ =	shalt  }
.Lfunc_end2:
_tile_overlayer_lowered:
.L_overlay_start_2:
0x1bb: {  	(tag) =	ssettag $0x2  }
0x1bc: {  	s0 =	rddreg [dreg:$0x0];
	s2 =	stileid.u32  }
0x1bd: {  	s1 =	rddreg [dreg:$0x1];
	p0 =	sne.s32 s2, $0x0  }
0x1be: {  	s3 =	rddreg [dreg:$0x2];
	[bflag:$0x3] =	sbarrier.arrive $0xFFFF;
	s2 =	simm.s32 @!p0 $0x1C02  }
0x1bf: {  	[timem:s3], [sflag:s2] =	dma.local @!p0 [hbm:s0], s1  }
0x1c0: {  	s0 =	simm.s32 @!p0 $0x2  }
0x1c1: {  	_ =	swait.ge @!p0 [sflag:s0], s1  }
0x1c2: {  	s1 =	ssub.s32 @!p0 $0x0, s1;
	[sflag:s0] =	ssyncset.done @!p0 $0x0  }
0x1c3: {  	[sflag:s0] =	ssyncadd.s32 @!p0 s1  }
0x1c4: {  	[bflag:$0x3] =	sbarrier.arrive $0xFFFF  }
0x1c5: {  	_ =	shalt  }

// kernel: kernel.13.cloned.1.call-start
scs
__scs_entry_jumppad:
0x0: {  	(pc) =	sbr.rel $0x88, $3  }
0x1: {  	(tag) =	ssettag $0x0;
	lr =	simm.s32 $0x1  }
0x2: {  	[smem:$0x3F96] =	sst lr;
	_ =	strace $0xD0000000  }
0x3: {  	_ = 	snop  }
0x4: {  	_ = 	snop  }
0x5: {  	_ = 	snop  }
0x6: {  	_ = 	snop  }
0x7: {  	_ = 	snop  }
__scs_overlays_trampoline_lowered:
0x8: {  	[smem:$0x3FA5] =	sst s0  }
0x9: {  	[smem:$0x3FA6] =	sst s1  }
0xa: {  	[smem:$0x3FA7] =	sst s2  }
0xb: {  	[smem:$0x3FA8] =	sst s3  }
0xc: {  	[smem:$0x3FA9] =	sst s4  }
0xd: {  	[smem:$0x3FAA] =	sst s5  }
0xe: {  	[smem:$0x3FAB] =	sst s6  }
0xf: {  	[smem:$0x3FAC] =	sst s7  }
0x10: {  	[smem:$0x3FAD] =	sst s8  }
0x11: {  	[smem:$0x3FAE] =	sst s9;
	s0 =	simm.s32 @!p0 $0x0  }
0x12: {  	s1 =	sld [smem:$0x3F94];
	s0 =	simm.s32 @p0 $0x1  }
0x13: {  	[smem:$0x3FAF] =	sst s0;
	s0 =	simm.s32 @!p1 $0x0  }
0x14: {  	s2 =	sld [smem:$0x3F93];
	s0 =	simm.s32 @p1 $0x1  }
0x15: {  	[smem:$0x3FB0] =	sst s0;
	s0 =	simm.s32 @!p2 $0x0  }
0x16: {  	s3 =	sld [smem:$0x3FDB];
	s0 =	simm.s32 @p2 $0x1  }
0x17: {  	s4 =	simm.s32 $0x1BF5;
	[smem:$0x3FB2] =	sst s0  }
0x18: {  	s0 =	sld [smem:$0x3F95];
	_ =	swait.ge [sflag:s4], $0x0  }
0x19: {  	s7 =	sld [smem:$0x3F96]  }
0x1a: {  	s8 =	sadd.s32 $0xFFFFE003, lr  }
0x1b: {  	s9 =	sadd.s32 $0xFFFFFEF7, lr;
	s5 =	simm.s32 $0xFFFFFFFF;
	p2 =	slt.u32 s8, $0xFFFFF086  }
0x1c: {  	p1 =	slt.u32 s9, $0xF7A;
	s5 =	simm.s32 @!p2 $0x0  }
0x1d: {  	s5 =	simm.s32 @p1 $0x1;
	p0 =	seq.s32 s7, s2  }
0x1e: {  	s7 =	smul.u32 @!p0 $0xF7A, s2;
	p2 =	seq.s32 @!p0 s5, $0x0  }
0x1f: {  	s9 =	smul.u32 $0xF7A, s1;
	s8 =	simm.s32 @!p0 $0x1BF5;
	p2 =	por !p2, p0  }
0x20: {  	[sflag:s8] =	ssyncset.s32 @!p0 $0xFFFFF086;
	s6 =	sadd.s32 @!p0 s3, s7;
	s7 =	simm.s32 @!p0 $0x108  }
0x21: {  	s3 =	sadd.s32 s3, s9;
	s6 =	sadd.s32 @!p0 $0x88, s6;
	s7 =	simm.s32 @p2 $0x1082  }
0x22: {  	[simem:s7], [sflag:s8] =	dma.local @!p0 [hbm:s6], $0xF7A  }
0x23: {  	s9 =	sor.u32 $0xD0000000, s2;
	s6 =	simm.s32 $0x108;
	_ =	swait.ge @!p0 [sflag:s8], $0x0  }
0x24: {  	s3 =	sadd.s32 $0x88, s3;
	s6 =	simm.s32 @!p1 $0x1082;
	[sflag:s4] =	ssyncset.s32 $0xFFFFF086  }
0x25: {  	[simem:s6], [sflag:s4] =	dma.local [hbm:s3], $0xF7A  }
0x26: {  	[smem:$0x3F96] =	sst s1;
	(tag) =	ssettag s2;
	_ =	strace s9  }
0x27: {  	s1 =	sld [smem:$0x3FA6]  }
0x28: {  	s2 =	sld [smem:$0x3FA7]  }
0x29: {  	s4 =	sld [smem:$0x3FA9]  }
0x2a: {  	p0 =	seq.s32 s5, $0x0;
	s5 =	sld [smem:$0x3FAA]  }
0x2b: {  	s6 =	sld [smem:$0x3FAB]  }
0x2c: {  	s7 =	sld [smem:$0x3FAC]  }
0x2d: {  	s3 =	simm.s32 $0x108;
	s8 =	sld [smem:$0x3FAD]  }
0x2e: {  	s3 =	simm.s32 @!p0 $0x1082;
	s9 =	sld [smem:$0x3FAE]  }
0x2f: {  	lr =	sadd.s32 s0, s3;
	s0 =	sld [smem:$0x3FA5]  }
0x30: {  	s3 =	sld [smem:$0x3FA8]  }
0x31: {  	[smem:$0x3FB1] =	sst s10  }
0x32: {  	s10 =	sld [smem:$0x3FAF];
	_ =	sdelay $0x3  }
0x33: {  	p0 =	seq.s32 s10, $0x1;
	s10 =	sld [smem:$0x3FB1];
	_ =	sdelay $0x3  }
0x34: {  	[smem:$0x3FB1] =	sst s10  }
0x35: {  	s10 =	sld [smem:$0x3FB0];
	_ =	sdelay $0x3  }
0x36: {  	p1 =	seq.s32 s10, $0x1;
	s10 =	sld [smem:$0x3FB1];
	_ =	sdelay $0x3  }
0x37: {  	[smem:$0x3FB1] =	sst s10  }
0x38: {  	s10 =	sld [smem:$0x3FB2]  }
0x39: {  	_ = 	snop;
	(pc) =	sbr.ind lr, $3  }
0x3a: {  	_ = 	snop  }
0x3b: {  	_ = 	snop  }
0x3c: {  	p2 =	seq.s32 s10, $0x1;
	s10 =	sld [smem:$0x3FB1]  }
0x3d: {  	_ =	shalt  }
0x3e: {  	_ =	shalt  }
0x3f: {  	_ =	shalt  }
0x40: {  	_ =	shalt  }
0x41: {  	_ =	shalt  }
0x42: {  	_ =	shalt  }
0x43: {  	_ =	shalt  }
0x44: {  	_ =	shalt  }
0x45: {  	_ =	shalt  }
0x46: {  	_ =	shalt  }
0x47: {  	_ =	shalt  }
0x48: {  	_ =	shalt  }
0x49: {  	_ =	shalt  }
0x4a: {  	_ =	shalt  }
0x4b: {  	_ =	shalt  }
0x4c: {  	_ =	shalt  }
0x4d: {  	_ =	shalt  }
0x4e: {  	_ =	shalt  }
0x4f: {  	_ =	shalt  }
0x50: {  	_ =	shalt  }
0x51: {  	_ =	shalt  }
0x52: {  	_ =	shalt  }
0x53: {  	_ =	shalt  }
0x54: {  	_ =	shalt  }
0x55: {  	_ =	shalt  }
0x56: {  	_ =	shalt  }
0x57: {  	_ =	shalt  }
0x58: {  	_ =	shalt  }
0x59: {  	_ =	shalt  }
0x5a: {  	_ =	shalt  }
0x5b: {  	_ =	shalt  }
0x5c: {  	_ =	shalt  }
0x5d: {  	_ =	shalt  }
0x5e: {  	_ =	shalt  }
0x5f: {  	_ =	shalt  }
0x60: {  	_ =	shalt  }
0x61: {  	_ =	shalt  }
0x62: {  	_ =	shalt  }
0x63: {  	_ =	shalt  }
0x64: {  	_ =	shalt  }
0x65: {  	_ =	shalt  }
0x66: {  	_ =	shalt  }
0x67: {  	_ =	shalt  }
0x68: {  	_ =	shalt  }
0x69: {  	_ =	shalt  }
0x6a: {  	_ =	shalt  }
0x6b: {  	_ =	shalt  }
0x6c: {  	_ =	shalt  }
0x6d: {  	_ =	shalt  }
0x6e: {  	_ =	shalt  }
0x6f: {  	_ =	shalt  }
0x70: {  	_ =	shalt  }
0x71: {  	_ =	shalt  }
0x72: {  	_ =	shalt  }
0x73: {  	_ =	shalt  }
0x74: {  	_ =	shalt  }
0x75: {  	_ =	shalt  }
0x76: {  	_ =	shalt  }
0x77: {  	_ =	shalt  }
0x78: {  	_ =	shalt  }
0x79: {  	_ =	shalt  }
0x7a: {  	_ =	shalt  }
0x7b: {  	_ =	shalt  }
0x7c: {  	_ =	shalt  }
0x7d: {  	_ =	shalt  }
0x7e: {  	_ =	shalt  }
0x7f: {  	_ =	shalt  }
0x80: {  	_ =	shalt  }
0x81: {  	_ =	shalt  }
0x82: {  	_ =	shalt  }
0x83: {  	_ =	shalt  }
0x84: {  	_ =	shalt  }
0x85: {  	_ =	shalt  }
0x86: {  	_ =	shalt  }
0x87: {  	_ =	shalt  }
.Lfunc_end0:
.L_simem_size_0:
called_computation.2_lowered:
.L_overlay_start_0:
0x88: {  	s2 =	sld [smem:$0x3FD9]  }
0x89: {  	s3 =	sld [smem:$0x3FFE];
	_ =	sdelay $0x1  }
0x8a: {  	s1 =	srdreg.scid  }
0x8b: {  	s0 =	sand.u32 $0x1, s1  }
0x8c: {  	s14 =	sshll.u32 s0, $0xA;
	s2 =	sadd.s32 s3, s2  }
0x8d: {  	s2 =	sadd.s32 s2, s14  }
0x8e: {  	[smem:$0x3FBD] =	sst s2  }
0x8f: {  	_ = 	snop  }
0x90: {  	s2 =	sld [smem:$0x3FD0];
	_ =	sdelay $0x2  }
0x91: {  	s15 =	simm.s32 $0xA;
	s4 =	simm.s32 $0x10  }
0x92: {  	[smem:s4], [sflag:s15] =	dma.local [hbm:s2], $0x1  }
0x93: {  	_ =	swait.eq [sflag:s15], $0x1  }
0x94: {  	[sflag:s15] =	ssyncset.done $0x0  }
0x95: {  	[sflag:s15] =	ssyncadd.s32 $0xFFFFFFFF  }
0x96: {  	s16 =	sld [smem:$0x11];
	(tm) =	ssettm $0x1  }
0x97: {  	s17 =	sld [smem:$0x3FFB];
	_ =	sdelay $0x3  }
0x98: {  	_ =	strace s17  }
0x99: {  	s3 =	sld [smem:$0x3FFC];
	_ =	sdelay $0x3  }
0x9a: {  	_ =	strace s3  }
0x9b: {  	s3 =	sld [smem:$0x3FFD];
	_ =	sdelay $0x3  }
0x9c: {  	_ =	strace s3  }
0x9d: {  	_ =	strace $0x8FFFFFFF  }
0x9e: {  	s18 =	sld [smem:$0x3FDB];
	_ =	sdelay $0x1  }
0x9f: {  	s19 =	simm.s32 $_scs_section_size  }
0xa0: {  	s5 =	simm.s32 $_size__tile_overlayer_lowered;
	s6 =	simm.s32 $_tile_overlayer_lowered  }
0xa1: {  	s22 =	simm.s32 $0x1BFF;
	s21 =	sshll.u32 s6, $0x1;
	s3 =	sadd.s32 s19, s18  }
0xa2: {  	s7 =	simm.s32 $0x0;
	s20 =	sshll.u32 s5, $0x1;
	s5 =	sadd.s32 s21, s3  }
0xa3: {  	[timem:s7], [sflag:s22] =	dma.local [hbm:s5], s20  }
0xa4: {  	_ =	swait.ge [sflag:s22], s20  }
0xa5: {  	s4 =	ssub.s32 $0x0, s20;
	[sflag:s22] =	ssyncset.done $0x0  }
0xa6: {  	[sflag:s22] =	ssyncadd.s32 s4;
	_ =	sdelay $0x1  }
0xa7: {  	s23 =	simm.s32 $0x1B8B  }
0xa8: {  	_ =	swait.ge [sflag:s23], $0x1  }
0xa9: {  	[sflag:s23] =	ssyncset.done $0x0  }
0xaa: {  	s25 =	simm.s32 $0x1B8E;
	s24 =	sld [smem:$0x3FFE];
	[sflag:s23] =	ssyncadd.s32 $0xFFFFFFFF  }
0xab: {  	s26 =	simm.s32 $execute0_lowered;
	[smem:$0x3FD2] =	sst s25  }
0xac: {  	s5 =	sshll.u32 s26, $0x1;
	_ =	strace $0x8000004C;
	[dreg:$0x1] =	wrdreg $0xFFFFFFFF  }
0xad: {  	s28 =	simm.s32 $_size_execute0_lowered;
	s3 =	sadd.s32 s3, s5;
	[dreg:$0x0] =	wrdreg $0x0  }
0xae: {  	s5 =	sshll.u32 s28, $0x1;
	[dreg:$0x2] =	wrdreg s3  }
0xaf: {  	[dreg:$0x3] =	wrdreg s5  }
0xb0: {  	[dreg:$0x4] =	wrdreg $0xC0  }
0xb1: {  	_ =	task [dreg:s7], $0x5FFFF  }
0xb2: {  	[dreg:$0x1] =	wrdreg $0xFFFFFFFF  }
0xb3: {  	[dreg:$0x0] =	wrdreg $0x60  }
0xb4: {  	[dreg:$0x2] =	wrdreg s24  }
0xb5: {  	[dreg:$0x3] =	wrdreg s16  }
0xb6: {  	[dreg:$0x4] =	wrdreg $0x0  }
0xb7: {  	[dreg:$0x5] =	wrdreg $0x9  }
0xb8: {  	_ =	task.clear_ibuf [dreg:s7], $0x6FFFF;
	_ =	strace $0x9000004C  }
0xb9: {  	s29 =	simm.s32 $0x9;
	_ =	strace $0x8000004E  }
0xba: {  	_ =	swait.ge [sflag:s29], $0x1  }
0xbb: {  	[sflag:s29] =	ssyncadd.s32 $0xFFFFFFFF  }
0xbc: {  	_ =	strace $0x9000004E  }
0xbd: {  	_ =	sfence  }
0xbe: {  	s30 =	sld [smem:$0x0];
	_ =	sdelay $0x2  }
0xbf: {  	s31 =	sshll.u32 s1, $0xD;
	s1 =	sshrl.u32 s1, $0x2  }
0xc0: {  	s3 =	sand.u32 $0x4000, s31;
	s1 =	sadd.s32 s1, s30  }
0xc1: {  	s0 =	sor.u32 s3, s0;
	s1 =	sshll.u32 s1, $0x11  }
0xc2: {  	s0 =	sor.u32 s1, s0  }
0xc3: {  	s0 =	sadd.s32 $0x8F2B, s0  }
0xc4: {  	[sflag:s0] =	ssyncadd.remote.s32 $0x1  }
0xc5: {  	_ =	sfence.sel $0xFFFF  }
0xc6: {  	[dreg:$0x0] =	wrdreg $0xFFFFFFFF;
	(pc) =	sbr.abs _section_cstart, $3  }
0xc7: {  	[dreg:$0x1] =	wrdreg $0xFFFFFFFF  }
0xc8: {  	_ =	task.clear_ibuf [dreg:s7], $0x2FFFF;
	_ =	strace $0x9FFFFFFF  }
0xc9: {  	(tm) =	ssettm $0x7FFFFFFF  }
tec
execute0_lowered:
.L_overlay_start_1:
0x0: {  	(tag) =	ssettag $0x1  }
0x1: {  	s0 =	rddreg [dreg:$0x0]  }
0x2: {  	s1 =	srdreg.scid;
	s9 =	stileid.u32  }
0x3: {  	s6 =	rddreg [dreg:$0x1];
	s3 =	smul.u32 $0x48, s9  }
0x4: {  	s2 =	rddreg [dreg:$0x2];
	s28 =	simm.s32 $0x14180;
	s5 =	smul.u32 $0x50, s9  }
0x5: {  	s29 =	simm.s32 $0x14580;
	s1 =	sand.u32 $0x1, s1;
	s15 =	smul.u32 $0x14000, s9  }
0x6: {  	p0 =	slt.u32 s9, $0xC;
	p2 =	seq.s32 s9, $0xF;
	s9 =	smul.u32 $0x50000, s9  }
0x7: {  	s30 =	simm.s32 $0x14200;
	s31 =	simm.s32 $0x14600;
	s4 =	smul.u32 $0x4E0, s1  }
0x8: {  	s23 =	sadd.s32 $0x9C00, s6;
	p1 =	seq.s32 s1, $0x1;
	s14 =	smul.u32 $0x140000, s1  }
0x9: {  	s1 =	ssub.s32 $0x2, s1;
	s7 =	sadd.s32 $0x60, s3;
	p1 =	por !p2, !p1  }
0xa: {  	s3 =	simm.s32 $0x0;
	s16 =	sshrl.u32 s9, $0x2;
	s11 =	sshrl.u32 s1, $0x1  }
0xb: {  	s9 =	simm.s32 $0xA;
	s7 =	smov.u32 @p0 s5;
	[smem:$0x7FF] =	sst s3  }
0xc: {  	s5 =	sadd.s32 s15, s14;
	s1 =	ssub.s32 s1, s11;
	s9 =	simm.s32 @!p0 $0x9  }
0xd: {  	p0 =	por !p1, !p1;
	s11 =	simm.s32 $0x0;
	s4 =	sadd.s32 s4, s7  }
0xe: {  	_ =	strace $0x8000004D;
	s17 =	sshrl.u32 s5, $0x3;
	[dreg:$0x7] =	wrdreg s9  }
0xf: {  	s5 =	sadd.s32 s16, s2;
	[dreg:$0x9] =	wrdreg s23;
	s25 =	smax.u32 s1, $0x1  }
0x10: {  	s23 =	simm.s32 $0x14080;
	s1 =	simm.s32 $0x14280;
	s7 =	simm.s32 $0x14700  }
0x11: {  	s8 =	sshll.u32 s4, $0x4;
	s19 =	sadd.s32 $0x4000, s5;
	[dreg:$0xc] =	wrdreg s25  }
0x12: {  	s4 =	sadd.s32 $0x35000, s0;
	s20 =	sadd.s32 $0x8000, s5;
	[dreg:$0x4] =	wrdreg s19  }
0x13: {  	s18 =	sadd.s32 s17, s0;
	s21 =	sadd.s32 $0xC000, s5;
	[dreg:$0x5] =	wrdreg s20  }
0x14: {  	s22 =	sadd.s32 $0x10000, s5;
	s17 =	simm.s32 $0x14800;
	[dreg:$0x6] =	wrdreg s21  }
0x15: {  	s25 =	simm.s32 $0x14100;
	s10 =	sadd.s32 s8, s0;
	[dreg:$0x8] =	wrdreg s22  }
0x16: {  	s0 =	sadd.s32 $0xCE00, s0;
	s24 =	sadd.s32 $0x5D000, s18;
	s14 =	sadd.s32 s8, s6  }
0x17: {  	s18 =	simm.s32 $0x2;
	s19 =	simm.s32 $0x14000;
	s20 =	simm.s32 $0x14400  }
0x18: {  	s21 =	simm.s32 $0x80;
	s22 =	simm.s32 $0x1;
	[dreg:$0xa] =	wrdreg s0  }
0x19: {  	s6 =	simm.s32 $0x14300;
	s8 =	simm.s32 $0x14380;
	[dreg:$0xb] =	wrdreg s24  }
0x1a: {  	s26 =	sadd.s32 $0x3200, s10;
	s24 =	simm.s32 $0x14480;
	s0 =	simm.s32 $0x14680  }
0x1b: {  	v0 =	vimm.f32 $0.0e+00;
	s10 =	simm.s32 $0x14780;
	[dreg:$0xd] =	wrdreg s26;
	s26 =	simm.s32 $0x14500  }
.LBB2_1:
0x1c: {  	s12 =	simm.s32 $0x0;
	s15 =	simm.s32 $0x200  }
.LBB2_2:
0x1d: {  	p1 =	sne.s32 s15, $0xFE00;
	[tilespmem:s12+$0x14870] =	vst v0  }
0x1e: {  	[tilespmem:s12+$0x14800] =	vst v0  }
0x1f: {  	[tilespmem:s12+$0x14810] =	vst v0  }
.Ltmp0:
0x20: {  	[tilespmem:s12+$0x14820] =	vst v0;
	(pc) =	sbr.rel @p1 .LBB2_2-.Ltmp0, $4  }
0x21: {  	[tilespmem:s12+$0x14830] =	vst v0  }
0x22: {  	[tilespmem:s12+$0x14840] =	vst v0  }
0x23: {  	[tilespmem:s12+$0x14850] =	vst v0  }
0x24: {  	[tilespmem:s12+$0x14860] =	vst v0;
	s12 =	sshra.s32 s15, $0x2;
	s15 =	sadd.s32 $0x200, s15  }
0x25: {  	[tilespmem:s12+$0x14870] =	vst v0  }
0x26: {  	[tilespmem:s12+$0x14800] =	vst v0  }
0x27: {  	[tilespmem:s12+$0x14810] =	vst v0  }
0x28: {  	[tilespmem:s12+$0x14820] =	vst v0  }
0x29: {  	[tilespmem:s12+$0x14830] =	vst v0  }
0x2a: {  	[tilespmem:s12+$0x14840] =	vst v0  }
0x2b: {  	[tilespmem:s12+$0x14850] =	vst v0  }
0x2c: {  	[tilespmem:s12+$0x14860] =	vst v0  }
0x2d: {  	[spmem:s5] =	stream.linear.scatter [tilespmem:s17], [sflag:$0x2], $0x4000, $0x38;
	[tilespmem:$0x18800] =	vst v63  }
0x2e: {  	_ =	swait.ge [sflag:s18], $0x4000  }
0x2f: {  	[sflag:s18] =	ssyncset.done $0x0  }
0x30: {  	s9 =	rddreg [dreg:$0x4];
	[sflag:s18] =	ssyncadd.s32 $0xFFFFC000  }
0x31: {  	[spmem:s9] =	stream.linear.scatter [tilespmem:s17], [sflag:$0x2], $0x4000, $0x38;
	[tilespmem:$0x18800] =	vst v63  }
0x32: {  	_ =	swait.ge [sflag:s18], $0x4000  }
0x33: {  	[sflag:s18] =	ssyncset.done $0x0  }
0x34: {  	s12 =	rddreg [dreg:$0x5];
	[sflag:s18] =	ssyncadd.s32 $0xFFFFC000  }
0x35: {  	[spmem:s12] =	stream.linear.scatter [tilespmem:s17], [sflag:$0x2], $0x4000, $0x38;
	[tilespmem:$0x18800] =	vst v63  }
0x36: {  	_ =	swait.ge [sflag:s18], $0x4000  }
0x37: {  	[sflag:s18] =	ssyncset.done $0x0  }
0x38: {  	s13 =	rddreg [dreg:$0x6];
	[sflag:s18] =	ssyncadd.s32 $0xFFFFC000  }
0x39: {  	[spmem:s13] =	stream.linear.scatter [tilespmem:s17], [sflag:$0x2], $0x4000, $0x38;
	[tilespmem:$0x18800] =	vst v63  }
0x3a: {  	_ =	swait.ge [sflag:s18], $0x4000  }
0x3b: {  	[sflag:s18] =	ssyncset.done $0x0  }
0x3c: {  	s15 =	rddreg [dreg:$0x8];
	[sflag:s18] =	ssyncadd.s32 $0xFFFFC000  }
0x3d: {  	[spmem:s15] =	stream.linear.scatter [tilespmem:s17], [sflag:$0x2], $0x4000, $0x38;
	[tilespmem:$0x18800] =	vst v63  }
0x3e: {  	_ =	swait.ge [sflag:s18], $0x4000  }
0x3f: {  	[sflag:s18] =	ssyncset.done $0x0  }
0x40: {  	[sflag:s18] =	ssyncadd.s32 $0xFFFFC000  }
0x41: {  	[bflag:$0x0] =	sbarrier.arrive $0xFFFF  }
0x42: {  	[tilespmem:s19], [sflag:$0x2] =	stream.linear.gather [hbm4b:s14+s3], $0x400, $0x38;
	[tilespmem:$0x18800] =	vst v63  }
0x43: {  	_ =	swait.ge [sflag:s18], $0x400  }
0x44: {  	[sflag:s18] =	ssyncset.done $0x0  }
0x45: {  	s15 =	rddreg [dreg:$0xd];
	[sflag:s18] =	ssyncadd.s32 $0xFFFFFC00  }
0x46: {  	[tilespmem:s20], [sflag:$0x2] =	stream.linear.gather [hbm4b:s15+s3], $0x400, $0x38;
	[tilespmem:$0x18800] =	vst v63  }
0x47: {  	_ =	swait.ge [sflag:s18], $0x400  }
0x48: {  	[sflag:s18] =	ssyncset.done $0x0  }
0x49: {  	[sflag:s18] =	ssyncadd.s32 $0xFFFFFC00  }
0x4a: {  	[tilespmem:s17], [sflag:$0x1] =	stream.indirect.gather [hbm4b:s4+s21], $0x80, s19, s21, $0xb8;
	[tilespmem:$0x18800] =	vst v63  }
0x4b: {  	_ =	swait.ge [sflag:s22], $0x4000  }
0x4c: {  	[sflag:s22] =	ssyncset.done $0x0  }
0x4d: {  	[sflag:s22] =	ssyncadd.s32 $0xFFFFC000  }
0x4e: {  	[spmem:s2] =	stream.indirect.scatter.add.f32 [tilespmem:s17], [sflag:$0x2], $0x80, s20, s21, $0xb8;
	[tilespmem:$0x18800] =	vst v63  }
0x4f: {  	_ =	swait.ge [sflag:s18], $0x4000  }
0x50: {  	[sflag:s18] =	ssyncset.done $0x0  }
0x51: {  	[sflag:s18] =	ssyncadd.s32 $0xFFFFC000  }
0x52: {  	[tilespmem:s17], [sflag:$0x1] =	stream.indirect.gather [hbm4b:s4+s21], $0x80, s23, s21, $0xb8;
	[tilespmem:$0x18800] =	vst v63  }
0x53: {  	_ =	swait.ge [sflag:s22], $0x4000  }
0x54: {  	[sflag:s22] =	ssyncset.done $0x0  }
0x55: {  	[sflag:s22] =	ssyncadd.s32 $0xFFFFC000  }
0x56: {  	[spmem:s2] =	stream.indirect.scatter.add.f32 [tilespmem:s17], [sflag:$0x2], $0x80, s24, s21, $0xb8;
	[tilespmem:$0x18800] =	vst v63  }
0x57: {  	_ =	swait.ge [sflag:s18], $0x4000  }
0x58: {  	[sflag:s18] =	ssyncset.done $0x0  }
0x59: {  	[sflag:s18] =	ssyncadd.s32 $0xFFFFC000  }
0x5a: {  	[tilespmem:s17], [sflag:$0x1] =	stream.indirect.gather [hbm4b:s4+s21], $0x80, s25, s21, $0xb8;
	[tilespmem:$0x18800] =	vst v63  }
0x5b: {  	_ =	swait.ge [sflag:s22], $0x4000  }
0x5c: {  	[sflag:s22] =	ssyncset.done $0x0  }
0x5d: {  	[sflag:s22] =	ssyncadd.s32 $0xFFFFC000  }
0x5e: {  	[spmem:s2] =	stream.indirect.scatter.add.f32 [tilespmem:s17], [sflag:$0x2], $0x80, s26, s21, $0xb8;
	[tilespmem:$0x18800] =	vst v63  }
0x5f: {  	_ =	swait.ge [sflag:s18], $0x4000  }
0x60: {  	[sflag:s18] =	ssyncset.done $0x0  }
0x61: {  	[sflag:s18] =	ssyncadd.s32 $0xFFFFC000  }
0x62: {  	[tilespmem:s17], [sflag:$0x1] =	stream.indirect.gather [hbm4b:s4+s21], $0x80, s28, s21, $0xb8;
	[tilespmem:$0x18800] =	vst v63  }
0x63: {  	_ =	swait.ge [sflag:s22], $0x4000  }
0x64: {  	[sflag:s22] =	ssyncset.done $0x0  }
0x65: {  	[sflag:s22] =	ssyncadd.s32 $0xFFFFC000  }
0x66: {  	[spmem:s2] =	stream.indirect.scatter.add.f32 [tilespmem:s17], [sflag:$0x2], $0x80, s29, s21, $0xb8;
	[tilespmem:$0x18800] =	vst v63  }
0x67: {  	_ =	swait.ge [sflag:s18], $0x4000  }
0x68: {  	[sflag:s18] =	ssyncset.done $0x0  }
0x69: {  	[sflag:s18] =	ssyncadd.s32 $0xFFFFC000  }
0x6a: {  	[tilespmem:s17], [sflag:$0x1] =	stream.indirect.gather [hbm4b:s4+s21], $0x80, s30, s21, $0xb8;
	[tilespmem:$0x18800] =	vst v63  }
0x6b: {  	_ =	swait.ge [sflag:s22], $0x4000  }
0x6c: {  	[sflag:s22] =	ssyncset.done $0x0  }
0x6d: {  	[sflag:s22] =	ssyncadd.s32 $0xFFFFC000  }
0x6e: {  	[spmem:s2] =	stream.indirect.scatter.add.f32 [tilespmem:s17], [sflag:$0x2], $0x80, s31, s21, $0xb8;
	[tilespmem:$0x18800] =	vst v63  }
0x6f: {  	_ =	swait.ge [sflag:s18], $0x4000  }
0x70: {  	[sflag:s18] =	ssyncset.done $0x0  }
0x71: {  	[sflag:s18] =	ssyncadd.s32 $0xFFFFC000  }
0x72: {  	[tilespmem:s17], [sflag:$0x1] =	stream.indirect.gather [hbm4b:s4+s21], $0x80, s1, s21, $0xb8;
	[tilespmem:$0x18800] =	vst v63  }
0x73: {  	_ =	swait.ge [sflag:s22], $0x4000  }
0x74: {  	[sflag:s22] =	ssyncset.done $0x0  }
0x75: {  	[sflag:s22] =	ssyncadd.s32 $0xFFFFC000  }
0x76: {  	[spmem:s2] =	stream.indirect.scatter.add.f32 [tilespmem:s17], [sflag:$0x2], $0x80, s0, s21, $0xb8;
	[tilespmem:$0x18800] =	vst v63  }
0x77: {  	_ =	swait.ge [sflag:s18], $0x4000  }
0x78: {  	[sflag:s18] =	ssyncset.done $0x0  }
0x79: {  	[sflag:s18] =	ssyncadd.s32 $0xFFFFC000  }
0x7a: {  	[tilespmem:s17], [sflag:$0x1] =	stream.indirect.gather [hbm4b:s4+s21], $0x80, s6, s21, $0xb8;
	[tilespmem:$0x18800] =	vst v63  }
0x7b: {  	_ =	swait.ge [sflag:s22], $0x4000  }
0x7c: {  	[sflag:s22] =	ssyncset.done $0x0  }
0x7d: {  	[sflag:s22] =	ssyncadd.s32 $0xFFFFC000  }
0x7e: {  	[spmem:s2] =	stream.indirect.scatter.add.f32 [tilespmem:s17], [sflag:$0x2], $0x80, s7, s21, $0xb8;
	[tilespmem:$0x18800] =	vst v63  }
0x7f: {  	_ =	swait.ge [sflag:s18], $0x4000  }
0x80: {  	[sflag:s18] =	ssyncset.done $0x0  }
0x81: {  	[sflag:s18] =	ssyncadd.s32 $0xFFFFC000  }
0x82: {  	[tilespmem:s17], [sflag:$0x1] =	stream.indirect.gather [hbm4b:s4+s21], $0x80, s8, s21, $0xb8;
	[tilespmem:$0x18800] =	vst v63  }
0x83: {  	_ =	swait.ge [sflag:s22], $0x4000  }
0x84: {  	s16 =	rddreg [dreg:$0x7]  }
0x85: {  	p1 =	sne.s32 s16, $0x1  }
.Ltmp1:
0x86: {  	[sflag:s22] =	ssyncset.done $0x0;
	(pc) =	sbr.rel @!p1 .LBB2_5-.Ltmp1, $4  }
0x87: {  	[sflag:s22] =	ssyncadd.s32 $0xFFFFC000  }
0x88: {  	[spmem:s2] =	stream.indirect.scatter.add.f32 [tilespmem:s17], [sflag:$0x2], $0x80, s10, s21, $0xb8;
	[tilespmem:$0x18800] =	vst v63  }
0x89: {  	_ =	swait.ge [sflag:s18], $0x4000  }
0x8a: {  	s12 =	sadd.s32 $0xFFFFFFFF, s16;
	s16 =	smov.u32 s14;
	[sflag:s18] =	ssyncset.done $0x0  }
.LBB2_4:
0x8b: {  	[sflag:s18] =	ssyncadd.s32 $0xFFFFC000;
	s15 =	sadd.s32 $0x80, s15;
	s16 =	sadd.s32 $0x80, s16  }
0x8c: {  	[tilespmem:s19], [sflag:$0x2] =	stream.linear.gather [hbm4b:s16+s3], $0x400, $0x38;
	[tilespmem:$0x18800] =	vst v63  }
0x8d: {  	p1 =	sne.s32 s12, $0x1;
	s12 =	sadd.s32 $0xFFFFFFFF, s12;
	_ =	swait.ge [sflag:s18], $0x400  }
0x8e: {  	[sflag:s18] =	ssyncset.done $0x0  }
0x8f: {  	[sflag:s18] =	ssyncadd.s32 $0xFFFFFC00  }
0x90: {  	[tilespmem:s20], [sflag:$0x2] =	stream.linear.gather [hbm4b:s15+s3], $0x400, $0x38;
	[tilespmem:$0x18800] =	vst v63  }
0x91: {  	_ =	swait.ge [sflag:s18], $0x400  }
0x92: {  	[sflag:s18] =	ssyncset.done $0x0  }
0x93: {  	[sflag:s18] =	ssyncadd.s32 $0xFFFFFC00  }
0x94: {  	[tilespmem:s17], [sflag:$0x1] =	stream.indirect.gather [hbm4b:s4+s21], $0x80, s19, s21, $0xb8;
	[tilespmem:$0x18800] =	vst v63  }
0x95: {  	_ =	swait.ge [sflag:s22], $0x4000  }
0x96: {  	[sflag:s22] =	ssyncset.done $0x0  }
0x97: {  	[sflag:s22] =	ssyncadd.s32 $0xFFFFC000  }
0x98: {  	[spmem:s2] =	stream.indirect.scatter.add.f32 [tilespmem:s17], [sflag:$0x2], $0x80, s20, s21, $0xb8;
	[tilespmem:$0x18800] =	vst v63  }
0x99: {  	_ =	swait.ge [sflag:s18], $0x4000  }
0x9a: {  	[sflag:s18] =	ssyncset.done $0x0  }
0x9b: {  	[sflag:s18] =	ssyncadd.s32 $0xFFFFC000  }
0x9c: {  	[tilespmem:s17], [sflag:$0x1] =	stream.indirect.gather [hbm4b:s4+s21], $0x80, s23, s21, $0xb8;
	[tilespmem:$0x18800] =	vst v63  }
0x9d: {  	_ =	swait.ge [sflag:s22], $0x4000  }
0x9e: {  	[sflag:s22] =	ssyncset.done $0x0  }
0x9f: {  	[sflag:s22] =	ssyncadd.s32 $0xFFFFC000  }
0xa0: {  	[spmem:s2] =	stream.indirect.scatter.add.f32 [tilespmem:s17], [sflag:$0x2], $0x80, s24, s21, $0xb8;
	[tilespmem:$0x18800] =	vst v63  }
0xa1: {  	_ =	swait.ge [sflag:s18], $0x4000  }
0xa2: {  	[sflag:s18] =	ssyncset.done $0x0  }
0xa3: {  	[sflag:s18] =	ssyncadd.s32 $0xFFFFC000  }
0xa4: {  	[tilespmem:s17], [sflag:$0x1] =	stream.indirect.gather [hbm4b:s4+s21], $0x80, s25, s21, $0xb8;
	[tilespmem:$0x18800] =	vst v63  }
0xa5: {  	_ =	swait.ge [sflag:s22], $0x4000  }
0xa6: {  	[sflag:s22] =	ssyncset.done $0x0  }
0xa7: {  	[sflag:s22] =	ssyncadd.s32 $0xFFFFC000  }
0xa8: {  	[spmem:s2] =	stream.indirect.scatter.add.f32 [tilespmem:s17], [sflag:$0x2], $0x80, s26, s21, $0xb8;
	[tilespmem:$0x18800] =	vst v63  }
0xa9: {  	_ =	swait.ge [sflag:s18], $0x4000  }
0xaa: {  	[sflag:s18] =	ssyncset.done $0x0  }
0xab: {  	[sflag:s18] =	ssyncadd.s32 $0xFFFFC000  }
0xac: {  	[tilespmem:s17], [sflag:$0x1] =	stream.indirect.gather [hbm4b:s4+s21], $0x80, s28, s21, $0xb8;
	[tilespmem:$0x18800] =	vst v63  }
0xad: {  	_ =	swait.ge [sflag:s22], $0x4000  }
0xae: {  	[sflag:s22] =	ssyncset.done $0x0  }
0xaf: {  	[sflag:s22] =	ssyncadd.s32 $0xFFFFC000  }
0xb0: {  	[spmem:s2] =	stream.indirect.scatter.add.f32 [tilespmem:s17], [sflag:$0x2], $0x80, s29, s21, $0xb8;
	[tilespmem:$0x18800] =	vst v63  }
0xb1: {  	_ =	swait.ge [sflag:s18], $0x4000  }
0xb2: {  	[sflag:s18] =	ssyncset.done $0x0  }
0xb3: {  	[sflag:s18] =	ssyncadd.s32 $0xFFFFC000  }
0xb4: {  	[tilespmem:s17], [sflag:$0x1] =	stream.indirect.gather [hbm4b:s4+s21], $0x80, s30, s21, $0xb8;
	[tilespmem:$0x18800] =	vst v63  }
0xb5: {  	_ =	swait.ge [sflag:s22], $0x4000  }
0xb6: {  	[sflag:s22] =	ssyncset.done $0x0  }
0xb7: {  	[sflag:s22] =	ssyncadd.s32 $0xFFFFC000  }
0xb8: {  	[spmem:s2] =	stream.indirect.scatter.add.f32 [tilespmem:s17], [sflag:$0x2], $0x80, s31, s21, $0xb8;
	[tilespmem:$0x18800] =	vst v63  }
0xb9: {  	_ =	swait.ge [sflag:s18], $0x4000  }
0xba: {  	[sflag:s18] =	ssyncset.done $0x0  }
0xbb: {  	[sflag:s18] =	ssyncadd.s32 $0xFFFFC000  }
0xbc: {  	[tilespmem:s17], [sflag:$0x1] =	stream.indirect.gather [hbm4b:s4+s21], $0x80, s1, s21, $0xb8;
	[tilespmem:$0x18800] =	vst v63  }
0xbd: {  	_ =	swait.ge [sflag:s22], $0x4000  }
0xbe: {  	[sflag:s22] =	ssyncset.done $0x0  }
0xbf: {  	[sflag:s22] =	ssyncadd.s32 $0xFFFFC000  }
0xc0: {  	[spmem:s2] =	stream.indirect.scatter.add.f32 [tilespmem:s17], [sflag:$0x2], $0x80, s0, s21, $0xb8;
	[tilespmem:$0x18800] =	vst v63  }
0xc1: {  	_ =	swait.ge [sflag:s18], $0x4000  }
0xc2: {  	[sflag:s18] =	ssyncset.done $0x0  }
0xc3: {  	[sflag:s18] =	ssyncadd.s32 $0xFFFFC000  }
0xc4: {  	[tilespmem:s17], [sflag:$0x1] =	stream.indirect.gather [hbm4b:s4+s21], $0x80, s6, s21, $0xb8;
	[tilespmem:$0x18800] =	vst v63  }
0xc5: {  	_ =	swait.ge [sflag:s22], $0x4000  }
0xc6: {  	[sflag:s22] =	ssyncset.done $0x0  }
0xc7: {  	[sflag:s22] =	ssyncadd.s32 $0xFFFFC000  }
0xc8: {  	[spmem:s2] =	stream.indirect.scatter.add.f32 [tilespmem:s17], [sflag:$0x2], $0x80, s7, s21, $0xb8;
	[tilespmem:$0x18800] =	vst v63  }
0xc9: {  	_ =	swait.ge [sflag:s18], $0x4000  }
0xca: {  	[sflag:s18] =	ssyncset.done $0x0  }
0xcb: {  	[sflag:s18] =	ssyncadd.s32 $0xFFFFC000  }
0xcc: {  	[tilespmem:s17], [sflag:$0x1] =	stream.indirect.gather [hbm4b:s4+s21], $0x80, s8, s21, $0xb8;
	[tilespmem:$0x18800] =	vst v63  }
0xcd: {  	_ =	swait.ge [sflag:s22], $0x4000  }
.Ltmp2:
0xce: {  	[sflag:s22] =	ssyncset.done $0x0;
	(pc) =	sbr.rel @p1 .LBB2_4-.Ltmp2, $4  }
0xcf: {  	[sflag:s22] =	ssyncadd.s32 $0xFFFFC000  }
0xd0: {  	[spmem:s2] =	stream.indirect.scatter.add.f32 [tilespmem:s17], [sflag:$0x2], $0x80, s10, s21, $0xb8;
	[tilespmem:$0x18800] =	vst v63  }
0xd1: {  	_ =	swait.ge [sflag:s18], $0x4000  }
0xd2: {  	[sflag:s18] =	ssyncset.done $0x0  }
.LBB2_5:
0xd3: {  	[sflag:s18] =	ssyncadd.s32 $0xFFFFC000;
	s12 =	simm.s32 @p0 $0x0  }
0xd4: {  	s15 =	simm.s32 @p0 $0x14000;
	s9 =	rddreg [dreg:$0x9];
	s16 =	simm.s32 @p0 $0x2  }
0xd5: {  	[tilespmem:s15], [sflag:$0x2] =	stream.linear.gather @p0 [hbm4b:s9+s12], $0x200, $0x38;
	[tilespmem:$0x18800] =	vst v63  }
0xd6: {  	_ =	swait.ge @p0 [sflag:s16], $0x200  }
0xd7: {  	[sflag:s16] =	ssyncset.done @p0 $0x0  }
0xd8: {  	s13 =	simm.s32 @p0 $0x14400;
	s9 =	rddreg [dreg:$0xa];
	[sflag:s16] =	ssyncadd.s32 @p0 $0xFFFFFE00  }
0xd9: {  	[tilespmem:s13], [sflag:$0x2] =	stream.linear.gather @p0 [hbm4b:s9+s12], $0x200, $0x38;
	[tilespmem:$0x18800] =	vst v63  }
0xda: {  	_ =	swait.ge @p0 [sflag:s16], $0x200  }
0xdb: {  	[sflag:s16] =	ssyncset.done @p0 $0x0  }
0xdc: {  	s12 =	simm.s32 @p0 $0x80;
	s9 =	simm.s32 @p0 $0x14800;
	[sflag:s16] =	ssyncadd.s32 @p0 $0xFFFFFE00  }
0xdd: {  	[tilespmem:s9], [sflag:$0x1] =	stream.indirect.gather @p0 [hbm4b:s4+s12], $0x80, s15, s12, $0xb8;
	[tilespmem:$0x18800] =	vst v63  }
0xde: {  	s15 =	simm.s32 @p0 $0x1  }
0xdf: {  	_ =	swait.ge @p0 [sflag:s15], $0x4000  }
0xe0: {  	[sflag:s15] =	ssyncset.done @p0 $0x0  }
0xe1: {  	[sflag:s15] =	ssyncadd.s32 @p0 $0xFFFFC000  }
0xe2: {  	[spmem:s2] =	stream.indirect.scatter.add.f32 @p0 [tilespmem:s9], [sflag:$0x2], $0x80, s13, s12, $0xb8;
	[tilespmem:$0x18800] =	vst v63  }
0xe3: {  	_ =	swait.ge @p0 [sflag:s16], $0x4000  }
0xe4: {  	[sflag:s16] =	ssyncset.done @p0 $0x0  }
0xe5: {  	s13 =	simm.s32 @p0 $0x14080;
	[sflag:s16] =	ssyncadd.s32 @p0 $0xFFFFC000  }
0xe6: {  	[tilespmem:s9], [sflag:$0x1] =	stream.indirect.gather @p0 [hbm4b:s4+s12], $0x80, s13, s12, $0xb8;
	[tilespmem:$0x18800] =	vst v63  }
0xe7: {  	_ =	swait.ge @p0 [sflag:s15], $0x4000  }
0xe8: {  	[sflag:s15] =	ssyncset.done @p0 $0x0  }
0xe9: {  	s13 =	simm.s32 @p0 $0x14480;
	[sflag:s15] =	ssyncadd.s32 @p0 $0xFFFFC000  }
0xea: {  	[spmem:s2] =	stream.indirect.scatter.add.f32 @p0 [tilespmem:s9], [sflag:$0x2], $0x80, s13, s12, $0xb8;
	[tilespmem:$0x18800] =	vst v63  }
0xeb: {  	_ =	swait.ge @p0 [sflag:s16], $0x4000  }
0xec: {  	[sflag:s16] =	ssyncset.done @p0 $0x0  }
0xed: {  	s13 =	simm.s32 @p0 $0x14100;
	[sflag:s16] =	ssyncadd.s32 @p0 $0xFFFFC000  }
0xee: {  	[tilespmem:s9], [sflag:$0x1] =	stream.indirect.gather @p0 [hbm4b:s4+s12], $0x80, s13, s12, $0xb8;
	[tilespmem:$0x18800] =	vst v63  }
0xef: {  	_ =	swait.ge @p0 [sflag:s15], $0x4000  }
0xf0: {  	[sflag:s15] =	ssyncset.done @p0 $0x0  }
0xf1: {  	s13 =	simm.s32 @p0 $0x14500;
	[sflag:s15] =	ssyncadd.s32 @p0 $0xFFFFC000  }
0xf2: {  	[spmem:s2] =	stream.indirect.scatter.add.f32 @p0 [tilespmem:s9], [sflag:$0x2], $0x80, s13, s12, $0xb8;
	[tilespmem:$0x18800] =	vst v63  }
0xf3: {  	_ =	swait.ge @p0 [sflag:s16], $0x4000  }
0xf4: {  	[sflag:s16] =	ssyncset.done @p0 $0x0  }
0xf5: {  	s13 =	simm.s32 @p0 $0x14180;
	[sflag:s16] =	ssyncadd.s32 @p0 $0xFFFFC000  }
0xf6: {  	[tilespmem:s9], [sflag:$0x1] =	stream.indirect.gather @p0 [hbm4b:s4+s12], $0x80, s13, s12, $0xb8;
	[tilespmem:$0x18800] =	vst v63  }
0xf7: {  	_ =	swait.ge @p0 [sflag:s15], $0x4000  }
0xf8: {  	[sflag:s15] =	ssyncset.done @p0 $0x0  }
0xf9: {  	s13 =	simm.s32 @p0 $0x14580;
	[sflag:s15] =	ssyncadd.s32 @p0 $0xFFFFC000  }
0xfa: {  	[spmem:s2] =	stream.indirect.scatter.add.f32 @p0 [tilespmem:s9], [sflag:$0x2], $0x80, s13, s12, $0xb8;
	[tilespmem:$0x18800] =	vst v63  }
0xfb: {  	_ =	swait.ge @p0 [sflag:s16], $0x4000  }
0xfc: {  	[sflag:s16] =	ssyncset.done @p0 $0x0  }
0xfd: {  	s12 =	stileid.u32;
	[sflag:s16] =	ssyncadd.s32 @p0 $0xFFFFC000  }
0xfe: {  	s9 =	sshll.u32 s12, $0x6;
	[bflag:$0x0] =	sbarrier.arrive $0xFFFF  }
0xff: {  	s13 =	sshrl.u32 s5, $0x3;
	s9 =	sor.u32 $0x1C02, s9;
	s15 =	rddreg [dreg:$0xb]  }
0x100: {  	[hbm:s15], [sflag:s9] =	dma.local [spmem:s13], $0x2800  }
0x101: {  	_ =	swait.ge [sflag:s18], $0x2800  }
0x102: {  	s11 =	sadd.s32 $0x1, s11;
	s16 =	rddreg [dreg:$0xc]  }
0x103: {  	p1 =	sne.s32 s11, s16  }
.Ltmp3:
0x104: {  	_ = 	snop;
	(pc) =	sbr.rel @p1 .LBB2_1-.Ltmp3, $3  }
0x105: {  	_ =	sdelay $0x1  }
0x106: {  	[sflag:s18] =	ssyncset.done $0x0  }
0x107: {  	[sflag:s18] =	ssyncadd.s32 $0xFFFFD800  }
0x108: {  	_ =	sfence.sel $0x180000  }
0x109: {  	[bflag:$0x0] =	sbarrier.arrive $0xFFFF  }
0x10a: {  	_ =	strace $0x9000004D  }
0x10b: {  	s0 =	stileid.u32;
	[bflag:$0x2] =	sbarrier.arrive $0xFFFF  }
0x10c: {  	p0 =	sne.s32 s0, $0x0;
	s0 =	rddreg [dreg:$0x3]  }
0x10d: {  	s0 =	sadd.s32 @!p0 $0x100000, s0  }
0x10e: {  	[sflag:s0] =	ssyncadd.tile.s32 @!p0 $0x1;
	_ =	shalt  }
.Lfunc_end2:
_tile_overlayer_lowered:
.L_overlay_start_2:
0x10f: {  	(tag) =	ssettag $0x2  }
0x110: {  	s0 =	rddreg [dreg:$0x0];
	s2 =	stileid.u32  }
0x111: {  	s1 =	rddreg [dreg:$0x1];
	p0 =	sne.s32 s2, $0x0  }
0x112: {  	s3 =	rddreg [dreg:$0x2];
	[bflag:$0x3] =	sbarrier.arrive $0xFFFF;
	s2 =	simm.s32 @!p0 $0x1C02  }
0x113: {  	[timem:s3], [sflag:s2] =	dma.local @!p0 [hbm:s0], s1  }
0x114: {  	s0 =	simm.s32 @!p0 $0x2  }
0x115: {  	_ =	swait.ge @!p0 [sflag:s0], s1  }
0x116: {  	s1 =	ssub.s32 @!p0 $0x0, s1;
	[sflag:s0] =	ssyncset.done @!p0 $0x0  }
0x117: {  	[sflag:s0] =	ssyncadd.s32 @!p0 s1  }
0x118: {  	[bflag:$0x3] =	sbarrier.arrive $0xFFFF  }
0x119: {  	_ =	shalt  }

// kernel: kernel.7.cloned.1.call-start
scs
__scs_entry_jumppad:
0x0: {  	(pc) =	sbr.rel $0x88, $3  }
0x1: {  	(tag) =	ssettag $0x0;
	lr =	simm.s32 $0x1  }
0x2: {  	[smem:$0x3F96] =	sst lr;
	_ =	strace $0xD0000000  }
0x3: {  	_ = 	snop  }
0x4: {  	_ = 	snop  }
0x5: {  	_ = 	snop  }
0x6: {  	_ = 	snop  }
0x7: {  	_ = 	snop  }
__scs_overlays_trampoline_lowered:
0x8: {  	[smem:$0x3FA5] =	sst s0  }
0x9: {  	[smem:$0x3FA6] =	sst s1  }
0xa: {  	[smem:$0x3FA7] =	sst s2  }
0xb: {  	[smem:$0x3FA8] =	sst s3  }
0xc: {  	[smem:$0x3FA9] =	sst s4  }
0xd: {  	[smem:$0x3FAA] =	sst s5  }
0xe: {  	[smem:$0x3FAB] =	sst s6  }
0xf: {  	[smem:$0x3FAC] =	sst s7  }
0x10: {  	[smem:$0x3FAD] =	sst s8  }
0x11: {  	[smem:$0x3FAE] =	sst s9;
	s0 =	simm.s32 @!p0 $0x0  }
0x12: {  	s1 =	sld [smem:$0x3F94];
	s0 =	simm.s32 @p0 $0x1  }
0x13: {  	[smem:$0x3FAF] =	sst s0;
	s0 =	simm.s32 @!p1 $0x0  }
0x14: {  	s2 =	sld [smem:$0x3F93];
	s0 =	simm.s32 @p1 $0x1  }
0x15: {  	[smem:$0x3FB0] =	sst s0;
	s0 =	simm.s32 @!p2 $0x0  }
0x16: {  	s3 =	sld [smem:$0x3FDB];
	s0 =	simm.s32 @p2 $0x1  }
0x17: {  	s4 =	simm.s32 $0x1BF5;
	[smem:$0x3FB2] =	sst s0  }
0x18: {  	s0 =	sld [smem:$0x3F95];
	_ =	swait.ge [sflag:s4], $0x0  }
0x19: {  	s7 =	sld [smem:$0x3F96]  }
0x1a: {  	s8 =	sadd.s32 $0xFFFFE003, lr  }
0x1b: {  	s9 =	sadd.s32 $0xFFFFFEF7, lr;
	s5 =	simm.s32 $0xFFFFFFFF;
	p2 =	slt.u32 s8, $0xFFFFF086  }
0x1c: {  	p1 =	slt.u32 s9, $0xF7A;
	s5 =	simm.s32 @!p2 $0x0  }
0x1d: {  	s5 =	simm.s32 @p1 $0x1;
	p0 =	seq.s32 s7, s2  }
0x1e: {  	s7 =	smul.u32 @!p0 $0xF7A, s2;
	p2 =	seq.s32 @!p0 s5, $0x0  }
0x1f: {  	s9 =	smul.u32 $0xF7A, s1;
	s8 =	simm.s32 @!p0 $0x1BF5;
	p2 =	por !p2, p0  }
0x20: {  	[sflag:s8] =	ssyncset.s32 @!p0 $0xFFFFF086;
	s6 =	sadd.s32 @!p0 s3, s7;
	s7 =	simm.s32 @!p0 $0x108  }
0x21: {  	s3 =	sadd.s32 s3, s9;
	s6 =	sadd.s32 @!p0 $0x88, s6;
	s7 =	simm.s32 @p2 $0x1082  }
0x22: {  	[simem:s7], [sflag:s8] =	dma.local @!p0 [hbm:s6], $0xF7A  }
0x23: {  	s9 =	sor.u32 $0xD0000000, s2;
	s6 =	simm.s32 $0x108;
	_ =	swait.ge @!p0 [sflag:s8], $0x0  }
0x24: {  	s3 =	sadd.s32 $0x88, s3;
	s6 =	simm.s32 @!p1 $0x1082;
	[sflag:s4] =	ssyncset.s32 $0xFFFFF086  }
0x25: {  	[simem:s6], [sflag:s4] =	dma.local [hbm:s3], $0xF7A  }
0x26: {  	[smem:$0x3F96] =	sst s1;
	(tag) =	ssettag s2;
	_ =	strace s9  }
0x27: {  	s1 =	sld [smem:$0x3FA6]  }
0x28: {  	s2 =	sld [smem:$0x3FA7]  }
0x29: {  	s4 =	sld [smem:$0x3FA9]  }
0x2a: {  	p0 =	seq.s32 s5, $0x0;
	s5 =	sld [smem:$0x3FAA]  }
0x2b: {  	s6 =	sld [smem:$0x3FAB]  }
0x2c: {  	s7 =	sld [smem:$0x3FAC]  }
0x2d: {  	s3 =	simm.s32 $0x108;
	s8 =	sld [smem:$0x3FAD]  }
0x2e: {  	s3 =	simm.s32 @!p0 $0x1082;
	s9 =	sld [smem:$0x3FAE]  }
0x2f: {  	lr =	sadd.s32 s0, s3;
	s0 =	sld [smem:$0x3FA5]  }
0x30: {  	s3 =	sld [smem:$0x3FA8]  }
0x31: {  	[smem:$0x3FB1] =	sst s10  }
0x32: {  	s10 =	sld [smem:$0x3FAF];
	_ =	sdelay $0x3  }
0x33: {  	p0 =	seq.s32 s10, $0x1;
	s10 =	sld [smem:$0x3FB1];
	_ =	sdelay $0x3  }
0x34: {  	[smem:$0x3FB1] =	sst s10  }
0x35: {  	s10 =	sld [smem:$0x3FB0];
	_ =	sdelay $0x3  }
0x36: {  	p1 =	seq.s32 s10, $0x1;
	s10 =	sld [smem:$0x3FB1];
	_ =	sdelay $0x3  }
0x37: {  	[smem:$0x3FB1] =	sst s10  }
0x38: {  	s10 =	sld [smem:$0x3FB2]  }
0x39: {  	_ = 	snop;
	(pc) =	sbr.ind lr, $3  }
0x3a: {  	_ = 	snop  }
0x3b: {  	_ = 	snop  }
0x3c: {  	p2 =	seq.s32 s10, $0x1;
	s10 =	sld [smem:$0x3FB1]  }
0x3d: {  	_ =	shalt  }
0x3e: {  	_ =	shalt  }
0x3f: {  	_ =	shalt  }
0x40: {  	_ =	shalt  }
0x41: {  	_ =	shalt  }
0x42: {  	_ =	shalt  }
0x43: {  	_ =	shalt  }
0x44: {  	_ =	shalt  }
0x45: {  	_ =	shalt  }
0x46: {  	_ =	shalt  }
0x47: {  	_ =	shalt  }
0x48: {  	_ =	shalt  }
0x49: {  	_ =	shalt  }
0x4a: {  	_ =	shalt  }
0x4b: {  	_ =	shalt  }
0x4c: {  	_ =	shalt  }
0x4d: {  	_ =	shalt  }
0x4e: {  	_ =	shalt  }
0x4f: {  	_ =	shalt  }
0x50: {  	_ =	shalt  }
0x51: {  	_ =	shalt  }
0x52: {  	_ =	shalt  }
0x53: {  	_ =	shalt  }
0x54: {  	_ =	shalt  }
0x55: {  	_ =	shalt  }
0x56: {  	_ =	shalt  }
0x57: {  	_ =	shalt  }
0x58: {  	_ =	shalt  }
0x59: {  	_ =	shalt  }
0x5a: {  	_ =	shalt  }
0x5b: {  	_ =	shalt  }
0x5c: {  	_ =	shalt  }
0x5d: {  	_ =	shalt  }
0x5e: {  	_ =	shalt  }
0x5f: {  	_ =	shalt  }
0x60: {  	_ =	shalt  }
0x61: {  	_ =	shalt  }
0x62: {  	_ =	shalt  }
0x63: {  	_ =	shalt  }
0x64: {  	_ =	shalt  }
0x65: {  	_ =	shalt  }
0x66: {  	_ =	shalt  }
0x67: {  	_ =	shalt  }
0x68: {  	_ =	shalt  }
0x69: {  	_ =	shalt  }
0x6a: {  	_ =	shalt  }
0x6b: {  	_ =	shalt  }
0x6c: {  	_ =	shalt  }
0x6d: {  	_ =	shalt  }
0x6e: {  	_ =	shalt  }
0x6f: {  	_ =	shalt  }
0x70: {  	_ =	shalt  }
0x71: {  	_ =	shalt  }
0x72: {  	_ =	shalt  }
0x73: {  	_ =	shalt  }
0x74: {  	_ =	shalt  }
0x75: {  	_ =	shalt  }
0x76: {  	_ =	shalt  }
0x77: {  	_ =	shalt  }
0x78: {  	_ =	shalt  }
0x79: {  	_ =	shalt  }
0x7a: {  	_ =	shalt  }
0x7b: {  	_ =	shalt  }
0x7c: {  	_ =	shalt  }
0x7d: {  	_ =	shalt  }
0x7e: {  	_ =	shalt  }
0x7f: {  	_ =	shalt  }
0x80: {  	_ =	shalt  }
0x81: {  	_ =	shalt  }
0x82: {  	_ =	shalt  }
0x83: {  	_ =	shalt  }
0x84: {  	_ =	shalt  }
0x85: {  	_ =	shalt  }
0x86: {  	_ =	shalt  }
0x87: {  	_ =	shalt  }
.Lfunc_end0:
.L_simem_size_0:
called_computation_lowered:
.L_overlay_start_0:
0x88: {  	s2 =	sld [smem:$0x3FD9]  }
0x89: {  	s3 =	sld [smem:$0x3FFE];
	_ =	sdelay $0x1  }
0x8a: {  	s1 =	srdreg.scid  }
0x8b: {  	s0 =	sand.u32 $0x1, s1  }
0x8c: {  	s14 =	sshll.u32 s0, $0xA;
	s2 =	sadd.s32 s3, s2  }
0x8d: {  	s2 =	sadd.s32 s2, s14  }
0x8e: {  	[smem:$0x3FBD] =	sst s2  }
0x8f: {  	_ = 	snop  }
0x90: {  	s2 =	sld [smem:$0x3FD0];
	_ =	sdelay $0x2  }
0x91: {  	s15 =	simm.s32 $0xA;
	s4 =	simm.s32 $0x10  }
0x92: {  	[smem:s4], [sflag:s15] =	dma.local [hbm:s2], $0x1  }
0x93: {  	_ =	swait.eq [sflag:s15], $0x1  }
0x94: {  	[sflag:s15] =	ssyncset.done $0x0  }
0x95: {  	s16 =	sld [smem:$0x10];
	[sflag:s15] =	ssyncadd.s32 $0xFFFFFFFF  }
0x96: {  	s17 =	sld [smem:$0x12];
	(tm) =	ssettm $0x1  }
0x97: {  	s18 =	sld [smem:$0x3FFB];
	_ =	sdelay $0x3  }
0x98: {  	_ =	strace s18  }
0x99: {  	s4 =	sld [smem:$0x3FFC];
	_ =	sdelay $0x3  }
0x9a: {  	_ =	strace s4  }
0x9b: {  	s4 =	sld [smem:$0x3FFD];
	_ =	sdelay $0x3  }
0x9c: {  	_ =	strace s4  }
0x9d: {  	_ =	strace $0x8FFFFFFF  }
0x9e: {  	s19 =	sld [smem:$0x3FDB];
	_ =	sdelay $0x1  }
0x9f: {  	s5 =	simm.s32 $_scs_section_size  }
0xa0: {  	s6 =	simm.s32 $_size__tile_overlayer_lowered;
	s7 =	simm.s32 $_tile_overlayer_lowered  }
0xa1: {  	s22 =	simm.s32 $0x1BFF;
	s21 =	sshll.u32 s7, $0x1;
	s4 =	sadd.s32 s5, s19  }
0xa2: {  	s8 =	simm.s32 $0x0;
	s20 =	sshll.u32 s6, $0x1;
	s6 =	sadd.s32 s21, s4  }
0xa3: {  	[timem:s8], [sflag:s22] =	dma.local [hbm:s6], s20  }
0xa4: {  	_ =	swait.ge [sflag:s22], s20  }
0xa5: {  	s5 =	ssub.s32 $0x0, s20;
	[sflag:s22] =	ssyncset.done $0x0  }
0xa6: {  	[sflag:s22] =	ssyncadd.s32 s5;
	_ =	sdelay $0x1  }
0xa7: {  	s23 =	simm.s32 $0x1B8B  }
0xa8: {  	_ =	swait.ge [sflag:s23], $0x1  }
0xa9: {  	[sflag:s23] =	ssyncset.done $0x0  }
0xaa: {  	s25 =	simm.s32 $0x1B8E;
	s24 =	sld [smem:$0x3FFE];
	[sflag:s23] =	ssyncadd.s32 $0xFFFFFFFF  }
0xab: {  	s26 =	simm.s32 $execute0_lowered;
	[smem:$0x3FD2] =	sst s25  }
0xac: {  	s6 =	sshll.u32 s26, $0x1;
	_ =	strace $0x80000046;
	[dreg:$0x1] =	wrdreg $0xFFFFFFFF  }
0xad: {  	s28 =	simm.s32 $_size_execute0_lowered;
	s4 =	sadd.s32 s4, s6;
	[dreg:$0x0] =	wrdreg $0x0  }
0xae: {  	s6 =	sshll.u32 s28, $0x1;
	[dreg:$0x2] =	wrdreg s4  }
0xaf: {  	[dreg:$0x3] =	wrdreg s6  }
0xb0: {  	[dreg:$0x4] =	wrdreg $0xC0  }
0xb1: {  	_ =	task [dreg:s8], $0x5FFFF  }
0xb2: {  	[dreg:$0x1] =	wrdreg $0xFFFFFFFF  }
0xb3: {  	[dreg:$0x0] =	wrdreg $0x60  }
0xb4: {  	[dreg:$0x2] =	wrdreg s24  }
0xb5: {  	[dreg:$0x3] =	wrdreg s17  }
0xb6: {  	[dreg:$0x4] =	wrdreg s16  }
0xb7: {  	[dreg:$0x5] =	wrdreg $0x0  }
0xb8: {  	[dreg:$0x6] =	wrdreg $0x2800  }
0xb9: {  	[dreg:$0x7] =	wrdreg $0x9  }
0xba: {  	_ =	task.clear_ibuf [dreg:s8], $0x8FFFF;
	_ =	strace $0x90000046  }
0xbb: {  	s29 =	simm.s32 $0x9;
	_ =	strace $0x80000048  }
0xbc: {  	_ =	swait.ge [sflag:s29], $0x1  }
0xbd: {  	[sflag:s29] =	ssyncadd.s32 $0xFFFFFFFF  }
0xbe: {  	_ =	strace $0x90000048  }
0xbf: {  	_ =	sfence  }
0xc0: {  	s30 =	sld [smem:$0x0];
	_ =	sdelay $0x2  }
0xc1: {  	s31 =	sshll.u32 s1, $0xD;
	s1 =	sshrl.u32 s1, $0x2  }
0xc2: {  	s3 =	sand.u32 $0x4000, s31;
	s1 =	sadd.s32 s1, s30  }
0xc3: {  	s0 =	sor.u32 s3, s0;
	s1 =	sshll.u32 s1, $0x11  }
0xc4: {  	s0 =	sor.u32 s1, s0  }
0xc5: {  	s0 =	sadd.s32 $0x8F2B, s0  }
0xc6: {  	[sflag:s0] =	ssyncadd.remote.s32 $0x1  }
0xc7: {  	_ =	sfence.sel $0xFFFF  }
0xc8: {  	[dreg:$0x0] =	wrdreg $0xFFFFFFFF;
	(pc) =	sbr.abs _section_cstart, $3  }
0xc9: {  	[dreg:$0x1] =	wrdreg $0xFFFFFFFF  }
0xca: {  	_ =	task.clear_ibuf [dreg:s8], $0x2FFFF;
	_ =	strace $0x9FFFFFFF  }
0xcb: {  	(tm) =	ssettm $0x7FFFFFFF  }
tec
execute0_lowered:
.L_overlay_start_1:
0x0: {  	(tag) =	ssettag $0x1  }
0x1: {  	s8 =	rddreg [dreg:$0x0]  }
0x2: {  	s9 =	rddreg [dreg:$0x1]  }
0x3: {  	s10 =	rddreg [dreg:$0x2]  }
0x4: {  	s0 =	srdreg.scid;
	s2 =	rddreg [dreg:$0x3]  }
0x5: {  	s3 =	rddreg [dreg:$0x4];
	s1 =	stileid.u32  }
0x6: {  	s4 =	simm.s32 $0x0;
	s7 =	sand.u32 $0x1, s0;
	s0 =	rddreg [dreg:$0x5]  }
0x7: {  	[smem:$0x7FF] =	sst s4;
	s11 =	sshll.u32 s1, $0x7  }
0x8: {  	s31 =	sshll.u32 s1, $0xA;
	p0 =	slt.u32 s1, $0x5;
	p2 =	slt.u32 s1, $0xA  }
0x9: {  	p3 =	sgt.u32 s1, $0x9;
	s5 =	sshll.u32 s7, $0x4;
	s6 =	ssub.s32 $0x2, s7  }
0xa: {  	_ =	strace $0x80000047;
	s15 =	sadd.s32 s11, s8;
	p1 =	seq.s32 s7, $0x1  }
0xb: {  	p6 =	seq.s32 s7, $0x0;
	s9 =	sadd.s32 s9, s11;
	s10 =	sadd.s32 s10, s11  }
0xc: {  	s14 =	sor.u32 s1, s5;
	s12 =	sshrl.u32 s6, $0x1;
	p0 =	por !p0, !p1  }
0xd: {  	s11 =	sadd.s32 $0xD000, s15;
	s5 =	smul.u32 $0x500, s14;
	s16 =	ssub.s32 s6, s12  }
0xe: {  	s12 =	simm.s32 @!p1 $0x0;
	p0 =	por !p0, !p0;
	s6 =	sadd.s32 s31, s3  }
0xf: {  	p5 =	seq.s32 s14, $0x1F;
	s14 =	simm.s32 $0x80;
	s12 =	simm.s32 @p1 $0x1  }
0x10: {  	p1 =	por !p6, !p2;
	p4 =	por !p0, p3;
	s13 =	sadd.s32 s5, s8  }
0x11: {  	s5 =	sadd.s32 s31, s2;
	[smem:$0x7FB] =	sst s12;
	s12 =	simm.s32 @!p2 $0x0  }
0x12: {  	s8 =	sadd.s32 $0xCD00, s8;
	p1 =	por !p1, !p1;
	s12 =	simm.s32 @p2 $0x1  }
0x13: {  	s7 =	sadd.s32 $0x3200, s13;
	[smem:$0x7FC] =	sst s12;
	s12 =	simm.s32 @!p1 $0x0  }
0x14: {  	s13 =	smax.u32 s16, $0x1;
	s16 =	simm.s32 $0x1;
	s12 =	simm.s32 @p1 $0x1  }
0x15: {  	v0 =	vimm.f32 $1.000000000e+00;
	v1 =	vimm.f32 $0.0e+00;
	[smem:$0x7FD] =	sst s12;
	s12 =	sadd.s32 $0xD600, s15;
	s15 =	simm.s32 $0x2FC0  }
.LBB2_1:
0x16: {  	[tilespmem:$0x2FC0] =	vst v0  }
0x17: {  	[tilespmem:$0x2FD0] =	vst v0  }
0x18: {  	[tilespmem:$0x2FE0] =	vst v0  }
0x19: {  	[tilespmem:$0x2FF0] =	vst v0  }
0x1a: {  	[tilespmem:$0x3000] =	vst v0  }
0x1b: {  	[tilespmem:$0x3010] =	vst v0  }
0x1c: {  	[tilespmem:$0x3020] =	vst v0  }
0x1d: {  	[tilespmem:$0x3030] =	vst v0;
	s17 =	simm.s32 $0x40;
	s18 =	simm.s32 $0x0  }
.LBB2_2:
0x1e: {  	p0 =	sne.s32 s17, $0xFC0;
	[tilespmem:s18+$0x3040] =	vst v1;
	s18 =	smov.u32 s17;
	s17 =	sadd.s32 $0x40, s17  }
.Ltmp0:
0x1f: {  	(pc) =	sbr.rel @p0 .LBB2_2-.Ltmp0, $2  }
0x20: {  	_ =	sdelay $0x2  }
0x21: {  	s18 =	sshra.s32 s18, $0x2  }
0x22: {  	[tilespmem:s18+$0x3040] =	vst v1;
	s17 =	simm.s32 @!p3 $0x3040  }
0x23: {  	[spmem:s5] =	stream.linear.scatter @!p3 [tilespmem:s17], [sflag:$0x1], $0x400, $0x38;
	[tilespmem:$0x3440] =	vst v63  }
0x24: {  	s17 =	simm.s32 @!p3 $0x1  }
0x25: {  	_ =	swait.ge @!p3 [sflag:s17], $0x400  }
0x26: {  	[sflag:s17] =	ssyncset.done @!p3 $0x0  }
0x27: {  	[sflag:s17] =	ssyncadd.s32 @!p3 $0xFFFFFC00;
	s17 =	simm.s32 @!p4 $0x3040  }
0x28: {  	[spmem:s6] =	stream.linear.scatter @!p4 [tilespmem:s17], [sflag:$0x1], $0x400, $0x38;
	[tilespmem:$0x3440] =	vst v63  }
0x29: {  	s17 =	simm.s32 @!p4 $0x1  }
0x2a: {  	_ =	swait.ge @!p4 [sflag:s17], $0x400  }
0x2b: {  	[sflag:s17] =	ssyncset.done @!p4 $0x0  }
0x2c: {  	[sflag:s17] =	ssyncadd.s32 @!p4 $0xFFFFFC00  }
0x2d: {  	s18 =	simm.s32 @p5 $0x3C0;
	s17 =	simm.s32 @p5 $0x0;
	[bflag:$0x0] =	sbarrier.arrive $0xFFFF  }
0x2e: {  	[tilespmem:s18], [sflag:$0x1] =	stream.linear.gather @p5 [hbm4b:s8+s17], $0xA00, $0x38;
	[tilespmem:$0x3440] =	vst v63  }
0x2f: {  	s17 =	simm.s32 @p5 $0x1  }
0x30: {  	p1 =	por @!p3 $0x0, $0x0;
	_ =	swait.ge @p5 [sflag:s17], $0xA00  }
0x31: {  	p6 =	por @!p4 $0x1, $0x1;
	[sflag:s17] =	ssyncset.done @p5 $0x0;
	s31 =	sld [smem:$0x7FB]  }
0x32: {  	s18 =	simm.s32 @!p5 $0x3C0;
	[sflag:s17] =	ssyncadd.s32 @p5 $0xFFFFF600;
	s17 =	simm.s32 @!p5 $0x0  }
0x33: {  	[tilespmem:s18], [sflag:$0x1] =	stream.linear.gather @!p5 [hbm4b:s7+s17], $0x2800, $0x38;
	[tilespmem:$0x3440] =	vst v63  }
0x34: {  	p1 =	por @!p4 p6, p6;
	s17 =	simm.s32 @!p5 $0x1;
	p2 =	seq.s32 s31, $0x1  }
0x35: {  	s18 =	simm.s32 @!p5 $0x50;
	_ =	swait.ge @!p5 [sflag:s17], $0x2800;
	p0 =	por p2, p2  }
0x36: {  	s18 =	simm.s32 @p5 $0x14;
	p0 =	por @!p4 p6, p6;
	p6 =	por $0x0, $0x0  }
0x37: {  	p6 =	por @!p3 p1, p1;
	p1 =	por p2, p2;
	p2 =	sne.s32 s18, $0x1  }
.Ltmp1:
0x38: {  	[sflag:s17] =	ssyncset.done @!p5 $0x0;
	(pc) =	sbr.rel @!p2 .LBB2_5-.Ltmp1, $4  }
0x39: {  	[sflag:s17] =	ssyncadd.s32 @!p5 $0xFFFFD800;
	s17 =	simm.s32 $0x3C0  }
0x3a: {  	[spmem:s2] =	stream.indirect.scatter.add.f32 [tilespmem:s15], [sflag:$0x1], $0x1, s17, s14, $0xb8;
	[tilespmem:$0x3440] =	vst v63  }
0x3b: {  	_ =	swait.ge [sflag:s16], $0x80  }
0x3c: {  	s18 =	sadd.s32 $0xFFFFFFFF, s18;
	p1 =	por @!p3 p0, p0;
	[sflag:s16] =	ssyncset.done $0x0  }
.LBB2_4:
0x3d: {  	p0 =	sne.s32 s18, $0x1;
	[sflag:s16] =	ssyncadd.s32 $0xFFFFFF80;
	s17 =	sadd.s32 $0x80, s17  }
.Ltmp2:
0x3e: {  	s18 =	sadd.s32 $0xFFFFFFFF, s18;
	(pc) =	sbr.rel @p0 .LBB2_4-.Ltmp2, $4  }
0x3f: {  	_ = 	snop  }
0x40: {  	[spmem:s2] =	stream.indirect.scatter.add.f32 [tilespmem:s15], [sflag:$0x1], $0x1, s17, s14, $0xb8;
	[tilespmem:$0x3440] =	vst v63  }
0x41: {  	_ =	swait.ge [sflag:s16], $0x80  }
0x42: {  	[sflag:s16] =	ssyncset.done $0x0  }
.LBB2_5:
0x43: {  	s17 =	sld [smem:$0x7FC];
	_ =	sdelay $0x2  }
0x44: {  	p0 =	seq.s32 s17, $0x1  }
0x45: {  	p0 =	por !p0, !p1  }
0x46: {  	p1 =	por !p0, !p0  }
0x47: {  	[sflag:s16] =	ssyncadd.s32 $0xFFFFFF80;
	s17 =	simm.s32 @p1 $0x0;
	s18 =	simm.s32 @p1 $0x2BC0  }
0x48: {  	[tilespmem:s18], [sflag:$0x1] =	stream.linear.gather @p1 [hbm4b:s9+s17], $0x400, $0x38;
	[tilespmem:$0x3440] =	vst v63  }
0x49: {  	s17 =	simm.s32 @p1 $0x1  }
0x4a: {  	_ =	swait.ge @p1 [sflag:s17], $0x400  }
0x4b: {  	[sflag:s17] =	ssyncset.done @p1 $0x0  }
0x4c: {  	s19 =	simm.s32 @p1 $0x80;
	s20 =	simm.s32 @p1 $0x2FC0;
	[sflag:s17] =	ssyncadd.s32 @p1 $0xFFFFFC00  }
0x4d: {  	[spmem:s3] =	stream.indirect.scatter.add.f32 @p1 [tilespmem:s20], [sflag:$0x1], $0x1, s18, s19, $0xb8;
	[tilespmem:$0x3440] =	vst v63  }
0x4e: {  	_ =	swait.ge @p1 [sflag:s17], $0x80  }
0x4f: {  	[sflag:s17] =	ssyncset.done @p1 $0x0  }
0x50: {  	s18 =	simm.s32 @p1 $0x2C40;
	[sflag:s17] =	ssyncadd.s32 @p1 $0xFFFFFF80  }
0x51: {  	[spmem:s3] =	stream.indirect.scatter.add.f32 @p1 [tilespmem:s20], [sflag:$0x1], $0x1, s18, s19, $0xb8;
	[tilespmem:$0x3440] =	vst v63  }
0x52: {  	_ =	swait.ge @p1 [sflag:s17], $0x80  }
0x53: {  	[sflag:s17] =	ssyncset.done @p1 $0x0  }
0x54: {  	s18 =	simm.s32 @p1 $0x2CC0;
	[sflag:s17] =	ssyncadd.s32 @p1 $0xFFFFFF80  }
0x55: {  	[spmem:s3] =	stream.indirect.scatter.add.f32 @p1 [tilespmem:s20], [sflag:$0x1], $0x1, s18, s19, $0xb8;
	[tilespmem:$0x3440] =	vst v63  }
0x56: {  	_ =	swait.ge @p1 [sflag:s17], $0x80  }
0x57: {  	[sflag:s17] =	ssyncset.done @p1 $0x0  }
0x58: {  	s18 =	simm.s32 @p1 $0x2D40;
	[sflag:s17] =	ssyncadd.s32 @p1 $0xFFFFFF80  }
0x59: {  	[spmem:s3] =	stream.indirect.scatter.add.f32 @p1 [tilespmem:s20], [sflag:$0x1], $0x1, s18, s19, $0xb8;
	[tilespmem:$0x3440] =	vst v63  }
0x5a: {  	_ =	swait.ge @p1 [sflag:s17], $0x80  }
0x5b: {  	[sflag:s17] =	ssyncset.done @p1 $0x0  }
0x5c: {  	s18 =	simm.s32 @p1 $0x2DC0;
	[sflag:s17] =	ssyncadd.s32 @p1 $0xFFFFFF80  }
0x5d: {  	[spmem:s3] =	stream.indirect.scatter.add.f32 @p1 [tilespmem:s20], [sflag:$0x1], $0x1, s18, s19, $0xb8;
	[tilespmem:$0x3440] =	vst v63  }
0x5e: {  	_ =	swait.ge @p1 [sflag:s17], $0x80  }
0x5f: {  	[sflag:s17] =	ssyncset.done @p1 $0x0  }
0x60: {  	s18 =	simm.s32 @p1 $0x2E40;
	[sflag:s17] =	ssyncadd.s32 @p1 $0xFFFFFF80  }
0x61: {  	[spmem:s3] =	stream.indirect.scatter.add.f32 @p1 [tilespmem:s20], [sflag:$0x1], $0x1, s18, s19, $0xb8;
	[tilespmem:$0x3440] =	vst v63  }
0x62: {  	_ =	swait.ge @p1 [sflag:s17], $0x80  }
0x63: {  	[sflag:s17] =	ssyncset.done @p1 $0x0  }
0x64: {  	s18 =	simm.s32 @p1 $0x2EC0;
	[sflag:s17] =	ssyncadd.s32 @p1 $0xFFFFFF80  }
0x65: {  	[spmem:s3] =	stream.indirect.scatter.add.f32 @p1 [tilespmem:s20], [sflag:$0x1], $0x1, s18, s19, $0xb8;
	[tilespmem:$0x3440] =	vst v63  }
0x66: {  	_ =	swait.ge @p1 [sflag:s17], $0x80  }
0x67: {  	[sflag:s17] =	ssyncset.done @p1 $0x0  }
0x68: {  	s18 =	simm.s32 @p1 $0x2F40;
	[sflag:s17] =	ssyncadd.s32 @p1 $0xFFFFFF80  }
0x69: {  	[spmem:s3] =	stream.indirect.scatter.add.f32 @p1 [tilespmem:s20], [sflag:$0x1], $0x1, s18, s19, $0xb8;
	[tilespmem:$0x3440] =	vst v63  }
0x6a: {  	_ =	swait.ge @p1 [sflag:s17], $0x80  }
0x6b: {  	s31 =	sld [smem:$0x7FD];
	_ =	sdelay $0x2  }
0x6c: {  	[sflag:s17] =	ssyncset.done @p1 $0x0;
	p0 =	seq.s32 s31, $0x1  }
0x6d: {  	[sflag:s17] =	ssyncadd.s32 @p1 $0xFFFFFF80;
	s18 =	sshll.u32 @p0 s1, $0x6  }
0x6e: {  	[bflag:$0x0] =	sbarrier.arrive $0xFFFF;
	s19 =	sshrl.u32 @p0 s5, $0x3;
	s18 =	sor.u32 @p0 $0x1C01, s18  }
0x6f: {  	[hbm:s10], [sflag:s18] =	dma.local @p0 [spmem:s19], $0x80  }
0x70: {  	s18 =	simm.s32 @p0 $0x1  }
0x71: {  	_ =	swait.ge @p0 [sflag:s18], $0x80  }
0x72: {  	s19 =	sshll.u32 @p1 s1, $0x6;
	[sflag:s18] =	ssyncset.done @p0 $0x0  }
0x73: {  	[sflag:s18] =	ssyncadd.s32 @p0 $0xFFFFFF80;
	s18 =	sor.u32 @p1 $0x1C01, s19;
	s19 =	sshrl.u32 @p1 s5, $0x3  }
0x74: {  	[hbm:s11], [sflag:s18] =	dma.local @p1 [spmem:s19], $0x80  }
0x75: {  	s4 =	sadd.s32 $0x1, s4;
	_ =	swait.ge @p1 [sflag:s17], $0x80  }
0x76: {  	p0 =	sne.s32 s4, s13;
	s18 =	sshll.u32 @p6 s1, $0x6;
	[sflag:s17] =	ssyncset.done @p1 $0x0  }
0x77: {  	[sflag:s17] =	ssyncadd.s32 @p1 $0xFFFFFF80;
	s17 =	sor.u32 @p6 $0x1C01, s18;
	s18 =	sshrl.u32 @p6 s6, $0x3  }
0x78: {  	[hbm:s12], [sflag:s17] =	dma.local @p6 [spmem:s18], $0x80  }
.Ltmp3:
0x79: {  	_ = 	snop;
	(pc) =	sbr.rel @p0 .LBB2_1-.Ltmp3, $4  }
0x7a: {  	s17 =	simm.s32 @p6 $0x1  }
0x7b: {  	_ =	swait.ge @p6 [sflag:s17], $0x80  }
0x7c: {  	[sflag:s17] =	ssyncset.done @p6 $0x0  }
0x7d: {  	[sflag:s17] =	ssyncadd.s32 @p6 $0xFFFFFF80  }
0x7e: {  	_ =	sfence.sel $0x180000  }
0x7f: {  	[bflag:$0x0] =	sbarrier.arrive $0xFFFF  }
0x80: {  	p0 =	sne.s32 s1, $0x0;
	_ =	strace $0x90000047  }
0x81: {  	s0 =	sadd.s32 @!p0 $0x100000, s0;
	[bflag:$0x2] =	sbarrier.arrive $0xFFFF  }
0x82: {  	[sflag:s0] =	ssyncadd.tile.s32 @!p0 $0x1;
	_ =	shalt  }
.Lfunc_end2:
_tile_overlayer_lowered:
.L_overlay_start_2:
0x83: {  	(tag) =	ssettag $0x2  }
0x84: {  	s0 =	rddreg [dreg:$0x0];
	s2 =	stileid.u32  }
0x85: {  	s1 =	rddreg [dreg:$0x1];
	p0 =	sne.s32 s2, $0x0  }
0x86: {  	s3 =	rddreg [dreg:$0x2];
	[bflag:$0x3] =	sbarrier.arrive $0xFFFF;
	s2 =	simm.s32 @!p0 $0x1C01  }
0x87: {  	[timem:s3], [sflag:s2] =	dma.local @!p0 [hbm:s0], s1  }
0x88: {  	s0 =	simm.s32 @!p0 $0x1  }
0x89: {  	_ =	swait.ge @!p0 [sflag:s0], s1  }
0x8a: {  	s1 =	ssub.s32 @!p0 $0x0, s1;
	[sflag:s0] =	ssyncset.done @!p0 $0x0  }
0x8b: {  	[sflag:s0] =	ssyncadd.s32 @!p0 s1  }
0x8c: {  	[bflag:$0x3] =	sbarrier.arrive $0xFFFF  }
0x8d: {  	_ =	shalt  }

</sc_bundles>
